<compile_context>
chip_gen: v7x
topology: tpu7x:2x2x1
jax: 0.10.2.dev20260603
libtpu: 0.0.44.dev20260713+nightly
codegen_flags: <defaults>
</compile_context>

<pallas_src>
import functools

import jax
import jax.numpy as jnp
from jax import lax
from jax.experimental import pallas as pl
from jax.experimental.pallas import tpu as pltpu
from jax.experimental.pallas import tpu_sc as plsc

B = 16384
F = 26
E = 255
P = 10
PE = 31
NTILES = 32
RPT = B // NTILES
NG = RPT // 16
UNROLL = 1

ESTRIDE = 272
PSTRIDE = 32

_mesh = plsc.VectorSubcoreMesh(core_axis_name="c", subcore_axis_name="s")


def _skew(a, n, stride):
    j = jnp.arange(n)
    out = jnp.zeros(a.shape[:-1] + (stride,), a.dtype)
    return out.at[..., j + (j // 16)].set(a)


@functools.partial(
    pl.kernel,
    mesh=_mesh,
    out_type=jax.ShapeDtypeStruct((B,), jnp.float32),
    compiler_params=pltpu.CompilerParams(needs_layout_passes=False),
    scratch_types=[
        pltpu.VMEM((F, RPT), jnp.float32),
        pltpu.VMEM((F * ESTRIDE,), jnp.float32),
        pltpu.VMEM((F * 256,), jnp.float32),
        pltpu.VMEM((P * 2 * PSTRIDE,), jnp.float32),
        pltpu.VMEM((P * 1024,), jnp.float32),
        pltpu.VMEM((2 * P, 16), jnp.int32),
        pltpu.VMEM((16,), jnp.float32),
        pltpu.VMEM((RPT,), jnp.float32),
        pltpu.SemaphoreType.DMA,
    ],
)
def _ebm_sc(xt_hbm, edges_hbm, v_hbm, pe_hbm, t2_hbm, pidx_hbm, bias_hbm,
            out_hbm,
            xt_v, edges_v, v_v, pe_v, t2_v, pidx_v, bias_v, out_v, sem):
    wid = lax.axis_index("s") * 2 + lax.axis_index("c")
    base = wid * RPT

    copies = [
        pltpu.async_copy(xt_hbm.at[:, pl.ds(base, RPT)], xt_v, sem),
        pltpu.async_copy(edges_hbm, edges_v, sem),
        pltpu.async_copy(v_hbm, v_v, sem),
        pltpu.async_copy(pe_hbm, pe_v, sem),
        pltpu.async_copy(t2_hbm, t2_v, sem),
        pltpu.async_copy(pidx_hbm, pidx_v, sem),
        pltpu.async_copy(bias_hbm, bias_v, sem),
    ]
    for c in copies:
        c.wait()

    lanes = lax.iota(jnp.int32, 16)
    zeros = jnp.zeros((16,), jnp.int32)
    bias_splat = bias_v[...]
    pid_l = [pidx_v[2 * p, :] for p in range(P)]
    pid_r = [pidx_v[2 * p + 1, :] for p in range(P)]

    def one_group(g):
        row0 = g * 16
        rowv = row0 + lanes
        acc = bias_splat
        for f in range(F):
            x = xt_v[f, pl.ds(row0, 16)]
            bsk = zeros
            for k in (128, 64, 32, 16, 8, 4, 2, 1):
                e = plsc.load_gather(
                    edges_v, [bsk + ((k - 1) + (k - 1) // 16 + f * ESTRIDE)])
                bsk = bsk + jnp.where(e <= x, k + (k >> 4), 0)
            b = bsk - ((bsk * 3856) >> 16)
            acc = acc + plsc.load_gather(v_v, [b + f * 256])
        for p in range(P):
            xl = plsc.load_gather(xt_v, [pid_l[p], rowv])
            xr = plsc.load_gather(xt_v, [pid_r[p], rowv])
            blsk = zeros
            brsk = zeros
            for k in (16, 8, 4, 2, 1):
                el = plsc.load_gather(
                    pe_v, [blsk + ((k - 1) + (k - 1) // 16 + (2 * p) * PSTRIDE)])
                blsk = blsk + jnp.where(el <= xl, k + (k >> 4), 0)
                er = plsc.load_gather(
                    pe_v, [brsk + ((k - 1) + (k - 1) // 16 + (2 * p + 1) * PSTRIDE)])
                brsk = brsk + jnp.where(er <= xr, k + (k >> 4), 0)
            bl = blsk - ((blsk * 3856) >> 16)
            br = brsk - ((brsk * 3856) >> 16)
            flat = (bl << 5) + br + p * 1024
            acc = acc + plsc.load_gather(t2_v, [flat])
        out_v[pl.ds(row0, 16)] = acc

    def body(i, carry):
        for u in range(UNROLL):
            one_group(i * UNROLL + u)
        return carry

    lax.fori_loop(0, NG // UNROLL, body, 0)
    pltpu.sync_copy(out_v, out_hbm.at[pl.ds(base, RPT)])


def kernel(X, edges, W, pair_edges, pair_tables, pair_idx, bias):
    xt = X.T
    edges_s = _skew(edges, E, ESTRIDE).reshape(-1)
    v_f = jnp.roll(W, -1, axis=1).reshape(-1)
    pe_s = _skew(pair_edges, PE, PSTRIDE).reshape(-1)
    t2_f = jnp.roll(jnp.roll(pair_tables, -1, axis=1), -1, axis=2).reshape(-1)
    pidx_s = jnp.broadcast_to(
        pair_idx.reshape(2 * P, 1).astype(jnp.int32), (2 * P, 16))
    bias16 = jnp.broadcast_to(bias.astype(jnp.float32), (16,))
    return _ebm_sc(xt, edges_s, v_f, pe_s, t2_f, pidx_s, bias16)

# --- scband reference (transcript-rebuilt; emitter-appended) ---
"""Pipeline reference for scband-ebmmodel-23003844837806 (READ-ONLY COPY).

The authoritative reference and input builder live on the scoring server;
editing this copy changes nothing except your own understanding.
"""

import jax, jax.numpy as jnp
import numpy as np

BATCH = 16384
N_FEATURES = 26
N_EDGES = 255
N_PAIRS = 10
PAIR_EDGES = 31


def setup_inputs(seed: int = 0) -> dict:
    key = jax.random.key(seed)
    ks = jax.random.split(key, 7)
    X = jax.random.uniform(ks[0], (BATCH, N_FEATURES), dtype=jnp.float32)
    # sorted bin edges per continuous feature (Discretization boundaries)
    edges = jnp.sort(jax.random.uniform(ks[1], (N_FEATURES, N_EDGES), dtype=jnp.float32), axis=-1)
    # per-feature score table == Dense(1) weights applied to one-hot of size N_EDGES+1
    W = jax.random.normal(ks[2], (N_FEATURES, N_EDGES + 1), dtype=jnp.float32) * 0.1
    # pairwise interaction bin edges and 2D lookup tables (InteractionLayer)
    pair_edges = jnp.sort(jax.random.uniform(ks[3], (N_PAIRS, 2, PAIR_EDGES), dtype=jnp.float32), axis=-1)
    pair_tables = jax.random.normal(ks[4], (N_PAIRS, PAIR_EDGES + 1, PAIR_EDGES + 1), dtype=jnp.float32) * 0.1
    pair_idx = jax.random.randint(ks[5], (N_PAIRS, 2), 0, N_FEATURES)
    bias = jax.random.normal(ks[6], (1,), dtype=jnp.float32) * 0.1
    return {"X": X, "edges": edges, "W": W, "pair_edges": pair_edges, "pair_tables": pair_tables, "pair_idx": pair_idx, "bias": bias}


def reference(X, edges, W, pair_edges, pair_tables, pair_idx, bias):
    # Main effects: Discretization -> IntegerLookup (vocab 0..E-1, OOV at 0) -> Dense(1) == embedding lookup
    def per_feature(xf, ef, wf):
        b = jnp.searchsorted(ef, xf, side="right")  # tf bucketize semantics: bin index in 0..N_EDGES
        tok = jnp.where(b < N_EDGES, b + 1, 0)      # IntegerLookup remap: in-vocab t -> t+1, OOV -> 0
        return jnp.take(wf, tok, axis=0)

    main = jax.vmap(per_feature, in_axes=(1, 0, 0), out_axes=1)(X, edges, W)  # [B, F]

    # Interaction terms: two bucketizes + gather_nd into 2D lookup table
    def per_pair(pidx, pe, pt):
        xl = jnp.take(X, pidx[0], axis=1)
        xr = jnp.take(X, pidx[1], axis=1)
        bl = jnp.searchsorted(pe[0], xl, side="right")
        br = jnp.searchsorted(pe[1], xr, side="right")
        tl = jnp.where(bl < PAIR_EDGES, bl + 1, 0)
        tr = jnp.where(br < PAIR_EDGES, br + 1, 0)
        return pt[tl, tr]

    inter = jax.vmap(per_pair, in_axes=(0, 0, 0), out_axes=1)(pair_idx, pair_edges, pair_tables)  # [B, P]

    # BiasLayer: concat all per-feature contributions, reduce_sum over feature axis, add bias
    contrib = jnp.concatenate([main, inter], axis=1)
    return jnp.sum(contrib, axis=1) + bias[0]

if __name__ == "__main__":
    import jax
    _d = setup_inputs()
    print(jax.jit(kernel)(*tuple(_d.values())))

</pallas_src>

<mosaic_0001>
#map = affine_map<(d0, d1) -> (0, 0)>
#map1 = affine_map<(d0, d1) -> (0)>
module attributes {stable_mosaic.version = 14 : i64} {
  func.func @_ebm_sc(%arg0: i32, %arg1: i32, %arg2: memref<26x16384xf32, #tpu.memory_space<hbm>>, %arg3: memref<7072xf32, #tpu.memory_space<hbm>>, %arg4: memref<6656xf32, #tpu.memory_space<hbm>>, %arg5: memref<640xf32, #tpu.memory_space<hbm>>, %arg6: memref<10240xf32, #tpu.memory_space<hbm>>, %arg7: memref<20x16xi32, #tpu.memory_space<hbm>>, %arg8: memref<16xf32, #tpu.memory_space<hbm>>, %arg9: memref<16384xf32, #tpu.memory_space<hbm>>, %arg10: memref<26x512xf32, #tpu.memory_space<vmem>>, %arg11: memref<7072xf32, #tpu.memory_space<vmem>>, %arg12: memref<6656xf32, #tpu.memory_space<vmem>>, %arg13: memref<640xf32, #tpu.memory_space<vmem>>, %arg14: memref<10240xf32, #tpu.memory_space<vmem>>, %arg15: memref<20x16xi32, #tpu.memory_space<vmem>>, %arg16: memref<16xf32, #tpu.memory_space<vmem>>, %arg17: memref<512xf32, #tpu.memory_space<vmem>>, %arg18: memref<!tpu.dma_semaphore, #tpu.memory_space<semaphore_mem>>) attributes {dimension_semantics = [#tpu.dimension_semantics<core_parallel>, #tpu.dimension_semantics<subcore_parallel>], iteration_bounds = array<i64: 2, 16>, scalar_prefetch = 0 : i64, scratch_operands = 9 : i64, tpu.core_type = #tpu.core_type<sc_vector_subcore>, window_params = [{transform_indices = #map}, {transform_indices = #map1}, {transform_indices = #map1}, {transform_indices = #map1}, {transform_indices = #map1}, {transform_indices = #map}, {transform_indices = #map1}, {transform_indices = #map1}]} {
    %mul3A = arith.constant 2 : i32
    %mul3A_0 = arith.muli %arg1, %mul3A : i32
    %add3A = arith.addi %mul3A_0, %arg0 : i32
    %mul3A_1 = arith.constant 512 : i32
    %mul3A_2 = arith.muli %add3A, %mul3A_1 : i32
    %dma_start3A = arith.constant 0 : i32
    %dma_start3A_3 = tpu.memref_slice %arg2[%dma_start3A, %mul3A_2] : memref<26x16384xf32, #tpu.memory_space<hbm>> -> memref<26x512xf32, #tpu.memory_space<hbm>>
    %dma_start3A_4 = arith.constant 0 : i32
    %dma_start3A_5 = tpu.memref_slice %arg2[%dma_start3A_4, %mul3A_2] : memref<26x16384xf32, #tpu.memory_space<hbm>> -> memref<26x512xf32, #tpu.memory_space<hbm>>
    tpu.enqueue_dma source(%dma_start3A_5 : memref<26x512xf32, #tpu.memory_space<hbm>>) target(%arg10 : memref<26x512xf32, #tpu.memory_space<vmem>>) target_semaphore(%arg18 : memref<!tpu.dma_semaphore, #tpu.memory_space<semaphore_mem>>)
    tpu.enqueue_dma source(%arg3 : memref<7072xf32, #tpu.memory_space<hbm>>) target(%arg11 : memref<7072xf32, #tpu.memory_space<vmem>>) target_semaphore(%arg18 : memref<!tpu.dma_semaphore, #tpu.memory_space<semaphore_mem>>)
    tpu.enqueue_dma source(%arg4 : memref<6656xf32, #tpu.memory_space<hbm>>) target(%arg12 : memref<6656xf32, #tpu.memory_space<vmem>>) target_semaphore(%arg18 : memref<!tpu.dma_semaphore, #tpu.memory_space<semaphore_mem>>)
    tpu.enqueue_dma source(%arg5 : memref<640xf32, #tpu.memory_space<hbm>>) target(%arg13 : memref<640xf32, #tpu.memory_space<vmem>>) target_semaphore(%arg18 : memref<!tpu.dma_semaphore, #tpu.memory_space<semaphore_mem>>)
    tpu.enqueue_dma source(%arg6 : memref<10240xf32, #tpu.memory_space<hbm>>) target(%arg14 : memref<10240xf32, #tpu.memory_space<vmem>>) target_semaphore(%arg18 : memref<!tpu.dma_semaphore, #tpu.memory_space<semaphore_mem>>)
    tpu.enqueue_dma source(%arg7 : memref<20x16xi32, #tpu.memory_space<hbm>>) target(%arg15 : memref<20x16xi32, #tpu.memory_space<vmem>>) target_semaphore(%arg18 : memref<!tpu.dma_semaphore, #tpu.memory_space<semaphore_mem>>)
    tpu.enqueue_dma source(%arg8 : memref<16xf32, #tpu.memory_space<hbm>>) target(%arg16 : memref<16xf32, #tpu.memory_space<vmem>>) target_semaphore(%arg18 : memref<!tpu.dma_semaphore, #tpu.memory_space<semaphore_mem>>)
    %dma_wait3A = arith.constant 0 : i32
    %dma_wait3A_6 = tpu.memref_slice %arg2[%dma_wait3A, %mul3A_2] : memref<26x16384xf32, #tpu.memory_space<hbm>> -> memref<26x512xf32, #tpu.memory_space<hbm>>
    %dma_wait3A_7 = arith.constant 0 : i32
    %dma_wait3A_8 = tpu.memref_slice %arg2[%dma_wait3A_7, %mul3A_2] : memref<26x16384xf32, #tpu.memory_space<hbm>> -> memref<26x512xf32, #tpu.memory_space<hbm>>
    tpu.wait_dma2 semaphore(%arg18 : memref<!tpu.dma_semaphore, #tpu.memory_space<semaphore_mem>>) src(%dma_wait3A_8 : memref<26x512xf32, #tpu.memory_space<hbm>>) dst(%arg10 : memref<26x512xf32, #tpu.memory_space<vmem>>)
    tpu.wait_dma2 semaphore(%arg18 : memref<!tpu.dma_semaphore, #tpu.memory_space<semaphore_mem>>) src(%arg3 : memref<7072xf32, #tpu.memory_space<hbm>>) dst(%arg11 : memref<7072xf32, #tpu.memory_space<vmem>>)
    tpu.wait_dma2 semaphore(%arg18 : memref<!tpu.dma_semaphore, #tpu.memory_space<semaphore_mem>>) src(%arg4 : memref<6656xf32, #tpu.memory_space<hbm>>) dst(%arg12 : memref<6656xf32, #tpu.memory_space<vmem>>)
    tpu.wait_dma2 semaphore(%arg18 : memref<!tpu.dma_semaphore, #tpu.memory_space<semaphore_mem>>) src(%arg5 : memref<640xf32, #tpu.memory_space<hbm>>) dst(%arg13 : memref<640xf32, #tpu.memory_space<vmem>>)
    tpu.wait_dma2 semaphore(%arg18 : memref<!tpu.dma_semaphore, #tpu.memory_space<semaphore_mem>>) src(%arg6 : memref<10240xf32, #tpu.memory_space<hbm>>) dst(%arg14 : memref<10240xf32, #tpu.memory_space<vmem>>)
    tpu.wait_dma2 semaphore(%arg18 : memref<!tpu.dma_semaphore, #tpu.memory_space<semaphore_mem>>) src(%arg7 : memref<20x16xi32, #tpu.memory_space<hbm>>) dst(%arg15 : memref<20x16xi32, #tpu.memory_space<vmem>>)
    tpu.wait_dma2 semaphore(%arg18 : memref<!tpu.dma_semaphore, #tpu.memory_space<semaphore_mem>>) src(%arg8 : memref<16xf32, #tpu.memory_space<hbm>>) dst(%arg16 : memref<16xf32, #tpu.memory_space<vmem>>)
    %iota3A = tpu.iota {dimensions = array<i32: 0>} : vector<16xi32>
    %broadcast_in_dim3A = arith.constant 0 : i32
    %broadcast_in_dim3A_9 = vector.broadcast %broadcast_in_dim3A : i32 to vector<16xi32>
    %get3A = arith.constant 0 : index
    %get3A_10 = tpu.vector_load %arg16[%get3A] {strides = array<i32>} : memref<16xf32, #tpu.memory_space<vmem>>, vector<16xf32>,
    %get3A_11 = arith.constant 0 : i32
    %get3A_12 = arith.index_cast %get3A_11 : i32 to index
    %get3A_13 = arith.constant 0 : index
    %get3A_14 = tpu.vector_load %arg15[%get3A_12, %get3A_13] {strides = array<i32>} : memref<20x16xi32, #tpu.memory_space<vmem>>, vector<16xi32>,
    %get3A_15 = arith.constant 2 : i32
    %get3A_16 = arith.index_cast %get3A_15 : i32 to index
    %get3A_17 = arith.constant 0 : index
    %get3A_18 = tpu.vector_load %arg15[%get3A_16, %get3A_17] {strides = array<i32>} : memref<20x16xi32, #tpu.memory_space<vmem>>, vector<16xi32>,
    %get3A_19 = arith.constant 4 : i32
    %get3A_20 = arith.index_cast %get3A_19 : i32 to index
    %get3A_21 = arith.constant 0 : index
    %get3A_22 = tpu.vector_load %arg15[%get3A_20, %get3A_21] {strides = array<i32>} : memref<20x16xi32, #tpu.memory_space<vmem>>, vector<16xi32>,
    %get3A_23 = arith.constant 6 : i32
    %get3A_24 = arith.index_cast %get3A_23 : i32 to index
    %get3A_25 = arith.constant 0 : index
    %get3A_26 = tpu.vector_load %arg15[%get3A_24, %get3A_25] {strides = array<i32>} : memref<20x16xi32, #tpu.memory_space<vmem>>, vector<16xi32>,
    %get3A_27 = arith.constant 8 : i32
    %get3A_28 = arith.index_cast %get3A_27 : i32 to index
    %get3A_29 = arith.constant 0 : index
    %get3A_30 = tpu.vector_load %arg15[%get3A_28, %get3A_29] {strides = array<i32>} : memref<20x16xi32, #tpu.memory_space<vmem>>, vector<16xi32>,
    %get3A_31 = arith.constant 10 : i32
    %get3A_32 = arith.index_cast %get3A_31 : i32 to index
    %get3A_33 = arith.constant 0 : index
    %get3A_34 = tpu.vector_load %arg15[%get3A_32, %get3A_33] {strides = array<i32>} : memref<20x16xi32, #tpu.memory_space<vmem>>, vector<16xi32>,
    %get3A_35 = arith.constant 12 : i32
    %get3A_36 = arith.index_cast %get3A_35 : i32 to index
    %get3A_37 = arith.constant 0 : index
    %get3A_38 = tpu.vector_load %arg15[%get3A_36, %get3A_37] {strides = array<i32>} : memref<20x16xi32, #tpu.memory_space<vmem>>, vector<16xi32>,
    %get3A_39 = arith.constant 14 : i32
    %get3A_40 = arith.index_cast %get3A_39 : i32 to index
    %get3A_41 = arith.constant 0 : index
    %get3A_42 = tpu.vector_load %arg15[%get3A_40, %get3A_41] {strides = array<i32>} : memref<20x16xi32, #tpu.memory_space<vmem>>, vector<16xi32>,
    %get3A_43 = arith.constant 16 : i32
    %get3A_44 = arith.index_cast %get3A_43 : i32 to index
    %get3A_45 = arith.constant 0 : index
    %get3A_46 = tpu.vector_load %arg15[%get3A_44, %get3A_45] {strides = array<i32>} : memref<20x16xi32, #tpu.memory_space<vmem>>, vector<16xi32>,
    %get3A_47 = arith.constant 18 : i32
    %get3A_48 = arith.index_cast %get3A_47 : i32 to index
    %get3A_49 = arith.constant 0 : index
    %get3A_50 = tpu.vector_load %arg15[%get3A_48, %get3A_49] {strides = array<i32>} : memref<20x16xi32, #tpu.memory_space<vmem>>, vector<16xi32>,
    %get3A_51 = arith.constant 1 : i32
    %get3A_52 = arith.index_cast %get3A_51 : i32 to index
    %get3A_53 = arith.constant 0 : index
    %get3A_54 = tpu.vector_load %arg15[%get3A_52, %get3A_53] {strides = array<i32>} : memref<20x16xi32, #tpu.memory_space<vmem>>, vector<16xi32>,
    %get3A_55 = arith.constant 3 : i32
    %get3A_56 = arith.index_cast %get3A_55 : i32 to index
    %get3A_57 = arith.constant 0 : index
    %get3A_58 = tpu.vector_load %arg15[%get3A_56, %get3A_57] {strides = array<i32>} : memref<20x16xi32, #tpu.memory_space<vmem>>, vector<16xi32>,
    %get3A_59 = arith.constant 5 : i32
    %get3A_60 = arith.index_cast %get3A_59 : i32 to index
    %get3A_61 = arith.constant 0 : index
    %get3A_62 = tpu.vector_load %arg15[%get3A_60, %get3A_61] {strides = array<i32>} : memref<20x16xi32, #tpu.memory_space<vmem>>, vector<16xi32>,
    %get3A_63 = arith.constant 7 : i32
    %get3A_64 = arith.index_cast %get3A_63 : i32 to index
    %get3A_65 = arith.constant 0 : index
    %get3A_66 = tpu.vector_load %arg15[%get3A_64, %get3A_65] {strides = array<i32>} : memref<20x16xi32, #tpu.memory_space<vmem>>, vector<16xi32>,
    %get3A_67 = arith.constant 9 : i32
    %get3A_68 = arith.index_cast %get3A_67 : i32 to index
    %get3A_69 = arith.constant 0 : index
    %get3A_70 = tpu.vector_load %arg15[%get3A_68, %get3A_69] {strides = array<i32>} : memref<20x16xi32, #tpu.memory_space<vmem>>, vector<16xi32>,
    %get3A_71 = arith.constant 11 : i32
    %get3A_72 = arith.index_cast %get3A_71 : i32 to index
    %get3A_73 = arith.constant 0 : index
    %get3A_74 = tpu.vector_load %arg15[%get3A_72, %get3A_73] {strides = array<i32>} : memref<20x16xi32, #tpu.memory_space<vmem>>, vector<16xi32>,
    %get3A_75 = arith.constant 13 : i32
    %get3A_76 = arith.index_cast %get3A_75 : i32 to index
    %get3A_77 = arith.constant 0 : index
    %get3A_78 = tpu.vector_load %arg15[%get3A_76, %get3A_77] {strides = array<i32>} : memref<20x16xi32, #tpu.memory_space<vmem>>, vector<16xi32>,
    %get3A_79 = arith.constant 15 : i32
    %get3A_80 = arith.index_cast %get3A_79 : i32 to index
    %get3A_81 = arith.constant 0 : index
    %get3A_82 = tpu.vector_load %arg15[%get3A_80, %get3A_81] {strides = array<i32>} : memref<20x16xi32, #tpu.memory_space<vmem>>, vector<16xi32>,
    %get3A_83 = arith.constant 17 : i32
    %get3A_84 = arith.index_cast %get3A_83 : i32 to index
    %get3A_85 = arith.constant 0 : index
    %get3A_86 = tpu.vector_load %arg15[%get3A_84, %get3A_85] {strides = array<i32>} : memref<20x16xi32, #tpu.memory_space<vmem>>, vector<16xi32>,
    %get3A_87 = arith.constant 19 : i32
    %get3A_88 = arith.index_cast %get3A_87 : i32 to index
    %get3A_89 = arith.constant 0 : index
    %get3A_90 = tpu.vector_load %arg15[%get3A_88, %get3A_89] {strides = array<i32>} : memref<20x16xi32, #tpu.memory_space<vmem>>, vector<16xi32>,
    %scan3A = arith.constant 0 : i32
    %scan3A_91 = arith.constant 0 : i32
    %scan3A_92 = arith.constant 32 : i32
    %scan3A_93 = arith.addi %scan3A_91, %scan3A_92 : i32
    %scan3A_94 = arith.constant 1 : i32
    scf.for %scan3A_96 = %scan3A_91 to %scan3A_93 step %scan3A_94  : i32 {
      %mul3A_97 = arith.constant 1 : i32
      %mul3A_98 = arith.muli %scan3A_96, %mul3A_97 : i32
      %add3A_99 = arith.constant 0 : i32
      %add3A_100 = arith.addi %mul3A_98, %add3A_99 : i32
      %mul3A_101 = arith.constant 16 : i32
      %mul3A_102 = arith.muli %add3A_100, %mul3A_101 : i32
      %add3A_103 = vector.broadcast %mul3A_102 : i32 to vector<16xi32>
      %add3A_104 = arith.addi %add3A_103, %iota3A : vector<16xi32>
      %get3A_105 = arith.constant 0 : i32
      %get3A_106 = arith.index_cast %get3A_105 : i32 to index
      %get3A_107 = arith.index_cast %mul3A_102 : i32 to index
      %get3A_108 = tpu.vector_load %arg10[%get3A_106, %get3A_107] {strides = array<i32>} : memref<26x512xf32, #tpu.memory_space<vmem>>, vector<16xf32>,
      %add3A_109 = arith.constant 134 : i32
      %add3A_110 = vector.broadcast %add3A_109 : i32 to vector<16xi32>
      %add3A_111 = arith.addi %broadcast_in_dim3A_9, %add3A_110 : vector<16xi32>
      %gather3A = tpu.vector_load_idx %arg11[%add3A_111] : memref<7072xf32, #tpu.memory_space<vmem>>[vector<16xi32>], vector<16xf32>,
      %le3A = arith.cmpf ole, %gather3A, %get3A_108 : vector<16xf32>
      %jit3A = arith.constant 136 : i32
      %jit3A_112 = arith.constant 0 : i32
      %broadcast_in_dim3A_113 = vector.broadcast %jit3A : i32 to vector<16xi32>
      %broadcast_in_dim3A_114 = vector.broadcast %jit3A_112 : i32 to vector<16xi32>
      %select_n3A = arith.select %le3A, %broadcast_in_dim3A_113, %broadcast_in_dim3A_114 : vector<16xi1>, vector<16xi32>
      %add3A_115 = arith.addi %broadcast_in_dim3A_9, %select_n3A : vector<16xi32>
      %add3A_116 = arith.constant 66 : i32
      %add3A_117 = vector.broadcast %add3A_116 : i32 to vector<16xi32>
      %add3A_118 = arith.addi %add3A_115, %add3A_117 : vector<16xi32>
      %gather3A_119 = tpu.vector_load_idx %arg11[%add3A_118] : memref<7072xf32, #tpu.memory_space<vmem>>[vector<16xi32>], vector<16xf32>,
      %le3A_120 = arith.cmpf ole, %gather3A_119, %get3A_108 : vector<16xf32>
      %jit3A_121 = arith.constant 68 : i32
      %jit3A_122 = arith.constant 0 : i32
      %broadcast_in_dim3A_123 = vector.broadcast %jit3A_121 : i32 to vector<16xi32>
      %broadcast_in_dim3A_124 = vector.broadcast %jit3A_122 : i32 to vector<16xi32>
      %select_n3A_125 = arith.select %le3A_120, %broadcast_in_dim3A_123, %broadcast_in_dim3A_124 : vector<16xi1>, vector<16xi32>
      %add3A_126 = arith.addi %add3A_115, %select_n3A_125 : vector<16xi32>
      %add3A_127 = arith.constant 32 : i32
      %add3A_128 = vector.broadcast %add3A_127 : i32 to vector<16xi32>
      %add3A_129 = arith.addi %add3A_126, %add3A_128 : vector<16xi32>
      %gather3A_130 = tpu.vector_load_idx %arg11[%add3A_129] : memref<7072xf32, #tpu.memory_space<vmem>>[vector<16xi32>], vector<16xf32>,
      %le3A_131 = arith.cmpf ole, %gather3A_130, %get3A_108 : vector<16xf32>
      %jit3A_132 = arith.constant 34 : i32
      %jit3A_133 = arith.constant 0 : i32
      %broadcast_in_dim3A_134 = vector.broadcast %jit3A_132 : i32 to vector<16xi32>
      %broadcast_in_dim3A_135 = vector.broadcast %jit3A_133 : i32 to vector<16xi32>
      %select_n3A_136 = arith.select %le3A_131, %broadcast_in_dim3A_134, %broadcast_in_dim3A_135 : vector<16xi1>, vector<16xi32>
      %add3A_137 = arith.addi %add3A_126, %select_n3A_136 : vector<16xi32>
      %add3A_138 = arith.constant 15 : i32
      %add3A_139 = vector.broadcast %add3A_138 : i32 to vector<16xi32>
      %add3A_140 = arith.addi %add3A_137, %add3A_139 : vector<16xi32>
      %gather3A_141 = tpu.vector_load_idx %arg11[%add3A_140] : memref<7072xf32, #tpu.memory_space<vmem>>[vector<16xi32>], vector<16xf32>,
      %le3A_142 = arith.cmpf ole, %gather3A_141, %get3A_108 : vector<16xf32>
      %jit3A_143 = arith.constant 17 : i32
      %jit3A_144 = arith.constant 0 : i32
      %broadcast_in_dim3A_145 = vector.broadcast %jit3A_143 : i32 to vector<16xi32>
      %broadcast_in_dim3A_146 = vector.broadcast %jit3A_144 : i32 to vector<16xi32>
      %select_n3A_147 = arith.select %le3A_142, %broadcast_in_dim3A_145, %broadcast_in_dim3A_146 : vector<16xi1>, vector<16xi32>
      %add3A_148 = arith.addi %add3A_137, %select_n3A_147 : vector<16xi32>
      %add3A_149 = arith.constant 7 : i32
      %add3A_150 = vector.broadcast %add3A_149 : i32 to vector<16xi32>
      %add3A_151 = arith.addi %add3A_148, %add3A_150 : vector<16xi32>
      %gather3A_152 = tpu.vector_load_idx %arg11[%add3A_151] : memref<7072xf32, #tpu.memory_space<vmem>>[vector<16xi32>], vector<16xf32>,
      %le3A_153 = arith.cmpf ole, %gather3A_152, %get3A_108 : vector<16xf32>
      %jit3A_154 = arith.constant 8 : i32
      %jit3A_155 = arith.constant 0 : i32
      %broadcast_in_dim3A_156 = vector.broadcast %jit3A_154 : i32 to vector<16xi32>
      %broadcast_in_dim3A_157 = vector.broadcast %jit3A_155 : i32 to vector<16xi32>
      %select_n3A_158 = arith.select %le3A_153, %broadcast_in_dim3A_156, %broadcast_in_dim3A_157 : vector<16xi1>, vector<16xi32>
      %add3A_159 = arith.addi %add3A_148, %select_n3A_158 : vector<16xi32>
      %add3A_160 = arith.constant 3 : i32
      %add3A_161 = vector.broadcast %add3A_160 : i32 to vector<16xi32>
      %add3A_162 = arith.addi %add3A_159, %add3A_161 : vector<16xi32>
      %gather3A_163 = tpu.vector_load_idx %arg11[%add3A_162] : memref<7072xf32, #tpu.memory_space<vmem>>[vector<16xi32>], vector<16xf32>,
      %le3A_164 = arith.cmpf ole, %gather3A_163, %get3A_108 : vector<16xf32>
      %jit3A_165 = arith.constant 4 : i32
      %jit3A_166 = arith.constant 0 : i32
      %broadcast_in_dim3A_167 = vector.broadcast %jit3A_165 : i32 to vector<16xi32>
      %broadcast_in_dim3A_168 = vector.broadcast %jit3A_166 : i32 to vector<16xi32>
      %select_n3A_169 = arith.select %le3A_164, %broadcast_in_dim3A_167, %broadcast_in_dim3A_168 : vector<16xi1>, vector<16xi32>
      %add3A_170 = arith.addi %add3A_159, %select_n3A_169 : vector<16xi32>
      %add3A_171 = arith.constant 1 : i32
      %add3A_172 = vector.broadcast %add3A_171 : i32 to vector<16xi32>
      %add3A_173 = arith.addi %add3A_170, %add3A_172 : vector<16xi32>
      %gather3A_174 = tpu.vector_load_idx %arg11[%add3A_173] : memref<7072xf32, #tpu.memory_space<vmem>>[vector<16xi32>], vector<16xf32>,
      %le3A_175 = arith.cmpf ole, %gather3A_174, %get3A_108 : vector<16xf32>
      %jit3A_176 = arith.constant 2 : i32
      %jit3A_177 = arith.constant 0 : i32
      %broadcast_in_dim3A_178 = vector.broadcast %jit3A_176 : i32 to vector<16xi32>
      %broadcast_in_dim3A_179 = vector.broadcast %jit3A_177 : i32 to vector<16xi32>
      %select_n3A_180 = arith.select %le3A_175, %broadcast_in_dim3A_178, %broadcast_in_dim3A_179 : vector<16xi1>, vector<16xi32>
      %add3A_181 = arith.addi %add3A_170, %select_n3A_180 : vector<16xi32>
      %add3A_182 = arith.constant 0 : i32
      %add3A_183 = vector.broadcast %add3A_182 : i32 to vector<16xi32>
      %add3A_184 = arith.addi %add3A_181, %add3A_183 : vector<16xi32>
      %gather3A_185 = tpu.vector_load_idx %arg11[%add3A_184] : memref<7072xf32, #tpu.memory_space<vmem>>[vector<16xi32>], vector<16xf32>,
      %le3A_186 = arith.cmpf ole, %gather3A_185, %get3A_108 : vector<16xf32>
      %jit3A_187 = arith.constant 1 : i32
      %jit3A_188 = arith.constant 0 : i32
      %broadcast_in_dim3A_189 = vector.broadcast %jit3A_187 : i32 to vector<16xi32>
      %broadcast_in_dim3A_190 = vector.broadcast %jit3A_188 : i32 to vector<16xi32>
      %select_n3A_191 = arith.select %le3A_186, %broadcast_in_dim3A_189, %broadcast_in_dim3A_190 : vector<16xi1>, vector<16xi32>
      %add3A_192 = arith.addi %add3A_181, %select_n3A_191 : vector<16xi32>
      %mul3A_193 = arith.constant 3856 : i32
      %mul3A_194 = vector.broadcast %mul3A_193 : i32 to vector<16xi32>
      %mul3A_195 = arith.muli %add3A_192, %mul3A_194 : vector<16xi32>
      %shift_right_arithmetic3A = arith.constant 16 : i32
      %shift_right_arithmetic3A_196 = vector.broadcast %shift_right_arithmetic3A : i32 to vector<16xi32>
      %shift_right_arithmetic3A_197 = arith.shrsi %mul3A_195, %shift_right_arithmetic3A_196 : vector<16xi32>
      %sub3A = arith.subi %add3A_192, %shift_right_arithmetic3A_197 : vector<16xi32>
      %add3A_198 = arith.constant 0 : i32
      %add3A_199 = vector.broadcast %add3A_198 : i32 to vector<16xi32>
      %add3A_200 = arith.addi %sub3A, %add3A_199 : vector<16xi32>
      %gather3A_201 = tpu.vector_load_idx %arg12[%add3A_200] : memref<6656xf32, #tpu.memory_space<vmem>>[vector<16xi32>], vector<16xf32>,
      %add3A_202 = arith.addf %get3A_10, %gather3A_201 : vector<16xf32>
      %get3A_203 = arith.constant 1 : i32
      %get3A_204 = arith.index_cast %get3A_203 : i32 to index
      %get3A_205 = arith.index_cast %mul3A_102 : i32 to index
      %get3A_206 = tpu.vector_load %arg10[%get3A_204, %get3A_205] {strides = array<i32>} : memref<26x512xf32, #tpu.memory_space<vmem>>, vector<16xf32>,
      %add3A_207 = arith.constant 406 : i32
      %add3A_208 = vector.broadcast %add3A_207 : i32 to vector<16xi32>
      %add3A_209 = arith.addi %broadcast_in_dim3A_9, %add3A_208 : vector<16xi32>
      %gather3A_210 = tpu.vector_load_idx %arg11[%add3A_209] : memref<7072xf32, #tpu.memory_space<vmem>>[vector<16xi32>], vector<16xf32>,
      %le3A_211 = arith.cmpf ole, %gather3A_210, %get3A_206 : vector<16xf32>
      %jit3A_212 = arith.constant 136 : i32
      %jit3A_213 = arith.constant 0 : i32
      %broadcast_in_dim3A_214 = vector.broadcast %jit3A_212 : i32 to vector<16xi32>
      %broadcast_in_dim3A_215 = vector.broadcast %jit3A_213 : i32 to vector<16xi32>
      %select_n3A_216 = arith.select %le3A_211, %broadcast_in_dim3A_214, %broadcast_in_dim3A_215 : vector<16xi1>, vector<16xi32>
      %add3A_217 = arith.addi %broadcast_in_dim3A_9, %select_n3A_216 : vector<16xi32>
      %add3A_218 = arith.constant 338 : i32
      %add3A_219 = vector.broadcast %add3A_218 : i32 to vector<16xi32>
      %add3A_220 = arith.addi %add3A_217, %add3A_219 : vector<16xi32>
      %gather3A_221 = tpu.vector_load_idx %arg11[%add3A_220] : memref<7072xf32, #tpu.memory_space<vmem>>[vector<16xi32>], vector<16xf32>,
      %le3A_222 = arith.cmpf ole, %gather3A_221, %get3A_206 : vector<16xf32>
      %jit3A_223 = arith.constant 68 : i32
      %jit3A_224 = arith.constant 0 : i32
      %broadcast_in_dim3A_225 = vector.broadcast %jit3A_223 : i32 to vector<16xi32>
      %broadcast_in_dim3A_226 = vector.broadcast %jit3A_224 : i32 to vector<16xi32>
      %select_n3A_227 = arith.select %le3A_222, %broadcast_in_dim3A_225, %broadcast_in_dim3A_226 : vector<16xi1>, vector<16xi32>
      %add3A_228 = arith.addi %add3A_217, %select_n3A_227 : vector<16xi32>
      %add3A_229 = arith.constant 304 : i32
      %add3A_230 = vector.broadcast %add3A_229 : i32 to vector<16xi32>
      %add3A_231 = arith.addi %add3A_228, %add3A_230 : vector<16xi32>
      %gather3A_232 = tpu.vector_load_idx %arg11[%add3A_231] : memref<7072xf32, #tpu.memory_space<vmem>>[vector<16xi32>], vector<16xf32>,
      %le3A_233 = arith.cmpf ole, %gather3A_232, %get3A_206 : vector<16xf32>
      %jit3A_234 = arith.constant 34 : i32
      %jit3A_235 = arith.constant 0 : i32
      %broadcast_in_dim3A_236 = vector.broadcast %jit3A_234 : i32 to vector<16xi32>
      %broadcast_in_dim3A_237 = vector.broadcast %jit3A_235 : i32 to vector<16xi32>
      %select_n3A_238 = arith.select %le3A_233, %broadcast_in_dim3A_236, %broadcast_in_dim3A_237 : vector<16xi1>, vector<16xi32>
      %add3A_239 = arith.addi %add3A_228, %select_n3A_238 : vector<16xi32>
      %add3A_240 = arith.constant 287 : i32
      %add3A_241 = vector.broadcast %add3A_240 : i32 to vector<16xi32>
      %add3A_242 = arith.addi %add3A_239, %add3A_241 : vector<16xi32>
      %gather3A_243 = tpu.vector_load_idx %arg11[%add3A_242] : memref<7072xf32, #tpu.memory_space<vmem>>[vector<16xi32>], vector<16xf32>,
      %le3A_244 = arith.cmpf ole, %gather3A_243, %get3A_206 : vector<16xf32>
      %jit3A_245 = arith.constant 17 : i32
      %jit3A_246 = arith.constant 0 : i32
      %broadcast_in_dim3A_247 = vector.broadcast %jit3A_245 : i32 to vector<16xi32>
      %broadcast_in_dim3A_248 = vector.broadcast %jit3A_246 : i32 to vector<16xi32>
      %select_n3A_249 = arith.select %le3A_244, %broadcast_in_dim3A_247, %broadcast_in_dim3A_248 : vector<16xi1>, vector<16xi32>
      %add3A_250 = arith.addi %add3A_239, %select_n3A_249 : vector<16xi32>
      %add3A_251 = arith.constant 279 : i32
      %add3A_252 = vector.broadcast %add3A_251 : i32 to vector<16xi32>
      %add3A_253 = arith.addi %add3A_250, %add3A_252 : vector<16xi32>
      %gather3A_254 = tpu.vector_load_idx %arg11[%add3A_253] : memref<7072xf32, #tpu.memory_space<vmem>>[vector<16xi32>], vector<16xf32>,
      %le3A_255 = arith.cmpf ole, %gather3A_254, %get3A_206 : vector<16xf32>
      %jit3A_256 = arith.constant 8 : i32
      %jit3A_257 = arith.constant 0 : i32
      %broadcast_in_dim3A_258 = vector.broadcast %jit3A_256 : i32 to vector<16xi32>
      %broadcast_in_dim3A_259 = vector.broadcast %jit3A_257 : i32 to vector<16xi32>
      %select_n3A_260 = arith.select %le3A_255, %broadcast_in_dim3A_258, %broadcast_in_dim3A_259 : vector<16xi1>, vector<16xi32>
      %add3A_261 = arith.addi %add3A_250, %select_n3A_260 : vector<16xi32>
      %add3A_262 = arith.constant 275 : i32
      %add3A_263 = vector.broadcast %add3A_262 : i32 to vector<16xi32>
      %add3A_264 = arith.addi %add3A_261, %add3A_263 : vector<16xi32>
      %gather3A_265 = tpu.vector_load_idx %arg11[%add3A_264] : memref<7072xf32, #tpu.memory_space<vmem>>[vector<16xi32>], vector<16xf32>,
      %le3A_266 = arith.cmpf ole, %gather3A_265, %get3A_206 : vector<16xf32>
      %jit3A_267 = arith.constant 4 : i32
      %jit3A_268 = arith.constant 0 : i32
      %broadcast_in_dim3A_269 = vector.broadcast %jit3A_267 : i32 to vector<16xi32>
      %broadcast_in_dim3A_270 = vector.broadcast %jit3A_268 : i32 to vector<16xi32>
      %select_n3A_271 = arith.select %le3A_266, %broadcast_in_dim3A_269, %broadcast_in_dim3A_270 : vector<16xi1>, vector<16xi32>
      %add3A_272 = arith.addi %add3A_261, %select_n3A_271 : vector<16xi32>
      %add3A_273 = arith.constant 273 : i32
      %add3A_274 = vector.broadcast %add3A_273 : i32 to vector<16xi32>
      %add3A_275 = arith.addi %add3A_272, %add3A_274 : vector<16xi32>
      %gather3A_276 = tpu.vector_load_idx %arg11[%add3A_275] : memref<7072xf32, #tpu.memory_space<vmem>>[vector<16xi32>], vector<16xf32>,
      %le3A_277 = arith.cmpf ole, %gather3A_276, %get3A_206 : vector<16xf32>
      %jit3A_278 = arith.constant 2 : i32
      %jit3A_279 = arith.constant 0 : i32
      %broadcast_in_dim3A_280 = vector.broadcast %jit3A_278 : i32 to vector<16xi32>
      %broadcast_in_dim3A_281 = vector.broadcast %jit3A_279 : i32 to vector<16xi32>
      %select_n3A_282 = arith.select %le3A_277, %broadcast_in_dim3A_280, %broadcast_in_dim3A_281 : vector<16xi1>, vector<16xi32>
      %add3A_283 = arith.addi %add3A_272, %select_n3A_282 : vector<16xi32>
      %add3A_284 = arith.constant 272 : i32
      %add3A_285 = vector.broadcast %add3A_284 : i32 to vector<16xi32>
      %add3A_286 = arith.addi %add3A_283, %add3A_285 : vector<16xi32>
      %gather3A_287 = tpu.vector_load_idx %arg11[%add3A_286] : memref<7072xf32, #tpu.memory_space<vmem>>[vector<16xi32>], vector<16xf32>,
      %le3A_288 = arith.cmpf ole, %gather3A_287, %get3A_206 : vector<16xf32>
      %jit3A_289 = arith.constant 1 : i32
      %jit3A_290 = arith.constant 0 : i32
      %broadcast_in_dim3A_291 = vector.broadcast %jit3A_289 : i32 to vector<16xi32>
      %broadcast_in_dim3A_292 = vector.broadcast %jit3A_290 : i32 to vector<16xi32>
      %select_n3A_293 = arith.select %le3A_288, %broadcast_in_dim3A_291, %broadcast_in_dim3A_292 : vector<16xi1>, vector<16xi32>
      %add3A_294 = arith.addi %add3A_283, %select_n3A_293 : vector<16xi32>
      %mul3A_295 = arith.constant 3856 : i32
      %mul3A_296 = vector.broadcast %mul3A_295 : i32 to vector<16xi32>
      %mul3A_297 = arith.muli %add3A_294, %mul3A_296 : vector<16xi32>
      %shift_right_arithmetic3A_298 = arith.constant 16 : i32
      %shift_right_arithmetic3A_299 = vector.broadcast %shift_right_arithmetic3A_298 : i32 to vector<16xi32>
      %shift_right_arithmetic3A_300 = arith.shrsi %mul3A_297, %shift_right_arithmetic3A_299 : vector<16xi32>
      %sub3A_301 = arith.subi %add3A_294, %shift_right_arithmetic3A_300 : vector<16xi32>
      %add3A_302 = arith.constant 256 : i32
      %add3A_303 = vector.broadcast %add3A_302 : i32 to vector<16xi32>
      %add3A_304 = arith.addi %sub3A_301, %add3A_303 : vector<16xi32>
      %gather3A_305 = tpu.vector_load_idx %arg12[%add3A_304] : memref<6656xf32, #tpu.memory_space<vmem>>[vector<16xi32>], vector<16xf32>,
      %add3A_306 = arith.addf %add3A_202, %gather3A_305 : vector<16xf32>
      %get3A_307 = arith.constant 2 : i32
      %get3A_308 = arith.index_cast %get3A_307 : i32 to index
      %get3A_309 = arith.index_cast %mul3A_102 : i32 to index
      %get3A_310 = tpu.vector_load %arg10[%get3A_308, %get3A_309] {strides = array<i32>} : memref<26x512xf32, #tpu.memory_space<vmem>>, vector<16xf32>,
      %add3A_311 = arith.constant 678 : i32
      %add3A_312 = vector.broadcast %add3A_311 : i32 to vector<16xi32>
      %add3A_313 = arith.addi %broadcast_in_dim3A_9, %add3A_312 : vector<16xi32>
      %gather3A_314 = tpu.vector_load_idx %arg11[%add3A_313] : memref<7072xf32, #tpu.memory_space<vmem>>[vector<16xi32>], vector<16xf32>,
      %le3A_315 = arith.cmpf ole, %gather3A_314, %get3A_310 : vector<16xf32>
      %jit3A_316 = arith.constant 136 : i32
      %jit3A_317 = arith.constant 0 : i32
      %broadcast_in_dim3A_318 = vector.broadcast %jit3A_316 : i32 to vector<16xi32>
      %broadcast_in_dim3A_319 = vector.broadcast %jit3A_317 : i32 to vector<16xi32>
      %select_n3A_320 = arith.select %le3A_315, %broadcast_in_dim3A_318, %broadcast_in_dim3A_319 : vector<16xi1>, vector<16xi32>
      %add3A_321 = arith.addi %broadcast_in_dim3A_9, %select_n3A_320 : vector<16xi32>
      %add3A_322 = arith.constant 610 : i32
      %add3A_323 = vector.broadcast %add3A_322 : i32 to vector<16xi32>
      %add3A_324 = arith.addi %add3A_321, %add3A_323 : vector<16xi32>
      %gather3A_325 = tpu.vector_load_idx %arg11[%add3A_324] : memref<7072xf32, #tpu.memory_space<vmem>>[vector<16xi32>], vector<16xf32>,
      %le3A_326 = arith.cmpf ole, %gather3A_325, %get3A_310 : vector<16xf32>
      %jit3A_327 = arith.constant 68 : i32
      %jit3A_328 = arith.constant 0 : i32
      %broadcast_in_dim3A_329 = vector.broadcast %jit3A_327 : i32 to vector<16xi32>
      %broadcast_in_dim3A_330 = vector.broadcast %jit3A_328 : i32 to vector<16xi32>
      %select_n3A_331 = arith.select %le3A_326, %broadcast_in_dim3A_329, %broadcast_in_dim3A_330 : vector<16xi1>, vector<16xi32>
      %add3A_332 = arith.addi %add3A_321, %select_n3A_331 : vector<16xi32>
      %add3A_333 = arith.constant 576 : i32
      %add3A_334 = vector.broadcast %add3A_333 : i32 to vector<16xi32>
      %add3A_335 = arith.addi %add3A_332, %add3A_334 : vector<16xi32>
      %gather3A_336 = tpu.vector_load_idx %arg11[%add3A_335] : memref<7072xf32, #tpu.memory_space<vmem>>[vector<16xi32>], vector<16xf32>,
      %le3A_337 = arith.cmpf ole, %gather3A_336, %get3A_310 : vector<16xf32>
      %jit3A_338 = arith.constant 34 : i32
      %jit3A_339 = arith.constant 0 : i32
      %broadcast_in_dim3A_340 = vector.broadcast %jit3A_338 : i32 to vector<16xi32>
      %broadcast_in_dim3A_341 = vector.broadcast %jit3A_339 : i32 to vector<16xi32>
      %select_n3A_342 = arith.select %le3A_337, %broadcast_in_dim3A_340, %broadcast_in_dim3A_341 : vector<16xi1>, vector<16xi32>
      %add3A_343 = arith.addi %add3A_332, %select_n3A_342 : vector<16xi32>
      %add3A_344 = arith.constant 559 : i32
      %add3A_345 = vector.broadcast %add3A_344 : i32 to vector<16xi32>
      %add3A_346 = arith.addi %add3A_343, %add3A_345 : vector<16xi32>
      %gather3A_347 = tpu.vector_load_idx %arg11[%add3A_346] : memref<7072xf32, #tpu.memory_space<vmem>>[vector<16xi32>], vector<16xf32>,
      %le3A_348 = arith.cmpf ole, %gather3A_347, %get3A_310 : vector<16xf32>
      %jit3A_349 = arith.constant 17 : i32
      %jit3A_350 = arith.constant 0 : i32
      %broadcast_in_dim3A_351 = vector.broadcast %jit3A_349 : i32 to vector<16xi32>
      %broadcast_in_dim3A_352 = vector.broadcast %jit3A_350 : i32 to vector<16xi32>
      %select_n3A_353 = arith.select %le3A_348, %broadcast_in_dim3A_351, %broadcast_in_dim3A_352 : vector<16xi1>, vector<16xi32>
      %add3A_354 = arith.addi %add3A_343, %select_n3A_353 : vector<16xi32>
      %add3A_355 = arith.constant 551 : i32
      %add3A_356 = vector.broadcast %add3A_355 : i32 to vector<16xi32>
      %add3A_357 = arith.addi %add3A_354, %add3A_356 : vector<16xi32>
      %gather3A_358 = tpu.vector_load_idx %arg11[%add3A_357] : memref<7072xf32, #tpu.memory_space<vmem>>[vector<16xi32>], vector<16xf32>,
      %le3A_359 = arith.cmpf ole, %gather3A_358, %get3A_310 : vector<16xf32>
      %jit3A_360 = arith.constant 8 : i32
      %jit3A_361 = arith.constant 0 : i32
      %broadcast_in_dim3A_362 = vector.broadcast %jit3A_360 : i32 to vector<16xi32>
      %broadcast_in_dim3A_363 = vector.broadcast %jit3A_361 : i32 to vector<16xi32>
      %select_n3A_364 = arith.select %le3A_359, %broadcast_in_dim3A_362, %broadcast_in_dim3A_363 : vector<16xi1>, vector<16xi32>
      %add3A_365 = arith.addi %add3A_354, %select_n3A_364 : vector<16xi32>
      %add3A_366 = arith.constant 547 : i32
      %add3A_367 = vector.broadcast %add3A_366 : i32 to vector<16xi32>
      %add3A_368 = arith.addi %add3A_365, %add3A_367 : vector<16xi32>
      %gather3A_369 = tpu.vector_load_idx %arg11[%add3A_368] : memref<7072xf32, #tpu.memory_space<vmem>>[vector<16xi32>], vector<16xf32>,
      %le3A_370 = arith.cmpf ole, %gather3A_369, %get3A_310 : vector<16xf32>
      %jit3A_371 = arith.constant 4 : i32
      %jit3A_372 = arith.constant 0 : i32
      %broadcast_in_dim3A_373 = vector.broadcast %jit3A_371 : i32 to vector<16xi32>
      %broadcast_in_dim3A_374 = vector.broadcast %jit3A_372 : i32 to vector<16xi32>
      %select_n3A_375 = arith.select %le3A_370, %broadcast_in_dim3A_373, %broadcast_in_dim3A_374 : vector<16xi1>, vector<16xi32>
      %add3A_376 = arith.addi %add3A_365, %select_n3A_375 : vector<16xi32>
      %add3A_377 = arith.constant 545 : i32
      %add3A_378 = vector.broadcast %add3A_377 : i32 to vector<16xi32>
      %add3A_379 = arith.addi %add3A_376, %add3A_378 : vector<16xi32>
      %gather3A_380 = tpu.vector_load_idx %arg11[%add3A_379] : memref<7072xf32, #tpu.memory_space<vmem>>[vector<16xi32>], vector<16xf32>,
      %le3A_381 = arith.cmpf ole, %gather3A_380, %get3A_310 : vector<16xf32>
      %jit3A_382 = arith.constant 2 : i32
      %jit3A_383 = arith.constant 0 : i32
      %broadcast_in_dim3A_384 = vector.broadcast %jit3A_382 : i32 to vector<16xi32>
      %broadcast_in_dim3A_385 = vector.broadcast %jit3A_383 : i32 to vector<16xi32>
      %select_n3A_386 = arith.select %le3A_381, %broadcast_in_dim3A_384, %broadcast_in_dim3A_385 : vector<16xi1>, vector<16xi32>
      %add3A_387 = arith.addi %add3A_376, %select_n3A_386 : vector<16xi32>
      %add3A_388 = arith.constant 544 : i32
      %add3A_389 = vector.broadcast %add3A_388 : i32 to vector<16xi32>
      %add3A_390 = arith.addi %add3A_387, %add3A_389 : vector<16xi32>
      %gather3A_391 = tpu.vector_load_idx %arg11[%add3A_390] : memref<7072xf32, #tpu.memory_space<vmem>>[vector<16xi32>], vector<16xf32>,
      %le3A_392 = arith.cmpf ole, %gather3A_391, %get3A_310 : vector<16xf32>
      %jit3A_393 = arith.constant 1 : i32
      %jit3A_394 = arith.constant 0 : i32
      %broadcast_in_dim3A_395 = vector.broadcast %jit3A_393 : i32 to vector<16xi32>
      %broadcast_in_dim3A_396 = vector.broadcast %jit3A_394 : i32 to vector<16xi32>
      %select_n3A_397 = arith.select %le3A_392, %broadcast_in_dim3A_395, %broadcast_in_dim3A_396 : vector<16xi1>, vector<16xi32>
      %add3A_398 = arith.addi %add3A_387, %select_n3A_397 : vector<16xi32>
      %mul3A_399 = arith.constant 3856 : i32
      %mul3A_400 = vector.broadcast %mul3A_399 : i32 to vector<16xi32>
      %mul3A_401 = arith.muli %add3A_398, %mul3A_400 : vector<16xi32>
      %shift_right_arithmetic3A_402 = arith.constant 16 : i32
      %shift_right_arithmetic3A_403 = vector.broadcast %shift_right_arithmetic3A_402 : i32 to vector<16xi32>
      %shift_right_arithmetic3A_404 = arith.shrsi %mul3A_401, %shift_right_arithmetic3A_403 : vector<16xi32>
      %sub3A_405 = arith.subi %add3A_398, %shift_right_arithmetic3A_404 : vector<16xi32>
      %add3A_406 = arith.constant 512 : i32
      %add3A_407 = vector.broadcast %add3A_406 : i32 to vector<16xi32>
      %add3A_408 = arith.addi %sub3A_405, %add3A_407 : vector<16xi32>
      %gather3A_409 = tpu.vector_load_idx %arg12[%add3A_408] : memref<6656xf32, #tpu.memory_space<vmem>>[vector<16xi32>], vector<16xf32>,
      %add3A_410 = arith.addf %add3A_306, %gather3A_409 : vector<16xf32>
      %get3A_411 = arith.constant 3 : i32
      %get3A_412 = arith.index_cast %get3A_411 : i32 to index
      %get3A_413 = arith.index_cast %mul3A_102 : i32 to index
      %get3A_414 = tpu.vector_load %arg10[%get3A_412, %get3A_413] {strides = array<i32>} : memref<26x512xf32, #tpu.memory_space<vmem>>, vector<16xf32>,
      %add3A_415 = arith.constant 950 : i32
      %add3A_416 = vector.broadcast %add3A_415 : i32 to vector<16xi32>
      %add3A_417 = arith.addi %broadcast_in_dim3A_9, %add3A_416 : vector<16xi32>
      %gather3A_418 = tpu.vector_load_idx %arg11[%add3A_417] : memref<7072xf32, #tpu.memory_space<vmem>>[vector<16xi32>], vector<16xf32>,
      %le3A_419 = arith.cmpf ole, %gather3A_418, %get3A_414 : vector<16xf32>
      %jit3A_420 = arith.constant 136 : i32
      %jit3A_421 = arith.constant 0 : i32
      %broadcast_in_dim3A_422 = vector.broadcast %jit3A_420 : i32 to vector<16xi32>
      %broadcast_in_dim3A_423 = vector.broadcast %jit3A_421 : i32 to vector<16xi32>
      %select_n3A_424 = arith.select %le3A_419, %broadcast_in_dim3A_422, %broadcast_in_dim3A_423 : vector<16xi1>, vector<16xi32>
      %add3A_425 = arith.addi %broadcast_in_dim3A_9, %select_n3A_424 : vector<16xi32>
      %add3A_426 = arith.constant 882 : i32
      %add3A_427 = vector.broadcast %add3A_426 : i32 to vector<16xi32>
      %add3A_428 = arith.addi %add3A_425, %add3A_427 : vector<16xi32>
      %gather3A_429 = tpu.vector_load_idx %arg11[%add3A_428] : memref<7072xf32, #tpu.memory_space<vmem>>[vector<16xi32>], vector<16xf32>,
      %le3A_430 = arith.cmpf ole, %gather3A_429, %get3A_414 : vector<16xf32>
      %jit3A_431 = arith.constant 68 : i32
      %jit3A_432 = arith.constant 0 : i32
      %broadcast_in_dim3A_433 = vector.broadcast %jit3A_431 : i32 to vector<16xi32>
      %broadcast_in_dim3A_434 = vector.broadcast %jit3A_432 : i32 to vector<16xi32>
      %select_n3A_435 = arith.select %le3A_430, %broadcast_in_dim3A_433, %broadcast_in_dim3A_434 : vector<16xi1>, vector<16xi32>
      %add3A_436 = arith.addi %add3A_425, %select_n3A_435 : vector<16xi32>
      %add3A_437 = arith.constant 848 : i32
      %add3A_438 = vector.broadcast %add3A_437 : i32 to vector<16xi32>
      %add3A_439 = arith.addi %add3A_436, %add3A_438 : vector<16xi32>
      %gather3A_440 = tpu.vector_load_idx %arg11[%add3A_439] : memref<7072xf32, #tpu.memory_space<vmem>>[vector<16xi32>], vector<16xf32>,
      %le3A_441 = arith.cmpf ole, %gather3A_440, %get3A_414 : vector<16xf32>
      %jit3A_442 = arith.constant 34 : i32
      %jit3A_443 = arith.constant 0 : i32
      %broadcast_in_dim3A_444 = vector.broadcast %jit3A_442 : i32 to vector<16xi32>
      %broadcast_in_dim3A_445 = vector.broadcast %jit3A_443 : i32 to vector<16xi32>
      %select_n3A_446 = arith.select %le3A_441, %broadcast_in_dim3A_444, %broadcast_in_dim3A_445 : vector<16xi1>, vector<16xi32>
      %add3A_447 = arith.addi %add3A_436, %select_n3A_446 : vector<16xi32>
      %add3A_448 = arith.constant 831 : i32
      %add3A_449 = vector.broadcast %add3A_448 : i32 to vector<16xi32>
      %add3A_450 = arith.addi %add3A_447, %add3A_449 : vector<16xi32>
      %gather3A_451 = tpu.vector_load_idx %arg11[%add3A_450] : memref<7072xf32, #tpu.memory_space<vmem>>[vector<16xi32>], vector<16xf32>,
      %le3A_452 = arith.cmpf ole, %gather3A_451, %get3A_414 : vector<16xf32>
      %jit3A_453 = arith.constant 17 : i32
      %jit3A_454 = arith.constant 0 : i32
      %broadcast_in_dim3A_455 = vector.broadcast %jit3A_453 : i32 to vector<16xi32>
      %broadcast_in_dim3A_456 = vector.broadcast %jit3A_454 : i32 to vector<16xi32>
      %select_n3A_457 = arith.select %le3A_452, %broadcast_in_dim3A_455, %broadcast_in_dim3A_456 : vector<16xi1>, vector<16xi32>
      %add3A_458 = arith.addi %add3A_447, %select_n3A_457 : vector<16xi32>
      %add3A_459 = arith.constant 823 : i32
      %add3A_460 = vector.broadcast %add3A_459 : i32 to vector<16xi32>
      %add3A_461 = arith.addi %add3A_458, %add3A_460 : vector<16xi32>
      %gather3A_462 = tpu.vector_load_idx %arg11[%add3A_461] : memref<7072xf32, #tpu.memory_space<vmem>>[vector<16xi32>], vector<16xf32>,
      %le3A_463 = arith.cmpf ole, %gather3A_462, %get3A_414 : vector<16xf32>
      %jit3A_464 = arith.constant 8 : i32
      %jit3A_465 = arith.constant 0 : i32
      %broadcast_in_dim3A_466 = vector.broadcast %jit3A_464 : i32 to vector<16xi32>
      %broadcast_in_dim3A_467 = vector.broadcast %jit3A_465 : i32 to vector<16xi32>
      %select_n3A_468 = arith.select %le3A_463, %broadcast_in_dim3A_466, %broadcast_in_dim3A_467 : vector<16xi1>, vector<16xi32>
      %add3A_469 = arith.addi %add3A_458, %select_n3A_468 : vector<16xi32>
      %add3A_470 = arith.constant 819 : i32
      %add3A_471 = vector.broadcast %add3A_470 : i32 to vector<16xi32>
      %add3A_472 = arith.addi %add3A_469, %add3A_471 : vector<16xi32>
      %gather3A_473 = tpu.vector_load_idx %arg11[%add3A_472] : memref<7072xf32, #tpu.memory_space<vmem>>[vector<16xi32>], vector<16xf32>,
      %le3A_474 = arith.cmpf ole, %gather3A_473, %get3A_414 : vector<16xf32>
      %jit3A_475 = arith.constant 4 : i32
      %jit3A_476 = arith.constant 0 : i32
      %broadcast_in_dim3A_477 = vector.broadcast %jit3A_475 : i32 to vector<16xi32>
      %broadcast_in_dim3A_478 = vector.broadcast %jit3A_476 : i32 to vector<16xi32>
      %select_n3A_479 = arith.select %le3A_474, %broadcast_in_dim3A_477, %broadcast_in_dim3A_478 : vector<16xi1>, vector<16xi32>
      %add3A_480 = arith.addi %add3A_469, %select_n3A_479 : vector<16xi32>
      %add3A_481 = arith.constant 817 : i32
      %add3A_482 = vector.broadcast %add3A_481 : i32 to vector<16xi32>
      %add3A_483 = arith.addi %add3A_480, %add3A_482 : vector<16xi32>
      %gather3A_484 = tpu.vector_load_idx %arg11[%add3A_483] : memref<7072xf32, #tpu.memory_space<vmem>>[vector<16xi32>], vector<16xf32>,
      %le3A_485 = arith.cmpf ole, %gather3A_484, %get3A_414 : vector<16xf32>
      %jit3A_486 = arith.constant 2 : i32
      %jit3A_487 = arith.constant 0 : i32
      %broadcast_in_dim3A_488 = vector.broadcast %jit3A_486 : i32 to vector<16xi32>
      %broadcast_in_dim3A_489 = vector.broadcast %jit3A_487 : i32 to vector<16xi32>
      %select_n3A_490 = arith.select %le3A_485, %broadcast_in_dim3A_488, %broadcast_in_dim3A_489 : vector<16xi1>, vector<16xi32>
      %add3A_491 = arith.addi %add3A_480, %select_n3A_490 : vector<16xi32>
      %add3A_492 = arith.constant 816 : i32
      %add3A_493 = vector.broadcast %add3A_492 : i32 to vector<16xi32>
      %add3A_494 = arith.addi %add3A_491, %add3A_493 : vector<16xi32>
      %gather3A_495 = tpu.vector_load_idx %arg11[%add3A_494] : memref<7072xf32, #tpu.memory_space<vmem>>[vector<16xi32>], vector<16xf32>,
      %le3A_496 = arith.cmpf ole, %gather3A_495, %get3A_414 : vector<16xf32>
      %jit3A_497 = arith.constant 1 : i32
      %jit3A_498 = arith.constant 0 : i32
      %broadcast_in_dim3A_499 = vector.broadcast %jit3A_497 : i32 to vector<16xi32>
      %broadcast_in_dim3A_500 = vector.broadcast %jit3A_498 : i32 to vector<16xi32>
      %select_n3A_501 = arith.select %le3A_496, %broadcast_in_dim3A_499, %broadcast_in_dim3A_500 : vector<16xi1>, vector<16xi32>
      %add3A_502 = arith.addi %add3A_491, %select_n3A_501 : vector<16xi32>
      %mul3A_503 = arith.constant 3856 : i32
      %mul3A_504 = vector.broadcast %mul3A_503 : i32 to vector<16xi32>
      %mul3A_505 = arith.muli %add3A_502, %mul3A_504 : vector<16xi32>
      %shift_right_arithmetic3A_506 = arith.constant 16 : i32
      %shift_right_arithmetic3A_507 = vector.broadcast %shift_right_arithmetic3A_506 : i32 to vector<16xi32>
      %shift_right_arithmetic3A_508 = arith.shrsi %mul3A_505, %shift_right_arithmetic3A_507 : vector<16xi32>
      %sub3A_509 = arith.subi %add3A_502, %shift_right_arithmetic3A_508 : vector<16xi32>
      %add3A_510 = arith.constant 768 : i32
      %add3A_511 = vector.broadcast %add3A_510 : i32 to vector<16xi32>
      %add3A_512 = arith.addi %sub3A_509, %add3A_511 : vector<16xi32>
      %gather3A_513 = tpu.vector_load_idx %arg12[%add3A_512] : memref<6656xf32, #tpu.memory_space<vmem>>[vector<16xi32>], vector<16xf32>,
      %add3A_514 = arith.addf %add3A_410, %gather3A_513 : vector<16xf32>
      %get3A_515 = arith.constant 4 : i32
      %get3A_516 = arith.index_cast %get3A_515 : i32 to index
      %get3A_517 = arith.index_cast %mul3A_102 : i32 to index
      %get3A_518 = tpu.vector_load %arg10[%get3A_516, %get3A_517] {strides = array<i32>} : memref<26x512xf32, #tpu.memory_space<vmem>>, vector<16xf32>,
      %add3A_519 = arith.constant 1222 : i32
      %add3A_520 = vector.broadcast %add3A_519 : i32 to vector<16xi32>
      %add3A_521 = arith.addi %broadcast_in_dim3A_9, %add3A_520 : vector<16xi32>
      %gather3A_522 = tpu.vector_load_idx %arg11[%add3A_521] : memref<7072xf32, #tpu.memory_space<vmem>>[vector<16xi32>], vector<16xf32>,
      %le3A_523 = arith.cmpf ole, %gather3A_522, %get3A_518 : vector<16xf32>
      %jit3A_524 = arith.constant 136 : i32
      %jit3A_525 = arith.constant 0 : i32
      %broadcast_in_dim3A_526 = vector.broadcast %jit3A_524 : i32 to vector<16xi32>
      %broadcast_in_dim3A_527 = vector.broadcast %jit3A_525 : i32 to vector<16xi32>
      %select_n3A_528 = arith.select %le3A_523, %broadcast_in_dim3A_526, %broadcast_in_dim3A_527 : vector<16xi1>, vector<16xi32>
      %add3A_529 = arith.addi %broadcast_in_dim3A_9, %select_n3A_528 : vector<16xi32>
      %add3A_530 = arith.constant 1154 : i32
      %add3A_531 = vector.broadcast %add3A_530 : i32 to vector<16xi32>
      %add3A_532 = arith.addi %add3A_529, %add3A_531 : vector<16xi32>
      %gather3A_533 = tpu.vector_load_idx %arg11[%add3A_532] : memref<7072xf32, #tpu.memory_space<vmem>>[vector<16xi32>], vector<16xf32>,
      %le3A_534 = arith.cmpf ole, %gather3A_533, %get3A_518 : vector<16xf32>
      %jit3A_535 = arith.constant 68 : i32
      %jit3A_536 = arith.constant 0 : i32
      %broadcast_in_dim3A_537 = vector.broadcast %jit3A_535 : i32 to vector<16xi32>
      %broadcast_in_dim3A_538 = vector.broadcast %jit3A_536 : i32 to vector<16xi32>
      %select_n3A_539 = arith.select %le3A_534, %broadcast_in_dim3A_537, %broadcast_in_dim3A_538 : vector<16xi1>, vector<16xi32>
      %add3A_540 = arith.addi %add3A_529, %select_n3A_539 : vector<16xi32>
      %add3A_541 = arith.constant 1120 : i32
      %add3A_542 = vector.broadcast %add3A_541 : i32 to vector<16xi32>
      %add3A_543 = arith.addi %add3A_540, %add3A_542 : vector<16xi32>
      %gather3A_544 = tpu.vector_load_idx %arg11[%add3A_543] : memref<7072xf32, #tpu.memory_space<vmem>>[vector<16xi32>], vector<16xf32>,
      %le3A_545 = arith.cmpf ole, %gather3A_544, %get3A_518 : vector<16xf32>
      %jit3A_546 = arith.constant 34 : i32
      %jit3A_547 = arith.constant 0 : i32
      %broadcast_in_dim3A_548 = vector.broadcast %jit3A_546 : i32 to vector<16xi32>
      %broadcast_in_dim3A_549 = vector.broadcast %jit3A_547 : i32 to vector<16xi32>
      %select_n3A_550 = arith.select %le3A_545, %broadcast_in_dim3A_548, %broadcast_in_dim3A_549 : vector<16xi1>, vector<16xi32>
      %add3A_551 = arith.addi %add3A_540, %select_n3A_550 : vector<16xi32>
      %add3A_552 = arith.constant 1103 : i32
      %add3A_553 = vector.broadcast %add3A_552 : i32 to vector<16xi32>
      %add3A_554 = arith.addi %add3A_551, %add3A_553 : vector<16xi32>
      %gather3A_555 = tpu.vector_load_idx %arg11[%add3A_554] : memref<7072xf32, #tpu.memory_space<vmem>>[vector<16xi32>], vector<16xf32>,
      %le3A_556 = arith.cmpf ole, %gather3A_555, %get3A_518 : vector<16xf32>
      %jit3A_557 = arith.constant 17 : i32
      %jit3A_558 = arith.constant 0 : i32
      %broadcast_in_dim3A_559 = vector.broadcast %jit3A_557 : i32 to vector<16xi32>
      %broadcast_in_dim3A_560 = vector.broadcast %jit3A_558 : i32 to vector<16xi32>
      %select_n3A_561 = arith.select %le3A_556, %broadcast_in_dim3A_559, %broadcast_in_dim3A_560 : vector<16xi1>, vector<16xi32>
      %add3A_562 = arith.addi %add3A_551, %select_n3A_561 : vector<16xi32>
      %add3A_563 = arith.constant 1095 : i32
      %add3A_564 = vector.broadcast %add3A_563 : i32 to vector<16xi32>
      %add3A_565 = arith.addi %add3A_562, %add3A_564 : vector<16xi32>
      %gather3A_566 = tpu.vector_load_idx %arg11[%add3A_565] : memref<7072xf32, #tpu.memory_space<vmem>>[vector<16xi32>], vector<16xf32>,
      %le3A_567 = arith.cmpf ole, %gather3A_566, %get3A_518 : vector<16xf32>
      %jit3A_568 = arith.constant 8 : i32
      %jit3A_569 = arith.constant 0 : i32
      %broadcast_in_dim3A_570 = vector.broadcast %jit3A_568 : i32 to vector<16xi32>
      %broadcast_in_dim3A_571 = vector.broadcast %jit3A_569 : i32 to vector<16xi32>
      %select_n3A_572 = arith.select %le3A_567, %broadcast_in_dim3A_570, %broadcast_in_dim3A_571 : vector<16xi1>, vector<16xi32>
      %add3A_573 = arith.addi %add3A_562, %select_n3A_572 : vector<16xi32>
      %add3A_574 = arith.constant 1091 : i32
      %add3A_575 = vector.broadcast %add3A_574 : i32 to vector<16xi32>
      %add3A_576 = arith.addi %add3A_573, %add3A_575 : vector<16xi32>
      %gather3A_577 = tpu.vector_load_idx %arg11[%add3A_576] : memref<7072xf32, #tpu.memory_space<vmem>>[vector<16xi32>], vector<16xf32>,
      %le3A_578 = arith.cmpf ole, %gather3A_577, %get3A_518 : vector<16xf32>
      %jit3A_579 = arith.constant 4 : i32
      %jit3A_580 = arith.constant 0 : i32
      %broadcast_in_dim3A_581 = vector.broadcast %jit3A_579 : i32 to vector<16xi32>
      %broadcast_in_dim3A_582 = vector.broadcast %jit3A_580 : i32 to vector<16xi32>
      %select_n3A_583 = arith.select %le3A_578, %broadcast_in_dim3A_581, %broadcast_in_dim3A_582 : vector<16xi1>, vector<16xi32>
      %add3A_584 = arith.addi %add3A_573, %select_n3A_583 : vector<16xi32>
      %add3A_585 = arith.constant 1089 : i32
      %add3A_586 = vector.broadcast %add3A_585 : i32 to vector<16xi32>
      %add3A_587 = arith.addi %add3A_584, %add3A_586 : vector<16xi32>
      %gather3A_588 = tpu.vector_load_idx %arg11[%add3A_587] : memref<7072xf32, #tpu.memory_space<vmem>>[vector<16xi32>], vector<16xf32>,
      %le3A_589 = arith.cmpf ole, %gather3A_588, %get3A_518 : vector<16xf32>
      %jit3A_590 = arith.constant 2 : i32
      %jit3A_591 = arith.constant 0 : i32
      %broadcast_in_dim3A_592 = vector.broadcast %jit3A_590 : i32 to vector<16xi32>
      %broadcast_in_dim3A_593 = vector.broadcast %jit3A_591 : i32 to vector<16xi32>
      %select_n3A_594 = arith.select %le3A_589, %broadcast_in_dim3A_592, %broadcast_in_dim3A_593 : vector<16xi1>, vector<16xi32>
      %add3A_595 = arith.addi %add3A_584, %select_n3A_594 : vector<16xi32>
      %add3A_596 = arith.constant 1088 : i32
      %add3A_597 = vector.broadcast %add3A_596 : i32 to vector<16xi32>
      %add3A_598 = arith.addi %add3A_595, %add3A_597 : vector<16xi32>
      %gather3A_599 = tpu.vector_load_idx %arg11[%add3A_598] : memref<7072xf32, #tpu.memory_space<vmem>>[vector<16xi32>], vector<16xf32>,
      %le3A_600 = arith.cmpf ole, %gather3A_599, %get3A_518 : vector<16xf32>
      %jit3A_601 = arith.constant 1 : i32
      %jit3A_602 = arith.constant 0 : i32
      %broadcast_in_dim3A_603 = vector.broadcast %jit3A_601 : i32 to vector<16xi32>
      %broadcast_in_dim3A_604 = vector.broadcast %jit3A_602 : i32 to vector<16xi32>
      %select_n3A_605 = arith.select %le3A_600, %broadcast_in_dim3A_603, %broadcast_in_dim3A_604 : vector<16xi1>, vector<16xi32>
      %add3A_606 = arith.addi %add3A_595, %select_n3A_605 : vector<16xi32>
      %mul3A_607 = arith.constant 3856 : i32
      %mul3A_608 = vector.broadcast %mul3A_607 : i32 to vector<16xi32>
      %mul3A_609 = arith.muli %add3A_606, %mul3A_608 : vector<16xi32>
      %shift_right_arithmetic3A_610 = arith.constant 16 : i32
      %shift_right_arithmetic3A_611 = vector.broadcast %shift_right_arithmetic3A_610 : i32 to vector<16xi32>
      %shift_right_arithmetic3A_612 = arith.shrsi %mul3A_609, %shift_right_arithmetic3A_611 : vector<16xi32>
      %sub3A_613 = arith.subi %add3A_606, %shift_right_arithmetic3A_612 : vector<16xi32>
      %add3A_614 = arith.constant 1024 : i32
      %add3A_615 = vector.broadcast %add3A_614 : i32 to vector<16xi32>
      %add3A_616 = arith.addi %sub3A_613, %add3A_615 : vector<16xi32>
      %gather3A_617 = tpu.vector_load_idx %arg12[%add3A_616] : memref<6656xf32, #tpu.memory_space<vmem>>[vector<16xi32>], vector<16xf32>,
      %add3A_618 = arith.addf %add3A_514, %gather3A_617 : vector<16xf32>
      %get3A_619 = arith.constant 5 : i32
      %get3A_620 = arith.index_cast %get3A_619 : i32 to index
      %get3A_621 = arith.index_cast %mul3A_102 : i32 to index
      %get3A_622 = tpu.vector_load %arg10[%get3A_620, %get3A_621] {strides = array<i32>} : memref<26x512xf32, #tpu.memory_space<vmem>>, vector<16xf32>,
      %add3A_623 = arith.constant 1494 : i32
      %add3A_624 = vector.broadcast %add3A_623 : i32 to vector<16xi32>
      %add3A_625 = arith.addi %broadcast_in_dim3A_9, %add3A_624 : vector<16xi32>
      %gather3A_626 = tpu.vector_load_idx %arg11[%add3A_625] : memref<7072xf32, #tpu.memory_space<vmem>>[vector<16xi32>], vector<16xf32>,
      %le3A_627 = arith.cmpf ole, %gather3A_626, %get3A_622 : vector<16xf32>
      %jit3A_628 = arith.constant 136 : i32
      %jit3A_629 = arith.constant 0 : i32
      %broadcast_in_dim3A_630 = vector.broadcast %jit3A_628 : i32 to vector<16xi32>
      %broadcast_in_dim3A_631 = vector.broadcast %jit3A_629 : i32 to vector<16xi32>
      %select_n3A_632 = arith.select %le3A_627, %broadcast_in_dim3A_630, %broadcast_in_dim3A_631 : vector<16xi1>, vector<16xi32>
      %add3A_633 = arith.addi %broadcast_in_dim3A_9, %select_n3A_632 : vector<16xi32>
      %add3A_634 = arith.constant 1426 : i32
      %add3A_635 = vector.broadcast %add3A_634 : i32 to vector<16xi32>
      %add3A_636 = arith.addi %add3A_633, %add3A_635 : vector<16xi32>
      %gather3A_637 = tpu.vector_load_idx %arg11[%add3A_636] : memref<7072xf32, #tpu.memory_space<vmem>>[vector<16xi32>], vector<16xf32>,
      %le3A_638 = arith.cmpf ole, %gather3A_637, %get3A_622 : vector<16xf32>
      %jit3A_639 = arith.constant 68 : i32
      %jit3A_640 = arith.constant 0 : i32
      %broadcast_in_dim3A_641 = vector.broadcast %jit3A_639 : i32 to vector<16xi32>
      %broadcast_in_dim3A_642 = vector.broadcast %jit3A_640 : i32 to vector<16xi32>
      %select_n3A_643 = arith.select %le3A_638, %broadcast_in_dim3A_641, %broadcast_in_dim3A_642 : vector<16xi1>, vector<16xi32>
      %add3A_644 = arith.addi %add3A_633, %select_n3A_643 : vector<16xi32>
      %add3A_645 = arith.constant 1392 : i32
      %add3A_646 = vector.broadcast %add3A_645 : i32 to vector<16xi32>
      %add3A_647 = arith.addi %add3A_644, %add3A_646 : vector<16xi32>
      %gather3A_648 = tpu.vector_load_idx %arg11[%add3A_647] : memref<7072xf32, #tpu.memory_space<vmem>>[vector<16xi32>], vector<16xf32>,
      %le3A_649 = arith.cmpf ole, %gather3A_648, %get3A_622 : vector<16xf32>
      %jit3A_650 = arith.constant 34 : i32
      %jit3A_651 = arith.constant 0 : i32
      %broadcast_in_dim3A_652 = vector.broadcast %jit3A_650 : i32 to vector<16xi32>
      %broadcast_in_dim3A_653 = vector.broadcast %jit3A_651 : i32 to vector<16xi32>
      %select_n3A_654 = arith.select %le3A_649, %broadcast_in_dim3A_652, %broadcast_in_dim3A_653 : vector<16xi1>, vector<16xi32>
      %add3A_655 = arith.addi %add3A_644, %select_n3A_654 : vector<16xi32>
      %add3A_656 = arith.constant 1375 : i32
      %add3A_657 = vector.broadcast %add3A_656 : i32 to vector<16xi32>
      %add3A_658 = arith.addi %add3A_655, %add3A_657 : vector<16xi32>
      %gather3A_659 = tpu.vector_load_idx %arg11[%add3A_658] : memref<7072xf32, #tpu.memory_space<vmem>>[vector<16xi32>], vector<16xf32>,
      %le3A_660 = arith.cmpf ole, %gather3A_659, %get3A_622 : vector<16xf32>
      %jit3A_661 = arith.constant 17 : i32
      %jit3A_662 = arith.constant 0 : i32
      %broadcast_in_dim3A_663 = vector.broadcast %jit3A_661 : i32 to vector<16xi32>
      %broadcast_in_dim3A_664 = vector.broadcast %jit3A_662 : i32 to vector<16xi32>
      %select_n3A_665 = arith.select %le3A_660, %broadcast_in_dim3A_663, %broadcast_in_dim3A_664 : vector<16xi1>, vector<16xi32>
      %add3A_666 = arith.addi %add3A_655, %select_n3A_665 : vector<16xi32>
      %add3A_667 = arith.constant 1367 : i32
      %add3A_668 = vector.broadcast %add3A_667 : i32 to vector<16xi32>
      %add3A_669 = arith.addi %add3A_666, %add3A_668 : vector<16xi32>
      %gather3A_670 = tpu.vector_load_idx %arg11[%add3A_669] : memref<7072xf32, #tpu.memory_space<vmem>>[vector<16xi32>], vector<16xf32>,
      %le3A_671 = arith.cmpf ole, %gather3A_670, %get3A_622 : vector<16xf32>
      %jit3A_672 = arith.constant 8 : i32
      %jit3A_673 = arith.constant 0 : i32
      %broadcast_in_dim3A_674 = vector.broadcast %jit3A_672 : i32 to vector<16xi32>
      %broadcast_in_dim3A_675 = vector.broadcast %jit3A_673 : i32 to vector<16xi32>
      %select_n3A_676 = arith.select %le3A_671, %broadcast_in_dim3A_674, %broadcast_in_dim3A_675 : vector<16xi1>, vector<16xi32>
      %add3A_677 = arith.addi %add3A_666, %select_n3A_676 : vector<16xi32>
      %add3A_678 = arith.constant 1363 : i32
      %add3A_679 = vector.broadcast %add3A_678 : i32 to vector<16xi32>
      %add3A_680 = arith.addi %add3A_677, %add3A_679 : vector<16xi32>
      %gather3A_681 = tpu.vector_load_idx %arg11[%add3A_680] : memref<7072xf32, #tpu.memory_space<vmem>>[vector<16xi32>], vector<16xf32>,
      %le3A_682 = arith.cmpf ole, %gather3A_681, %get3A_622 : vector<16xf32>
      %jit3A_683 = arith.constant 4 : i32
      %jit3A_684 = arith.constant 0 : i32
      %broadcast_in_dim3A_685 = vector.broadcast %jit3A_683 : i32 to vector<16xi32>
      %broadcast_in_dim3A_686 = vector.broadcast %jit3A_684 : i32 to vector<16xi32>
      %select_n3A_687 = arith.select %le3A_682, %broadcast_in_dim3A_685, %broadcast_in_dim3A_686 : vector<16xi1>, vector<16xi32>
      %add3A_688 = arith.addi %add3A_677, %select_n3A_687 : vector<16xi32>
      %add3A_689 = arith.constant 1361 : i32
      %add3A_690 = vector.broadcast %add3A_689 : i32 to vector<16xi32>
      %add3A_691 = arith.addi %add3A_688, %add3A_690 : vector<16xi32>
      %gather3A_692 = tpu.vector_load_idx %arg11[%add3A_691] : memref<7072xf32, #tpu.memory_space<vmem>>[vector<16xi32>], vector<16xf32>,
      %le3A_693 = arith.cmpf ole, %gather3A_692, %get3A_622 : vector<16xf32>
      %jit3A_694 = arith.constant 2 : i32
      %jit3A_695 = arith.constant 0 : i32
      %broadcast_in_dim3A_696 = vector.broadcast %jit3A_694 : i32 to vector<16xi32>
      %broadcast_in_dim3A_697 = vector.broadcast %jit3A_695 : i32 to vector<16xi32>
      %select_n3A_698 = arith.select %le3A_693, %broadcast_in_dim3A_696, %broadcast_in_dim3A_697 : vector<16xi1>, vector<16xi32>
      %add3A_699 = arith.addi %add3A_688, %select_n3A_698 : vector<16xi32>
      %add3A_700 = arith.constant 1360 : i32
      %add3A_701 = vector.broadcast %add3A_700 : i32 to vector<16xi32>
      %add3A_702 = arith.addi %add3A_699, %add3A_701 : vector<16xi32>
      %gather3A_703 = tpu.vector_load_idx %arg11[%add3A_702] : memref<7072xf32, #tpu.memory_space<vmem>>[vector<16xi32>], vector<16xf32>,
      %le3A_704 = arith.cmpf ole, %gather3A_703, %get3A_622 : vector<16xf32>
      %jit3A_705 = arith.constant 1 : i32
      %jit3A_706 = arith.constant 0 : i32
      %broadcast_in_dim3A_707 = vector.broadcast %jit3A_705 : i32 to vector<16xi32>
      %broadcast_in_dim3A_708 = vector.broadcast %jit3A_706 : i32 to vector<16xi32>
      %select_n3A_709 = arith.select %le3A_704, %broadcast_in_dim3A_707, %broadcast_in_dim3A_708 : vector<16xi1>, vector<16xi32>
      %add3A_710 = arith.addi %add3A_699, %select_n3A_709 : vector<16xi32>
      %mul3A_711 = arith.constant 3856 : i32
      %mul3A_712 = vector.broadcast %mul3A_711 : i32 to vector<16xi32>
      %mul3A_713 = arith.muli %add3A_710, %mul3A_712 : vector<16xi32>
      %shift_right_arithmetic3A_714 = arith.constant 16 : i32
      %shift_right_arithmetic3A_715 = vector.broadcast %shift_right_arithmetic3A_714 : i32 to vector<16xi32>
      %shift_right_arithmetic3A_716 = arith.shrsi %mul3A_713, %shift_right_arithmetic3A_715 : vector<16xi32>
      %sub3A_717 = arith.subi %add3A_710, %shift_right_arithmetic3A_716 : vector<16xi32>
      %add3A_718 = arith.constant 1280 : i32
      %add3A_719 = vector.broadcast %add3A_718 : i32 to vector<16xi32>
      %add3A_720 = arith.addi %sub3A_717, %add3A_719 : vector<16xi32>
      %gather3A_721 = tpu.vector_load_idx %arg12[%add3A_720] : memref<6656xf32, #tpu.memory_space<vmem>>[vector<16xi32>], vector<16xf32>,
      %add3A_722 = arith.addf %add3A_618, %gather3A_721 : vector<16xf32>
      %get3A_723 = arith.constant 6 : i32
      %get3A_724 = arith.index_cast %get3A_723 : i32 to index
      %get3A_725 = arith.index_cast %mul3A_102 : i32 to index
      %get3A_726 = tpu.vector_load %arg10[%get3A_724, %get3A_725] {strides = array<i32>} : memref<26x512xf32, #tpu.memory_space<vmem>>, vector<16xf32>,
      %add3A_727 = arith.constant 1766 : i32
      %add3A_728 = vector.broadcast %add3A_727 : i32 to vector<16xi32>
      %add3A_729 = arith.addi %broadcast_in_dim3A_9, %add3A_728 : vector<16xi32>
      %gather3A_730 = tpu.vector_load_idx %arg11[%add3A_729] : memref<7072xf32, #tpu.memory_space<vmem>>[vector<16xi32>], vector<16xf32>,
      %le3A_731 = arith.cmpf ole, %gather3A_730, %get3A_726 : vector<16xf32>
      %jit3A_732 = arith.constant 136 : i32
      %jit3A_733 = arith.constant 0 : i32
      %broadcast_in_dim3A_734 = vector.broadcast %jit3A_732 : i32 to vector<16xi32>
      %broadcast_in_dim3A_735 = vector.broadcast %jit3A_733 : i32 to vector<16xi32>
      %select_n3A_736 = arith.select %le3A_731, %broadcast_in_dim3A_734, %broadcast_in_dim3A_735 : vector<16xi1>, vector<16xi32>
      %add3A_737 = arith.addi %broadcast_in_dim3A_9, %select_n3A_736 : vector<16xi32>
      %add3A_738 = arith.constant 1698 : i32
      %add3A_739 = vector.broadcast %add3A_738 : i32 to vector<16xi32>
      %add3A_740 = arith.addi %add3A_737, %add3A_739 : vector<16xi32>
      %gather3A_741 = tpu.vector_load_idx %arg11[%add3A_740] : memref<7072xf32, #tpu.memory_space<vmem>>[vector<16xi32>], vector<16xf32>,
      %le3A_742 = arith.cmpf ole, %gather3A_741, %get3A_726 : vector<16xf32>
      %jit3A_743 = arith.constant 68 : i32
      %jit3A_744 = arith.constant 0 : i32
      %broadcast_in_dim3A_745 = vector.broadcast %jit3A_743 : i32 to vector<16xi32>
      %broadcast_in_dim3A_746 = vector.broadcast %jit3A_744 : i32 to vector<16xi32>
      %select_n3A_747 = arith.select %le3A_742, %broadcast_in_dim3A_745, %broadcast_in_dim3A_746 : vector<16xi1>, vector<16xi32>
      %add3A_748 = arith.addi %add3A_737, %select_n3A_747 : vector<16xi32>
      %add3A_749 = arith.constant 1664 : i32
      %add3A_750 = vector.broadcast %add3A_749 : i32 to vector<16xi32>
      %add3A_751 = arith.addi %add3A_748, %add3A_750 : vector<16xi32>
      %gather3A_752 = tpu.vector_load_idx %arg11[%add3A_751] : memref<7072xf32, #tpu.memory_space<vmem>>[vector<16xi32>], vector<16xf32>,
      %le3A_753 = arith.cmpf ole, %gather3A_752, %get3A_726 : vector<16xf32>
      %jit3A_754 = arith.constant 34 : i32
      %jit3A_755 = arith.constant 0 : i32
      %broadcast_in_dim3A_756 = vector.broadcast %jit3A_754 : i32 to vector<16xi32>
      %broadcast_in_dim3A_757 = vector.broadcast %jit3A_755 : i32 to vector<16xi32>
      %select_n3A_758 = arith.select %le3A_753, %broadcast_in_dim3A_756, %broadcast_in_dim3A_757 : vector<16xi1>, vector<16xi32>
      %add3A_759 = arith.addi %add3A_748, %select_n3A_758 : vector<16xi32>
      %add3A_760 = arith.constant 1647 : i32
      %add3A_761 = vector.broadcast %add3A_760 : i32 to vector<16xi32>
      %add3A_762 = arith.addi %add3A_759, %add3A_761 : vector<16xi32>
      %gather3A_763 = tpu.vector_load_idx %arg11[%add3A_762] : memref<7072xf32, #tpu.memory_space<vmem>>[vector<16xi32>], vector<16xf32>,
      %le3A_764 = arith.cmpf ole, %gather3A_763, %get3A_726 : vector<16xf32>
      %jit3A_765 = arith.constant 17 : i32
      %jit3A_766 = arith.constant 0 : i32
      %broadcast_in_dim3A_767 = vector.broadcast %jit3A_765 : i32 to vector<16xi32>
      %broadcast_in_dim3A_768 = vector.broadcast %jit3A_766 : i32 to vector<16xi32>
      %select_n3A_769 = arith.select %le3A_764, %broadcast_in_dim3A_767, %broadcast_in_dim3A_768 : vector<16xi1>, vector<16xi32>
      %add3A_770 = arith.addi %add3A_759, %select_n3A_769 : vector<16xi32>
      %add3A_771 = arith.constant 1639 : i32
      %add3A_772 = vector.broadcast %add3A_771 : i32 to vector<16xi32>
      %add3A_773 = arith.addi %add3A_770, %add3A_772 : vector<16xi32>
      %gather3A_774 = tpu.vector_load_idx %arg11[%add3A_773] : memref<7072xf32, #tpu.memory_space<vmem>>[vector<16xi32>], vector<16xf32>,
      %le3A_775 = arith.cmpf ole, %gather3A_774, %get3A_726 : vector<16xf32>
      %jit3A_776 = arith.constant 8 : i32
      %jit3A_777 = arith.constant 0 : i32
      %broadcast_in_dim3A_778 = vector.broadcast %jit3A_776 : i32 to vector<16xi32>
      %broadcast_in_dim3A_779 = vector.broadcast %jit3A_777 : i32 to vector<16xi32>
      %select_n3A_780 = arith.select %le3A_775, %broadcast_in_dim3A_778, %broadcast_in_dim3A_779 : vector<16xi1>, vector<16xi32>
      %add3A_781 = arith.addi %add3A_770, %select_n3A_780 : vector<16xi32>
      %add3A_782 = arith.constant 1635 : i32
      %add3A_783 = vector.broadcast %add3A_782 : i32 to vector<16xi32>
      %add3A_784 = arith.addi %add3A_781, %add3A_783 : vector<16xi32>
      %gather3A_785 = tpu.vector_load_idx %arg11[%add3A_784] : memref<7072xf32, #tpu.memory_space<vmem>>[vector<16xi32>], vector<16xf32>,
      %le3A_786 = arith.cmpf ole, %gather3A_785, %get3A_726 : vector<16xf32>
      %jit3A_787 = arith.constant 4 : i32
      %jit3A_788 = arith.constant 0 : i32
      %broadcast_in_dim3A_789 = vector.broadcast %jit3A_787 : i32 to vector<16xi32>
      %broadcast_in_dim3A_790 = vector.broadcast %jit3A_788 : i32 to vector<16xi32>
      %select_n3A_791 = arith.select %le3A_786, %broadcast_in_dim3A_789, %broadcast_in_dim3A_790 : vector<16xi1>, vector<16xi32>
      %add3A_792 = arith.addi %add3A_781, %select_n3A_791 : vector<16xi32>
      %add3A_793 = arith.constant 1633 : i32
      %add3A_794 = vector.broadcast %add3A_793 : i32 to vector<16xi32>
      %add3A_795 = arith.addi %add3A_792, %add3A_794 : vector<16xi32>
      %gather3A_796 = tpu.vector_load_idx %arg11[%add3A_795] : memref<7072xf32, #tpu.memory_space<vmem>>[vector<16xi32>], vector<16xf32>,
      %le3A_797 = arith.cmpf ole, %gather3A_796, %get3A_726 : vector<16xf32>
      %jit3A_798 = arith.constant 2 : i32
      %jit3A_799 = arith.constant 0 : i32
      %broadcast_in_dim3A_800 = vector.broadcast %jit3A_798 : i32 to vector<16xi32>
      %broadcast_in_dim3A_801 = vector.broadcast %jit3A_799 : i32 to vector<16xi32>
      %select_n3A_802 = arith.select %le3A_797, %broadcast_in_dim3A_800, %broadcast_in_dim3A_801 : vector<16xi1>, vector<16xi32>
      %add3A_803 = arith.addi %add3A_792, %select_n3A_802 : vector<16xi32>
      %add3A_804 = arith.constant 1632 : i32
      %add3A_805 = vector.broadcast %add3A_804 : i32 to vector<16xi32>
      %add3A_806 = arith.addi %add3A_803, %add3A_805 : vector<16xi32>
      %gather3A_807 = tpu.vector_load_idx %arg11[%add3A_806] : memref<7072xf32, #tpu.memory_space<vmem>>[vector<16xi32>], vector<16xf32>,
      %le3A_808 = arith.cmpf ole, %gather3A_807, %get3A_726 : vector<16xf32>
      %jit3A_809 = arith.constant 1 : i32
      %jit3A_810 = arith.constant 0 : i32
      %broadcast_in_dim3A_811 = vector.broadcast %jit3A_809 : i32 to vector<16xi32>
      %broadcast_in_dim3A_812 = vector.broadcast %jit3A_810 : i32 to vector<16xi32>
      %select_n3A_813 = arith.select %le3A_808, %broadcast_in_dim3A_811, %broadcast_in_dim3A_812 : vector<16xi1>, vector<16xi32>
      %add3A_814 = arith.addi %add3A_803, %select_n3A_813 : vector<16xi32>
      %mul3A_815 = arith.constant 3856 : i32
      %mul3A_816 = vector.broadcast %mul3A_815 : i32 to vector<16xi32>
      %mul3A_817 = arith.muli %add3A_814, %mul3A_816 : vector<16xi32>
      %shift_right_arithmetic3A_818 = arith.constant 16 : i32
      %shift_right_arithmetic3A_819 = vector.broadcast %shift_right_arithmetic3A_818 : i32 to vector<16xi32>
      %shift_right_arithmetic3A_820 = arith.shrsi %mul3A_817, %shift_right_arithmetic3A_819 : vector<16xi32>
      %sub3A_821 = arith.subi %add3A_814, %shift_right_arithmetic3A_820 : vector<16xi32>
      %add3A_822 = arith.constant 1536 : i32
      %add3A_823 = vector.broadcast %add3A_822 : i32 to vector<16xi32>
      %add3A_824 = arith.addi %sub3A_821, %add3A_823 : vector<16xi32>
      %gather3A_825 = tpu.vector_load_idx %arg12[%add3A_824] : memref<6656xf32, #tpu.memory_space<vmem>>[vector<16xi32>], vector<16xf32>,
      %add3A_826 = arith.addf %add3A_722, %gather3A_825 : vector<16xf32>
      %get3A_827 = arith.constant 7 : i32
      %get3A_828 = arith.index_cast %get3A_827 : i32 to index
      %get3A_829 = arith.index_cast %mul3A_102 : i32 to index
      %get3A_830 = tpu.vector_load %arg10[%get3A_828, %get3A_829] {strides = array<i32>} : memref<26x512xf32, #tpu.memory_space<vmem>>, vector<16xf32>,
      %add3A_831 = arith.constant 2038 : i32
      %add3A_832 = vector.broadcast %add3A_831 : i32 to vector<16xi32>
      %add3A_833 = arith.addi %broadcast_in_dim3A_9, %add3A_832 : vector<16xi32>
      %gather3A_834 = tpu.vector_load_idx %arg11[%add3A_833] : memref<7072xf32, #tpu.memory_space<vmem>>[vector<16xi32>], vector<16xf32>,
      %le3A_835 = arith.cmpf ole, %gather3A_834, %get3A_830 : vector<16xf32>
      %jit3A_836 = arith.constant 136 : i32
      %jit3A_837 = arith.constant 0 : i32
      %broadcast_in_dim3A_838 = vector.broadcast %jit3A_836 : i32 to vector<16xi32>
      %broadcast_in_dim3A_839 = vector.broadcast %jit3A_837 : i32 to vector<16xi32>
      %select_n3A_840 = arith.select %le3A_835, %broadcast_in_dim3A_838, %broadcast_in_dim3A_839 : vector<16xi1>, vector<16xi32>
      %add3A_841 = arith.addi %broadcast_in_dim3A_9, %select_n3A_840 : vector<16xi32>
      %add3A_842 = arith.constant 1970 : i32
      %add3A_843 = vector.broadcast %add3A_842 : i32 to vector<16xi32>
      %add3A_844 = arith.addi %add3A_841, %add3A_843 : vector<16xi32>
      %gather3A_845 = tpu.vector_load_idx %arg11[%add3A_844] : memref<7072xf32, #tpu.memory_space<vmem>>[vector<16xi32>], vector<16xf32>,
      %le3A_846 = arith.cmpf ole, %gather3A_845, %get3A_830 : vector<16xf32>
      %jit3A_847 = arith.constant 68 : i32
      %jit3A_848 = arith.constant 0 : i32
      %broadcast_in_dim3A_849 = vector.broadcast %jit3A_847 : i32 to vector<16xi32>
      %broadcast_in_dim3A_850 = vector.broadcast %jit3A_848 : i32 to vector<16xi32>
      %select_n3A_851 = arith.select %le3A_846, %broadcast_in_dim3A_849, %broadcast_in_dim3A_850 : vector<16xi1>, vector<16xi32>
      %add3A_852 = arith.addi %add3A_841, %select_n3A_851 : vector<16xi32>
      %add3A_853 = arith.constant 1936 : i32
      %add3A_854 = vector.broadcast %add3A_853 : i32 to vector<16xi32>
      %add3A_855 = arith.addi %add3A_852, %add3A_854 : vector<16xi32>
      %gather3A_856 = tpu.vector_load_idx %arg11[%add3A_855] : memref<7072xf32, #tpu.memory_space<vmem>>[vector<16xi32>], vector<16xf32>,
      %le3A_857 = arith.cmpf ole, %gather3A_856, %get3A_830 : vector<16xf32>
      %jit3A_858 = arith.constant 34 : i32
      %jit3A_859 = arith.constant 0 : i32
      %broadcast_in_dim3A_860 = vector.broadcast %jit3A_858 : i32 to vector<16xi32>
      %broadcast_in_dim3A_861 = vector.broadcast %jit3A_859 : i32 to vector<16xi32>
      %select_n3A_862 = arith.select %le3A_857, %broadcast_in_dim3A_860, %broadcast_in_dim3A_861 : vector<16xi1>, vector<16xi32>
      %add3A_863 = arith.addi %add3A_852, %select_n3A_862 : vector<16xi32>
      %add3A_864 = arith.constant 1919 : i32
      %add3A_865 = vector.broadcast %add3A_864 : i32 to vector<16xi32>
      %add3A_866 = arith.addi %add3A_863, %add3A_865 : vector<16xi32>
      %gather3A_867 = tpu.vector_load_idx %arg11[%add3A_866] : memref<7072xf32, #tpu.memory_space<vmem>>[vector<16xi32>], vector<16xf32>,
      %le3A_868 = arith.cmpf ole, %gather3A_867, %get3A_830 : vector<16xf32>
      %jit3A_869 = arith.constant 17 : i32
      %jit3A_870 = arith.constant 0 : i32
      %broadcast_in_dim3A_871 = vector.broadcast %jit3A_869 : i32 to vector<16xi32>
      %broadcast_in_dim3A_872 = vector.broadcast %jit3A_870 : i32 to vector<16xi32>
      %select_n3A_873 = arith.select %le3A_868, %broadcast_in_dim3A_871, %broadcast_in_dim3A_872 : vector<16xi1>, vector<16xi32>
      %add3A_874 = arith.addi %add3A_863, %select_n3A_873 : vector<16xi32>
      %add3A_875 = arith.constant 1911 : i32
      %add3A_876 = vector.broadcast %add3A_875 : i32 to vector<16xi32>
      %add3A_877 = arith.addi %add3A_874, %add3A_876 : vector<16xi32>
      %gather3A_878 = tpu.vector_load_idx %arg11[%add3A_877] : memref<7072xf32, #tpu.memory_space<vmem>>[vector<16xi32>], vector<16xf32>,
      %le3A_879 = arith.cmpf ole, %gather3A_878, %get3A_830 : vector<16xf32>
      %jit3A_880 = arith.constant 8 : i32
      %jit3A_881 = arith.constant 0 : i32
      %broadcast_in_dim3A_882 = vector.broadcast %jit3A_880 : i32 to vector<16xi32>
      %broadcast_in_dim3A_883 = vector.broadcast %jit3A_881 : i32 to vector<16xi32>
      %select_n3A_884 = arith.select %le3A_879, %broadcast_in_dim3A_882, %broadcast_in_dim3A_883 : vector<16xi1>, vector<16xi32>
      %add3A_885 = arith.addi %add3A_874, %select_n3A_884 : vector<16xi32>
      %add3A_886 = arith.constant 1907 : i32
      %add3A_887 = vector.broadcast %add3A_886 : i32 to vector<16xi32>
      %add3A_888 = arith.addi %add3A_885, %add3A_887 : vector<16xi32>
      %gather3A_889 = tpu.vector_load_idx %arg11[%add3A_888] : memref<7072xf32, #tpu.memory_space<vmem>>[vector<16xi32>], vector<16xf32>,
      %le3A_890 = arith.cmpf ole, %gather3A_889, %get3A_830 : vector<16xf32>
      %jit3A_891 = arith.constant 4 : i32
      %jit3A_892 = arith.constant 0 : i32
      %broadcast_in_dim3A_893 = vector.broadcast %jit3A_891 : i32 to vector<16xi32>
      %broadcast_in_dim3A_894 = vector.broadcast %jit3A_892 : i32 to vector<16xi32>
      %select_n3A_895 = arith.select %le3A_890, %broadcast_in_dim3A_893, %broadcast_in_dim3A_894 : vector<16xi1>, vector<16xi32>
      %add3A_896 = arith.addi %add3A_885, %select_n3A_895 : vector<16xi32>
      %add3A_897 = arith.constant 1905 : i32
      %add3A_898 = vector.broadcast %add3A_897 : i32 to vector<16xi32>
      %add3A_899 = arith.addi %add3A_896, %add3A_898 : vector<16xi32>
      %gather3A_900 = tpu.vector_load_idx %arg11[%add3A_899] : memref<7072xf32, #tpu.memory_space<vmem>>[vector<16xi32>], vector<16xf32>,
      %le3A_901 = arith.cmpf ole, %gather3A_900, %get3A_830 : vector<16xf32>
      %jit3A_902 = arith.constant 2 : i32
      %jit3A_903 = arith.constant 0 : i32
      %broadcast_in_dim3A_904 = vector.broadcast %jit3A_902 : i32 to vector<16xi32>
      %broadcast_in_dim3A_905 = vector.broadcast %jit3A_903 : i32 to vector<16xi32>
      %select_n3A_906 = arith.select %le3A_901, %broadcast_in_dim3A_904, %broadcast_in_dim3A_905 : vector<16xi1>, vector<16xi32>
      %add3A_907 = arith.addi %add3A_896, %select_n3A_906 : vector<16xi32>
      %add3A_908 = arith.constant 1904 : i32
      %add3A_909 = vector.broadcast %add3A_908 : i32 to vector<16xi32>
      %add3A_910 = arith.addi %add3A_907, %add3A_909 : vector<16xi32>
      %gather3A_911 = tpu.vector_load_idx %arg11[%add3A_910] : memref<7072xf32, #tpu.memory_space<vmem>>[vector<16xi32>], vector<16xf32>,
      %le3A_912 = arith.cmpf ole, %gather3A_911, %get3A_830 : vector<16xf32>
      %jit3A_913 = arith.constant 1 : i32
      %jit3A_914 = arith.constant 0 : i32
      %broadcast_in_dim3A_915 = vector.broadcast %jit3A_913 : i32 to vector<16xi32>
      %broadcast_in_dim3A_916 = vector.broadcast %jit3A_914 : i32 to vector<16xi32>
      %select_n3A_917 = arith.select %le3A_912, %broadcast_in_dim3A_915, %broadcast_in_dim3A_916 : vector<16xi1>, vector<16xi32>
      %add3A_918 = arith.addi %add3A_907, %select_n3A_917 : vector<16xi32>
      %mul3A_919 = arith.constant 3856 : i32
      %mul3A_920 = vector.broadcast %mul3A_919 : i32 to vector<16xi32>
      %mul3A_921 = arith.muli %add3A_918, %mul3A_920 : vector<16xi32>
      %shift_right_arithmetic3A_922 = arith.constant 16 : i32
      %shift_right_arithmetic3A_923 = vector.broadcast %shift_right_arithmetic3A_922 : i32 to vector<16xi32>
      %shift_right_arithmetic3A_924 = arith.shrsi %mul3A_921, %shift_right_arithmetic3A_923 : vector<16xi32>
      %sub3A_925 = arith.subi %add3A_918, %shift_right_arithmetic3A_924 : vector<16xi32>
      %add3A_926 = arith.constant 1792 : i32
      %add3A_927 = vector.broadcast %add3A_926 : i32 to vector<16xi32>
      %add3A_928 = arith.addi %sub3A_925, %add3A_927 : vector<16xi32>
      %gather3A_929 = tpu.vector_load_idx %arg12[%add3A_928] : memref<6656xf32, #tpu.memory_space<vmem>>[vector<16xi32>], vector<16xf32>,
      %add3A_930 = arith.addf %add3A_826, %gather3A_929 : vector<16xf32>
      %get3A_931 = arith.constant 8 : i32
      %get3A_932 = arith.index_cast %get3A_931 : i32 to index
      %get3A_933 = arith.index_cast %mul3A_102 : i32 to index
      %get3A_934 = tpu.vector_load %arg10[%get3A_932, %get3A_933] {strides = array<i32>} : memref<26x512xf32, #tpu.memory_space<vmem>>, vector<16xf32>,
      %add3A_935 = arith.constant 2310 : i32
      %add3A_936 = vector.broadcast %add3A_935 : i32 to vector<16xi32>
      %add3A_937 = arith.addi %broadcast_in_dim3A_9, %add3A_936 : vector<16xi32>
      %gather3A_938 = tpu.vector_load_idx %arg11[%add3A_937] : memref<7072xf32, #tpu.memory_space<vmem>>[vector<16xi32>], vector<16xf32>,
      %le3A_939 = arith.cmpf ole, %gather3A_938, %get3A_934 : vector<16xf32>
      %jit3A_940 = arith.constant 136 : i32
      %jit3A_941 = arith.constant 0 : i32
      %broadcast_in_dim3A_942 = vector.broadcast %jit3A_940 : i32 to vector<16xi32>
      %broadcast_in_dim3A_943 = vector.broadcast %jit3A_941 : i32 to vector<16xi32>
      %select_n3A_944 = arith.select %le3A_939, %broadcast_in_dim3A_942, %broadcast_in_dim3A_943 : vector<16xi1>, vector<16xi32>
      %add3A_945 = arith.addi %broadcast_in_dim3A_9, %select_n3A_944 : vector<16xi32>
      %add3A_946 = arith.constant 2242 : i32
      %add3A_947 = vector.broadcast %add3A_946 : i32 to vector<16xi32>
      %add3A_948 = arith.addi %add3A_945, %add3A_947 : vector<16xi32>
      %gather3A_949 = tpu.vector_load_idx %arg11[%add3A_948] : memref<7072xf32, #tpu.memory_space<vmem>>[vector<16xi32>], vector<16xf32>,
      %le3A_950 = arith.cmpf ole, %gather3A_949, %get3A_934 : vector<16xf32>
      %jit3A_951 = arith.constant 68 : i32
      %jit3A_952 = arith.constant 0 : i32
      %broadcast_in_dim3A_953 = vector.broadcast %jit3A_951 : i32 to vector<16xi32>
      %broadcast_in_dim3A_954 = vector.broadcast %jit3A_952 : i32 to vector<16xi32>
      %select_n3A_955 = arith.select %le3A_950, %broadcast_in_dim3A_953, %broadcast_in_dim3A_954 : vector<16xi1>, vector<16xi32>
      %add3A_956 = arith.addi %add3A_945, %select_n3A_955 : vector<16xi32>
      %add3A_957 = arith.constant 2208 : i32
      %add3A_958 = vector.broadcast %add3A_957 : i32 to vector<16xi32>
      %add3A_959 = arith.addi %add3A_956, %add3A_958 : vector<16xi32>
      %gather3A_960 = tpu.vector_load_idx %arg11[%add3A_959] : memref<7072xf32, #tpu.memory_space<vmem>>[vector<16xi32>], vector<16xf32>,
      %le3A_961 = arith.cmpf ole, %gather3A_960, %get3A_934 : vector<16xf32>
      %jit3A_962 = arith.constant 34 : i32
      %jit3A_963 = arith.constant 0 : i32
      %broadcast_in_dim3A_964 = vector.broadcast %jit3A_962 : i32 to vector<16xi32>
      %broadcast_in_dim3A_965 = vector.broadcast %jit3A_963 : i32 to vector<16xi32>
      %select_n3A_966 = arith.select %le3A_961, %broadcast_in_dim3A_964, %broadcast_in_dim3A_965 : vector<16xi1>, vector<16xi32>
      %add3A_967 = arith.addi %add3A_956, %select_n3A_966 : vector<16xi32>
      %add3A_968 = arith.constant 2191 : i32
      %add3A_969 = vector.broadcast %add3A_968 : i32 to vector<16xi32>
      %add3A_970 = arith.addi %add3A_967, %add3A_969 : vector<16xi32>
      %gather3A_971 = tpu.vector_load_idx %arg11[%add3A_970] : memref<7072xf32, #tpu.memory_space<vmem>>[vector<16xi32>], vector<16xf32>,
      %le3A_972 = arith.cmpf ole, %gather3A_971, %get3A_934 : vector<16xf32>
      %jit3A_973 = arith.constant 17 : i32
      %jit3A_974 = arith.constant 0 : i32
      %broadcast_in_dim3A_975 = vector.broadcast %jit3A_973 : i32 to vector<16xi32>
      %broadcast_in_dim3A_976 = vector.broadcast %jit3A_974 : i32 to vector<16xi32>
      %select_n3A_977 = arith.select %le3A_972, %broadcast_in_dim3A_975, %broadcast_in_dim3A_976 : vector<16xi1>, vector<16xi32>
      %add3A_978 = arith.addi %add3A_967, %select_n3A_977 : vector<16xi32>
      %add3A_979 = arith.constant 2183 : i32
      %add3A_980 = vector.broadcast %add3A_979 : i32 to vector<16xi32>
      %add3A_981 = arith.addi %add3A_978, %add3A_980 : vector<16xi32>
      %gather3A_982 = tpu.vector_load_idx %arg11[%add3A_981] : memref<7072xf32, #tpu.memory_space<vmem>>[vector<16xi32>], vector<16xf32>,
      %le3A_983 = arith.cmpf ole, %gather3A_982, %get3A_934 : vector<16xf32>
      %jit3A_984 = arith.constant 8 : i32
      %jit3A_985 = arith.constant 0 : i32
      %broadcast_in_dim3A_986 = vector.broadcast %jit3A_984 : i32 to vector<16xi32>
      %broadcast_in_dim3A_987 = vector.broadcast %jit3A_985 : i32 to vector<16xi32>
      %select_n3A_988 = arith.select %le3A_983, %broadcast_in_dim3A_986, %broadcast_in_dim3A_987 : vector<16xi1>, vector<16xi32>
      %add3A_989 = arith.addi %add3A_978, %select_n3A_988 : vector<16xi32>
      %add3A_990 = arith.constant 2179 : i32
      %add3A_991 = vector.broadcast %add3A_990 : i32 to vector<16xi32>
      %add3A_992 = arith.addi %add3A_989, %add3A_991 : vector<16xi32>
      %gather3A_993 = tpu.vector_load_idx %arg11[%add3A_992] : memref<7072xf32, #tpu.memory_space<vmem>>[vector<16xi32>], vector<16xf32>,
      %le3A_994 = arith.cmpf ole, %gather3A_993, %get3A_934 : vector<16xf32>
      %jit3A_995 = arith.constant 4 : i32
      %jit3A_996 = arith.constant 0 : i32
      %broadcast_in_dim3A_997 = vector.broadcast %jit3A_995 : i32 to vector<16xi32>
      %broadcast_in_dim3A_998 = vector.broadcast %jit3A_996 : i32 to vector<16xi32>
      %select_n3A_999 = arith.select %le3A_994, %broadcast_in_dim3A_997, %broadcast_in_dim3A_998 : vector<16xi1>, vector<16xi32>
      %add3A_1000 = arith.addi %add3A_989, %select_n3A_999 : vector<16xi32>
      %add3A_1001 = arith.constant 2177 : i32
      %add3A_1002 = vector.broadcast %add3A_1001 : i32 to vector<16xi32>
      %add3A_1003 = arith.addi %add3A_1000, %add3A_1002 : vector<16xi32>
      %gather3A_1004 = tpu.vector_load_idx %arg11[%add3A_1003] : memref<7072xf32, #tpu.memory_space<vmem>>[vector<16xi32>], vector<16xf32>,
      %le3A_1005 = arith.cmpf ole, %gather3A_1004, %get3A_934 : vector<16xf32>
      %jit3A_1006 = arith.constant 2 : i32
      %jit3A_1007 = arith.constant 0 : i32
      %broadcast_in_dim3A_1008 = vector.broadcast %jit3A_1006 : i32 to vector<16xi32>
      %broadcast_in_dim3A_1009 = vector.broadcast %jit3A_1007 : i32 to vector<16xi32>
      %select_n3A_1010 = arith.select %le3A_1005, %broadcast_in_dim3A_1008, %broadcast_in_dim3A_1009 : vector<16xi1>, vector<16xi32>
      %add3A_1011 = arith.addi %add3A_1000, %select_n3A_1010 : vector<16xi32>
      %add3A_1012 = arith.constant 2176 : i32
      %add3A_1013 = vector.broadcast %add3A_1012 : i32 to vector<16xi32>
      %add3A_1014 = arith.addi %add3A_1011, %add3A_1013 : vector<16xi32>
      %gather3A_1015 = tpu.vector_load_idx %arg11[%add3A_1014] : memref<7072xf32, #tpu.memory_space<vmem>>[vector<16xi32>], vector<16xf32>,
      %le3A_1016 = arith.cmpf ole, %gather3A_1015, %get3A_934 : vector<16xf32>
      %jit3A_1017 = arith.constant 1 : i32
      %jit3A_1018 = arith.constant 0 : i32
      %broadcast_in_dim3A_1019 = vector.broadcast %jit3A_1017 : i32 to vector<16xi32>
      %broadcast_in_dim3A_1020 = vector.broadcast %jit3A_1018 : i32 to vector<16xi32>
      %select_n3A_1021 = arith.select %le3A_1016, %broadcast_in_dim3A_1019, %broadcast_in_dim3A_1020 : vector<16xi1>, vector<16xi32>
      %add3A_1022 = arith.addi %add3A_1011, %select_n3A_1021 : vector<16xi32>
      %mul3A_1023 = arith.constant 3856 : i32
      %mul3A_1024 = vector.broadcast %mul3A_1023 : i32 to vector<16xi32>
      %mul3A_1025 = arith.muli %add3A_1022, %mul3A_1024 : vector<16xi32>
      %shift_right_arithmetic3A_1026 = arith.constant 16 : i32
      %shift_right_arithmetic3A_1027 = vector.broadcast %shift_right_arithmetic3A_1026 : i32 to vector<16xi32>
      %shift_right_arithmetic3A_1028 = arith.shrsi %mul3A_1025, %shift_right_arithmetic3A_1027 : vector<16xi32>
      %sub3A_1029 = arith.subi %add3A_1022, %shift_right_arithmetic3A_1028 : vector<16xi32>
      %add3A_1030 = arith.constant 2048 : i32
      %add3A_1031 = vector.broadcast %add3A_1030 : i32 to vector<16xi32>
      %add3A_1032 = arith.addi %sub3A_1029, %add3A_1031 : vector<16xi32>
      %gather3A_1033 = tpu.vector_load_idx %arg12[%add3A_1032] : memref<6656xf32, #tpu.memory_space<vmem>>[vector<16xi32>], vector<16xf32>,
      %add3A_1034 = arith.addf %add3A_930, %gather3A_1033 : vector<16xf32>
      %get3A_1035 = arith.constant 9 : i32
      %get3A_1036 = arith.index_cast %get3A_1035 : i32 to index
      %get3A_1037 = arith.index_cast %mul3A_102 : i32 to index
      %get3A_1038 = tpu.vector_load %arg10[%get3A_1036, %get3A_1037] {strides = array<i32>} : memref<26x512xf32, #tpu.memory_space<vmem>>, vector<16xf32>,
      %add3A_1039 = arith.constant 2582 : i32
      %add3A_1040 = vector.broadcast %add3A_1039 : i32 to vector<16xi32>
      %add3A_1041 = arith.addi %broadcast_in_dim3A_9, %add3A_1040 : vector<16xi32>
      %gather3A_1042 = tpu.vector_load_idx %arg11[%add3A_1041] : memref<7072xf32, #tpu.memory_space<vmem>>[vector<16xi32>], vector<16xf32>,
      %le3A_1043 = arith.cmpf ole, %gather3A_1042, %get3A_1038 : vector<16xf32>
      %jit3A_1044 = arith.constant 136 : i32
      %jit3A_1045 = arith.constant 0 : i32
      %broadcast_in_dim3A_1046 = vector.broadcast %jit3A_1044 : i32 to vector<16xi32>
      %broadcast_in_dim3A_1047 = vector.broadcast %jit3A_1045 : i32 to vector<16xi32>
      %select_n3A_1048 = arith.select %le3A_1043, %broadcast_in_dim3A_1046, %broadcast_in_dim3A_1047 : vector<16xi1>, vector<16xi32>
      %add3A_1049 = arith.addi %broadcast_in_dim3A_9, %select_n3A_1048 : vector<16xi32>
      %add3A_1050 = arith.constant 2514 : i32
      %add3A_1051 = vector.broadcast %add3A_1050 : i32 to vector<16xi32>
      %add3A_1052 = arith.addi %add3A_1049, %add3A_1051 : vector<16xi32>
      %gather3A_1053 = tpu.vector_load_idx %arg11[%add3A_1052] : memref<7072xf32, #tpu.memory_space<vmem>>[vector<16xi32>], vector<16xf32>,
      %le3A_1054 = arith.cmpf ole, %gather3A_1053, %get3A_1038 : vector<16xf32>
      %jit3A_1055 = arith.constant 68 : i32
      %jit3A_1056 = arith.constant 0 : i32
      %broadcast_in_dim3A_1057 = vector.broadcast %jit3A_1055 : i32 to vector<16xi32>
      %broadcast_in_dim3A_1058 = vector.broadcast %jit3A_1056 : i32 to vector<16xi32>
      %select_n3A_1059 = arith.select %le3A_1054, %broadcast_in_dim3A_1057, %broadcast_in_dim3A_1058 : vector<16xi1>, vector<16xi32>
      %add3A_1060 = arith.addi %add3A_1049, %select_n3A_1059 : vector<16xi32>
      %add3A_1061 = arith.constant 2480 : i32
      %add3A_1062 = vector.broadcast %add3A_1061 : i32 to vector<16xi32>
      %add3A_1063 = arith.addi %add3A_1060, %add3A_1062 : vector<16xi32>
      %gather3A_1064 = tpu.vector_load_idx %arg11[%add3A_1063] : memref<7072xf32, #tpu.memory_space<vmem>>[vector<16xi32>], vector<16xf32>,
      %le3A_1065 = arith.cmpf ole, %gather3A_1064, %get3A_1038 : vector<16xf32>
      %jit3A_1066 = arith.constant 34 : i32
      %jit3A_1067 = arith.constant 0 : i32
      %broadcast_in_dim3A_1068 = vector.broadcast %jit3A_1066 : i32 to vector<16xi32>
      %broadcast_in_dim3A_1069 = vector.broadcast %jit3A_1067 : i32 to vector<16xi32>
      %select_n3A_1070 = arith.select %le3A_1065, %broadcast_in_dim3A_1068, %broadcast_in_dim3A_1069 : vector<16xi1>, vector<16xi32>
      %add3A_1071 = arith.addi %add3A_1060, %select_n3A_1070 : vector<16xi32>
      %add3A_1072 = arith.constant 2463 : i32
      %add3A_1073 = vector.broadcast %add3A_1072 : i32 to vector<16xi32>
      %add3A_1074 = arith.addi %add3A_1071, %add3A_1073 : vector<16xi32>
      %gather3A_1075 = tpu.vector_load_idx %arg11[%add3A_1074] : memref<7072xf32, #tpu.memory_space<vmem>>[vector<16xi32>], vector<16xf32>,
      %le3A_1076 = arith.cmpf ole, %gather3A_1075, %get3A_1038 : vector<16xf32>
      %jit3A_1077 = arith.constant 17 : i32
      %jit3A_1078 = arith.constant 0 : i32
      %broadcast_in_dim3A_1079 = vector.broadcast %jit3A_1077 : i32 to vector<16xi32>
      %broadcast_in_dim3A_1080 = vector.broadcast %jit3A_1078 : i32 to vector<16xi32>
      %select_n3A_1081 = arith.select %le3A_1076, %broadcast_in_dim3A_1079, %broadcast_in_dim3A_1080 : vector<16xi1>, vector<16xi32>
      %add3A_1082 = arith.addi %add3A_1071, %select_n3A_1081 : vector<16xi32>
      %add3A_1083 = arith.constant 2455 : i32
      %add3A_1084 = vector.broadcast %add3A_1083 : i32 to vector<16xi32>
      %add3A_1085 = arith.addi %add3A_1082, %add3A_1084 : vector<16xi32>
      %gather3A_1086 = tpu.vector_load_idx %arg11[%add3A_1085] : memref<7072xf32, #tpu.memory_space<vmem>>[vector<16xi32>], vector<16xf32>,
      %le3A_1087 = arith.cmpf ole, %gather3A_1086, %get3A_1038 : vector<16xf32>
      %jit3A_1088 = arith.constant 8 : i32
      %jit3A_1089 = arith.constant 0 : i32
      %broadcast_in_dim3A_1090 = vector.broadcast %jit3A_1088 : i32 to vector<16xi32>
      %broadcast_in_dim3A_1091 = vector.broadcast %jit3A_1089 : i32 to vector<16xi32>
      %select_n3A_1092 = arith.select %le3A_1087, %broadcast_in_dim3A_1090, %broadcast_in_dim3A_1091 : vector<16xi1>, vector<16xi32>
      %add3A_1093 = arith.addi %add3A_1082, %select_n3A_1092 : vector<16xi32>
      %add3A_1094 = arith.constant 2451 : i32
      %add3A_1095 = vector.broadcast %add3A_1094 : i32 to vector<16xi32>
      %add3A_1096 = arith.addi %add3A_1093, %add3A_1095 : vector<16xi32>
      %gather3A_1097 = tpu.vector_load_idx %arg11[%add3A_1096] : memref<7072xf32, #tpu.memory_space<vmem>>[vector<16xi32>], vector<16xf32>,
      %le3A_1098 = arith.cmpf ole, %gather3A_1097, %get3A_1038 : vector<16xf32>
      %jit3A_1099 = arith.constant 4 : i32
      %jit3A_1100 = arith.constant 0 : i32
      %broadcast_in_dim3A_1101 = vector.broadcast %jit3A_1099 : i32 to vector<16xi32>
      %broadcast_in_dim3A_1102 = vector.broadcast %jit3A_1100 : i32 to vector<16xi32>
      %select_n3A_1103 = arith.select %le3A_1098, %broadcast_in_dim3A_1101, %broadcast_in_dim3A_1102 : vector<16xi1>, vector<16xi32>
      %add3A_1104 = arith.addi %add3A_1093, %select_n3A_1103 : vector<16xi32>
      %add3A_1105 = arith.constant 2449 : i32
      %add3A_1106 = vector.broadcast %add3A_1105 : i32 to vector<16xi32>
      %add3A_1107 = arith.addi %add3A_1104, %add3A_1106 : vector<16xi32>
      %gather3A_1108 = tpu.vector_load_idx %arg11[%add3A_1107] : memref<7072xf32, #tpu.memory_space<vmem>>[vector<16xi32>], vector<16xf32>,
      %le3A_1109 = arith.cmpf ole, %gather3A_1108, %get3A_1038 : vector<16xf32>
      %jit3A_1110 = arith.constant 2 : i32
      %jit3A_1111 = arith.constant 0 : i32
      %broadcast_in_dim3A_1112 = vector.broadcast %jit3A_1110 : i32 to vector<16xi32>
      %broadcast_in_dim3A_1113 = vector.broadcast %jit3A_1111 : i32 to vector<16xi32>
      %select_n3A_1114 = arith.select %le3A_1109, %broadcast_in_dim3A_1112, %broadcast_in_dim3A_1113 : vector<16xi1>, vector<16xi32>
      %add3A_1115 = arith.addi %add3A_1104, %select_n3A_1114 : vector<16xi32>
      %add3A_1116 = arith.constant 2448 : i32
      %add3A_1117 = vector.broadcast %add3A_1116 : i32 to vector<16xi32>
      %add3A_1118 = arith.addi %add3A_1115, %add3A_1117 : vector<16xi32>
      %gather3A_1119 = tpu.vector_load_idx %arg11[%add3A_1118] : memref<7072xf32, #tpu.memory_space<vmem>>[vector<16xi32>], vector<16xf32>,
      %le3A_1120 = arith.cmpf ole, %gather3A_1119, %get3A_1038 : vector<16xf32>
      %jit3A_1121 = arith.constant 1 : i32
      %jit3A_1122 = arith.constant 0 : i32
      %broadcast_in_dim3A_1123 = vector.broadcast %jit3A_1121 : i32 to vector<16xi32>
      %broadcast_in_dim3A_1124 = vector.broadcast %jit3A_1122 : i32 to vector<16xi32>
      %select_n3A_1125 = arith.select %le3A_1120, %broadcast_in_dim3A_1123, %broadcast_in_dim3A_1124 : vector<16xi1>, vector<16xi32>
      %add3A_1126 = arith.addi %add3A_1115, %select_n3A_1125 : vector<16xi32>
      %mul3A_1127 = arith.constant 3856 : i32
      %mul3A_1128 = vector.broadcast %mul3A_1127 : i32 to vector<16xi32>
      %mul3A_1129 = arith.muli %add3A_1126, %mul3A_1128 : vector<16xi32>
      %shift_right_arithmetic3A_1130 = arith.constant 16 : i32
      %shift_right_arithmetic3A_1131 = vector.broadcast %shift_right_arithmetic3A_1130 : i32 to vector<16xi32>
      %shift_right_arithmetic3A_1132 = arith.shrsi %mul3A_1129, %shift_right_arithmetic3A_1131 : vector<16xi32>
      %sub3A_1133 = arith.subi %add3A_1126, %shift_right_arithmetic3A_1132 : vector<16xi32>
      %add3A_1134 = arith.constant 2304 : i32
      %add3A_1135 = vector.broadcast %add3A_1134 : i32 to vector<16xi32>
      %add3A_1136 = arith.addi %sub3A_1133, %add3A_1135 : vector<16xi32>
      %gather3A_1137 = tpu.vector_load_idx %arg12[%add3A_1136] : memref<6656xf32, #tpu.memory_space<vmem>>[vector<16xi32>], vector<16xf32>,
      %add3A_1138 = arith.addf %add3A_1034, %gather3A_1137 : vector<16xf32>
      %get3A_1139 = arith.constant 10 : i32
      %get3A_1140 = arith.index_cast %get3A_1139 : i32 to index
      %get3A_1141 = arith.index_cast %mul3A_102 : i32 to index
      %get3A_1142 = tpu.vector_load %arg10[%get3A_1140, %get3A_1141] {strides = array<i32>} : memref<26x512xf32, #tpu.memory_space<vmem>>, vector<16xf32>,
      %add3A_1143 = arith.constant 2854 : i32
      %add3A_1144 = vector.broadcast %add3A_1143 : i32 to vector<16xi32>
      %add3A_1145 = arith.addi %broadcast_in_dim3A_9, %add3A_1144 : vector<16xi32>
      %gather3A_1146 = tpu.vector_load_idx %arg11[%add3A_1145] : memref<7072xf32, #tpu.memory_space<vmem>>[vector<16xi32>], vector<16xf32>,
      %le3A_1147 = arith.cmpf ole, %gather3A_1146, %get3A_1142 : vector<16xf32>
      %jit3A_1148 = arith.constant 136 : i32
      %jit3A_1149 = arith.constant 0 : i32
      %broadcast_in_dim3A_1150 = vector.broadcast %jit3A_1148 : i32 to vector<16xi32>
      %broadcast_in_dim3A_1151 = vector.broadcast %jit3A_1149 : i32 to vector<16xi32>
      %select_n3A_1152 = arith.select %le3A_1147, %broadcast_in_dim3A_1150, %broadcast_in_dim3A_1151 : vector<16xi1>, vector<16xi32>
      %add3A_1153 = arith.addi %broadcast_in_dim3A_9, %select_n3A_1152 : vector<16xi32>
      %add3A_1154 = arith.constant 2786 : i32
      %add3A_1155 = vector.broadcast %add3A_1154 : i32 to vector<16xi32>
      %add3A_1156 = arith.addi %add3A_1153, %add3A_1155 : vector<16xi32>
      %gather3A_1157 = tpu.vector_load_idx %arg11[%add3A_1156] : memref<7072xf32, #tpu.memory_space<vmem>>[vector<16xi32>], vector<16xf32>,
      %le3A_1158 = arith.cmpf ole, %gather3A_1157, %get3A_1142 : vector<16xf32>
      %jit3A_1159 = arith.constant 68 : i32
      %jit3A_1160 = arith.constant 0 : i32
      %broadcast_in_dim3A_1161 = vector.broadcast %jit3A_1159 : i32 to vector<16xi32>
      %broadcast_in_dim3A_1162 = vector.broadcast %jit3A_1160 : i32 to vector<16xi32>
      %select_n3A_1163 = arith.select %le3A_1158, %broadcast_in_dim3A_1161, %broadcast_in_dim3A_1162 : vector<16xi1>, vector<16xi32>
      %add3A_1164 = arith.addi %add3A_1153, %select_n3A_1163 : vector<16xi32>
      %add3A_1165 = arith.constant 2752 : i32
      %add3A_1166 = vector.broadcast %add3A_1165 : i32 to vector<16xi32>
      %add3A_1167 = arith.addi %add3A_1164, %add3A_1166 : vector<16xi32>
      %gather3A_1168 = tpu.vector_load_idx %arg11[%add3A_1167] : memref<7072xf32, #tpu.memory_space<vmem>>[vector<16xi32>], vector<16xf32>,
      %le3A_1169 = arith.cmpf ole, %gather3A_1168, %get3A_1142 : vector<16xf32>
      %jit3A_1170 = arith.constant 34 : i32
      %jit3A_1171 = arith.constant 0 : i32
      %broadcast_in_dim3A_1172 = vector.broadcast %jit3A_1170 : i32 to vector<16xi32>
      %broadcast_in_dim3A_1173 = vector.broadcast %jit3A_1171 : i32 to vector<16xi32>
      %select_n3A_1174 = arith.select %le3A_1169, %broadcast_in_dim3A_1172, %broadcast_in_dim3A_1173 : vector<16xi1>, vector<16xi32>
      %add3A_1175 = arith.addi %add3A_1164, %select_n3A_1174 : vector<16xi32>
      %add3A_1176 = arith.constant 2735 : i32
      %add3A_1177 = vector.broadcast %add3A_1176 : i32 to vector<16xi32>
      %add3A_1178 = arith.addi %add3A_1175, %add3A_1177 : vector<16xi32>
      %gather3A_1179 = tpu.vector_load_idx %arg11[%add3A_1178] : memref<7072xf32, #tpu.memory_space<vmem>>[vector<16xi32>], vector<16xf32>,
      %le3A_1180 = arith.cmpf ole, %gather3A_1179, %get3A_1142 : vector<16xf32>
      %jit3A_1181 = arith.constant 17 : i32
      %jit3A_1182 = arith.constant 0 : i32
      %broadcast_in_dim3A_1183 = vector.broadcast %jit3A_1181 : i32 to vector<16xi32>
      %broadcast_in_dim3A_1184 = vector.broadcast %jit3A_1182 : i32 to vector<16xi32>
      %select_n3A_1185 = arith.select %le3A_1180, %broadcast_in_dim3A_1183, %broadcast_in_dim3A_1184 : vector<16xi1>, vector<16xi32>
      %add3A_1186 = arith.addi %add3A_1175, %select_n3A_1185 : vector<16xi32>
      %add3A_1187 = arith.constant 2727 : i32
      %add3A_1188 = vector.broadcast %add3A_1187 : i32 to vector<16xi32>
      %add3A_1189 = arith.addi %add3A_1186, %add3A_1188 : vector<16xi32>
      %gather3A_1190 = tpu.vector_load_idx %arg11[%add3A_1189] : memref<7072xf32, #tpu.memory_space<vmem>>[vector<16xi32>], vector<16xf32>,
      %le3A_1191 = arith.cmpf ole, %gather3A_1190, %get3A_1142 : vector<16xf32>
      %jit3A_1192 = arith.constant 8 : i32
      %jit3A_1193 = arith.constant 0 : i32
      %broadcast_in_dim3A_1194 = vector.broadcast %jit3A_1192 : i32 to vector<16xi32>
      %broadcast_in_dim3A_1195 = vector.broadcast %jit3A_1193 : i32 to vector<16xi32>
      %select_n3A_1196 = arith.select %le3A_1191, %broadcast_in_dim3A_1194, %broadcast_in_dim3A_1195 : vector<16xi1>, vector<16xi32>
      %add3A_1197 = arith.addi %add3A_1186, %select_n3A_1196 : vector<16xi32>
      %add3A_1198 = arith.constant 2723 : i32
      %add3A_1199 = vector.broadcast %add3A_1198 : i32 to vector<16xi32>
      %add3A_1200 = arith.addi %add3A_1197, %add3A_1199 : vector<16xi32>
      %gather3A_1201 = tpu.vector_load_idx %arg11[%add3A_1200] : memref<7072xf32, #tpu.memory_space<vmem>>[vector<16xi32>], vector<16xf32>,
      %le3A_1202 = arith.cmpf ole, %gather3A_1201, %get3A_1142 : vector<16xf32>
      %jit3A_1203 = arith.constant 4 : i32
      %jit3A_1204 = arith.constant 0 : i32
      %broadcast_in_dim3A_1205 = vector.broadcast %jit3A_1203 : i32 to vector<16xi32>
      %broadcast_in_dim3A_1206 = vector.broadcast %jit3A_1204 : i32 to vector<16xi32>
      %select_n3A_1207 = arith.select %le3A_1202, %broadcast_in_dim3A_1205, %broadcast_in_dim3A_1206 : vector<16xi1>, vector<16xi32>
      %add3A_1208 = arith.addi %add3A_1197, %select_n3A_1207 : vector<16xi32>
      %add3A_1209 = arith.constant 2721 : i32
      %add3A_1210 = vector.broadcast %add3A_1209 : i32 to vector<16xi32>
      %add3A_1211 = arith.addi %add3A_1208, %add3A_1210 : vector<16xi32>
      %gather3A_1212 = tpu.vector_load_idx %arg11[%add3A_1211] : memref<7072xf32, #tpu.memory_space<vmem>>[vector<16xi32>], vector<16xf32>,
      %le3A_1213 = arith.cmpf ole, %gather3A_1212, %get3A_1142 : vector<16xf32>
      %jit3A_1214 = arith.constant 2 : i32
      %jit3A_1215 = arith.constant 0 : i32
      %broadcast_in_dim3A_1216 = vector.broadcast %jit3A_1214 : i32 to vector<16xi32>
      %broadcast_in_dim3A_1217 = vector.broadcast %jit3A_1215 : i32 to vector<16xi32>
      %select_n3A_1218 = arith.select %le3A_1213, %broadcast_in_dim3A_1216, %broadcast_in_dim3A_1217 : vector<16xi1>, vector<16xi32>
      %add3A_1219 = arith.addi %add3A_1208, %select_n3A_1218 : vector<16xi32>
      %add3A_1220 = arith.constant 2720 : i32
      %add3A_1221 = vector.broadcast %add3A_1220 : i32 to vector<16xi32>
      %add3A_1222 = arith.addi %add3A_1219, %add3A_1221 : vector<16xi32>
      %gather3A_1223 = tpu.vector_load_idx %arg11[%add3A_1222] : memref<7072xf32, #tpu.memory_space<vmem>>[vector<16xi32>], vector<16xf32>,
      %le3A_1224 = arith.cmpf ole, %gather3A_1223, %get3A_1142 : vector<16xf32>
      %jit3A_1225 = arith.constant 1 : i32
      %jit3A_1226 = arith.constant 0 : i32
      %broadcast_in_dim3A_1227 = vector.broadcast %jit3A_1225 : i32 to vector<16xi32>
      %broadcast_in_dim3A_1228 = vector.broadcast %jit3A_1226 : i32 to vector<16xi32>
      %select_n3A_1229 = arith.select %le3A_1224, %broadcast_in_dim3A_1227, %broadcast_in_dim3A_1228 : vector<16xi1>, vector<16xi32>
      %add3A_1230 = arith.addi %add3A_1219, %select_n3A_1229 : vector<16xi32>
      %mul3A_1231 = arith.constant 3856 : i32
      %mul3A_1232 = vector.broadcast %mul3A_1231 : i32 to vector<16xi32>
      %mul3A_1233 = arith.muli %add3A_1230, %mul3A_1232 : vector<16xi32>
      %shift_right_arithmetic3A_1234 = arith.constant 16 : i32
      %shift_right_arithmetic3A_1235 = vector.broadcast %shift_right_arithmetic3A_1234 : i32 to vector<16xi32>
      %shift_right_arithmetic3A_1236 = arith.shrsi %mul3A_1233, %shift_right_arithmetic3A_1235 : vector<16xi32>
      %sub3A_1237 = arith.subi %add3A_1230, %shift_right_arithmetic3A_1236 : vector<16xi32>
      %add3A_1238 = arith.constant 2560 : i32
      %add3A_1239 = vector.broadcast %add3A_1238 : i32 to vector<16xi32>
      %add3A_1240 = arith.addi %sub3A_1237, %add3A_1239 : vector<16xi32>
      %gather3A_1241 = tpu.vector_load_idx %arg12[%add3A_1240] : memref<6656xf32, #tpu.memory_space<vmem>>[vector<16xi32>], vector<16xf32>,
      %add3A_1242 = arith.addf %add3A_1138, %gather3A_1241 : vector<16xf32>
      %get3A_1243 = arith.constant 11 : i32
      %get3A_1244 = arith.index_cast %get3A_1243 : i32 to index
      %get3A_1245 = arith.index_cast %mul3A_102 : i32 to index
      %get3A_1246 = tpu.vector_load %arg10[%get3A_1244, %get3A_1245] {strides = array<i32>} : memref<26x512xf32, #tpu.memory_space<vmem>>, vector<16xf32>,
      %add3A_1247 = arith.constant 3126 : i32
      %add3A_1248 = vector.broadcast %add3A_1247 : i32 to vector<16xi32>
      %add3A_1249 = arith.addi %broadcast_in_dim3A_9, %add3A_1248 : vector<16xi32>
      %gather3A_1250 = tpu.vector_load_idx %arg11[%add3A_1249] : memref<7072xf32, #tpu.memory_space<vmem>>[vector<16xi32>], vector<16xf32>,
      %le3A_1251 = arith.cmpf ole, %gather3A_1250, %get3A_1246 : vector<16xf32>
      %jit3A_1252 = arith.constant 136 : i32
      %jit3A_1253 = arith.constant 0 : i32
      %broadcast_in_dim3A_1254 = vector.broadcast %jit3A_1252 : i32 to vector<16xi32>
      %broadcast_in_dim3A_1255 = vector.broadcast %jit3A_1253 : i32 to vector<16xi32>
      %select_n3A_1256 = arith.select %le3A_1251, %broadcast_in_dim3A_1254, %broadcast_in_dim3A_1255 : vector<16xi1>, vector<16xi32>
      %add3A_1257 = arith.addi %broadcast_in_dim3A_9, %select_n3A_1256 : vector<16xi32>
      %add3A_1258 = arith.constant 3058 : i32
      %add3A_1259 = vector.broadcast %add3A_1258 : i32 to vector<16xi32>
      %add3A_1260 = arith.addi %add3A_1257, %add3A_1259 : vector<16xi32>
      %gather3A_1261 = tpu.vector_load_idx %arg11[%add3A_1260] : memref<7072xf32, #tpu.memory_space<vmem>>[vector<16xi32>], vector<16xf32>,
      %le3A_1262 = arith.cmpf ole, %gather3A_1261, %get3A_1246 : vector<16xf32>
      %jit3A_1263 = arith.constant 68 : i32
      %jit3A_1264 = arith.constant 0 : i32
      %broadcast_in_dim3A_1265 = vector.broadcast %jit3A_1263 : i32 to vector<16xi32>
      %broadcast_in_dim3A_1266 = vector.broadcast %jit3A_1264 : i32 to vector<16xi32>
      %select_n3A_1267 = arith.select %le3A_1262, %broadcast_in_dim3A_1265, %broadcast_in_dim3A_1266 : vector<16xi1>, vector<16xi32>
      %add3A_1268 = arith.addi %add3A_1257, %select_n3A_1267 : vector<16xi32>
      %add3A_1269 = arith.constant 3024 : i32
      %add3A_1270 = vector.broadcast %add3A_1269 : i32 to vector<16xi32>
      %add3A_1271 = arith.addi %add3A_1268, %add3A_1270 : vector<16xi32>
      %gather3A_1272 = tpu.vector_load_idx %arg11[%add3A_1271] : memref<7072xf32, #tpu.memory_space<vmem>>[vector<16xi32>], vector<16xf32>,
      %le3A_1273 = arith.cmpf ole, %gather3A_1272, %get3A_1246 : vector<16xf32>
      %jit3A_1274 = arith.constant 34 : i32
      %jit3A_1275 = arith.constant 0 : i32
      %broadcast_in_dim3A_1276 = vector.broadcast %jit3A_1274 : i32 to vector<16xi32>
      %broadcast_in_dim3A_1277 = vector.broadcast %jit3A_1275 : i32 to vector<16xi32>
      %select_n3A_1278 = arith.select %le3A_1273, %broadcast_in_dim3A_1276, %broadcast_in_dim3A_1277 : vector<16xi1>, vector<16xi32>
      %add3A_1279 = arith.addi %add3A_1268, %select_n3A_1278 : vector<16xi32>
      %add3A_1280 = arith.constant 3007 : i32
      %add3A_1281 = vector.broadcast %add3A_1280 : i32 to vector<16xi32>
      %add3A_1282 = arith.addi %add3A_1279, %add3A_1281 : vector<16xi32>
      %gather3A_1283 = tpu.vector_load_idx %arg11[%add3A_1282] : memref<7072xf32, #tpu.memory_space<vmem>>[vector<16xi32>], vector<16xf32>,
      %le3A_1284 = arith.cmpf ole, %gather3A_1283, %get3A_1246 : vector<16xf32>
      %jit3A_1285 = arith.constant 17 : i32
      %jit3A_1286 = arith.constant 0 : i32
      %broadcast_in_dim3A_1287 = vector.broadcast %jit3A_1285 : i32 to vector<16xi32>
      %broadcast_in_dim3A_1288 = vector.broadcast %jit3A_1286 : i32 to vector<16xi32>
      %select_n3A_1289 = arith.select %le3A_1284, %broadcast_in_dim3A_1287, %broadcast_in_dim3A_1288 : vector<16xi1>, vector<16xi32>
      %add3A_1290 = arith.addi %add3A_1279, %select_n3A_1289 : vector<16xi32>
      %add3A_1291 = arith.constant 2999 : i32
      %add3A_1292 = vector.broadcast %add3A_1291 : i32 to vector<16xi32>
      %add3A_1293 = arith.addi %add3A_1290, %add3A_1292 : vector<16xi32>
      %gather3A_1294 = tpu.vector_load_idx %arg11[%add3A_1293] : memref<7072xf32, #tpu.memory_space<vmem>>[vector<16xi32>], vector<16xf32>,
      %le3A_1295 = arith.cmpf ole, %gather3A_1294, %get3A_1246 : vector<16xf32>
      %jit3A_1296 = arith.constant 8 : i32
      %jit3A_1297 = arith.constant 0 : i32
      %broadcast_in_dim3A_1298 = vector.broadcast %jit3A_1296 : i32 to vector<16xi32>
      %broadcast_in_dim3A_1299 = vector.broadcast %jit3A_1297 : i32 to vector<16xi32>
      %select_n3A_1300 = arith.select %le3A_1295, %broadcast_in_dim3A_1298, %broadcast_in_dim3A_1299 : vector<16xi1>, vector<16xi32>
      %add3A_1301 = arith.addi %add3A_1290, %select_n3A_1300 : vector<16xi32>
      %add3A_1302 = arith.constant 2995 : i32
      %add3A_1303 = vector.broadcast %add3A_1302 : i32 to vector<16xi32>
      %add3A_1304 = arith.addi %add3A_1301, %add3A_1303 : vector<16xi32>
      %gather3A_1305 = tpu.vector_load_idx %arg11[%add3A_1304] : memref<7072xf32, #tpu.memory_space<vmem>>[vector<16xi32>], vector<16xf32>,
      %le3A_1306 = arith.cmpf ole, %gather3A_1305, %get3A_1246 : vector<16xf32>
      %jit3A_1307 = arith.constant 4 : i32
      %jit3A_1308 = arith.constant 0 : i32
      %broadcast_in_dim3A_1309 = vector.broadcast %jit3A_1307 : i32 to vector<16xi32>
      %broadcast_in_dim3A_1310 = vector.broadcast %jit3A_1308 : i32 to vector<16xi32>
      %select_n3A_1311 = arith.select %le3A_1306, %broadcast_in_dim3A_1309, %broadcast_in_dim3A_1310 : vector<16xi1>, vector<16xi32>
      %add3A_1312 = arith.addi %add3A_1301, %select_n3A_1311 : vector<16xi32>
      %add3A_1313 = arith.constant 2993 : i32
      %add3A_1314 = vector.broadcast %add3A_1313 : i32 to vector<16xi32>
      %add3A_1315 = arith.addi %add3A_1312, %add3A_1314 : vector<16xi32>
      %gather3A_1316 = tpu.vector_load_idx %arg11[%add3A_1315] : memref<7072xf32, #tpu.memory_space<vmem>>[vector<16xi32>], vector<16xf32>,
      %le3A_1317 = arith.cmpf ole, %gather3A_1316, %get3A_1246 : vector<16xf32>
      %jit3A_1318 = arith.constant 2 : i32
      %jit3A_1319 = arith.constant 0 : i32
      %broadcast_in_dim3A_1320 = vector.broadcast %jit3A_1318 : i32 to vector<16xi32>
      %broadcast_in_dim3A_1321 = vector.broadcast %jit3A_1319 : i32 to vector<16xi32>
      %select_n3A_1322 = arith.select %le3A_1317, %broadcast_in_dim3A_1320, %broadcast_in_dim3A_1321 : vector<16xi1>, vector<16xi32>
      %add3A_1323 = arith.addi %add3A_1312, %select_n3A_1322 : vector<16xi32>
      %add3A_1324 = arith.constant 2992 : i32
      %add3A_1325 = vector.broadcast %add3A_1324 : i32 to vector<16xi32>
      %add3A_1326 = arith.addi %add3A_1323, %add3A_1325 : vector<16xi32>
      %gather3A_1327 = tpu.vector_load_idx %arg11[%add3A_1326] : memref<7072xf32, #tpu.memory_space<vmem>>[vector<16xi32>], vector<16xf32>,
      %le3A_1328 = arith.cmpf ole, %gather3A_1327, %get3A_1246 : vector<16xf32>
      %jit3A_1329 = arith.constant 1 : i32
      %jit3A_1330 = arith.constant 0 : i32
      %broadcast_in_dim3A_1331 = vector.broadcast %jit3A_1329 : i32 to vector<16xi32>
      %broadcast_in_dim3A_1332 = vector.broadcast %jit3A_1330 : i32 to vector<16xi32>
      %select_n3A_1333 = arith.select %le3A_1328, %broadcast_in_dim3A_1331, %broadcast_in_dim3A_1332 : vector<16xi1>, vector<16xi32>
      %add3A_1334 = arith.addi %add3A_1323, %select_n3A_1333 : vector<16xi32>
      %mul3A_1335 = arith.constant 3856 : i32
      %mul3A_1336 = vector.broadcast %mul3A_1335 : i32 to vector<16xi32>
      %mul3A_1337 = arith.muli %add3A_1334, %mul3A_1336 : vector<16xi32>
      %shift_right_arithmetic3A_1338 = arith.constant 16 : i32
      %shift_right_arithmetic3A_1339 = vector.broadcast %shift_right_arithmetic3A_1338 : i32 to vector<16xi32>
      %shift_right_arithmetic3A_1340 = arith.shrsi %mul3A_1337, %shift_right_arithmetic3A_1339 : vector<16xi32>
      %sub3A_1341 = arith.subi %add3A_1334, %shift_right_arithmetic3A_1340 : vector<16xi32>
      %add3A_1342 = arith.constant 2816 : i32
      %add3A_1343 = vector.broadcast %add3A_1342 : i32 to vector<16xi32>
      %add3A_1344 = arith.addi %sub3A_1341, %add3A_1343 : vector<16xi32>
      %gather3A_1345 = tpu.vector_load_idx %arg12[%add3A_1344] : memref<6656xf32, #tpu.memory_space<vmem>>[vector<16xi32>], vector<16xf32>,
      %add3A_1346 = arith.addf %add3A_1242, %gather3A_1345 : vector<16xf32>
      %get3A_1347 = arith.constant 12 : i32
      %get3A_1348 = arith.index_cast %get3A_1347 : i32 to index
      %get3A_1349 = arith.index_cast %mul3A_102 : i32 to index
      %get3A_1350 = tpu.vector_load %arg10[%get3A_1348, %get3A_1349] {strides = array<i32>} : memref<26x512xf32, #tpu.memory_space<vmem>>, vector<16xf32>,
      %add3A_1351 = arith.constant 3398 : i32
      %add3A_1352 = vector.broadcast %add3A_1351 : i32 to vector<16xi32>
      %add3A_1353 = arith.addi %broadcast_in_dim3A_9, %add3A_1352 : vector<16xi32>
      %gather3A_1354 = tpu.vector_load_idx %arg11[%add3A_1353] : memref<7072xf32, #tpu.memory_space<vmem>>[vector<16xi32>], vector<16xf32>,
      %le3A_1355 = arith.cmpf ole, %gather3A_1354, %get3A_1350 : vector<16xf32>
      %jit3A_1356 = arith.constant 136 : i32
      %jit3A_1357 = arith.constant 0 : i32
      %broadcast_in_dim3A_1358 = vector.broadcast %jit3A_1356 : i32 to vector<16xi32>
      %broadcast_in_dim3A_1359 = vector.broadcast %jit3A_1357 : i32 to vector<16xi32>
      %select_n3A_1360 = arith.select %le3A_1355, %broadcast_in_dim3A_1358, %broadcast_in_dim3A_1359 : vector<16xi1>, vector<16xi32>
      %add3A_1361 = arith.addi %broadcast_in_dim3A_9, %select_n3A_1360 : vector<16xi32>
      %add3A_1362 = arith.constant 3330 : i32
      %add3A_1363 = vector.broadcast %add3A_1362 : i32 to vector<16xi32>
      %add3A_1364 = arith.addi %add3A_1361, %add3A_1363 : vector<16xi32>
      %gather3A_1365 = tpu.vector_load_idx %arg11[%add3A_1364] : memref<7072xf32, #tpu.memory_space<vmem>>[vector<16xi32>], vector<16xf32>,
      %le3A_1366 = arith.cmpf ole, %gather3A_1365, %get3A_1350 : vector<16xf32>
      %jit3A_1367 = arith.constant 68 : i32
      %jit3A_1368 = arith.constant 0 : i32
      %broadcast_in_dim3A_1369 = vector.broadcast %jit3A_1367 : i32 to vector<16xi32>
      %broadcast_in_dim3A_1370 = vector.broadcast %jit3A_1368 : i32 to vector<16xi32>
      %select_n3A_1371 = arith.select %le3A_1366, %broadcast_in_dim3A_1369, %broadcast_in_dim3A_1370 : vector<16xi1>, vector<16xi32>
      %add3A_1372 = arith.addi %add3A_1361, %select_n3A_1371 : vector<16xi32>
      %add3A_1373 = arith.constant 3296 : i32
      %add3A_1374 = vector.broadcast %add3A_1373 : i32 to vector<16xi32>
      %add3A_1375 = arith.addi %add3A_1372, %add3A_1374 : vector<16xi32>
      %gather3A_1376 = tpu.vector_load_idx %arg11[%add3A_1375] : memref<7072xf32, #tpu.memory_space<vmem>>[vector<16xi32>], vector<16xf32>,
      %le3A_1377 = arith.cmpf ole, %gather3A_1376, %get3A_1350 : vector<16xf32>
      %jit3A_1378 = arith.constant 34 : i32
      %jit3A_1379 = arith.constant 0 : i32
      %broadcast_in_dim3A_1380 = vector.broadcast %jit3A_1378 : i32 to vector<16xi32>
      %broadcast_in_dim3A_1381 = vector.broadcast %jit3A_1379 : i32 to vector<16xi32>
      %select_n3A_1382 = arith.select %le3A_1377, %broadcast_in_dim3A_1380, %broadcast_in_dim3A_1381 : vector<16xi1>, vector<16xi32>
      %add3A_1383 = arith.addi %add3A_1372, %select_n3A_1382 : vector<16xi32>
      %add3A_1384 = arith.constant 3279 : i32
      %add3A_1385 = vector.broadcast %add3A_1384 : i32 to vector<16xi32>
      %add3A_1386 = arith.addi %add3A_1383, %add3A_1385 : vector<16xi32>
      %gather3A_1387 = tpu.vector_load_idx %arg11[%add3A_1386] : memref<7072xf32, #tpu.memory_space<vmem>>[vector<16xi32>], vector<16xf32>,
      %le3A_1388 = arith.cmpf ole, %gather3A_1387, %get3A_1350 : vector<16xf32>
      %jit3A_1389 = arith.constant 17 : i32
      %jit3A_1390 = arith.constant 0 : i32
      %broadcast_in_dim3A_1391 = vector.broadcast %jit3A_1389 : i32 to vector<16xi32>
      %broadcast_in_dim3A_1392 = vector.broadcast %jit3A_1390 : i32 to vector<16xi32>
      %select_n3A_1393 = arith.select %le3A_1388, %broadcast_in_dim3A_1391, %broadcast_in_dim3A_1392 : vector<16xi1>, vector<16xi32>
      %add3A_1394 = arith.addi %add3A_1383, %select_n3A_1393 : vector<16xi32>
      %add3A_1395 = arith.constant 3271 : i32
      %add3A_1396 = vector.broadcast %add3A_1395 : i32 to vector<16xi32>
      %add3A_1397 = arith.addi %add3A_1394, %add3A_1396 : vector<16xi32>
      %gather3A_1398 = tpu.vector_load_idx %arg11[%add3A_1397] : memref<7072xf32, #tpu.memory_space<vmem>>[vector<16xi32>], vector<16xf32>,
      %le3A_1399 = arith.cmpf ole, %gather3A_1398, %get3A_1350 : vector<16xf32>
      %jit3A_1400 = arith.constant 8 : i32
      %jit3A_1401 = arith.constant 0 : i32
      %broadcast_in_dim3A_1402 = vector.broadcast %jit3A_1400 : i32 to vector<16xi32>
      %broadcast_in_dim3A_1403 = vector.broadcast %jit3A_1401 : i32 to vector<16xi32>
      %select_n3A_1404 = arith.select %le3A_1399, %broadcast_in_dim3A_1402, %broadcast_in_dim3A_1403 : vector<16xi1>, vector<16xi32>
      %add3A_1405 = arith.addi %add3A_1394, %select_n3A_1404 : vector<16xi32>
      %add3A_1406 = arith.constant 3267 : i32
      %add3A_1407 = vector.broadcast %add3A_1406 : i32 to vector<16xi32>
      %add3A_1408 = arith.addi %add3A_1405, %add3A_1407 : vector<16xi32>
      %gather3A_1409 = tpu.vector_load_idx %arg11[%add3A_1408] : memref<7072xf32, #tpu.memory_space<vmem>>[vector<16xi32>], vector<16xf32>,
      %le3A_1410 = arith.cmpf ole, %gather3A_1409, %get3A_1350 : vector<16xf32>
      %jit3A_1411 = arith.constant 4 : i32
      %jit3A_1412 = arith.constant 0 : i32
      %broadcast_in_dim3A_1413 = vector.broadcast %jit3A_1411 : i32 to vector<16xi32>
      %broadcast_in_dim3A_1414 = vector.broadcast %jit3A_1412 : i32 to vector<16xi32>
      %select_n3A_1415 = arith.select %le3A_1410, %broadcast_in_dim3A_1413, %broadcast_in_dim3A_1414 : vector<16xi1>, vector<16xi32>
      %add3A_1416 = arith.addi %add3A_1405, %select_n3A_1415 : vector<16xi32>
      %add3A_1417 = arith.constant 3265 : i32
      %add3A_1418 = vector.broadcast %add3A_1417 : i32 to vector<16xi32>
      %add3A_1419 = arith.addi %add3A_1416, %add3A_1418 : vector<16xi32>
      %gather3A_1420 = tpu.vector_load_idx %arg11[%add3A_1419] : memref<7072xf32, #tpu.memory_space<vmem>>[vector<16xi32>], vector<16xf32>,
      %le3A_1421 = arith.cmpf ole, %gather3A_1420, %get3A_1350 : vector<16xf32>
      %jit3A_1422 = arith.constant 2 : i32
      %jit3A_1423 = arith.constant 0 : i32
      %broadcast_in_dim3A_1424 = vector.broadcast %jit3A_1422 : i32 to vector<16xi32>
      %broadcast_in_dim3A_1425 = vector.broadcast %jit3A_1423 : i32 to vector<16xi32>
      %select_n3A_1426 = arith.select %le3A_1421, %broadcast_in_dim3A_1424, %broadcast_in_dim3A_1425 : vector<16xi1>, vector<16xi32>
      %add3A_1427 = arith.addi %add3A_1416, %select_n3A_1426 : vector<16xi32>
      %add3A_1428 = arith.constant 3264 : i32
      %add3A_1429 = vector.broadcast %add3A_1428 : i32 to vector<16xi32>
      %add3A_1430 = arith.addi %add3A_1427, %add3A_1429 : vector<16xi32>
      %gather3A_1431 = tpu.vector_load_idx %arg11[%add3A_1430] : memref<7072xf32, #tpu.memory_space<vmem>>[vector<16xi32>], vector<16xf32>,
      %le3A_1432 = arith.cmpf ole, %gather3A_1431, %get3A_1350 : vector<16xf32>
      %jit3A_1433 = arith.constant 1 : i32
      %jit3A_1434 = arith.constant 0 : i32
      %broadcast_in_dim3A_1435 = vector.broadcast %jit3A_1433 : i32 to vector<16xi32>
      %broadcast_in_dim3A_1436 = vector.broadcast %jit3A_1434 : i32 to vector<16xi32>
      %select_n3A_1437 = arith.select %le3A_1432, %broadcast_in_dim3A_1435, %broadcast_in_dim3A_1436 : vector<16xi1>, vector<16xi32>
      %add3A_1438 = arith.addi %add3A_1427, %select_n3A_1437 : vector<16xi32>
      %mul3A_1439 = arith.constant 3856 : i32
      %mul3A_1440 = vector.broadcast %mul3A_1439 : i32 to vector<16xi32>
      %mul3A_1441 = arith.muli %add3A_1438, %mul3A_1440 : vector<16xi32>
      %shift_right_arithmetic3A_1442 = arith.constant 16 : i32
      %shift_right_arithmetic3A_1443 = vector.broadcast %shift_right_arithmetic3A_1442 : i32 to vector<16xi32>
      %shift_right_arithmetic3A_1444 = arith.shrsi %mul3A_1441, %shift_right_arithmetic3A_1443 : vector<16xi32>
      %sub3A_1445 = arith.subi %add3A_1438, %shift_right_arithmetic3A_1444 : vector<16xi32>
      %add3A_1446 = arith.constant 3072 : i32
      %add3A_1447 = vector.broadcast %add3A_1446 : i32 to vector<16xi32>
      %add3A_1448 = arith.addi %sub3A_1445, %add3A_1447 : vector<16xi32>
      %gather3A_1449 = tpu.vector_load_idx %arg12[%add3A_1448] : memref<6656xf32, #tpu.memory_space<vmem>>[vector<16xi32>], vector<16xf32>,
      %add3A_1450 = arith.addf %add3A_1346, %gather3A_1449 : vector<16xf32>
      %get3A_1451 = arith.constant 13 : i32
      %get3A_1452 = arith.index_cast %get3A_1451 : i32 to index
      %get3A_1453 = arith.index_cast %mul3A_102 : i32 to index
      %get3A_1454 = tpu.vector_load %arg10[%get3A_1452, %get3A_1453] {strides = array<i32>} : memref<26x512xf32, #tpu.memory_space<vmem>>, vector<16xf32>,
      %add3A_1455 = arith.constant 3670 : i32
      %add3A_1456 = vector.broadcast %add3A_1455 : i32 to vector<16xi32>
      %add3A_1457 = arith.addi %broadcast_in_dim3A_9, %add3A_1456 : vector<16xi32>
      %gather3A_1458 = tpu.vector_load_idx %arg11[%add3A_1457] : memref<7072xf32, #tpu.memory_space<vmem>>[vector<16xi32>], vector<16xf32>,
      %le3A_1459 = arith.cmpf ole, %gather3A_1458, %get3A_1454 : vector<16xf32>
      %jit3A_1460 = arith.constant 136 : i32
      %jit3A_1461 = arith.constant 0 : i32
      %broadcast_in_dim3A_1462 = vector.broadcast %jit3A_1460 : i32 to vector<16xi32>
      %broadcast_in_dim3A_1463 = vector.broadcast %jit3A_1461 : i32 to vector<16xi32>
      %select_n3A_1464 = arith.select %le3A_1459, %broadcast_in_dim3A_1462, %broadcast_in_dim3A_1463 : vector<16xi1>, vector<16xi32>
      %add3A_1465 = arith.addi %broadcast_in_dim3A_9, %select_n3A_1464 : vector<16xi32>
      %add3A_1466 = arith.constant 3602 : i32
      %add3A_1467 = vector.broadcast %add3A_1466 : i32 to vector<16xi32>
      %add3A_1468 = arith.addi %add3A_1465, %add3A_1467 : vector<16xi32>
      %gather3A_1469 = tpu.vector_load_idx %arg11[%add3A_1468] : memref<7072xf32, #tpu.memory_space<vmem>>[vector<16xi32>], vector<16xf32>,
      %le3A_1470 = arith.cmpf ole, %gather3A_1469, %get3A_1454 : vector<16xf32>
      %jit3A_1471 = arith.constant 68 : i32
      %jit3A_1472 = arith.constant 0 : i32
      %broadcast_in_dim3A_1473 = vector.broadcast %jit3A_1471 : i32 to vector<16xi32>
      %broadcast_in_dim3A_1474 = vector.broadcast %jit3A_1472 : i32 to vector<16xi32>
      %select_n3A_1475 = arith.select %le3A_1470, %broadcast_in_dim3A_1473, %broadcast_in_dim3A_1474 : vector<16xi1>, vector<16xi32>
      %add3A_1476 = arith.addi %add3A_1465, %select_n3A_1475 : vector<16xi32>
      %add3A_1477 = arith.constant 3568 : i32
      %add3A_1478 = vector.broadcast %add3A_1477 : i32 to vector<16xi32>
      %add3A_1479 = arith.addi %add3A_1476, %add3A_1478 : vector<16xi32>
      %gather3A_1480 = tpu.vector_load_idx %arg11[%add3A_1479] : memref<7072xf32, #tpu.memory_space<vmem>>[vector<16xi32>], vector<16xf32>,
      %le3A_1481 = arith.cmpf ole, %gather3A_1480, %get3A_1454 : vector<16xf32>
      %jit3A_1482 = arith.constant 34 : i32
      %jit3A_1483 = arith.constant 0 : i32
      %broadcast_in_dim3A_1484 = vector.broadcast %jit3A_1482 : i32 to vector<16xi32>
      %broadcast_in_dim3A_1485 = vector.broadcast %jit3A_1483 : i32 to vector<16xi32>
      %select_n3A_1486 = arith.select %le3A_1481, %broadcast_in_dim3A_1484, %broadcast_in_dim3A_1485 : vector<16xi1>, vector<16xi32>
      %add3A_1487 = arith.addi %add3A_1476, %select_n3A_1486 : vector<16xi32>
      %add3A_1488 = arith.constant 3551 : i32
      %add3A_1489 = vector.broadcast %add3A_1488 : i32 to vector<16xi32>
      %add3A_1490 = arith.addi %add3A_1487, %add3A_1489 : vector<16xi32>
      %gather3A_1491 = tpu.vector_load_idx %arg11[%add3A_1490] : memref<7072xf32, #tpu.memory_space<vmem>>[vector<16xi32>], vector<16xf32>,
      %le3A_1492 = arith.cmpf ole, %gather3A_1491, %get3A_1454 : vector<16xf32>
      %jit3A_1493 = arith.constant 17 : i32
      %jit3A_1494 = arith.constant 0 : i32
      %broadcast_in_dim3A_1495 = vector.broadcast %jit3A_1493 : i32 to vector<16xi32>
      %broadcast_in_dim3A_1496 = vector.broadcast %jit3A_1494 : i32 to vector<16xi32>
      %select_n3A_1497 = arith.select %le3A_1492, %broadcast_in_dim3A_1495, %broadcast_in_dim3A_1496 : vector<16xi1>, vector<16xi32>
      %add3A_1498 = arith.addi %add3A_1487, %select_n3A_1497 : vector<16xi32>
      %add3A_1499 = arith.constant 3543 : i32
      %add3A_1500 = vector.broadcast %add3A_1499 : i32 to vector<16xi32>
      %add3A_1501 = arith.addi %add3A_1498, %add3A_1500 : vector<16xi32>
      %gather3A_1502 = tpu.vector_load_idx %arg11[%add3A_1501] : memref<7072xf32, #tpu.memory_space<vmem>>[vector<16xi32>], vector<16xf32>,
      %le3A_1503 = arith.cmpf ole, %gather3A_1502, %get3A_1454 : vector<16xf32>
      %jit3A_1504 = arith.constant 8 : i32
      %jit3A_1505 = arith.constant 0 : i32
      %broadcast_in_dim3A_1506 = vector.broadcast %jit3A_1504 : i32 to vector<16xi32>
      %broadcast_in_dim3A_1507 = vector.broadcast %jit3A_1505 : i32 to vector<16xi32>
      %select_n3A_1508 = arith.select %le3A_1503, %broadcast_in_dim3A_1506, %broadcast_in_dim3A_1507 : vector<16xi1>, vector<16xi32>
      %add3A_1509 = arith.addi %add3A_1498, %select_n3A_1508 : vector<16xi32>
      %add3A_1510 = arith.constant 3539 : i32
      %add3A_1511 = vector.broadcast %add3A_1510 : i32 to vector<16xi32>
      %add3A_1512 = arith.addi %add3A_1509, %add3A_1511 : vector<16xi32>
      %gather3A_1513 = tpu.vector_load_idx %arg11[%add3A_1512] : memref<7072xf32, #tpu.memory_space<vmem>>[vector<16xi32>], vector<16xf32>,
      %le3A_1514 = arith.cmpf ole, %gather3A_1513, %get3A_1454 : vector<16xf32>
      %jit3A_1515 = arith.constant 4 : i32
      %jit3A_1516 = arith.constant 0 : i32
      %broadcast_in_dim3A_1517 = vector.broadcast %jit3A_1515 : i32 to vector<16xi32>
      %broadcast_in_dim3A_1518 = vector.broadcast %jit3A_1516 : i32 to vector<16xi32>
      %select_n3A_1519 = arith.select %le3A_1514, %broadcast_in_dim3A_1517, %broadcast_in_dim3A_1518 : vector<16xi1>, vector<16xi32>
      %add3A_1520 = arith.addi %add3A_1509, %select_n3A_1519 : vector<16xi32>
      %add3A_1521 = arith.constant 3537 : i32
      %add3A_1522 = vector.broadcast %add3A_1521 : i32 to vector<16xi32>
      %add3A_1523 = arith.addi %add3A_1520, %add3A_1522 : vector<16xi32>
      %gather3A_1524 = tpu.vector_load_idx %arg11[%add3A_1523] : memref<7072xf32, #tpu.memory_space<vmem>>[vector<16xi32>], vector<16xf32>,
      %le3A_1525 = arith.cmpf ole, %gather3A_1524, %get3A_1454 : vector<16xf32>
      %jit3A_1526 = arith.constant 2 : i32
      %jit3A_1527 = arith.constant 0 : i32
      %broadcast_in_dim3A_1528 = vector.broadcast %jit3A_1526 : i32 to vector<16xi32>
      %broadcast_in_dim3A_1529 = vector.broadcast %jit3A_1527 : i32 to vector<16xi32>
      %select_n3A_1530 = arith.select %le3A_1525, %broadcast_in_dim3A_1528, %broadcast_in_dim3A_1529 : vector<16xi1>, vector<16xi32>
      %add3A_1531 = arith.addi %add3A_1520, %select_n3A_1530 : vector<16xi32>
      %add3A_1532 = arith.constant 3536 : i32
      %add3A_1533 = vector.broadcast %add3A_1532 : i32 to vector<16xi32>
      %add3A_1534 = arith.addi %add3A_1531, %add3A_1533 : vector<16xi32>
      %gather3A_1535 = tpu.vector_load_idx %arg11[%add3A_1534] : memref<7072xf32, #tpu.memory_space<vmem>>[vector<16xi32>], vector<16xf32>,
      %le3A_1536 = arith.cmpf ole, %gather3A_1535, %get3A_1454 : vector<16xf32>
      %jit3A_1537 = arith.constant 1 : i32
      %jit3A_1538 = arith.constant 0 : i32
      %broadcast_in_dim3A_1539 = vector.broadcast %jit3A_1537 : i32 to vector<16xi32>
      %broadcast_in_dim3A_1540 = vector.broadcast %jit3A_1538 : i32 to vector<16xi32>
      %select_n3A_1541 = arith.select %le3A_1536, %broadcast_in_dim3A_1539, %broadcast_in_dim3A_1540 : vector<16xi1>, vector<16xi32>
      %add3A_1542 = arith.addi %add3A_1531, %select_n3A_1541 : vector<16xi32>
      %mul3A_1543 = arith.constant 3856 : i32
      %mul3A_1544 = vector.broadcast %mul3A_1543 : i32 to vector<16xi32>
      %mul3A_1545 = arith.muli %add3A_1542, %mul3A_1544 : vector<16xi32>
      %shift_right_arithmetic3A_1546 = arith.constant 16 : i32
      %shift_right_arithmetic3A_1547 = vector.broadcast %shift_right_arithmetic3A_1546 : i32 to vector<16xi32>
      %shift_right_arithmetic3A_1548 = arith.shrsi %mul3A_1545, %shift_right_arithmetic3A_1547 : vector<16xi32>
      %sub3A_1549 = arith.subi %add3A_1542, %shift_right_arithmetic3A_1548 : vector<16xi32>
      %add3A_1550 = arith.constant 3328 : i32
      %add3A_1551 = vector.broadcast %add3A_1550 : i32 to vector<16xi32>
      %add3A_1552 = arith.addi %sub3A_1549, %add3A_1551 : vector<16xi32>
      %gather3A_1553 = tpu.vector_load_idx %arg12[%add3A_1552] : memref<6656xf32, #tpu.memory_space<vmem>>[vector<16xi32>], vector<16xf32>,
      %add3A_1554 = arith.addf %add3A_1450, %gather3A_1553 : vector<16xf32>
      %get3A_1555 = arith.constant 14 : i32
      %get3A_1556 = arith.index_cast %get3A_1555 : i32 to index
      %get3A_1557 = arith.index_cast %mul3A_102 : i32 to index
      %get3A_1558 = tpu.vector_load %arg10[%get3A_1556, %get3A_1557] {strides = array<i32>} : memref<26x512xf32, #tpu.memory_space<vmem>>, vector<16xf32>,
      %add3A_1559 = arith.constant 3942 : i32
      %add3A_1560 = vector.broadcast %add3A_1559 : i32 to vector<16xi32>
      %add3A_1561 = arith.addi %broadcast_in_dim3A_9, %add3A_1560 : vector<16xi32>
      %gather3A_1562 = tpu.vector_load_idx %arg11[%add3A_1561] : memref<7072xf32, #tpu.memory_space<vmem>>[vector<16xi32>], vector<16xf32>,
      %le3A_1563 = arith.cmpf ole, %gather3A_1562, %get3A_1558 : vector<16xf32>
      %jit3A_1564 = arith.constant 136 : i32
      %jit3A_1565 = arith.constant 0 : i32
      %broadcast_in_dim3A_1566 = vector.broadcast %jit3A_1564 : i32 to vector<16xi32>
      %broadcast_in_dim3A_1567 = vector.broadcast %jit3A_1565 : i32 to vector<16xi32>
      %select_n3A_1568 = arith.select %le3A_1563, %broadcast_in_dim3A_1566, %broadcast_in_dim3A_1567 : vector<16xi1>, vector<16xi32>
      %add3A_1569 = arith.addi %broadcast_in_dim3A_9, %select_n3A_1568 : vector<16xi32>
      %add3A_1570 = arith.constant 3874 : i32
      %add3A_1571 = vector.broadcast %add3A_1570 : i32 to vector<16xi32>
      %add3A_1572 = arith.addi %add3A_1569, %add3A_1571 : vector<16xi32>
      %gather3A_1573 = tpu.vector_load_idx %arg11[%add3A_1572] : memref<7072xf32, #tpu.memory_space<vmem>>[vector<16xi32>], vector<16xf32>,
      %le3A_1574 = arith.cmpf ole, %gather3A_1573, %get3A_1558 : vector<16xf32>
      %jit3A_1575 = arith.constant 68 : i32
      %jit3A_1576 = arith.constant 0 : i32
      %broadcast_in_dim3A_1577 = vector.broadcast %jit3A_1575 : i32 to vector<16xi32>
      %broadcast_in_dim3A_1578 = vector.broadcast %jit3A_1576 : i32 to vector<16xi32>
      %select_n3A_1579 = arith.select %le3A_1574, %broadcast_in_dim3A_1577, %broadcast_in_dim3A_1578 : vector<16xi1>, vector<16xi32>
      %add3A_1580 = arith.addi %add3A_1569, %select_n3A_1579 : vector<16xi32>
      %add3A_1581 = arith.constant 3840 : i32
      %add3A_1582 = vector.broadcast %add3A_1581 : i32 to vector<16xi32>
      %add3A_1583 = arith.addi %add3A_1580, %add3A_1582 : vector<16xi32>
      %gather3A_1584 = tpu.vector_load_idx %arg11[%add3A_1583] : memref<7072xf32, #tpu.memory_space<vmem>>[vector<16xi32>], vector<16xf32>,
      %le3A_1585 = arith.cmpf ole, %gather3A_1584, %get3A_1558 : vector<16xf32>
      %jit3A_1586 = arith.constant 34 : i32
      %jit3A_1587 = arith.constant 0 : i32
      %broadcast_in_dim3A_1588 = vector.broadcast %jit3A_1586 : i32 to vector<16xi32>
      %broadcast_in_dim3A_1589 = vector.broadcast %jit3A_1587 : i32 to vector<16xi32>
      %select_n3A_1590 = arith.select %le3A_1585, %broadcast_in_dim3A_1588, %broadcast_in_dim3A_1589 : vector<16xi1>, vector<16xi32>
      %add3A_1591 = arith.addi %add3A_1580, %select_n3A_1590 : vector<16xi32>
      %add3A_1592 = arith.constant 3823 : i32
      %add3A_1593 = vector.broadcast %add3A_1592 : i32 to vector<16xi32>
      %add3A_1594 = arith.addi %add3A_1591, %add3A_1593 : vector<16xi32>
      %gather3A_1595 = tpu.vector_load_idx %arg11[%add3A_1594] : memref<7072xf32, #tpu.memory_space<vmem>>[vector<16xi32>], vector<16xf32>,
      %le3A_1596 = arith.cmpf ole, %gather3A_1595, %get3A_1558 : vector<16xf32>
      %jit3A_1597 = arith.constant 17 : i32
      %jit3A_1598 = arith.constant 0 : i32
      %broadcast_in_dim3A_1599 = vector.broadcast %jit3A_1597 : i32 to vector<16xi32>
      %broadcast_in_dim3A_1600 = vector.broadcast %jit3A_1598 : i32 to vector<16xi32>
      %select_n3A_1601 = arith.select %le3A_1596, %broadcast_in_dim3A_1599, %broadcast_in_dim3A_1600 : vector<16xi1>, vector<16xi32>
      %add3A_1602 = arith.addi %add3A_1591, %select_n3A_1601 : vector<16xi32>
      %add3A_1603 = arith.constant 3815 : i32
      %add3A_1604 = vector.broadcast %add3A_1603 : i32 to vector<16xi32>
      %add3A_1605 = arith.addi %add3A_1602, %add3A_1604 : vector<16xi32>
      %gather3A_1606 = tpu.vector_load_idx %arg11[%add3A_1605] : memref<7072xf32, #tpu.memory_space<vmem>>[vector<16xi32>], vector<16xf32>,
      %le3A_1607 = arith.cmpf ole, %gather3A_1606, %get3A_1558 : vector<16xf32>
      %jit3A_1608 = arith.constant 8 : i32
      %jit3A_1609 = arith.constant 0 : i32
      %broadcast_in_dim3A_1610 = vector.broadcast %jit3A_1608 : i32 to vector<16xi32>
      %broadcast_in_dim3A_1611 = vector.broadcast %jit3A_1609 : i32 to vector<16xi32>
      %select_n3A_1612 = arith.select %le3A_1607, %broadcast_in_dim3A_1610, %broadcast_in_dim3A_1611 : vector<16xi1>, vector<16xi32>
      %add3A_1613 = arith.addi %add3A_1602, %select_n3A_1612 : vector<16xi32>
      %add3A_1614 = arith.constant 3811 : i32
      %add3A_1615 = vector.broadcast %add3A_1614 : i32 to vector<16xi32>
      %add3A_1616 = arith.addi %add3A_1613, %add3A_1615 : vector<16xi32>
      %gather3A_1617 = tpu.vector_load_idx %arg11[%add3A_1616] : memref<7072xf32, #tpu.memory_space<vmem>>[vector<16xi32>], vector<16xf32>,
      %le3A_1618 = arith.cmpf ole, %gather3A_1617, %get3A_1558 : vector<16xf32>
      %jit3A_1619 = arith.constant 4 : i32
      %jit3A_1620 = arith.constant 0 : i32
      %broadcast_in_dim3A_1621 = vector.broadcast %jit3A_1619 : i32 to vector<16xi32>
      %broadcast_in_dim3A_1622 = vector.broadcast %jit3A_1620 : i32 to vector<16xi32>
      %select_n3A_1623 = arith.select %le3A_1618, %broadcast_in_dim3A_1621, %broadcast_in_dim3A_1622 : vector<16xi1>, vector<16xi32>
      %add3A_1624 = arith.addi %add3A_1613, %select_n3A_1623 : vector<16xi32>
      %add3A_1625 = arith.constant 3809 : i32
      %add3A_1626 = vector.broadcast %add3A_1625 : i32 to vector<16xi32>
      %add3A_1627 = arith.addi %add3A_1624, %add3A_1626 : vector<16xi32>
      %gather3A_1628 = tpu.vector_load_idx %arg11[%add3A_1627] : memref<7072xf32, #tpu.memory_space<vmem>>[vector<16xi32>], vector<16xf32>,
      %le3A_1629 = arith.cmpf ole, %gather3A_1628, %get3A_1558 : vector<16xf32>
      %jit3A_1630 = arith.constant 2 : i32
      %jit3A_1631 = arith.constant 0 : i32
      %broadcast_in_dim3A_1632 = vector.broadcast %jit3A_1630 : i32 to vector<16xi32>
      %broadcast_in_dim3A_1633 = vector.broadcast %jit3A_1631 : i32 to vector<16xi32>
      %select_n3A_1634 = arith.select %le3A_1629, %broadcast_in_dim3A_1632, %broadcast_in_dim3A_1633 : vector<16xi1>, vector<16xi32>
      %add3A_1635 = arith.addi %add3A_1624, %select_n3A_1634 : vector<16xi32>
      %add3A_1636 = arith.constant 3808 : i32
      %add3A_1637 = vector.broadcast %add3A_1636 : i32 to vector<16xi32>
      %add3A_1638 = arith.addi %add3A_1635, %add3A_1637 : vector<16xi32>
      %gather3A_1639 = tpu.vector_load_idx %arg11[%add3A_1638] : memref<7072xf32, #tpu.memory_space<vmem>>[vector<16xi32>], vector<16xf32>,
      %le3A_1640 = arith.cmpf ole, %gather3A_1639, %get3A_1558 : vector<16xf32>
      %jit3A_1641 = arith.constant 1 : i32
      %jit3A_1642 = arith.constant 0 : i32
      %broadcast_in_dim3A_1643 = vector.broadcast %jit3A_1641 : i32 to vector<16xi32>
      %broadcast_in_dim3A_1644 = vector.broadcast %jit3A_1642 : i32 to vector<16xi32>
      %select_n3A_1645 = arith.select %le3A_1640, %broadcast_in_dim3A_1643, %broadcast_in_dim3A_1644 : vector<16xi1>, vector<16xi32>
      %add3A_1646 = arith.addi %add3A_1635, %select_n3A_1645 : vector<16xi32>
      %mul3A_1647 = arith.constant 3856 : i32
      %mul3A_1648 = vector.broadcast %mul3A_1647 : i32 to vector<16xi32>
      %mul3A_1649 = arith.muli %add3A_1646, %mul3A_1648 : vector<16xi32>
      %shift_right_arithmetic3A_1650 = arith.constant 16 : i32
      %shift_right_arithmetic3A_1651 = vector.broadcast %shift_right_arithmetic3A_1650 : i32 to vector<16xi32>
      %shift_right_arithmetic3A_1652 = arith.shrsi %mul3A_1649, %shift_right_arithmetic3A_1651 : vector<16xi32>
      %sub3A_1653 = arith.subi %add3A_1646, %shift_right_arithmetic3A_1652 : vector<16xi32>
      %add3A_1654 = arith.constant 3584 : i32
      %add3A_1655 = vector.broadcast %add3A_1654 : i32 to vector<16xi32>
      %add3A_1656 = arith.addi %sub3A_1653, %add3A_1655 : vector<16xi32>
      %gather3A_1657 = tpu.vector_load_idx %arg12[%add3A_1656] : memref<6656xf32, #tpu.memory_space<vmem>>[vector<16xi32>], vector<16xf32>,
      %add3A_1658 = arith.addf %add3A_1554, %gather3A_1657 : vector<16xf32>
      %get3A_1659 = arith.constant 15 : i32
      %get3A_1660 = arith.index_cast %get3A_1659 : i32 to index
      %get3A_1661 = arith.index_cast %mul3A_102 : i32 to index
      %get3A_1662 = tpu.vector_load %arg10[%get3A_1660, %get3A_1661] {strides = array<i32>} : memref<26x512xf32, #tpu.memory_space<vmem>>, vector<16xf32>,
      %add3A_1663 = arith.constant 4214 : i32
      %add3A_1664 = vector.broadcast %add3A_1663 : i32 to vector<16xi32>
      %add3A_1665 = arith.addi %broadcast_in_dim3A_9, %add3A_1664 : vector<16xi32>
      %gather3A_1666 = tpu.vector_load_idx %arg11[%add3A_1665] : memref<7072xf32, #tpu.memory_space<vmem>>[vector<16xi32>], vector<16xf32>,
      %le3A_1667 = arith.cmpf ole, %gather3A_1666, %get3A_1662 : vector<16xf32>
      %jit3A_1668 = arith.constant 136 : i32
      %jit3A_1669 = arith.constant 0 : i32
      %broadcast_in_dim3A_1670 = vector.broadcast %jit3A_1668 : i32 to vector<16xi32>
      %broadcast_in_dim3A_1671 = vector.broadcast %jit3A_1669 : i32 to vector<16xi32>
      %select_n3A_1672 = arith.select %le3A_1667, %broadcast_in_dim3A_1670, %broadcast_in_dim3A_1671 : vector<16xi1>, vector<16xi32>
      %add3A_1673 = arith.addi %broadcast_in_dim3A_9, %select_n3A_1672 : vector<16xi32>
      %add3A_1674 = arith.constant 4146 : i32
      %add3A_1675 = vector.broadcast %add3A_1674 : i32 to vector<16xi32>
      %add3A_1676 = arith.addi %add3A_1673, %add3A_1675 : vector<16xi32>
      %gather3A_1677 = tpu.vector_load_idx %arg11[%add3A_1676] : memref<7072xf32, #tpu.memory_space<vmem>>[vector<16xi32>], vector<16xf32>,
      %le3A_1678 = arith.cmpf ole, %gather3A_1677, %get3A_1662 : vector<16xf32>
      %jit3A_1679 = arith.constant 68 : i32
      %jit3A_1680 = arith.constant 0 : i32
      %broadcast_in_dim3A_1681 = vector.broadcast %jit3A_1679 : i32 to vector<16xi32>
      %broadcast_in_dim3A_1682 = vector.broadcast %jit3A_1680 : i32 to vector<16xi32>
      %select_n3A_1683 = arith.select %le3A_1678, %broadcast_in_dim3A_1681, %broadcast_in_dim3A_1682 : vector<16xi1>, vector<16xi32>
      %add3A_1684 = arith.addi %add3A_1673, %select_n3A_1683 : vector<16xi32>
      %add3A_1685 = arith.constant 4112 : i32
      %add3A_1686 = vector.broadcast %add3A_1685 : i32 to vector<16xi32>
      %add3A_1687 = arith.addi %add3A_1684, %add3A_1686 : vector<16xi32>
      %gather3A_1688 = tpu.vector_load_idx %arg11[%add3A_1687] : memref<7072xf32, #tpu.memory_space<vmem>>[vector<16xi32>], vector<16xf32>,
      %le3A_1689 = arith.cmpf ole, %gather3A_1688, %get3A_1662 : vector<16xf32>
      %jit3A_1690 = arith.constant 34 : i32
      %jit3A_1691 = arith.constant 0 : i32
      %broadcast_in_dim3A_1692 = vector.broadcast %jit3A_1690 : i32 to vector<16xi32>
      %broadcast_in_dim3A_1693 = vector.broadcast %jit3A_1691 : i32 to vector<16xi32>
      %select_n3A_1694 = arith.select %le3A_1689, %broadcast_in_dim3A_1692, %broadcast_in_dim3A_1693 : vector<16xi1>, vector<16xi32>
      %add3A_1695 = arith.addi %add3A_1684, %select_n3A_1694 : vector<16xi32>
      %add3A_1696 = arith.constant 4095 : i32
      %add3A_1697 = vector.broadcast %add3A_1696 : i32 to vector<16xi32>
      %add3A_1698 = arith.addi %add3A_1695, %add3A_1697 : vector<16xi32>
      %gather3A_1699 = tpu.vector_load_idx %arg11[%add3A_1698] : memref<7072xf32, #tpu.memory_space<vmem>>[vector<16xi32>], vector<16xf32>,
      %le3A_1700 = arith.cmpf ole, %gather3A_1699, %get3A_1662 : vector<16xf32>
      %jit3A_1701 = arith.constant 17 : i32
      %jit3A_1702 = arith.constant 0 : i32
      %broadcast_in_dim3A_1703 = vector.broadcast %jit3A_1701 : i32 to vector<16xi32>
      %broadcast_in_dim3A_1704 = vector.broadcast %jit3A_1702 : i32 to vector<16xi32>
      %select_n3A_1705 = arith.select %le3A_1700, %broadcast_in_dim3A_1703, %broadcast_in_dim3A_1704 : vector<16xi1>, vector<16xi32>
      %add3A_1706 = arith.addi %add3A_1695, %select_n3A_1705 : vector<16xi32>
      %add3A_1707 = arith.constant 4087 : i32
      %add3A_1708 = vector.broadcast %add3A_1707 : i32 to vector<16xi32>
      %add3A_1709 = arith.addi %add3A_1706, %add3A_1708 : vector<16xi32>
      %gather3A_1710 = tpu.vector_load_idx %arg11[%add3A_1709] : memref<7072xf32, #tpu.memory_space<vmem>>[vector<16xi32>], vector<16xf32>,
      %le3A_1711 = arith.cmpf ole, %gather3A_1710, %get3A_1662 : vector<16xf32>
      %jit3A_1712 = arith.constant 8 : i32
      %jit3A_1713 = arith.constant 0 : i32
      %broadcast_in_dim3A_1714 = vector.broadcast %jit3A_1712 : i32 to vector<16xi32>
      %broadcast_in_dim3A_1715 = vector.broadcast %jit3A_1713 : i32 to vector<16xi32>
      %select_n3A_1716 = arith.select %le3A_1711, %broadcast_in_dim3A_1714, %broadcast_in_dim3A_1715 : vector<16xi1>, vector<16xi32>
      %add3A_1717 = arith.addi %add3A_1706, %select_n3A_1716 : vector<16xi32>
      %add3A_1718 = arith.constant 4083 : i32
      %add3A_1719 = vector.broadcast %add3A_1718 : i32 to vector<16xi32>
      %add3A_1720 = arith.addi %add3A_1717, %add3A_1719 : vector<16xi32>
      %gather3A_1721 = tpu.vector_load_idx %arg11[%add3A_1720] : memref<7072xf32, #tpu.memory_space<vmem>>[vector<16xi32>], vector<16xf32>,
      %le3A_1722 = arith.cmpf ole, %gather3A_1721, %get3A_1662 : vector<16xf32>
      %jit3A_1723 = arith.constant 4 : i32
      %jit3A_1724 = arith.constant 0 : i32
      %broadcast_in_dim3A_1725 = vector.broadcast %jit3A_1723 : i32 to vector<16xi32>
      %broadcast_in_dim3A_1726 = vector.broadcast %jit3A_1724 : i32 to vector<16xi32>
      %select_n3A_1727 = arith.select %le3A_1722, %broadcast_in_dim3A_1725, %broadcast_in_dim3A_1726 : vector<16xi1>, vector<16xi32>
      %add3A_1728 = arith.addi %add3A_1717, %select_n3A_1727 : vector<16xi32>
      %add3A_1729 = arith.constant 4081 : i32
      %add3A_1730 = vector.broadcast %add3A_1729 : i32 to vector<16xi32>
      %add3A_1731 = arith.addi %add3A_1728, %add3A_1730 : vector<16xi32>
      %gather3A_1732 = tpu.vector_load_idx %arg11[%add3A_1731] : memref<7072xf32, #tpu.memory_space<vmem>>[vector<16xi32>], vector<16xf32>,
      %le3A_1733 = arith.cmpf ole, %gather3A_1732, %get3A_1662 : vector<16xf32>
      %jit3A_1734 = arith.constant 2 : i32
      %jit3A_1735 = arith.constant 0 : i32
      %broadcast_in_dim3A_1736 = vector.broadcast %jit3A_1734 : i32 to vector<16xi32>
      %broadcast_in_dim3A_1737 = vector.broadcast %jit3A_1735 : i32 to vector<16xi32>
      %select_n3A_1738 = arith.select %le3A_1733, %broadcast_in_dim3A_1736, %broadcast_in_dim3A_1737 : vector<16xi1>, vector<16xi32>
      %add3A_1739 = arith.addi %add3A_1728, %select_n3A_1738 : vector<16xi32>
      %add3A_1740 = arith.constant 4080 : i32
      %add3A_1741 = vector.broadcast %add3A_1740 : i32 to vector<16xi32>
      %add3A_1742 = arith.addi %add3A_1739, %add3A_1741 : vector<16xi32>
      %gather3A_1743 = tpu.vector_load_idx %arg11[%add3A_1742] : memref<7072xf32, #tpu.memory_space<vmem>>[vector<16xi32>], vector<16xf32>,
      %le3A_1744 = arith.cmpf ole, %gather3A_1743, %get3A_1662 : vector<16xf32>
      %jit3A_1745 = arith.constant 1 : i32
      %jit3A_1746 = arith.constant 0 : i32
      %broadcast_in_dim3A_1747 = vector.broadcast %jit3A_1745 : i32 to vector<16xi32>
      %broadcast_in_dim3A_1748 = vector.broadcast %jit3A_1746 : i32 to vector<16xi32>
      %select_n3A_1749 = arith.select %le3A_1744, %broadcast_in_dim3A_1747, %broadcast_in_dim3A_1748 : vector<16xi1>, vector<16xi32>
      %add3A_1750 = arith.addi %add3A_1739, %select_n3A_1749 : vector<16xi32>
      %mul3A_1751 = arith.constant 3856 : i32
      %mul3A_1752 = vector.broadcast %mul3A_1751 : i32 to vector<16xi32>
      %mul3A_1753 = arith.muli %add3A_1750, %mul3A_1752 : vector<16xi32>
      %shift_right_arithmetic3A_1754 = arith.constant 16 : i32
      %shift_right_arithmetic3A_1755 = vector.broadcast %shift_right_arithmetic3A_1754 : i32 to vector<16xi32>
      %shift_right_arithmetic3A_1756 = arith.shrsi %mul3A_1753, %shift_right_arithmetic3A_1755 : vector<16xi32>
      %sub3A_1757 = arith.subi %add3A_1750, %shift_right_arithmetic3A_1756 : vector<16xi32>
      %add3A_1758 = arith.constant 3840 : i32
      %add3A_1759 = vector.broadcast %add3A_1758 : i32 to vector<16xi32>
      %add3A_1760 = arith.addi %sub3A_1757, %add3A_1759 : vector<16xi32>
      %gather3A_1761 = tpu.vector_load_idx %arg12[%add3A_1760] : memref<6656xf32, #tpu.memory_space<vmem>>[vector<16xi32>], vector<16xf32>,
      %add3A_1762 = arith.addf %add3A_1658, %gather3A_1761 : vector<16xf32>
      %get3A_1763 = arith.constant 16 : i32
      %get3A_1764 = arith.index_cast %get3A_1763 : i32 to index
      %get3A_1765 = arith.index_cast %mul3A_102 : i32 to index
      %get3A_1766 = tpu.vector_load %arg10[%get3A_1764, %get3A_1765] {strides = array<i32>} : memref<26x512xf32, #tpu.memory_space<vmem>>, vector<16xf32>,
      %add3A_1767 = arith.constant 4486 : i32
      %add3A_1768 = vector.broadcast %add3A_1767 : i32 to vector<16xi32>
      %add3A_1769 = arith.addi %broadcast_in_dim3A_9, %add3A_1768 : vector<16xi32>
      %gather3A_1770 = tpu.vector_load_idx %arg11[%add3A_1769] : memref<7072xf32, #tpu.memory_space<vmem>>[vector<16xi32>], vector<16xf32>,
      %le3A_1771 = arith.cmpf ole, %gather3A_1770, %get3A_1766 : vector<16xf32>
      %jit3A_1772 = arith.constant 136 : i32
      %jit3A_1773 = arith.constant 0 : i32
      %broadcast_in_dim3A_1774 = vector.broadcast %jit3A_1772 : i32 to vector<16xi32>
      %broadcast_in_dim3A_1775 = vector.broadcast %jit3A_1773 : i32 to vector<16xi32>
      %select_n3A_1776 = arith.select %le3A_1771, %broadcast_in_dim3A_1774, %broadcast_in_dim3A_1775 : vector<16xi1>, vector<16xi32>
      %add3A_1777 = arith.addi %broadcast_in_dim3A_9, %select_n3A_1776 : vector<16xi32>
      %add3A_1778 = arith.constant 4418 : i32
      %add3A_1779 = vector.broadcast %add3A_1778 : i32 to vector<16xi32>
      %add3A_1780 = arith.addi %add3A_1777, %add3A_1779 : vector<16xi32>
      %gather3A_1781 = tpu.vector_load_idx %arg11[%add3A_1780] : memref<7072xf32, #tpu.memory_space<vmem>>[vector<16xi32>], vector<16xf32>,
      %le3A_1782 = arith.cmpf ole, %gather3A_1781, %get3A_1766 : vector<16xf32>
      %jit3A_1783 = arith.constant 68 : i32
      %jit3A_1784 = arith.constant 0 : i32
      %broadcast_in_dim3A_1785 = vector.broadcast %jit3A_1783 : i32 to vector<16xi32>
      %broadcast_in_dim3A_1786 = vector.broadcast %jit3A_1784 : i32 to vector<16xi32>
      %select_n3A_1787 = arith.select %le3A_1782, %broadcast_in_dim3A_1785, %broadcast_in_dim3A_1786 : vector<16xi1>, vector<16xi32>
      %add3A_1788 = arith.addi %add3A_1777, %select_n3A_1787 : vector<16xi32>
      %add3A_1789 = arith.constant 4384 : i32
      %add3A_1790 = vector.broadcast %add3A_1789 : i32 to vector<16xi32>
      %add3A_1791 = arith.addi %add3A_1788, %add3A_1790 : vector<16xi32>
      %gather3A_1792 = tpu.vector_load_idx %arg11[%add3A_1791] : memref<7072xf32, #tpu.memory_space<vmem>>[vector<16xi32>], vector<16xf32>,
      %le3A_1793 = arith.cmpf ole, %gather3A_1792, %get3A_1766 : vector<16xf32>
      %jit3A_1794 = arith.constant 34 : i32
      %jit3A_1795 = arith.constant 0 : i32
      %broadcast_in_dim3A_1796 = vector.broadcast %jit3A_1794 : i32 to vector<16xi32>
      %broadcast_in_dim3A_1797 = vector.broadcast %jit3A_1795 : i32 to vector<16xi32>
      %select_n3A_1798 = arith.select %le3A_1793, %broadcast_in_dim3A_1796, %broadcast_in_dim3A_1797 : vector<16xi1>, vector<16xi32>
      %add3A_1799 = arith.addi %add3A_1788, %select_n3A_1798 : vector<16xi32>
      %add3A_1800 = arith.constant 4367 : i32
      %add3A_1801 = vector.broadcast %add3A_1800 : i32 to vector<16xi32>
      %add3A_1802 = arith.addi %add3A_1799, %add3A_1801 : vector<16xi32>
      %gather3A_1803 = tpu.vector_load_idx %arg11[%add3A_1802] : memref<7072xf32, #tpu.memory_space<vmem>>[vector<16xi32>], vector<16xf32>,
      %le3A_1804 = arith.cmpf ole, %gather3A_1803, %get3A_1766 : vector<16xf32>
      %jit3A_1805 = arith.constant 17 : i32
      %jit3A_1806 = arith.constant 0 : i32
      %broadcast_in_dim3A_1807 = vector.broadcast %jit3A_1805 : i32 to vector<16xi32>
      %broadcast_in_dim3A_1808 = vector.broadcast %jit3A_1806 : i32 to vector<16xi32>
      %select_n3A_1809 = arith.select %le3A_1804, %broadcast_in_dim3A_1807, %broadcast_in_dim3A_1808 : vector<16xi1>, vector<16xi32>
      %add3A_1810 = arith.addi %add3A_1799, %select_n3A_1809 : vector<16xi32>
      %add3A_1811 = arith.constant 4359 : i32
      %add3A_1812 = vector.broadcast %add3A_1811 : i32 to vector<16xi32>
      %add3A_1813 = arith.addi %add3A_1810, %add3A_1812 : vector<16xi32>
      %gather3A_1814 = tpu.vector_load_idx %arg11[%add3A_1813] : memref<7072xf32, #tpu.memory_space<vmem>>[vector<16xi32>], vector<16xf32>,
      %le3A_1815 = arith.cmpf ole, %gather3A_1814, %get3A_1766 : vector<16xf32>
      %jit3A_1816 = arith.constant 8 : i32
      %jit3A_1817 = arith.constant 0 : i32
      %broadcast_in_dim3A_1818 = vector.broadcast %jit3A_1816 : i32 to vector<16xi32>
      %broadcast_in_dim3A_1819 = vector.broadcast %jit3A_1817 : i32 to vector<16xi32>
      %select_n3A_1820 = arith.select %le3A_1815, %broadcast_in_dim3A_1818, %broadcast_in_dim3A_1819 : vector<16xi1>, vector<16xi32>
      %add3A_1821 = arith.addi %add3A_1810, %select_n3A_1820 : vector<16xi32>
      %add3A_1822 = arith.constant 4355 : i32
      %add3A_1823 = vector.broadcast %add3A_1822 : i32 to vector<16xi32>
      %add3A_1824 = arith.addi %add3A_1821, %add3A_1823 : vector<16xi32>
      %gather3A_1825 = tpu.vector_load_idx %arg11[%add3A_1824] : memref<7072xf32, #tpu.memory_space<vmem>>[vector<16xi32>], vector<16xf32>,
      %le3A_1826 = arith.cmpf ole, %gather3A_1825, %get3A_1766 : vector<16xf32>
      %jit3A_1827 = arith.constant 4 : i32
      %jit3A_1828 = arith.constant 0 : i32
      %broadcast_in_dim3A_1829 = vector.broadcast %jit3A_1827 : i32 to vector<16xi32>
      %broadcast_in_dim3A_1830 = vector.broadcast %jit3A_1828 : i32 to vector<16xi32>
      %select_n3A_1831 = arith.select %le3A_1826, %broadcast_in_dim3A_1829, %broadcast_in_dim3A_1830 : vector<16xi1>, vector<16xi32>
      %add3A_1832 = arith.addi %add3A_1821, %select_n3A_1831 : vector<16xi32>
      %add3A_1833 = arith.constant 4353 : i32
      %add3A_1834 = vector.broadcast %add3A_1833 : i32 to vector<16xi32>
      %add3A_1835 = arith.addi %add3A_1832, %add3A_1834 : vector<16xi32>
      %gather3A_1836 = tpu.vector_load_idx %arg11[%add3A_1835] : memref<7072xf32, #tpu.memory_space<vmem>>[vector<16xi32>], vector<16xf32>,
      %le3A_1837 = arith.cmpf ole, %gather3A_1836, %get3A_1766 : vector<16xf32>
      %jit3A_1838 = arith.constant 2 : i32
      %jit3A_1839 = arith.constant 0 : i32
      %broadcast_in_dim3A_1840 = vector.broadcast %jit3A_1838 : i32 to vector<16xi32>
      %broadcast_in_dim3A_1841 = vector.broadcast %jit3A_1839 : i32 to vector<16xi32>
      %select_n3A_1842 = arith.select %le3A_1837, %broadcast_in_dim3A_1840, %broadcast_in_dim3A_1841 : vector<16xi1>, vector<16xi32>
      %add3A_1843 = arith.addi %add3A_1832, %select_n3A_1842 : vector<16xi32>
      %add3A_1844 = arith.constant 4352 : i32
      %add3A_1845 = vector.broadcast %add3A_1844 : i32 to vector<16xi32>
      %add3A_1846 = arith.addi %add3A_1843, %add3A_1845 : vector<16xi32>
      %gather3A_1847 = tpu.vector_load_idx %arg11[%add3A_1846] : memref<7072xf32, #tpu.memory_space<vmem>>[vector<16xi32>], vector<16xf32>,
      %le3A_1848 = arith.cmpf ole, %gather3A_1847, %get3A_1766 : vector<16xf32>
      %jit3A_1849 = arith.constant 1 : i32
      %jit3A_1850 = arith.constant 0 : i32
      %broadcast_in_dim3A_1851 = vector.broadcast %jit3A_1849 : i32 to vector<16xi32>
      %broadcast_in_dim3A_1852 = vector.broadcast %jit3A_1850 : i32 to vector<16xi32>
      %select_n3A_1853 = arith.select %le3A_1848, %broadcast_in_dim3A_1851, %broadcast_in_dim3A_1852 : vector<16xi1>, vector<16xi32>
      %add3A_1854 = arith.addi %add3A_1843, %select_n3A_1853 : vector<16xi32>
      %mul3A_1855 = arith.constant 3856 : i32
      %mul3A_1856 = vector.broadcast %mul3A_1855 : i32 to vector<16xi32>
      %mul3A_1857 = arith.muli %add3A_1854, %mul3A_1856 : vector<16xi32>
      %shift_right_arithmetic3A_1858 = arith.constant 16 : i32
      %shift_right_arithmetic3A_1859 = vector.broadcast %shift_right_arithmetic3A_1858 : i32 to vector<16xi32>
      %shift_right_arithmetic3A_1860 = arith.shrsi %mul3A_1857, %shift_right_arithmetic3A_1859 : vector<16xi32>
      %sub3A_1861 = arith.subi %add3A_1854, %shift_right_arithmetic3A_1860 : vector<16xi32>
      %add3A_1862 = arith.constant 4096 : i32
      %add3A_1863 = vector.broadcast %add3A_1862 : i32 to vector<16xi32>
      %add3A_1864 = arith.addi %sub3A_1861, %add3A_1863 : vector<16xi32>
      %gather3A_1865 = tpu.vector_load_idx %arg12[%add3A_1864] : memref<6656xf32, #tpu.memory_space<vmem>>[vector<16xi32>], vector<16xf32>,
      %add3A_1866 = arith.addf %add3A_1762, %gather3A_1865 : vector<16xf32>
      %get3A_1867 = arith.constant 17 : i32
      %get3A_1868 = arith.index_cast %get3A_1867 : i32 to index
      %get3A_1869 = arith.index_cast %mul3A_102 : i32 to index
      %get3A_1870 = tpu.vector_load %arg10[%get3A_1868, %get3A_1869] {strides = array<i32>} : memref<26x512xf32, #tpu.memory_space<vmem>>, vector<16xf32>,
      %add3A_1871 = arith.constant 4758 : i32
      %add3A_1872 = vector.broadcast %add3A_1871 : i32 to vector<16xi32>
      %add3A_1873 = arith.addi %broadcast_in_dim3A_9, %add3A_1872 : vector<16xi32>
      %gather3A_1874 = tpu.vector_load_idx %arg11[%add3A_1873] : memref<7072xf32, #tpu.memory_space<vmem>>[vector<16xi32>], vector<16xf32>,
      %le3A_1875 = arith.cmpf ole, %gather3A_1874, %get3A_1870 : vector<16xf32>
      %jit3A_1876 = arith.constant 136 : i32
      %jit3A_1877 = arith.constant 0 : i32
      %broadcast_in_dim3A_1878 = vector.broadcast %jit3A_1876 : i32 to vector<16xi32>
      %broadcast_in_dim3A_1879 = vector.broadcast %jit3A_1877 : i32 to vector<16xi32>
      %select_n3A_1880 = arith.select %le3A_1875, %broadcast_in_dim3A_1878, %broadcast_in_dim3A_1879 : vector<16xi1>, vector<16xi32>
      %add3A_1881 = arith.addi %broadcast_in_dim3A_9, %select_n3A_1880 : vector<16xi32>
      %add3A_1882 = arith.constant 4690 : i32
      %add3A_1883 = vector.broadcast %add3A_1882 : i32 to vector<16xi32>
      %add3A_1884 = arith.addi %add3A_1881, %add3A_1883 : vector<16xi32>
      %gather3A_1885 = tpu.vector_load_idx %arg11[%add3A_1884] : memref<7072xf32, #tpu.memory_space<vmem>>[vector<16xi32>], vector<16xf32>,
      %le3A_1886 = arith.cmpf ole, %gather3A_1885, %get3A_1870 : vector<16xf32>
      %jit3A_1887 = arith.constant 68 : i32
      %jit3A_1888 = arith.constant 0 : i32
      %broadcast_in_dim3A_1889 = vector.broadcast %jit3A_1887 : i32 to vector<16xi32>
      %broadcast_in_dim3A_1890 = vector.broadcast %jit3A_1888 : i32 to vector<16xi32>
      %select_n3A_1891 = arith.select %le3A_1886, %broadcast_in_dim3A_1889, %broadcast_in_dim3A_1890 : vector<16xi1>, vector<16xi32>
      %add3A_1892 = arith.addi %add3A_1881, %select_n3A_1891 : vector<16xi32>
      %add3A_1893 = arith.constant 4656 : i32
      %add3A_1894 = vector.broadcast %add3A_1893 : i32 to vector<16xi32>
      %add3A_1895 = arith.addi %add3A_1892, %add3A_1894 : vector<16xi32>
      %gather3A_1896 = tpu.vector_load_idx %arg11[%add3A_1895] : memref<7072xf32, #tpu.memory_space<vmem>>[vector<16xi32>], vector<16xf32>,
      %le3A_1897 = arith.cmpf ole, %gather3A_1896, %get3A_1870 : vector<16xf32>
      %jit3A_1898 = arith.constant 34 : i32
      %jit3A_1899 = arith.constant 0 : i32
      %broadcast_in_dim3A_1900 = vector.broadcast %jit3A_1898 : i32 to vector<16xi32>
      %broadcast_in_dim3A_1901 = vector.broadcast %jit3A_1899 : i32 to vector<16xi32>
      %select_n3A_1902 = arith.select %le3A_1897, %broadcast_in_dim3A_1900, %broadcast_in_dim3A_1901 : vector<16xi1>, vector<16xi32>
      %add3A_1903 = arith.addi %add3A_1892, %select_n3A_1902 : vector<16xi32>
      %add3A_1904 = arith.constant 4639 : i32
      %add3A_1905 = vector.broadcast %add3A_1904 : i32 to vector<16xi32>
      %add3A_1906 = arith.addi %add3A_1903, %add3A_1905 : vector<16xi32>
      %gather3A_1907 = tpu.vector_load_idx %arg11[%add3A_1906] : memref<7072xf32, #tpu.memory_space<vmem>>[vector<16xi32>], vector<16xf32>,
      %le3A_1908 = arith.cmpf ole, %gather3A_1907, %get3A_1870 : vector<16xf32>
      %jit3A_1909 = arith.constant 17 : i32
      %jit3A_1910 = arith.constant 0 : i32
      %broadcast_in_dim3A_1911 = vector.broadcast %jit3A_1909 : i32 to vector<16xi32>
      %broadcast_in_dim3A_1912 = vector.broadcast %jit3A_1910 : i32 to vector<16xi32>
      %select_n3A_1913 = arith.select %le3A_1908, %broadcast_in_dim3A_1911, %broadcast_in_dim3A_1912 : vector<16xi1>, vector<16xi32>
      %add3A_1914 = arith.addi %add3A_1903, %select_n3A_1913 : vector<16xi32>
      %add3A_1915 = arith.constant 4631 : i32
      %add3A_1916 = vector.broadcast %add3A_1915 : i32 to vector<16xi32>
      %add3A_1917 = arith.addi %add3A_1914, %add3A_1916 : vector<16xi32>
      %gather3A_1918 = tpu.vector_load_idx %arg11[%add3A_1917] : memref<7072xf32, #tpu.memory_space<vmem>>[vector<16xi32>], vector<16xf32>,
      %le3A_1919 = arith.cmpf ole, %gather3A_1918, %get3A_1870 : vector<16xf32>
      %jit3A_1920 = arith.constant 8 : i32
      %jit3A_1921 = arith.constant 0 : i32
      %broadcast_in_dim3A_1922 = vector.broadcast %jit3A_1920 : i32 to vector<16xi32>
      %broadcast_in_dim3A_1923 = vector.broadcast %jit3A_1921 : i32 to vector<16xi32>
      %select_n3A_1924 = arith.select %le3A_1919, %broadcast_in_dim3A_1922, %broadcast_in_dim3A_1923 : vector<16xi1>, vector<16xi32>
      %add3A_1925 = arith.addi %add3A_1914, %select_n3A_1924 : vector<16xi32>
      %add3A_1926 = arith.constant 4627 : i32
      %add3A_1927 = vector.broadcast %add3A_1926 : i32 to vector<16xi32>
      %add3A_1928 = arith.addi %add3A_1925, %add3A_1927 : vector<16xi32>
      %gather3A_1929 = tpu.vector_load_idx %arg11[%add3A_1928] : memref<7072xf32, #tpu.memory_space<vmem>>[vector<16xi32>], vector<16xf32>,
      %le3A_1930 = arith.cmpf ole, %gather3A_1929, %get3A_1870 : vector<16xf32>
      %jit3A_1931 = arith.constant 4 : i32
      %jit3A_1932 = arith.constant 0 : i32
      %broadcast_in_dim3A_1933 = vector.broadcast %jit3A_1931 : i32 to vector<16xi32>
      %broadcast_in_dim3A_1934 = vector.broadcast %jit3A_1932 : i32 to vector<16xi32>
      %select_n3A_1935 = arith.select %le3A_1930, %broadcast_in_dim3A_1933, %broadcast_in_dim3A_1934 : vector<16xi1>, vector<16xi32>
      %add3A_1936 = arith.addi %add3A_1925, %select_n3A_1935 : vector<16xi32>
      %add3A_1937 = arith.constant 4625 : i32
      %add3A_1938 = vector.broadcast %add3A_1937 : i32 to vector<16xi32>
      %add3A_1939 = arith.addi %add3A_1936, %add3A_1938 : vector<16xi32>
      %gather3A_1940 = tpu.vector_load_idx %arg11[%add3A_1939] : memref<7072xf32, #tpu.memory_space<vmem>>[vector<16xi32>], vector<16xf32>,
      %le3A_1941 = arith.cmpf ole, %gather3A_1940, %get3A_1870 : vector<16xf32>
      %jit3A_1942 = arith.constant 2 : i32
      %jit3A_1943 = arith.constant 0 : i32
      %broadcast_in_dim3A_1944 = vector.broadcast %jit3A_1942 : i32 to vector<16xi32>
      %broadcast_in_dim3A_1945 = vector.broadcast %jit3A_1943 : i32 to vector<16xi32>
      %select_n3A_1946 = arith.select %le3A_1941, %broadcast_in_dim3A_1944, %broadcast_in_dim3A_1945 : vector<16xi1>, vector<16xi32>
      %add3A_1947 = arith.addi %add3A_1936, %select_n3A_1946 : vector<16xi32>
      %add3A_1948 = arith.constant 4624 : i32
      %add3A_1949 = vector.broadcast %add3A_1948 : i32 to vector<16xi32>
      %add3A_1950 = arith.addi %add3A_1947, %add3A_1949 : vector<16xi32>
      %gather3A_1951 = tpu.vector_load_idx %arg11[%add3A_1950] : memref<7072xf32, #tpu.memory_space<vmem>>[vector<16xi32>], vector<16xf32>,
      %le3A_1952 = arith.cmpf ole, %gather3A_1951, %get3A_1870 : vector<16xf32>
      %jit3A_1953 = arith.constant 1 : i32
      %jit3A_1954 = arith.constant 0 : i32
      %broadcast_in_dim3A_1955 = vector.broadcast %jit3A_1953 : i32 to vector<16xi32>
      %broadcast_in_dim3A_1956 = vector.broadcast %jit3A_1954 : i32 to vector<16xi32>
      %select_n3A_1957 = arith.select %le3A_1952, %broadcast_in_dim3A_1955, %broadcast_in_dim3A_1956 : vector<16xi1>, vector<16xi32>
      %add3A_1958 = arith.addi %add3A_1947, %select_n3A_1957 : vector<16xi32>
      %mul3A_1959 = arith.constant 3856 : i32
      %mul3A_1960 = vector.broadcast %mul3A_1959 : i32 to vector<16xi32>
      %mul3A_1961 = arith.muli %add3A_1958, %mul3A_1960 : vector<16xi32>
      %shift_right_arithmetic3A_1962 = arith.constant 16 : i32
      %shift_right_arithmetic3A_1963 = vector.broadcast %shift_right_arithmetic3A_1962 : i32 to vector<16xi32>
      %shift_right_arithmetic3A_1964 = arith.shrsi %mul3A_1961, %shift_right_arithmetic3A_1963 : vector<16xi32>
      %sub3A_1965 = arith.subi %add3A_1958, %shift_right_arithmetic3A_1964 : vector<16xi32>
      %add3A_1966 = arith.constant 4352 : i32
      %add3A_1967 = vector.broadcast %add3A_1966 : i32 to vector<16xi32>
      %add3A_1968 = arith.addi %sub3A_1965, %add3A_1967 : vector<16xi32>
      %gather3A_1969 = tpu.vector_load_idx %arg12[%add3A_1968] : memref<6656xf32, #tpu.memory_space<vmem>>[vector<16xi32>], vector<16xf32>,
      %add3A_1970 = arith.addf %add3A_1866, %gather3A_1969 : vector<16xf32>
      %get3A_1971 = arith.constant 18 : i32
      %get3A_1972 = arith.index_cast %get3A_1971 : i32 to index
      %get3A_1973 = arith.index_cast %mul3A_102 : i32 to index
      %get3A_1974 = tpu.vector_load %arg10[%get3A_1972, %get3A_1973] {strides = array<i32>} : memref<26x512xf32, #tpu.memory_space<vmem>>, vector<16xf32>,
      %add3A_1975 = arith.constant 5030 : i32
      %add3A_1976 = vector.broadcast %add3A_1975 : i32 to vector<16xi32>
      %add3A_1977 = arith.addi %broadcast_in_dim3A_9, %add3A_1976 : vector<16xi32>
      %gather3A_1978 = tpu.vector_load_idx %arg11[%add3A_1977] : memref<7072xf32, #tpu.memory_space<vmem>>[vector<16xi32>], vector<16xf32>,
      %le3A_1979 = arith.cmpf ole, %gather3A_1978, %get3A_1974 : vector<16xf32>
      %jit3A_1980 = arith.constant 136 : i32
      %jit3A_1981 = arith.constant 0 : i32
      %broadcast_in_dim3A_1982 = vector.broadcast %jit3A_1980 : i32 to vector<16xi32>
      %broadcast_in_dim3A_1983 = vector.broadcast %jit3A_1981 : i32 to vector<16xi32>
      %select_n3A_1984 = arith.select %le3A_1979, %broadcast_in_dim3A_1982, %broadcast_in_dim3A_1983 : vector<16xi1>, vector<16xi32>
      %add3A_1985 = arith.addi %broadcast_in_dim3A_9, %select_n3A_1984 : vector<16xi32>
      %add3A_1986 = arith.constant 4962 : i32
      %add3A_1987 = vector.broadcast %add3A_1986 : i32 to vector<16xi32>
      %add3A_1988 = arith.addi %add3A_1985, %add3A_1987 : vector<16xi32>
      %gather3A_1989 = tpu.vector_load_idx %arg11[%add3A_1988] : memref<7072xf32, #tpu.memory_space<vmem>>[vector<16xi32>], vector<16xf32>,
      %le3A_1990 = arith.cmpf ole, %gather3A_1989, %get3A_1974 : vector<16xf32>
      %jit3A_1991 = arith.constant 68 : i32
      %jit3A_1992 = arith.constant 0 : i32
      %broadcast_in_dim3A_1993 = vector.broadcast %jit3A_1991 : i32 to vector<16xi32>
      %broadcast_in_dim3A_1994 = vector.broadcast %jit3A_1992 : i32 to vector<16xi32>
      %select_n3A_1995 = arith.select %le3A_1990, %broadcast_in_dim3A_1993, %broadcast_in_dim3A_1994 : vector<16xi1>, vector<16xi32>
      %add3A_1996 = arith.addi %add3A_1985, %select_n3A_1995 : vector<16xi32>
      %add3A_1997 = arith.constant 4928 : i32
      %add3A_1998 = vector.broadcast %add3A_1997 : i32 to vector<16xi32>
      %add3A_1999 = arith.addi %add3A_1996, %add3A_1998 : vector<16xi32>
      %gather3A_2000 = tpu.vector_load_idx %arg11[%add3A_1999] : memref<7072xf32, #tpu.memory_space<vmem>>[vector<16xi32>], vector<16xf32>,
      %le3A_2001 = arith.cmpf ole, %gather3A_2000, %get3A_1974 : vector<16xf32>
      %jit3A_2002 = arith.constant 34 : i32
      %jit3A_2003 = arith.constant 0 : i32
      %broadcast_in_dim3A_2004 = vector.broadcast %jit3A_2002 : i32 to vector<16xi32>
      %broadcast_in_dim3A_2005 = vector.broadcast %jit3A_2003 : i32 to vector<16xi32>
      %select_n3A_2006 = arith.select %le3A_2001, %broadcast_in_dim3A_2004, %broadcast_in_dim3A_2005 : vector<16xi1>, vector<16xi32>
      %add3A_2007 = arith.addi %add3A_1996, %select_n3A_2006 : vector<16xi32>
      %add3A_2008 = arith.constant 4911 : i32
      %add3A_2009 = vector.broadcast %add3A_2008 : i32 to vector<16xi32>
      %add3A_2010 = arith.addi %add3A_2007, %add3A_2009 : vector<16xi32>
      %gather3A_2011 = tpu.vector_load_idx %arg11[%add3A_2010] : memref<7072xf32, #tpu.memory_space<vmem>>[vector<16xi32>], vector<16xf32>,
      %le3A_2012 = arith.cmpf ole, %gather3A_2011, %get3A_1974 : vector<16xf32>
      %jit3A_2013 = arith.constant 17 : i32
      %jit3A_2014 = arith.constant 0 : i32
      %broadcast_in_dim3A_2015 = vector.broadcast %jit3A_2013 : i32 to vector<16xi32>
      %broadcast_in_dim3A_2016 = vector.broadcast %jit3A_2014 : i32 to vector<16xi32>
      %select_n3A_2017 = arith.select %le3A_2012, %broadcast_in_dim3A_2015, %broadcast_in_dim3A_2016 : vector<16xi1>, vector<16xi32>
      %add3A_2018 = arith.addi %add3A_2007, %select_n3A_2017 : vector<16xi32>
      %add3A_2019 = arith.constant 4903 : i32
      %add3A_2020 = vector.broadcast %add3A_2019 : i32 to vector<16xi32>
      %add3A_2021 = arith.addi %add3A_2018, %add3A_2020 : vector<16xi32>
      %gather3A_2022 = tpu.vector_load_idx %arg11[%add3A_2021] : memref<7072xf32, #tpu.memory_space<vmem>>[vector<16xi32>], vector<16xf32>,
      %le3A_2023 = arith.cmpf ole, %gather3A_2022, %get3A_1974 : vector<16xf32>
      %jit3A_2024 = arith.constant 8 : i32
      %jit3A_2025 = arith.constant 0 : i32
      %broadcast_in_dim3A_2026 = vector.broadcast %jit3A_2024 : i32 to vector<16xi32>
      %broadcast_in_dim3A_2027 = vector.broadcast %jit3A_2025 : i32 to vector<16xi32>
      %select_n3A_2028 = arith.select %le3A_2023, %broadcast_in_dim3A_2026, %broadcast_in_dim3A_2027 : vector<16xi1>, vector<16xi32>
      %add3A_2029 = arith.addi %add3A_2018, %select_n3A_2028 : vector<16xi32>
      %add3A_2030 = arith.constant 4899 : i32
      %add3A_2031 = vector.broadcast %add3A_2030 : i32 to vector<16xi32>
      %add3A_2032 = arith.addi %add3A_2029, %add3A_2031 : vector<16xi32>
      %gather3A_2033 = tpu.vector_load_idx %arg11[%add3A_2032] : memref<7072xf32, #tpu.memory_space<vmem>>[vector<16xi32>], vector<16xf32>,
      %le3A_2034 = arith.cmpf ole, %gather3A_2033, %get3A_1974 : vector<16xf32>
      %jit3A_2035 = arith.constant 4 : i32
      %jit3A_2036 = arith.constant 0 : i32
      %broadcast_in_dim3A_2037 = vector.broadcast %jit3A_2035 : i32 to vector<16xi32>
      %broadcast_in_dim3A_2038 = vector.broadcast %jit3A_2036 : i32 to vector<16xi32>
      %select_n3A_2039 = arith.select %le3A_2034, %broadcast_in_dim3A_2037, %broadcast_in_dim3A_2038 : vector<16xi1>, vector<16xi32>
      %add3A_2040 = arith.addi %add3A_2029, %select_n3A_2039 : vector<16xi32>
      %add3A_2041 = arith.constant 4897 : i32
      %add3A_2042 = vector.broadcast %add3A_2041 : i32 to vector<16xi32>
      %add3A_2043 = arith.addi %add3A_2040, %add3A_2042 : vector<16xi32>
      %gather3A_2044 = tpu.vector_load_idx %arg11[%add3A_2043] : memref<7072xf32, #tpu.memory_space<vmem>>[vector<16xi32>], vector<16xf32>,
      %le3A_2045 = arith.cmpf ole, %gather3A_2044, %get3A_1974 : vector<16xf32>
      %jit3A_2046 = arith.constant 2 : i32
      %jit3A_2047 = arith.constant 0 : i32
      %broadcast_in_dim3A_2048 = vector.broadcast %jit3A_2046 : i32 to vector<16xi32>
      %broadcast_in_dim3A_2049 = vector.broadcast %jit3A_2047 : i32 to vector<16xi32>
      %select_n3A_2050 = arith.select %le3A_2045, %broadcast_in_dim3A_2048, %broadcast_in_dim3A_2049 : vector<16xi1>, vector<16xi32>
      %add3A_2051 = arith.addi %add3A_2040, %select_n3A_2050 : vector<16xi32>
      %add3A_2052 = arith.constant 4896 : i32
      %add3A_2053 = vector.broadcast %add3A_2052 : i32 to vector<16xi32>
      %add3A_2054 = arith.addi %add3A_2051, %add3A_2053 : vector<16xi32>
      %gather3A_2055 = tpu.vector_load_idx %arg11[%add3A_2054] : memref<7072xf32, #tpu.memory_space<vmem>>[vector<16xi32>], vector<16xf32>,
      %le3A_2056 = arith.cmpf ole, %gather3A_2055, %get3A_1974 : vector<16xf32>
      %jit3A_2057 = arith.constant 1 : i32
      %jit3A_2058 = arith.constant 0 : i32
      %broadcast_in_dim3A_2059 = vector.broadcast %jit3A_2057 : i32 to vector<16xi32>
      %broadcast_in_dim3A_2060 = vector.broadcast %jit3A_2058 : i32 to vector<16xi32>
      %select_n3A_2061 = arith.select %le3A_2056, %broadcast_in_dim3A_2059, %broadcast_in_dim3A_2060 : vector<16xi1>, vector<16xi32>
      %add3A_2062 = arith.addi %add3A_2051, %select_n3A_2061 : vector<16xi32>
      %mul3A_2063 = arith.constant 3856 : i32
      %mul3A_2064 = vector.broadcast %mul3A_2063 : i32 to vector<16xi32>
      %mul3A_2065 = arith.muli %add3A_2062, %mul3A_2064 : vector<16xi32>
      %shift_right_arithmetic3A_2066 = arith.constant 16 : i32
      %shift_right_arithmetic3A_2067 = vector.broadcast %shift_right_arithmetic3A_2066 : i32 to vector<16xi32>
      %shift_right_arithmetic3A_2068 = arith.shrsi %mul3A_2065, %shift_right_arithmetic3A_2067 : vector<16xi32>
      %sub3A_2069 = arith.subi %add3A_2062, %shift_right_arithmetic3A_2068 : vector<16xi32>
      %add3A_2070 = arith.constant 4608 : i32
      %add3A_2071 = vector.broadcast %add3A_2070 : i32 to vector<16xi32>
      %add3A_2072 = arith.addi %sub3A_2069, %add3A_2071 : vector<16xi32>
      %gather3A_2073 = tpu.vector_load_idx %arg12[%add3A_2072] : memref<6656xf32, #tpu.memory_space<vmem>>[vector<16xi32>], vector<16xf32>,
      %add3A_2074 = arith.addf %add3A_1970, %gather3A_2073 : vector<16xf32>
      %get3A_2075 = arith.constant 19 : i32
      %get3A_2076 = arith.index_cast %get3A_2075 : i32 to index
      %get3A_2077 = arith.index_cast %mul3A_102 : i32 to index
      %get3A_2078 = tpu.vector_load %arg10[%get3A_2076, %get3A_2077] {strides = array<i32>} : memref<26x512xf32, #tpu.memory_space<vmem>>, vector<16xf32>,
      %add3A_2079 = arith.constant 5302 : i32
      %add3A_2080 = vector.broadcast %add3A_2079 : i32 to vector<16xi32>
      %add3A_2081 = arith.addi %broadcast_in_dim3A_9, %add3A_2080 : vector<16xi32>
      %gather3A_2082 = tpu.vector_load_idx %arg11[%add3A_2081] : memref<7072xf32, #tpu.memory_space<vmem>>[vector<16xi32>], vector<16xf32>,
      %le3A_2083 = arith.cmpf ole, %gather3A_2082, %get3A_2078 : vector<16xf32>
      %jit3A_2084 = arith.constant 136 : i32
      %jit3A_2085 = arith.constant 0 : i32
      %broadcast_in_dim3A_2086 = vector.broadcast %jit3A_2084 : i32 to vector<16xi32>
      %broadcast_in_dim3A_2087 = vector.broadcast %jit3A_2085 : i32 to vector<16xi32>
      %select_n3A_2088 = arith.select %le3A_2083, %broadcast_in_dim3A_2086, %broadcast_in_dim3A_2087 : vector<16xi1>, vector<16xi32>
      %add3A_2089 = arith.addi %broadcast_in_dim3A_9, %select_n3A_2088 : vector<16xi32>
      %add3A_2090 = arith.constant 5234 : i32
      %add3A_2091 = vector.broadcast %add3A_2090 : i32 to vector<16xi32>
      %add3A_2092 = arith.addi %add3A_2089, %add3A_2091 : vector<16xi32>
      %gather3A_2093 = tpu.vector_load_idx %arg11[%add3A_2092] : memref<7072xf32, #tpu.memory_space<vmem>>[vector<16xi32>], vector<16xf32>,
      %le3A_2094 = arith.cmpf ole, %gather3A_2093, %get3A_2078 : vector<16xf32>
      %jit3A_2095 = arith.constant 68 : i32
      %jit3A_2096 = arith.constant 0 : i32
      %broadcast_in_dim3A_2097 = vector.broadcast %jit3A_2095 : i32 to vector<16xi32>
      %broadcast_in_dim3A_2098 = vector.broadcast %jit3A_2096 : i32 to vector<16xi32>
      %select_n3A_2099 = arith.select %le3A_2094, %broadcast_in_dim3A_2097, %broadcast_in_dim3A_2098 : vector<16xi1>, vector<16xi32>
      %add3A_2100 = arith.addi %add3A_2089, %select_n3A_2099 : vector<16xi32>
      %add3A_2101 = arith.constant 5200 : i32
      %add3A_2102 = vector.broadcast %add3A_2101 : i32 to vector<16xi32>
      %add3A_2103 = arith.addi %add3A_2100, %add3A_2102 : vector<16xi32>
      %gather3A_2104 = tpu.vector_load_idx %arg11[%add3A_2103] : memref<7072xf32, #tpu.memory_space<vmem>>[vector<16xi32>], vector<16xf32>,
      %le3A_2105 = arith.cmpf ole, %gather3A_2104, %get3A_2078 : vector<16xf32>
      %jit3A_2106 = arith.constant 34 : i32
      %jit3A_2107 = arith.constant 0 : i32
      %broadcast_in_dim3A_2108 = vector.broadcast %jit3A_2106 : i32 to vector<16xi32>
      %broadcast_in_dim3A_2109 = vector.broadcast %jit3A_2107 : i32 to vector<16xi32>
      %select_n3A_2110 = arith.select %le3A_2105, %broadcast_in_dim3A_2108, %broadcast_in_dim3A_2109 : vector<16xi1>, vector<16xi32>
      %add3A_2111 = arith.addi %add3A_2100, %select_n3A_2110 : vector<16xi32>
      %add3A_2112 = arith.constant 5183 : i32
      %add3A_2113 = vector.broadcast %add3A_2112 : i32 to vector<16xi32>
      %add3A_2114 = arith.addi %add3A_2111, %add3A_2113 : vector<16xi32>
      %gather3A_2115 = tpu.vector_load_idx %arg11[%add3A_2114] : memref<7072xf32, #tpu.memory_space<vmem>>[vector<16xi32>], vector<16xf32>,
      %le3A_2116 = arith.cmpf ole, %gather3A_2115, %get3A_2078 : vector<16xf32>
      %jit3A_2117 = arith.constant 17 : i32
      %jit3A_2118 = arith.constant 0 : i32
      %broadcast_in_dim3A_2119 = vector.broadcast %jit3A_2117 : i32 to vector<16xi32>
      %broadcast_in_dim3A_2120 = vector.broadcast %jit3A_2118 : i32 to vector<16xi32>
      %select_n3A_2121 = arith.select %le3A_2116, %broadcast_in_dim3A_2119, %broadcast_in_dim3A_2120 : vector<16xi1>, vector<16xi32>
      %add3A_2122 = arith.addi %add3A_2111, %select_n3A_2121 : vector<16xi32>
      %add3A_2123 = arith.constant 5175 : i32
      %add3A_2124 = vector.broadcast %add3A_2123 : i32 to vector<16xi32>
      %add3A_2125 = arith.addi %add3A_2122, %add3A_2124 : vector<16xi32>
      %gather3A_2126 = tpu.vector_load_idx %arg11[%add3A_2125] : memref<7072xf32, #tpu.memory_space<vmem>>[vector<16xi32>], vector<16xf32>,
      %le3A_2127 = arith.cmpf ole, %gather3A_2126, %get3A_2078 : vector<16xf32>
      %jit3A_2128 = arith.constant 8 : i32
      %jit3A_2129 = arith.constant 0 : i32
      %broadcast_in_dim3A_2130 = vector.broadcast %jit3A_2128 : i32 to vector<16xi32>
      %broadcast_in_dim3A_2131 = vector.broadcast %jit3A_2129 : i32 to vector<16xi32>
      %select_n3A_2132 = arith.select %le3A_2127, %broadcast_in_dim3A_2130, %broadcast_in_dim3A_2131 : vector<16xi1>, vector<16xi32>
      %add3A_2133 = arith.addi %add3A_2122, %select_n3A_2132 : vector<16xi32>
      %add3A_2134 = arith.constant 5171 : i32
      %add3A_2135 = vector.broadcast %add3A_2134 : i32 to vector<16xi32>
      %add3A_2136 = arith.addi %add3A_2133, %add3A_2135 : vector<16xi32>
      %gather3A_2137 = tpu.vector_load_idx %arg11[%add3A_2136] : memref<7072xf32, #tpu.memory_space<vmem>>[vector<16xi32>], vector<16xf32>,
      %le3A_2138 = arith.cmpf ole, %gather3A_2137, %get3A_2078 : vector<16xf32>
      %jit3A_2139 = arith.constant 4 : i32
      %jit3A_2140 = arith.constant 0 : i32
      %broadcast_in_dim3A_2141 = vector.broadcast %jit3A_2139 : i32 to vector<16xi32>
      %broadcast_in_dim3A_2142 = vector.broadcast %jit3A_2140 : i32 to vector<16xi32>
      %select_n3A_2143 = arith.select %le3A_2138, %broadcast_in_dim3A_2141, %broadcast_in_dim3A_2142 : vector<16xi1>, vector<16xi32>
      %add3A_2144 = arith.addi %add3A_2133, %select_n3A_2143 : vector<16xi32>
      %add3A_2145 = arith.constant 5169 : i32
      %add3A_2146 = vector.broadcast %add3A_2145 : i32 to vector<16xi32>
      %add3A_2147 = arith.addi %add3A_2144, %add3A_2146 : vector<16xi32>
      %gather3A_2148 = tpu.vector_load_idx %arg11[%add3A_2147] : memref<7072xf32, #tpu.memory_space<vmem>>[vector<16xi32>], vector<16xf32>,
      %le3A_2149 = arith.cmpf ole, %gather3A_2148, %get3A_2078 : vector<16xf32>
      %jit3A_2150 = arith.constant 2 : i32
      %jit3A_2151 = arith.constant 0 : i32
      %broadcast_in_dim3A_2152 = vector.broadcast %jit3A_2150 : i32 to vector<16xi32>
      %broadcast_in_dim3A_2153 = vector.broadcast %jit3A_2151 : i32 to vector<16xi32>
      %select_n3A_2154 = arith.select %le3A_2149, %broadcast_in_dim3A_2152, %broadcast_in_dim3A_2153 : vector<16xi1>, vector<16xi32>
      %add3A_2155 = arith.addi %add3A_2144, %select_n3A_2154 : vector<16xi32>
      %add3A_2156 = arith.constant 5168 : i32
      %add3A_2157 = vector.broadcast %add3A_2156 : i32 to vector<16xi32>
      %add3A_2158 = arith.addi %add3A_2155, %add3A_2157 : vector<16xi32>
      %gather3A_2159 = tpu.vector_load_idx %arg11[%add3A_2158] : memref<7072xf32, #tpu.memory_space<vmem>>[vector<16xi32>], vector<16xf32>,
      %le3A_2160 = arith.cmpf ole, %gather3A_2159, %get3A_2078 : vector<16xf32>
      %jit3A_2161 = arith.constant 1 : i32
      %jit3A_2162 = arith.constant 0 : i32
      %broadcast_in_dim3A_2163 = vector.broadcast %jit3A_2161 : i32 to vector<16xi32>
      %broadcast_in_dim3A_2164 = vector.broadcast %jit3A_2162 : i32 to vector<16xi32>
      %select_n3A_2165 = arith.select %le3A_2160, %broadcast_in_dim3A_2163, %broadcast_in_dim3A_2164 : vector<16xi1>, vector<16xi32>
      %add3A_2166 = arith.addi %add3A_2155, %select_n3A_2165 : vector<16xi32>
      %mul3A_2167 = arith.constant 3856 : i32
      %mul3A_2168 = vector.broadcast %mul3A_2167 : i32 to vector<16xi32>
      %mul3A_2169 = arith.muli %add3A_2166, %mul3A_2168 : vector<16xi32>
      %shift_right_arithmetic3A_2170 = arith.constant 16 : i32
      %shift_right_arithmetic3A_2171 = vector.broadcast %shift_right_arithmetic3A_2170 : i32 to vector<16xi32>
      %shift_right_arithmetic3A_2172 = arith.shrsi %mul3A_2169, %shift_right_arithmetic3A_2171 : vector<16xi32>
      %sub3A_2173 = arith.subi %add3A_2166, %shift_right_arithmetic3A_2172 : vector<16xi32>
      %add3A_2174 = arith.constant 4864 : i32
      %add3A_2175 = vector.broadcast %add3A_2174 : i32 to vector<16xi32>
      %add3A_2176 = arith.addi %sub3A_2173, %add3A_2175 : vector<16xi32>
      %gather3A_2177 = tpu.vector_load_idx %arg12[%add3A_2176] : memref<6656xf32, #tpu.memory_space<vmem>>[vector<16xi32>], vector<16xf32>,
      %add3A_2178 = arith.addf %add3A_2074, %gather3A_2177 : vector<16xf32>
      %get3A_2179 = arith.constant 20 : i32
      %get3A_2180 = arith.index_cast %get3A_2179 : i32 to index
      %get3A_2181 = arith.index_cast %mul3A_102 : i32 to index
      %get3A_2182 = tpu.vector_load %arg10[%get3A_2180, %get3A_2181] {strides = array<i32>} : memref<26x512xf32, #tpu.memory_space<vmem>>, vector<16xf32>,
      %add3A_2183 = arith.constant 5574 : i32
      %add3A_2184 = vector.broadcast %add3A_2183 : i32 to vector<16xi32>
      %add3A_2185 = arith.addi %broadcast_in_dim3A_9, %add3A_2184 : vector<16xi32>
      %gather3A_2186 = tpu.vector_load_idx %arg11[%add3A_2185] : memref<7072xf32, #tpu.memory_space<vmem>>[vector<16xi32>], vector<16xf32>,
      %le3A_2187 = arith.cmpf ole, %gather3A_2186, %get3A_2182 : vector<16xf32>
      %jit3A_2188 = arith.constant 136 : i32
      %jit3A_2189 = arith.constant 0 : i32
      %broadcast_in_dim3A_2190 = vector.broadcast %jit3A_2188 : i32 to vector<16xi32>
      %broadcast_in_dim3A_2191 = vector.broadcast %jit3A_2189 : i32 to vector<16xi32>
      %select_n3A_2192 = arith.select %le3A_2187, %broadcast_in_dim3A_2190, %broadcast_in_dim3A_2191 : vector<16xi1>, vector<16xi32>
      %add3A_2193 = arith.addi %broadcast_in_dim3A_9, %select_n3A_2192 : vector<16xi32>
      %add3A_2194 = arith.constant 5506 : i32
      %add3A_2195 = vector.broadcast %add3A_2194 : i32 to vector<16xi32>
      %add3A_2196 = arith.addi %add3A_2193, %add3A_2195 : vector<16xi32>
      %gather3A_2197 = tpu.vector_load_idx %arg11[%add3A_2196] : memref<7072xf32, #tpu.memory_space<vmem>>[vector<16xi32>], vector<16xf32>,
      %le3A_2198 = arith.cmpf ole, %gather3A_2197, %get3A_2182 : vector<16xf32>
      %jit3A_2199 = arith.constant 68 : i32
      %jit3A_2200 = arith.constant 0 : i32
      %broadcast_in_dim3A_2201 = vector.broadcast %jit3A_2199 : i32 to vector<16xi32>
      %broadcast_in_dim3A_2202 = vector.broadcast %jit3A_2200 : i32 to vector<16xi32>
      %select_n3A_2203 = arith.select %le3A_2198, %broadcast_in_dim3A_2201, %broadcast_in_dim3A_2202 : vector<16xi1>, vector<16xi32>
      %add3A_2204 = arith.addi %add3A_2193, %select_n3A_2203 : vector<16xi32>
      %add3A_2205 = arith.constant 5472 : i32
      %add3A_2206 = vector.broadcast %add3A_2205 : i32 to vector<16xi32>
      %add3A_2207 = arith.addi %add3A_2204, %add3A_2206 : vector<16xi32>
      %gather3A_2208 = tpu.vector_load_idx %arg11[%add3A_2207] : memref<7072xf32, #tpu.memory_space<vmem>>[vector<16xi32>], vector<16xf32>,
      %le3A_2209 = arith.cmpf ole, %gather3A_2208, %get3A_2182 : vector<16xf32>
      %jit3A_2210 = arith.constant 34 : i32
      %jit3A_2211 = arith.constant 0 : i32
      %broadcast_in_dim3A_2212 = vector.broadcast %jit3A_2210 : i32 to vector<16xi32>
      %broadcast_in_dim3A_2213 = vector.broadcast %jit3A_2211 : i32 to vector<16xi32>
      %select_n3A_2214 = arith.select %le3A_2209, %broadcast_in_dim3A_2212, %broadcast_in_dim3A_2213 : vector<16xi1>, vector<16xi32>
      %add3A_2215 = arith.addi %add3A_2204, %select_n3A_2214 : vector<16xi32>
      %add3A_2216 = arith.constant 5455 : i32
      %add3A_2217 = vector.broadcast %add3A_2216 : i32 to vector<16xi32>
      %add3A_2218 = arith.addi %add3A_2215, %add3A_2217 : vector<16xi32>
      %gather3A_2219 = tpu.vector_load_idx %arg11[%add3A_2218] : memref<7072xf32, #tpu.memory_space<vmem>>[vector<16xi32>], vector<16xf32>,
      %le3A_2220 = arith.cmpf ole, %gather3A_2219, %get3A_2182 : vector<16xf32>
      %jit3A_2221 = arith.constant 17 : i32
      %jit3A_2222 = arith.constant 0 : i32
      %broadcast_in_dim3A_2223 = vector.broadcast %jit3A_2221 : i32 to vector<16xi32>
      %broadcast_in_dim3A_2224 = vector.broadcast %jit3A_2222 : i32 to vector<16xi32>
      %select_n3A_2225 = arith.select %le3A_2220, %broadcast_in_dim3A_2223, %broadcast_in_dim3A_2224 : vector<16xi1>, vector<16xi32>
      %add3A_2226 = arith.addi %add3A_2215, %select_n3A_2225 : vector<16xi32>
      %add3A_2227 = arith.constant 5447 : i32
      %add3A_2228 = vector.broadcast %add3A_2227 : i32 to vector<16xi32>
      %add3A_2229 = arith.addi %add3A_2226, %add3A_2228 : vector<16xi32>
      %gather3A_2230 = tpu.vector_load_idx %arg11[%add3A_2229] : memref<7072xf32, #tpu.memory_space<vmem>>[vector<16xi32>], vector<16xf32>,
      %le3A_2231 = arith.cmpf ole, %gather3A_2230, %get3A_2182 : vector<16xf32>
      %jit3A_2232 = arith.constant 8 : i32
      %jit3A_2233 = arith.constant 0 : i32
      %broadcast_in_dim3A_2234 = vector.broadcast %jit3A_2232 : i32 to vector<16xi32>
      %broadcast_in_dim3A_2235 = vector.broadcast %jit3A_2233 : i32 to vector<16xi32>
      %select_n3A_2236 = arith.select %le3A_2231, %broadcast_in_dim3A_2234, %broadcast_in_dim3A_2235 : vector<16xi1>, vector<16xi32>
      %add3A_2237 = arith.addi %add3A_2226, %select_n3A_2236 : vector<16xi32>
      %add3A_2238 = arith.constant 5443 : i32
      %add3A_2239 = vector.broadcast %add3A_2238 : i32 to vector<16xi32>
      %add3A_2240 = arith.addi %add3A_2237, %add3A_2239 : vector<16xi32>
      %gather3A_2241 = tpu.vector_load_idx %arg11[%add3A_2240] : memref<7072xf32, #tpu.memory_space<vmem>>[vector<16xi32>], vector<16xf32>,
      %le3A_2242 = arith.cmpf ole, %gather3A_2241, %get3A_2182 : vector<16xf32>
      %jit3A_2243 = arith.constant 4 : i32
      %jit3A_2244 = arith.constant 0 : i32
      %broadcast_in_dim3A_2245 = vector.broadcast %jit3A_2243 : i32 to vector<16xi32>
      %broadcast_in_dim3A_2246 = vector.broadcast %jit3A_2244 : i32 to vector<16xi32>
      %select_n3A_2247 = arith.select %le3A_2242, %broadcast_in_dim3A_2245, %broadcast_in_dim3A_2246 : vector<16xi1>, vector<16xi32>
      %add3A_2248 = arith.addi %add3A_2237, %select_n3A_2247 : vector<16xi32>
      %add3A_2249 = arith.constant 5441 : i32
      %add3A_2250 = vector.broadcast %add3A_2249 : i32 to vector<16xi32>
      %add3A_2251 = arith.addi %add3A_2248, %add3A_2250 : vector<16xi32>
      %gather3A_2252 = tpu.vector_load_idx %arg11[%add3A_2251] : memref<7072xf32, #tpu.memory_space<vmem>>[vector<16xi32>], vector<16xf32>,
      %le3A_2253 = arith.cmpf ole, %gather3A_2252, %get3A_2182 : vector<16xf32>
      %jit3A_2254 = arith.constant 2 : i32
      %jit3A_2255 = arith.constant 0 : i32
      %broadcast_in_dim3A_2256 = vector.broadcast %jit3A_2254 : i32 to vector<16xi32>
      %broadcast_in_dim3A_2257 = vector.broadcast %jit3A_2255 : i32 to vector<16xi32>
      %select_n3A_2258 = arith.select %le3A_2253, %broadcast_in_dim3A_2256, %broadcast_in_dim3A_2257 : vector<16xi1>, vector<16xi32>
      %add3A_2259 = arith.addi %add3A_2248, %select_n3A_2258 : vector<16xi32>
      %add3A_2260 = arith.constant 5440 : i32
      %add3A_2261 = vector.broadcast %add3A_2260 : i32 to vector<16xi32>
      %add3A_2262 = arith.addi %add3A_2259, %add3A_2261 : vector<16xi32>
      %gather3A_2263 = tpu.vector_load_idx %arg11[%add3A_2262] : memref<7072xf32, #tpu.memory_space<vmem>>[vector<16xi32>], vector<16xf32>,
      %le3A_2264 = arith.cmpf ole, %gather3A_2263, %get3A_2182 : vector<16xf32>
      %jit3A_2265 = arith.constant 1 : i32
      %jit3A_2266 = arith.constant 0 : i32
      %broadcast_in_dim3A_2267 = vector.broadcast %jit3A_2265 : i32 to vector<16xi32>
      %broadcast_in_dim3A_2268 = vector.broadcast %jit3A_2266 : i32 to vector<16xi32>
      %select_n3A_2269 = arith.select %le3A_2264, %broadcast_in_dim3A_2267, %broadcast_in_dim3A_2268 : vector<16xi1>, vector<16xi32>
      %add3A_2270 = arith.addi %add3A_2259, %select_n3A_2269 : vector<16xi32>
      %mul3A_2271 = arith.constant 3856 : i32
      %mul3A_2272 = vector.broadcast %mul3A_2271 : i32 to vector<16xi32>
      %mul3A_2273 = arith.muli %add3A_2270, %mul3A_2272 : vector<16xi32>
      %shift_right_arithmetic3A_2274 = arith.constant 16 : i32
      %shift_right_arithmetic3A_2275 = vector.broadcast %shift_right_arithmetic3A_2274 : i32 to vector<16xi32>
      %shift_right_arithmetic3A_2276 = arith.shrsi %mul3A_2273, %shift_right_arithmetic3A_2275 : vector<16xi32>
      %sub3A_2277 = arith.subi %add3A_2270, %shift_right_arithmetic3A_2276 : vector<16xi32>
      %add3A_2278 = arith.constant 5120 : i32
      %add3A_2279 = vector.broadcast %add3A_2278 : i32 to vector<16xi32>
      %add3A_2280 = arith.addi %sub3A_2277, %add3A_2279 : vector<16xi32>
      %gather3A_2281 = tpu.vector_load_idx %arg12[%add3A_2280] : memref<6656xf32, #tpu.memory_space<vmem>>[vector<16xi32>], vector<16xf32>,
      %add3A_2282 = arith.addf %add3A_2178, %gather3A_2281 : vector<16xf32>
      %get3A_2283 = arith.constant 21 : i32
      %get3A_2284 = arith.index_cast %get3A_2283 : i32 to index
      %get3A_2285 = arith.index_cast %mul3A_102 : i32 to index
      %get3A_2286 = tpu.vector_load %arg10[%get3A_2284, %get3A_2285] {strides = array<i32>} : memref<26x512xf32, #tpu.memory_space<vmem>>, vector<16xf32>,
      %add3A_2287 = arith.constant 5846 : i32
      %add3A_2288 = vector.broadcast %add3A_2287 : i32 to vector<16xi32>
      %add3A_2289 = arith.addi %broadcast_in_dim3A_9, %add3A_2288 : vector<16xi32>
      %gather3A_2290 = tpu.vector_load_idx %arg11[%add3A_2289] : memref<7072xf32, #tpu.memory_space<vmem>>[vector<16xi32>], vector<16xf32>,
      %le3A_2291 = arith.cmpf ole, %gather3A_2290, %get3A_2286 : vector<16xf32>
      %jit3A_2292 = arith.constant 136 : i32
      %jit3A_2293 = arith.constant 0 : i32
      %broadcast_in_dim3A_2294 = vector.broadcast %jit3A_2292 : i32 to vector<16xi32>
      %broadcast_in_dim3A_2295 = vector.broadcast %jit3A_2293 : i32 to vector<16xi32>
      %select_n3A_2296 = arith.select %le3A_2291, %broadcast_in_dim3A_2294, %broadcast_in_dim3A_2295 : vector<16xi1>, vector<16xi32>
      %add3A_2297 = arith.addi %broadcast_in_dim3A_9, %select_n3A_2296 : vector<16xi32>
      %add3A_2298 = arith.constant 5778 : i32
      %add3A_2299 = vector.broadcast %add3A_2298 : i32 to vector<16xi32>
      %add3A_2300 = arith.addi %add3A_2297, %add3A_2299 : vector<16xi32>
      %gather3A_2301 = tpu.vector_load_idx %arg11[%add3A_2300] : memref<7072xf32, #tpu.memory_space<vmem>>[vector<16xi32>], vector<16xf32>,
      %le3A_2302 = arith.cmpf ole, %gather3A_2301, %get3A_2286 : vector<16xf32>
      %jit3A_2303 = arith.constant 68 : i32
      %jit3A_2304 = arith.constant 0 : i32
      %broadcast_in_dim3A_2305 = vector.broadcast %jit3A_2303 : i32 to vector<16xi32>
      %broadcast_in_dim3A_2306 = vector.broadcast %jit3A_2304 : i32 to vector<16xi32>
      %select_n3A_2307 = arith.select %le3A_2302, %broadcast_in_dim3A_2305, %broadcast_in_dim3A_2306 : vector<16xi1>, vector<16xi32>
      %add3A_2308 = arith.addi %add3A_2297, %select_n3A_2307 : vector<16xi32>
      %add3A_2309 = arith.constant 5744 : i32
      %add3A_2310 = vector.broadcast %add3A_2309 : i32 to vector<16xi32>
      %add3A_2311 = arith.addi %add3A_2308, %add3A_2310 : vector<16xi32>
      %gather3A_2312 = tpu.vector_load_idx %arg11[%add3A_2311] : memref<7072xf32, #tpu.memory_space<vmem>>[vector<16xi32>], vector<16xf32>,
      %le3A_2313 = arith.cmpf ole, %gather3A_2312, %get3A_2286 : vector<16xf32>
      %jit3A_2314 = arith.constant 34 : i32
      %jit3A_2315 = arith.constant 0 : i32
      %broadcast_in_dim3A_2316 = vector.broadcast %jit3A_2314 : i32 to vector<16xi32>
      %broadcast_in_dim3A_2317 = vector.broadcast %jit3A_2315 : i32 to vector<16xi32>
      %select_n3A_2318 = arith.select %le3A_2313, %broadcast_in_dim3A_2316, %broadcast_in_dim3A_2317 : vector<16xi1>, vector<16xi32>
      %add3A_2319 = arith.addi %add3A_2308, %select_n3A_2318 : vector<16xi32>
      %add3A_2320 = arith.constant 5727 : i32
      %add3A_2321 = vector.broadcast %add3A_2320 : i32 to vector<16xi32>
      %add3A_2322 = arith.addi %add3A_2319, %add3A_2321 : vector<16xi32>
      %gather3A_2323 = tpu.vector_load_idx %arg11[%add3A_2322] : memref<7072xf32, #tpu.memory_space<vmem>>[vector<16xi32>], vector<16xf32>,
      %le3A_2324 = arith.cmpf ole, %gather3A_2323, %get3A_2286 : vector<16xf32>
      %jit3A_2325 = arith.constant 17 : i32
      %jit3A_2326 = arith.constant 0 : i32
      %broadcast_in_dim3A_2327 = vector.broadcast %jit3A_2325 : i32 to vector<16xi32>
      %broadcast_in_dim3A_2328 = vector.broadcast %jit3A_2326 : i32 to vector<16xi32>
      %select_n3A_2329 = arith.select %le3A_2324, %broadcast_in_dim3A_2327, %broadcast_in_dim3A_2328 : vector<16xi1>, vector<16xi32>
      %add3A_2330 = arith.addi %add3A_2319, %select_n3A_2329 : vector<16xi32>
      %add3A_2331 = arith.constant 5719 : i32
      %add3A_2332 = vector.broadcast %add3A_2331 : i32 to vector<16xi32>
      %add3A_2333 = arith.addi %add3A_2330, %add3A_2332 : vector<16xi32>
      %gather3A_2334 = tpu.vector_load_idx %arg11[%add3A_2333] : memref<7072xf32, #tpu.memory_space<vmem>>[vector<16xi32>], vector<16xf32>,
      %le3A_2335 = arith.cmpf ole, %gather3A_2334, %get3A_2286 : vector<16xf32>
      %jit3A_2336 = arith.constant 8 : i32
      %jit3A_2337 = arith.constant 0 : i32
      %broadcast_in_dim3A_2338 = vector.broadcast %jit3A_2336 : i32 to vector<16xi32>
      %broadcast_in_dim3A_2339 = vector.broadcast %jit3A_2337 : i32 to vector<16xi32>
      %select_n3A_2340 = arith.select %le3A_2335, %broadcast_in_dim3A_2338, %broadcast_in_dim3A_2339 : vector<16xi1>, vector<16xi32>
      %add3A_2341 = arith.addi %add3A_2330, %select_n3A_2340 : vector<16xi32>
      %add3A_2342 = arith.constant 5715 : i32
      %add3A_2343 = vector.broadcast %add3A_2342 : i32 to vector<16xi32>
      %add3A_2344 = arith.addi %add3A_2341, %add3A_2343 : vector<16xi32>
      %gather3A_2345 = tpu.vector_load_idx %arg11[%add3A_2344] : memref<7072xf32, #tpu.memory_space<vmem>>[vector<16xi32>], vector<16xf32>,
      %le3A_2346 = arith.cmpf ole, %gather3A_2345, %get3A_2286 : vector<16xf32>
      %jit3A_2347 = arith.constant 4 : i32
      %jit3A_2348 = arith.constant 0 : i32
      %broadcast_in_dim3A_2349 = vector.broadcast %jit3A_2347 : i32 to vector<16xi32>
      %broadcast_in_dim3A_2350 = vector.broadcast %jit3A_2348 : i32 to vector<16xi32>
      %select_n3A_2351 = arith.select %le3A_2346, %broadcast_in_dim3A_2349, %broadcast_in_dim3A_2350 : vector<16xi1>, vector<16xi32>
      %add3A_2352 = arith.addi %add3A_2341, %select_n3A_2351 : vector<16xi32>
      %add3A_2353 = arith.constant 5713 : i32
      %add3A_2354 = vector.broadcast %add3A_2353 : i32 to vector<16xi32>
      %add3A_2355 = arith.addi %add3A_2352, %add3A_2354 : vector<16xi32>
      %gather3A_2356 = tpu.vector_load_idx %arg11[%add3A_2355] : memref<7072xf32, #tpu.memory_space<vmem>>[vector<16xi32>], vector<16xf32>,
      %le3A_2357 = arith.cmpf ole, %gather3A_2356, %get3A_2286 : vector<16xf32>
      %jit3A_2358 = arith.constant 2 : i32
      %jit3A_2359 = arith.constant 0 : i32
      %broadcast_in_dim3A_2360 = vector.broadcast %jit3A_2358 : i32 to vector<16xi32>
      %broadcast_in_dim3A_2361 = vector.broadcast %jit3A_2359 : i32 to vector<16xi32>
      %select_n3A_2362 = arith.select %le3A_2357, %broadcast_in_dim3A_2360, %broadcast_in_dim3A_2361 : vector<16xi1>, vector<16xi32>
      %add3A_2363 = arith.addi %add3A_2352, %select_n3A_2362 : vector<16xi32>
      %add3A_2364 = arith.constant 5712 : i32
      %add3A_2365 = vector.broadcast %add3A_2364 : i32 to vector<16xi32>
      %add3A_2366 = arith.addi %add3A_2363, %add3A_2365 : vector<16xi32>
      %gather3A_2367 = tpu.vector_load_idx %arg11[%add3A_2366] : memref<7072xf32, #tpu.memory_space<vmem>>[vector<16xi32>], vector<16xf32>,
      %le3A_2368 = arith.cmpf ole, %gather3A_2367, %get3A_2286 : vector<16xf32>
      %jit3A_2369 = arith.constant 1 : i32
      %jit3A_2370 = arith.constant 0 : i32
      %broadcast_in_dim3A_2371 = vector.broadcast %jit3A_2369 : i32 to vector<16xi32>
      %broadcast_in_dim3A_2372 = vector.broadcast %jit3A_2370 : i32 to vector<16xi32>
      %select_n3A_2373 = arith.select %le3A_2368, %broadcast_in_dim3A_2371, %broadcast_in_dim3A_2372 : vector<16xi1>, vector<16xi32>
      %add3A_2374 = arith.addi %add3A_2363, %select_n3A_2373 : vector<16xi32>
      %mul3A_2375 = arith.constant 3856 : i32
      %mul3A_2376 = vector.broadcast %mul3A_2375 : i32 to vector<16xi32>
      %mul3A_2377 = arith.muli %add3A_2374, %mul3A_2376 : vector<16xi32>
      %shift_right_arithmetic3A_2378 = arith.constant 16 : i32
      %shift_right_arithmetic3A_2379 = vector.broadcast %shift_right_arithmetic3A_2378 : i32 to vector<16xi32>
      %shift_right_arithmetic3A_2380 = arith.shrsi %mul3A_2377, %shift_right_arithmetic3A_2379 : vector<16xi32>
      %sub3A_2381 = arith.subi %add3A_2374, %shift_right_arithmetic3A_2380 : vector<16xi32>
      %add3A_2382 = arith.constant 5376 : i32
      %add3A_2383 = vector.broadcast %add3A_2382 : i32 to vector<16xi32>
      %add3A_2384 = arith.addi %sub3A_2381, %add3A_2383 : vector<16xi32>
      %gather3A_2385 = tpu.vector_load_idx %arg12[%add3A_2384] : memref<6656xf32, #tpu.memory_space<vmem>>[vector<16xi32>], vector<16xf32>,
      %add3A_2386 = arith.addf %add3A_2282, %gather3A_2385 : vector<16xf32>
      %get3A_2387 = arith.constant 22 : i32
      %get3A_2388 = arith.index_cast %get3A_2387 : i32 to index
      %get3A_2389 = arith.index_cast %mul3A_102 : i32 to index
      %get3A_2390 = tpu.vector_load %arg10[%get3A_2388, %get3A_2389] {strides = array<i32>} : memref<26x512xf32, #tpu.memory_space<vmem>>, vector<16xf32>,
      %add3A_2391 = arith.constant 6118 : i32
      %add3A_2392 = vector.broadcast %add3A_2391 : i32 to vector<16xi32>
      %add3A_2393 = arith.addi %broadcast_in_dim3A_9, %add3A_2392 : vector<16xi32>
      %gather3A_2394 = tpu.vector_load_idx %arg11[%add3A_2393] : memref<7072xf32, #tpu.memory_space<vmem>>[vector<16xi32>], vector<16xf32>,
      %le3A_2395 = arith.cmpf ole, %gather3A_2394, %get3A_2390 : vector<16xf32>
      %jit3A_2396 = arith.constant 136 : i32
      %jit3A_2397 = arith.constant 0 : i32
      %broadcast_in_dim3A_2398 = vector.broadcast %jit3A_2396 : i32 to vector<16xi32>
      %broadcast_in_dim3A_2399 = vector.broadcast %jit3A_2397 : i32 to vector<16xi32>
      %select_n3A_2400 = arith.select %le3A_2395, %broadcast_in_dim3A_2398, %broadcast_in_dim3A_2399 : vector<16xi1>, vector<16xi32>
      %add3A_2401 = arith.addi %broadcast_in_dim3A_9, %select_n3A_2400 : vector<16xi32>
      %add3A_2402 = arith.constant 6050 : i32
      %add3A_2403 = vector.broadcast %add3A_2402 : i32 to vector<16xi32>
      %add3A_2404 = arith.addi %add3A_2401, %add3A_2403 : vector<16xi32>
      %gather3A_2405 = tpu.vector_load_idx %arg11[%add3A_2404] : memref<7072xf32, #tpu.memory_space<vmem>>[vector<16xi32>], vector<16xf32>,
      %le3A_2406 = arith.cmpf ole, %gather3A_2405, %get3A_2390 : vector<16xf32>
      %jit3A_2407 = arith.constant 68 : i32
      %jit3A_2408 = arith.constant 0 : i32
      %broadcast_in_dim3A_2409 = vector.broadcast %jit3A_2407 : i32 to vector<16xi32>
      %broadcast_in_dim3A_2410 = vector.broadcast %jit3A_2408 : i32 to vector<16xi32>
      %select_n3A_2411 = arith.select %le3A_2406, %broadcast_in_dim3A_2409, %broadcast_in_dim3A_2410 : vector<16xi1>, vector<16xi32>
      %add3A_2412 = arith.addi %add3A_2401, %select_n3A_2411 : vector<16xi32>
      %add3A_2413 = arith.constant 6016 : i32
      %add3A_2414 = vector.broadcast %add3A_2413 : i32 to vector<16xi32>
      %add3A_2415 = arith.addi %add3A_2412, %add3A_2414 : vector<16xi32>
      %gather3A_2416 = tpu.vector_load_idx %arg11[%add3A_2415] : memref<7072xf32, #tpu.memory_space<vmem>>[vector<16xi32>], vector<16xf32>,
      %le3A_2417 = arith.cmpf ole, %gather3A_2416, %get3A_2390 : vector<16xf32>
      %jit3A_2418 = arith.constant 34 : i32
      %jit3A_2419 = arith.constant 0 : i32
      %broadcast_in_dim3A_2420 = vector.broadcast %jit3A_2418 : i32 to vector<16xi32>
      %broadcast_in_dim3A_2421 = vector.broadcast %jit3A_2419 : i32 to vector<16xi32>
      %select_n3A_2422 = arith.select %le3A_2417, %broadcast_in_dim3A_2420, %broadcast_in_dim3A_2421 : vector<16xi1>, vector<16xi32>
      %add3A_2423 = arith.addi %add3A_2412, %select_n3A_2422 : vector<16xi32>
      %add3A_2424 = arith.constant 5999 : i32
      %add3A_2425 = vector.broadcast %add3A_2424 : i32 to vector<16xi32>
      %add3A_2426 = arith.addi %add3A_2423, %add3A_2425 : vector<16xi32>
      %gather3A_2427 = tpu.vector_load_idx %arg11[%add3A_2426] : memref<7072xf32, #tpu.memory_space<vmem>>[vector<16xi32>], vector<16xf32>,
      %le3A_2428 = arith.cmpf ole, %gather3A_2427, %get3A_2390 : vector<16xf32>
      %jit3A_2429 = arith.constant 17 : i32
      %jit3A_2430 = arith.constant 0 : i32
      %broadcast_in_dim3A_2431 = vector.broadcast %jit3A_2429 : i32 to vector<16xi32>
      %broadcast_in_dim3A_2432 = vector.broadcast %jit3A_2430 : i32 to vector<16xi32>
      %select_n3A_2433 = arith.select %le3A_2428, %broadcast_in_dim3A_2431, %broadcast_in_dim3A_2432 : vector<16xi1>, vector<16xi32>
      %add3A_2434 = arith.addi %add3A_2423, %select_n3A_2433 : vector<16xi32>
      %add3A_2435 = arith.constant 5991 : i32
      %add3A_2436 = vector.broadcast %add3A_2435 : i32 to vector<16xi32>
      %add3A_2437 = arith.addi %add3A_2434, %add3A_2436 : vector<16xi32>
      %gather3A_2438 = tpu.vector_load_idx %arg11[%add3A_2437] : memref<7072xf32, #tpu.memory_space<vmem>>[vector<16xi32>], vector<16xf32>,
      %le3A_2439 = arith.cmpf ole, %gather3A_2438, %get3A_2390 : vector<16xf32>
      %jit3A_2440 = arith.constant 8 : i32
      %jit3A_2441 = arith.constant 0 : i32
      %broadcast_in_dim3A_2442 = vector.broadcast %jit3A_2440 : i32 to vector<16xi32>
      %broadcast_in_dim3A_2443 = vector.broadcast %jit3A_2441 : i32 to vector<16xi32>
      %select_n3A_2444 = arith.select %le3A_2439, %broadcast_in_dim3A_2442, %broadcast_in_dim3A_2443 : vector<16xi1>, vector<16xi32>
      %add3A_2445 = arith.addi %add3A_2434, %select_n3A_2444 : vector<16xi32>
      %add3A_2446 = arith.constant 5987 : i32
      %add3A_2447 = vector.broadcast %add3A_2446 : i32 to vector<16xi32>
      %add3A_2448 = arith.addi %add3A_2445, %add3A_2447 : vector<16xi32>
      %gather3A_2449 = tpu.vector_load_idx %arg11[%add3A_2448] : memref<7072xf32, #tpu.memory_space<vmem>>[vector<16xi32>], vector<16xf32>,
      %le3A_2450 = arith.cmpf ole, %gather3A_2449, %get3A_2390 : vector<16xf32>
      %jit3A_2451 = arith.constant 4 : i32
      %jit3A_2452 = arith.constant 0 : i32
      %broadcast_in_dim3A_2453 = vector.broadcast %jit3A_2451 : i32 to vector<16xi32>
      %broadcast_in_dim3A_2454 = vector.broadcast %jit3A_2452 : i32 to vector<16xi32>
      %select_n3A_2455 = arith.select %le3A_2450, %broadcast_in_dim3A_2453, %broadcast_in_dim3A_2454 : vector<16xi1>, vector<16xi32>
      %add3A_2456 = arith.addi %add3A_2445, %select_n3A_2455 : vector<16xi32>
      %add3A_2457 = arith.constant 5985 : i32
      %add3A_2458 = vector.broadcast %add3A_2457 : i32 to vector<16xi32>
      %add3A_2459 = arith.addi %add3A_2456, %add3A_2458 : vector<16xi32>
      %gather3A_2460 = tpu.vector_load_idx %arg11[%add3A_2459] : memref<7072xf32, #tpu.memory_space<vmem>>[vector<16xi32>], vector<16xf32>,
      %le3A_2461 = arith.cmpf ole, %gather3A_2460, %get3A_2390 : vector<16xf32>
      %jit3A_2462 = arith.constant 2 : i32
      %jit3A_2463 = arith.constant 0 : i32
      %broadcast_in_dim3A_2464 = vector.broadcast %jit3A_2462 : i32 to vector<16xi32>
      %broadcast_in_dim3A_2465 = vector.broadcast %jit3A_2463 : i32 to vector<16xi32>
      %select_n3A_2466 = arith.select %le3A_2461, %broadcast_in_dim3A_2464, %broadcast_in_dim3A_2465 : vector<16xi1>, vector<16xi32>
      %add3A_2467 = arith.addi %add3A_2456, %select_n3A_2466 : vector<16xi32>
      %add3A_2468 = arith.constant 5984 : i32
      %add3A_2469 = vector.broadcast %add3A_2468 : i32 to vector<16xi32>
      %add3A_2470 = arith.addi %add3A_2467, %add3A_2469 : vector<16xi32>
      %gather3A_2471 = tpu.vector_load_idx %arg11[%add3A_2470] : memref<7072xf32, #tpu.memory_space<vmem>>[vector<16xi32>], vector<16xf32>,
      %le3A_2472 = arith.cmpf ole, %gather3A_2471, %get3A_2390 : vector<16xf32>
      %jit3A_2473 = arith.constant 1 : i32
      %jit3A_2474 = arith.constant 0 : i32
      %broadcast_in_dim3A_2475 = vector.broadcast %jit3A_2473 : i32 to vector<16xi32>
      %broadcast_in_dim3A_2476 = vector.broadcast %jit3A_2474 : i32 to vector<16xi32>
      %select_n3A_2477 = arith.select %le3A_2472, %broadcast_in_dim3A_2475, %broadcast_in_dim3A_2476 : vector<16xi1>, vector<16xi32>
      %add3A_2478 = arith.addi %add3A_2467, %select_n3A_2477 : vector<16xi32>
      %mul3A_2479 = arith.constant 3856 : i32
      %mul3A_2480 = vector.broadcast %mul3A_2479 : i32 to vector<16xi32>
      %mul3A_2481 = arith.muli %add3A_2478, %mul3A_2480 : vector<16xi32>
      %shift_right_arithmetic3A_2482 = arith.constant 16 : i32
      %shift_right_arithmetic3A_2483 = vector.broadcast %shift_right_arithmetic3A_2482 : i32 to vector<16xi32>
      %shift_right_arithmetic3A_2484 = arith.shrsi %mul3A_2481, %shift_right_arithmetic3A_2483 : vector<16xi32>
      %sub3A_2485 = arith.subi %add3A_2478, %shift_right_arithmetic3A_2484 : vector<16xi32>
      %add3A_2486 = arith.constant 5632 : i32
      %add3A_2487 = vector.broadcast %add3A_2486 : i32 to vector<16xi32>
      %add3A_2488 = arith.addi %sub3A_2485, %add3A_2487 : vector<16xi32>
      %gather3A_2489 = tpu.vector_load_idx %arg12[%add3A_2488] : memref<6656xf32, #tpu.memory_space<vmem>>[vector<16xi32>], vector<16xf32>,
      %add3A_2490 = arith.addf %add3A_2386, %gather3A_2489 : vector<16xf32>
      %get3A_2491 = arith.constant 23 : i32
      %get3A_2492 = arith.index_cast %get3A_2491 : i32 to index
      %get3A_2493 = arith.index_cast %mul3A_102 : i32 to index
      %get3A_2494 = tpu.vector_load %arg10[%get3A_2492, %get3A_2493] {strides = array<i32>} : memref<26x512xf32, #tpu.memory_space<vmem>>, vector<16xf32>,
      %add3A_2495 = arith.constant 6390 : i32
      %add3A_2496 = vector.broadcast %add3A_2495 : i32 to vector<16xi32>
      %add3A_2497 = arith.addi %broadcast_in_dim3A_9, %add3A_2496 : vector<16xi32>
      %gather3A_2498 = tpu.vector_load_idx %arg11[%add3A_2497] : memref<7072xf32, #tpu.memory_space<vmem>>[vector<16xi32>], vector<16xf32>,
      %le3A_2499 = arith.cmpf ole, %gather3A_2498, %get3A_2494 : vector<16xf32>
      %jit3A_2500 = arith.constant 136 : i32
      %jit3A_2501 = arith.constant 0 : i32
      %broadcast_in_dim3A_2502 = vector.broadcast %jit3A_2500 : i32 to vector<16xi32>
      %broadcast_in_dim3A_2503 = vector.broadcast %jit3A_2501 : i32 to vector<16xi32>
      %select_n3A_2504 = arith.select %le3A_2499, %broadcast_in_dim3A_2502, %broadcast_in_dim3A_2503 : vector<16xi1>, vector<16xi32>
      %add3A_2505 = arith.addi %broadcast_in_dim3A_9, %select_n3A_2504 : vector<16xi32>
      %add3A_2506 = arith.constant 6322 : i32
      %add3A_2507 = vector.broadcast %add3A_2506 : i32 to vector<16xi32>
      %add3A_2508 = arith.addi %add3A_2505, %add3A_2507 : vector<16xi32>
      %gather3A_2509 = tpu.vector_load_idx %arg11[%add3A_2508] : memref<7072xf32, #tpu.memory_space<vmem>>[vector<16xi32>], vector<16xf32>,
      %le3A_2510 = arith.cmpf ole, %gather3A_2509, %get3A_2494 : vector<16xf32>
      %jit3A_2511 = arith.constant 68 : i32
      %jit3A_2512 = arith.constant 0 : i32
      %broadcast_in_dim3A_2513 = vector.broadcast %jit3A_2511 : i32 to vector<16xi32>
      %broadcast_in_dim3A_2514 = vector.broadcast %jit3A_2512 : i32 to vector<16xi32>
      %select_n3A_2515 = arith.select %le3A_2510, %broadcast_in_dim3A_2513, %broadcast_in_dim3A_2514 : vector<16xi1>, vector<16xi32>
      %add3A_2516 = arith.addi %add3A_2505, %select_n3A_2515 : vector<16xi32>
      %add3A_2517 = arith.constant 6288 : i32
      %add3A_2518 = vector.broadcast %add3A_2517 : i32 to vector<16xi32>
      %add3A_2519 = arith.addi %add3A_2516, %add3A_2518 : vector<16xi32>
      %gather3A_2520 = tpu.vector_load_idx %arg11[%add3A_2519] : memref<7072xf32, #tpu.memory_space<vmem>>[vector<16xi32>], vector<16xf32>,
      %le3A_2521 = arith.cmpf ole, %gather3A_2520, %get3A_2494 : vector<16xf32>
      %jit3A_2522 = arith.constant 34 : i32
      %jit3A_2523 = arith.constant 0 : i32
      %broadcast_in_dim3A_2524 = vector.broadcast %jit3A_2522 : i32 to vector<16xi32>
      %broadcast_in_dim3A_2525 = vector.broadcast %jit3A_2523 : i32 to vector<16xi32>
      %select_n3A_2526 = arith.select %le3A_2521, %broadcast_in_dim3A_2524, %broadcast_in_dim3A_2525 : vector<16xi1>, vector<16xi32>
      %add3A_2527 = arith.addi %add3A_2516, %select_n3A_2526 : vector<16xi32>
      %add3A_2528 = arith.constant 6271 : i32
      %add3A_2529 = vector.broadcast %add3A_2528 : i32 to vector<16xi32>
      %add3A_2530 = arith.addi %add3A_2527, %add3A_2529 : vector<16xi32>
      %gather3A_2531 = tpu.vector_load_idx %arg11[%add3A_2530] : memref<7072xf32, #tpu.memory_space<vmem>>[vector<16xi32>], vector<16xf32>,
      %le3A_2532 = arith.cmpf ole, %gather3A_2531, %get3A_2494 : vector<16xf32>
      %jit3A_2533 = arith.constant 17 : i32
      %jit3A_2534 = arith.constant 0 : i32
      %broadcast_in_dim3A_2535 = vector.broadcast %jit3A_2533 : i32 to vector<16xi32>
      %broadcast_in_dim3A_2536 = vector.broadcast %jit3A_2534 : i32 to vector<16xi32>
      %select_n3A_2537 = arith.select %le3A_2532, %broadcast_in_dim3A_2535, %broadcast_in_dim3A_2536 : vector<16xi1>, vector<16xi32>
      %add3A_2538 = arith.addi %add3A_2527, %select_n3A_2537 : vector<16xi32>
      %add3A_2539 = arith.constant 6263 : i32
      %add3A_2540 = vector.broadcast %add3A_2539 : i32 to vector<16xi32>
      %add3A_2541 = arith.addi %add3A_2538, %add3A_2540 : vector<16xi32>
      %gather3A_2542 = tpu.vector_load_idx %arg11[%add3A_2541] : memref<7072xf32, #tpu.memory_space<vmem>>[vector<16xi32>], vector<16xf32>,
      %le3A_2543 = arith.cmpf ole, %gather3A_2542, %get3A_2494 : vector<16xf32>
      %jit3A_2544 = arith.constant 8 : i32
      %jit3A_2545 = arith.constant 0 : i32
      %broadcast_in_dim3A_2546 = vector.broadcast %jit3A_2544 : i32 to vector<16xi32>
      %broadcast_in_dim3A_2547 = vector.broadcast %jit3A_2545 : i32 to vector<16xi32>
      %select_n3A_2548 = arith.select %le3A_2543, %broadcast_in_dim3A_2546, %broadcast_in_dim3A_2547 : vector<16xi1>, vector<16xi32>
      %add3A_2549 = arith.addi %add3A_2538, %select_n3A_2548 : vector<16xi32>
      %add3A_2550 = arith.constant 6259 : i32
      %add3A_2551 = vector.broadcast %add3A_2550 : i32 to vector<16xi32>
      %add3A_2552 = arith.addi %add3A_2549, %add3A_2551 : vector<16xi32>
      %gather3A_2553 = tpu.vector_load_idx %arg11[%add3A_2552] : memref<7072xf32, #tpu.memory_space<vmem>>[vector<16xi32>], vector<16xf32>,
      %le3A_2554 = arith.cmpf ole, %gather3A_2553, %get3A_2494 : vector<16xf32>
      %jit3A_2555 = arith.constant 4 : i32
      %jit3A_2556 = arith.constant 0 : i32
      %broadcast_in_dim3A_2557 = vector.broadcast %jit3A_2555 : i32 to vector<16xi32>
      %broadcast_in_dim3A_2558 = vector.broadcast %jit3A_2556 : i32 to vector<16xi32>
      %select_n3A_2559 = arith.select %le3A_2554, %broadcast_in_dim3A_2557, %broadcast_in_dim3A_2558 : vector<16xi1>, vector<16xi32>
      %add3A_2560 = arith.addi %add3A_2549, %select_n3A_2559 : vector<16xi32>
      %add3A_2561 = arith.constant 6257 : i32
      %add3A_2562 = vector.broadcast %add3A_2561 : i32 to vector<16xi32>
      %add3A_2563 = arith.addi %add3A_2560, %add3A_2562 : vector<16xi32>
      %gather3A_2564 = tpu.vector_load_idx %arg11[%add3A_2563] : memref<7072xf32, #tpu.memory_space<vmem>>[vector<16xi32>], vector<16xf32>,
      %le3A_2565 = arith.cmpf ole, %gather3A_2564, %get3A_2494 : vector<16xf32>
      %jit3A_2566 = arith.constant 2 : i32
      %jit3A_2567 = arith.constant 0 : i32
      %broadcast_in_dim3A_2568 = vector.broadcast %jit3A_2566 : i32 to vector<16xi32>
      %broadcast_in_dim3A_2569 = vector.broadcast %jit3A_2567 : i32 to vector<16xi32>
      %select_n3A_2570 = arith.select %le3A_2565, %broadcast_in_dim3A_2568, %broadcast_in_dim3A_2569 : vector<16xi1>, vector<16xi32>
      %add3A_2571 = arith.addi %add3A_2560, %select_n3A_2570 : vector<16xi32>
      %add3A_2572 = arith.constant 6256 : i32
      %add3A_2573 = vector.broadcast %add3A_2572 : i32 to vector<16xi32>
      %add3A_2574 = arith.addi %add3A_2571, %add3A_2573 : vector<16xi32>
      %gather3A_2575 = tpu.vector_load_idx %arg11[%add3A_2574] : memref<7072xf32, #tpu.memory_space<vmem>>[vector<16xi32>], vector<16xf32>,
      %le3A_2576 = arith.cmpf ole, %gather3A_2575, %get3A_2494 : vector<16xf32>
      %jit3A_2577 = arith.constant 1 : i32
      %jit3A_2578 = arith.constant 0 : i32
      %broadcast_in_dim3A_2579 = vector.broadcast %jit3A_2577 : i32 to vector<16xi32>
      %broadcast_in_dim3A_2580 = vector.broadcast %jit3A_2578 : i32 to vector<16xi32>
      %select_n3A_2581 = arith.select %le3A_2576, %broadcast_in_dim3A_2579, %broadcast_in_dim3A_2580 : vector<16xi1>, vector<16xi32>
      %add3A_2582 = arith.addi %add3A_2571, %select_n3A_2581 : vector<16xi32>
      %mul3A_2583 = arith.constant 3856 : i32
      %mul3A_2584 = vector.broadcast %mul3A_2583 : i32 to vector<16xi32>
      %mul3A_2585 = arith.muli %add3A_2582, %mul3A_2584 : vector<16xi32>
      %shift_right_arithmetic3A_2586 = arith.constant 16 : i32
      %shift_right_arithmetic3A_2587 = vector.broadcast %shift_right_arithmetic3A_2586 : i32 to vector<16xi32>
      %shift_right_arithmetic3A_2588 = arith.shrsi %mul3A_2585, %shift_right_arithmetic3A_2587 : vector<16xi32>
      %sub3A_2589 = arith.subi %add3A_2582, %shift_right_arithmetic3A_2588 : vector<16xi32>
      %add3A_2590 = arith.constant 5888 : i32
      %add3A_2591 = vector.broadcast %add3A_2590 : i32 to vector<16xi32>
      %add3A_2592 = arith.addi %sub3A_2589, %add3A_2591 : vector<16xi32>
      %gather3A_2593 = tpu.vector_load_idx %arg12[%add3A_2592] : memref<6656xf32, #tpu.memory_space<vmem>>[vector<16xi32>], vector<16xf32>,
      %add3A_2594 = arith.addf %add3A_2490, %gather3A_2593 : vector<16xf32>
      %get3A_2595 = arith.constant 24 : i32
      %get3A_2596 = arith.index_cast %get3A_2595 : i32 to index
      %get3A_2597 = arith.index_cast %mul3A_102 : i32 to index
      %get3A_2598 = tpu.vector_load %arg10[%get3A_2596, %get3A_2597] {strides = array<i32>} : memref<26x512xf32, #tpu.memory_space<vmem>>, vector<16xf32>,
      %add3A_2599 = arith.constant 6662 : i32
      %add3A_2600 = vector.broadcast %add3A_2599 : i32 to vector<16xi32>
      %add3A_2601 = arith.addi %broadcast_in_dim3A_9, %add3A_2600 : vector<16xi32>
      %gather3A_2602 = tpu.vector_load_idx %arg11[%add3A_2601] : memref<7072xf32, #tpu.memory_space<vmem>>[vector<16xi32>], vector<16xf32>,
      %le3A_2603 = arith.cmpf ole, %gather3A_2602, %get3A_2598 : vector<16xf32>
      %jit3A_2604 = arith.constant 136 : i32
      %jit3A_2605 = arith.constant 0 : i32
      %broadcast_in_dim3A_2606 = vector.broadcast %jit3A_2604 : i32 to vector<16xi32>
      %broadcast_in_dim3A_2607 = vector.broadcast %jit3A_2605 : i32 to vector<16xi32>
      %select_n3A_2608 = arith.select %le3A_2603, %broadcast_in_dim3A_2606, %broadcast_in_dim3A_2607 : vector<16xi1>, vector<16xi32>
      %add3A_2609 = arith.addi %broadcast_in_dim3A_9, %select_n3A_2608 : vector<16xi32>
      %add3A_2610 = arith.constant 6594 : i32
      %add3A_2611 = vector.broadcast %add3A_2610 : i32 to vector<16xi32>
      %add3A_2612 = arith.addi %add3A_2609, %add3A_2611 : vector<16xi32>
      %gather3A_2613 = tpu.vector_load_idx %arg11[%add3A_2612] : memref<7072xf32, #tpu.memory_space<vmem>>[vector<16xi32>], vector<16xf32>,
      %le3A_2614 = arith.cmpf ole, %gather3A_2613, %get3A_2598 : vector<16xf32>
      %jit3A_2615 = arith.constant 68 : i32
      %jit3A_2616 = arith.constant 0 : i32
      %broadcast_in_dim3A_2617 = vector.broadcast %jit3A_2615 : i32 to vector<16xi32>
      %broadcast_in_dim3A_2618 = vector.broadcast %jit3A_2616 : i32 to vector<16xi32>
      %select_n3A_2619 = arith.select %le3A_2614, %broadcast_in_dim3A_2617, %broadcast_in_dim3A_2618 : vector<16xi1>, vector<16xi32>
      %add3A_2620 = arith.addi %add3A_2609, %select_n3A_2619 : vector<16xi32>
      %add3A_2621 = arith.constant 6560 : i32
      %add3A_2622 = vector.broadcast %add3A_2621 : i32 to vector<16xi32>
      %add3A_2623 = arith.addi %add3A_2620, %add3A_2622 : vector<16xi32>
      %gather3A_2624 = tpu.vector_load_idx %arg11[%add3A_2623] : memref<7072xf32, #tpu.memory_space<vmem>>[vector<16xi32>], vector<16xf32>,
      %le3A_2625 = arith.cmpf ole, %gather3A_2624, %get3A_2598 : vector<16xf32>
      %jit3A_2626 = arith.constant 34 : i32
      %jit3A_2627 = arith.constant 0 : i32
      %broadcast_in_dim3A_2628 = vector.broadcast %jit3A_2626 : i32 to vector<16xi32>
      %broadcast_in_dim3A_2629 = vector.broadcast %jit3A_2627 : i32 to vector<16xi32>
      %select_n3A_2630 = arith.select %le3A_2625, %broadcast_in_dim3A_2628, %broadcast_in_dim3A_2629 : vector<16xi1>, vector<16xi32>
      %add3A_2631 = arith.addi %add3A_2620, %select_n3A_2630 : vector<16xi32>
      %add3A_2632 = arith.constant 6543 : i32
      %add3A_2633 = vector.broadcast %add3A_2632 : i32 to vector<16xi32>
      %add3A_2634 = arith.addi %add3A_2631, %add3A_2633 : vector<16xi32>
      %gather3A_2635 = tpu.vector_load_idx %arg11[%add3A_2634] : memref<7072xf32, #tpu.memory_space<vmem>>[vector<16xi32>], vector<16xf32>,
      %le3A_2636 = arith.cmpf ole, %gather3A_2635, %get3A_2598 : vector<16xf32>
      %jit3A_2637 = arith.constant 17 : i32
      %jit3A_2638 = arith.constant 0 : i32
      %broadcast_in_dim3A_2639 = vector.broadcast %jit3A_2637 : i32 to vector<16xi32>
      %broadcast_in_dim3A_2640 = vector.broadcast %jit3A_2638 : i32 to vector<16xi32>
      %select_n3A_2641 = arith.select %le3A_2636, %broadcast_in_dim3A_2639, %broadcast_in_dim3A_2640 : vector<16xi1>, vector<16xi32>
      %add3A_2642 = arith.addi %add3A_2631, %select_n3A_2641 : vector<16xi32>
      %add3A_2643 = arith.constant 6535 : i32
      %add3A_2644 = vector.broadcast %add3A_2643 : i32 to vector<16xi32>
      %add3A_2645 = arith.addi %add3A_2642, %add3A_2644 : vector<16xi32>
      %gather3A_2646 = tpu.vector_load_idx %arg11[%add3A_2645] : memref<7072xf32, #tpu.memory_space<vmem>>[vector<16xi32>], vector<16xf32>,
      %le3A_2647 = arith.cmpf ole, %gather3A_2646, %get3A_2598 : vector<16xf32>
      %jit3A_2648 = arith.constant 8 : i32
      %jit3A_2649 = arith.constant 0 : i32
      %broadcast_in_dim3A_2650 = vector.broadcast %jit3A_2648 : i32 to vector<16xi32>
      %broadcast_in_dim3A_2651 = vector.broadcast %jit3A_2649 : i32 to vector<16xi32>
      %select_n3A_2652 = arith.select %le3A_2647, %broadcast_in_dim3A_2650, %broadcast_in_dim3A_2651 : vector<16xi1>, vector<16xi32>
      %add3A_2653 = arith.addi %add3A_2642, %select_n3A_2652 : vector<16xi32>
      %add3A_2654 = arith.constant 6531 : i32
      %add3A_2655 = vector.broadcast %add3A_2654 : i32 to vector<16xi32>
      %add3A_2656 = arith.addi %add3A_2653, %add3A_2655 : vector<16xi32>
      %gather3A_2657 = tpu.vector_load_idx %arg11[%add3A_2656] : memref<7072xf32, #tpu.memory_space<vmem>>[vector<16xi32>], vector<16xf32>,
      %le3A_2658 = arith.cmpf ole, %gather3A_2657, %get3A_2598 : vector<16xf32>
      %jit3A_2659 = arith.constant 4 : i32
      %jit3A_2660 = arith.constant 0 : i32
      %broadcast_in_dim3A_2661 = vector.broadcast %jit3A_2659 : i32 to vector<16xi32>
      %broadcast_in_dim3A_2662 = vector.broadcast %jit3A_2660 : i32 to vector<16xi32>
      %select_n3A_2663 = arith.select %le3A_2658, %broadcast_in_dim3A_2661, %broadcast_in_dim3A_2662 : vector<16xi1>, vector<16xi32>
      %add3A_2664 = arith.addi %add3A_2653, %select_n3A_2663 : vector<16xi32>
      %add3A_2665 = arith.constant 6529 : i32
      %add3A_2666 = vector.broadcast %add3A_2665 : i32 to vector<16xi32>
      %add3A_2667 = arith.addi %add3A_2664, %add3A_2666 : vector<16xi32>
      %gather3A_2668 = tpu.vector_load_idx %arg11[%add3A_2667] : memref<7072xf32, #tpu.memory_space<vmem>>[vector<16xi32>], vector<16xf32>,
      %le3A_2669 = arith.cmpf ole, %gather3A_2668, %get3A_2598 : vector<16xf32>
      %jit3A_2670 = arith.constant 2 : i32
      %jit3A_2671 = arith.constant 0 : i32
      %broadcast_in_dim3A_2672 = vector.broadcast %jit3A_2670 : i32 to vector<16xi32>
      %broadcast_in_dim3A_2673 = vector.broadcast %jit3A_2671 : i32 to vector<16xi32>
      %select_n3A_2674 = arith.select %le3A_2669, %broadcast_in_dim3A_2672, %broadcast_in_dim3A_2673 : vector<16xi1>, vector<16xi32>
      %add3A_2675 = arith.addi %add3A_2664, %select_n3A_2674 : vector<16xi32>
      %add3A_2676 = arith.constant 6528 : i32
      %add3A_2677 = vector.broadcast %add3A_2676 : i32 to vector<16xi32>
      %add3A_2678 = arith.addi %add3A_2675, %add3A_2677 : vector<16xi32>
      %gather3A_2679 = tpu.vector_load_idx %arg11[%add3A_2678] : memref<7072xf32, #tpu.memory_space<vmem>>[vector<16xi32>], vector<16xf32>,
      %le3A_2680 = arith.cmpf ole, %gather3A_2679, %get3A_2598 : vector<16xf32>
      %jit3A_2681 = arith.constant 1 : i32
      %jit3A_2682 = arith.constant 0 : i32
      %broadcast_in_dim3A_2683 = vector.broadcast %jit3A_2681 : i32 to vector<16xi32>
      %broadcast_in_dim3A_2684 = vector.broadcast %jit3A_2682 : i32 to vector<16xi32>
      %select_n3A_2685 = arith.select %le3A_2680, %broadcast_in_dim3A_2683, %broadcast_in_dim3A_2684 : vector<16xi1>, vector<16xi32>
      %add3A_2686 = arith.addi %add3A_2675, %select_n3A_2685 : vector<16xi32>
      %mul3A_2687 = arith.constant 3856 : i32
      %mul3A_2688 = vector.broadcast %mul3A_2687 : i32 to vector<16xi32>
      %mul3A_2689 = arith.muli %add3A_2686, %mul3A_2688 : vector<16xi32>
      %shift_right_arithmetic3A_2690 = arith.constant 16 : i32
      %shift_right_arithmetic3A_2691 = vector.broadcast %shift_right_arithmetic3A_2690 : i32 to vector<16xi32>
      %shift_right_arithmetic3A_2692 = arith.shrsi %mul3A_2689, %shift_right_arithmetic3A_2691 : vector<16xi32>
      %sub3A_2693 = arith.subi %add3A_2686, %shift_right_arithmetic3A_2692 : vector<16xi32>
      %add3A_2694 = arith.constant 6144 : i32
      %add3A_2695 = vector.broadcast %add3A_2694 : i32 to vector<16xi32>
      %add3A_2696 = arith.addi %sub3A_2693, %add3A_2695 : vector<16xi32>
      %gather3A_2697 = tpu.vector_load_idx %arg12[%add3A_2696] : memref<6656xf32, #tpu.memory_space<vmem>>[vector<16xi32>], vector<16xf32>,
      %add3A_2698 = arith.addf %add3A_2594, %gather3A_2697 : vector<16xf32>
      %get3A_2699 = arith.constant 25 : i32
      %get3A_2700 = arith.index_cast %get3A_2699 : i32 to index
      %get3A_2701 = arith.index_cast %mul3A_102 : i32 to index
      %get3A_2702 = tpu.vector_load %arg10[%get3A_2700, %get3A_2701] {strides = array<i32>} : memref<26x512xf32, #tpu.memory_space<vmem>>, vector<16xf32>,
      %add3A_2703 = arith.constant 6934 : i32
      %add3A_2704 = vector.broadcast %add3A_2703 : i32 to vector<16xi32>
      %add3A_2705 = arith.addi %broadcast_in_dim3A_9, %add3A_2704 : vector<16xi32>
      %gather3A_2706 = tpu.vector_load_idx %arg11[%add3A_2705] : memref<7072xf32, #tpu.memory_space<vmem>>[vector<16xi32>], vector<16xf32>,
      %le3A_2707 = arith.cmpf ole, %gather3A_2706, %get3A_2702 : vector<16xf32>
      %jit3A_2708 = arith.constant 136 : i32
      %jit3A_2709 = arith.constant 0 : i32
      %broadcast_in_dim3A_2710 = vector.broadcast %jit3A_2708 : i32 to vector<16xi32>
      %broadcast_in_dim3A_2711 = vector.broadcast %jit3A_2709 : i32 to vector<16xi32>
      %select_n3A_2712 = arith.select %le3A_2707, %broadcast_in_dim3A_2710, %broadcast_in_dim3A_2711 : vector<16xi1>, vector<16xi32>
      %add3A_2713 = arith.addi %broadcast_in_dim3A_9, %select_n3A_2712 : vector<16xi32>
      %add3A_2714 = arith.constant 6866 : i32
      %add3A_2715 = vector.broadcast %add3A_2714 : i32 to vector<16xi32>
      %add3A_2716 = arith.addi %add3A_2713, %add3A_2715 : vector<16xi32>
      %gather3A_2717 = tpu.vector_load_idx %arg11[%add3A_2716] : memref<7072xf32, #tpu.memory_space<vmem>>[vector<16xi32>], vector<16xf32>,
      %le3A_2718 = arith.cmpf ole, %gather3A_2717, %get3A_2702 : vector<16xf32>
      %jit3A_2719 = arith.constant 68 : i32
      %jit3A_2720 = arith.constant 0 : i32
      %broadcast_in_dim3A_2721 = vector.broadcast %jit3A_2719 : i32 to vector<16xi32>
      %broadcast_in_dim3A_2722 = vector.broadcast %jit3A_2720 : i32 to vector<16xi32>
      %select_n3A_2723 = arith.select %le3A_2718, %broadcast_in_dim3A_2721, %broadcast_in_dim3A_2722 : vector<16xi1>, vector<16xi32>
      %add3A_2724 = arith.addi %add3A_2713, %select_n3A_2723 : vector<16xi32>
      %add3A_2725 = arith.constant 6832 : i32
      %add3A_2726 = vector.broadcast %add3A_2725 : i32 to vector<16xi32>
      %add3A_2727 = arith.addi %add3A_2724, %add3A_2726 : vector<16xi32>
      %gather3A_2728 = tpu.vector_load_idx %arg11[%add3A_2727] : memref<7072xf32, #tpu.memory_space<vmem>>[vector<16xi32>], vector<16xf32>,
      %le3A_2729 = arith.cmpf ole, %gather3A_2728, %get3A_2702 : vector<16xf32>
      %jit3A_2730 = arith.constant 34 : i32
      %jit3A_2731 = arith.constant 0 : i32
      %broadcast_in_dim3A_2732 = vector.broadcast %jit3A_2730 : i32 to vector<16xi32>
      %broadcast_in_dim3A_2733 = vector.broadcast %jit3A_2731 : i32 to vector<16xi32>
      %select_n3A_2734 = arith.select %le3A_2729, %broadcast_in_dim3A_2732, %broadcast_in_dim3A_2733 : vector<16xi1>, vector<16xi32>
      %add3A_2735 = arith.addi %add3A_2724, %select_n3A_2734 : vector<16xi32>
      %add3A_2736 = arith.constant 6815 : i32
      %add3A_2737 = vector.broadcast %add3A_2736 : i32 to vector<16xi32>
      %add3A_2738 = arith.addi %add3A_2735, %add3A_2737 : vector<16xi32>
      %gather3A_2739 = tpu.vector_load_idx %arg11[%add3A_2738] : memref<7072xf32, #tpu.memory_space<vmem>>[vector<16xi32>], vector<16xf32>,
      %le3A_2740 = arith.cmpf ole, %gather3A_2739, %get3A_2702 : vector<16xf32>
      %jit3A_2741 = arith.constant 17 : i32
      %jit3A_2742 = arith.constant 0 : i32
      %broadcast_in_dim3A_2743 = vector.broadcast %jit3A_2741 : i32 to vector<16xi32>
      %broadcast_in_dim3A_2744 = vector.broadcast %jit3A_2742 : i32 to vector<16xi32>
      %select_n3A_2745 = arith.select %le3A_2740, %broadcast_in_dim3A_2743, %broadcast_in_dim3A_2744 : vector<16xi1>, vector<16xi32>
      %add3A_2746 = arith.addi %add3A_2735, %select_n3A_2745 : vector<16xi32>
      %add3A_2747 = arith.constant 6807 : i32
      %add3A_2748 = vector.broadcast %add3A_2747 : i32 to vector<16xi32>
      %add3A_2749 = arith.addi %add3A_2746, %add3A_2748 : vector<16xi32>
      %gather3A_2750 = tpu.vector_load_idx %arg11[%add3A_2749] : memref<7072xf32, #tpu.memory_space<vmem>>[vector<16xi32>], vector<16xf32>,
      %le3A_2751 = arith.cmpf ole, %gather3A_2750, %get3A_2702 : vector<16xf32>
      %jit3A_2752 = arith.constant 8 : i32
      %jit3A_2753 = arith.constant 0 : i32
      %broadcast_in_dim3A_2754 = vector.broadcast %jit3A_2752 : i32 to vector<16xi32>
      %broadcast_in_dim3A_2755 = vector.broadcast %jit3A_2753 : i32 to vector<16xi32>
      %select_n3A_2756 = arith.select %le3A_2751, %broadcast_in_dim3A_2754, %broadcast_in_dim3A_2755 : vector<16xi1>, vector<16xi32>
      %add3A_2757 = arith.addi %add3A_2746, %select_n3A_2756 : vector<16xi32>
      %add3A_2758 = arith.constant 6803 : i32
      %add3A_2759 = vector.broadcast %add3A_2758 : i32 to vector<16xi32>
      %add3A_2760 = arith.addi %add3A_2757, %add3A_2759 : vector<16xi32>
      %gather3A_2761 = tpu.vector_load_idx %arg11[%add3A_2760] : memref<7072xf32, #tpu.memory_space<vmem>>[vector<16xi32>], vector<16xf32>,
      %le3A_2762 = arith.cmpf ole, %gather3A_2761, %get3A_2702 : vector<16xf32>
      %jit3A_2763 = arith.constant 4 : i32
      %jit3A_2764 = arith.constant 0 : i32
      %broadcast_in_dim3A_2765 = vector.broadcast %jit3A_2763 : i32 to vector<16xi32>
      %broadcast_in_dim3A_2766 = vector.broadcast %jit3A_2764 : i32 to vector<16xi32>
      %select_n3A_2767 = arith.select %le3A_2762, %broadcast_in_dim3A_2765, %broadcast_in_dim3A_2766 : vector<16xi1>, vector<16xi32>
      %add3A_2768 = arith.addi %add3A_2757, %select_n3A_2767 : vector<16xi32>
      %add3A_2769 = arith.constant 6801 : i32
      %add3A_2770 = vector.broadcast %add3A_2769 : i32 to vector<16xi32>
      %add3A_2771 = arith.addi %add3A_2768, %add3A_2770 : vector<16xi32>
      %gather3A_2772 = tpu.vector_load_idx %arg11[%add3A_2771] : memref<7072xf32, #tpu.memory_space<vmem>>[vector<16xi32>], vector<16xf32>,
      %le3A_2773 = arith.cmpf ole, %gather3A_2772, %get3A_2702 : vector<16xf32>
      %jit3A_2774 = arith.constant 2 : i32
      %jit3A_2775 = arith.constant 0 : i32
      %broadcast_in_dim3A_2776 = vector.broadcast %jit3A_2774 : i32 to vector<16xi32>
      %broadcast_in_dim3A_2777 = vector.broadcast %jit3A_2775 : i32 to vector<16xi32>
      %select_n3A_2778 = arith.select %le3A_2773, %broadcast_in_dim3A_2776, %broadcast_in_dim3A_2777 : vector<16xi1>, vector<16xi32>
      %add3A_2779 = arith.addi %add3A_2768, %select_n3A_2778 : vector<16xi32>
      %add3A_2780 = arith.constant 6800 : i32
      %add3A_2781 = vector.broadcast %add3A_2780 : i32 to vector<16xi32>
      %add3A_2782 = arith.addi %add3A_2779, %add3A_2781 : vector<16xi32>
      %gather3A_2783 = tpu.vector_load_idx %arg11[%add3A_2782] : memref<7072xf32, #tpu.memory_space<vmem>>[vector<16xi32>], vector<16xf32>,
      %le3A_2784 = arith.cmpf ole, %gather3A_2783, %get3A_2702 : vector<16xf32>
      %jit3A_2785 = arith.constant 1 : i32
      %jit3A_2786 = arith.constant 0 : i32
      %broadcast_in_dim3A_2787 = vector.broadcast %jit3A_2785 : i32 to vector<16xi32>
      %broadcast_in_dim3A_2788 = vector.broadcast %jit3A_2786 : i32 to vector<16xi32>
      %select_n3A_2789 = arith.select %le3A_2784, %broadcast_in_dim3A_2787, %broadcast_in_dim3A_2788 : vector<16xi1>, vector<16xi32>
      %add3A_2790 = arith.addi %add3A_2779, %select_n3A_2789 : vector<16xi32>
      %mul3A_2791 = arith.constant 3856 : i32
      %mul3A_2792 = vector.broadcast %mul3A_2791 : i32 to vector<16xi32>
      %mul3A_2793 = arith.muli %add3A_2790, %mul3A_2792 : vector<16xi32>
      %shift_right_arithmetic3A_2794 = arith.constant 16 : i32
      %shift_right_arithmetic3A_2795 = vector.broadcast %shift_right_arithmetic3A_2794 : i32 to vector<16xi32>
      %shift_right_arithmetic3A_2796 = arith.shrsi %mul3A_2793, %shift_right_arithmetic3A_2795 : vector<16xi32>
      %sub3A_2797 = arith.subi %add3A_2790, %shift_right_arithmetic3A_2796 : vector<16xi32>
      %add3A_2798 = arith.constant 6400 : i32
      %add3A_2799 = vector.broadcast %add3A_2798 : i32 to vector<16xi32>
      %add3A_2800 = arith.addi %sub3A_2797, %add3A_2799 : vector<16xi32>
      %gather3A_2801 = tpu.vector_load_idx %arg12[%add3A_2800] : memref<6656xf32, #tpu.memory_space<vmem>>[vector<16xi32>], vector<16xf32>,
      %add3A_2802 = arith.addf %add3A_2698, %gather3A_2801 : vector<16xf32>
      %gather3A_2803 = tpu.vector_load_idx %arg10[%get3A_14, %add3A_104] : memref<26x512xf32, #tpu.memory_space<vmem>>[vector<16xi32>, vector<16xi32>], vector<16xf32>,
      %gather3A_2804 = tpu.vector_load_idx %arg10[%get3A_54, %add3A_104] : memref<26x512xf32, #tpu.memory_space<vmem>>[vector<16xi32>, vector<16xi32>], vector<16xf32>,
      %add3A_2805 = arith.constant 15 : i32
      %add3A_2806 = vector.broadcast %add3A_2805 : i32 to vector<16xi32>
      %add3A_2807 = arith.addi %broadcast_in_dim3A_9, %add3A_2806 : vector<16xi32>
      %gather3A_2808 = tpu.vector_load_idx %arg13[%add3A_2807] : memref<640xf32, #tpu.memory_space<vmem>>[vector<16xi32>], vector<16xf32>,
      %le3A_2809 = arith.cmpf ole, %gather3A_2808, %gather3A_2803 : vector<16xf32>
      %jit3A_2810 = arith.constant 17 : i32
      %jit3A_2811 = arith.constant 0 : i32
      %broadcast_in_dim3A_2812 = vector.broadcast %jit3A_2810 : i32 to vector<16xi32>
      %broadcast_in_dim3A_2813 = vector.broadcast %jit3A_2811 : i32 to vector<16xi32>
      %select_n3A_2814 = arith.select %le3A_2809, %broadcast_in_dim3A_2812, %broadcast_in_dim3A_2813 : vector<16xi1>, vector<16xi32>
      %add3A_2815 = arith.addi %broadcast_in_dim3A_9, %select_n3A_2814 : vector<16xi32>
      %add3A_2816 = arith.constant 47 : i32
      %add3A_2817 = vector.broadcast %add3A_2816 : i32 to vector<16xi32>
      %add3A_2818 = arith.addi %broadcast_in_dim3A_9, %add3A_2817 : vector<16xi32>
      %gather3A_2819 = tpu.vector_load_idx %arg13[%add3A_2818] : memref<640xf32, #tpu.memory_space<vmem>>[vector<16xi32>], vector<16xf32>,
      %le3A_2820 = arith.cmpf ole, %gather3A_2819, %gather3A_2804 : vector<16xf32>
      %jit3A_2821 = arith.constant 17 : i32
      %jit3A_2822 = arith.constant 0 : i32
      %broadcast_in_dim3A_2823 = vector.broadcast %jit3A_2821 : i32 to vector<16xi32>
      %broadcast_in_dim3A_2824 = vector.broadcast %jit3A_2822 : i32 to vector<16xi32>
      %select_n3A_2825 = arith.select %le3A_2820, %broadcast_in_dim3A_2823, %broadcast_in_dim3A_2824 : vector<16xi1>, vector<16xi32>
      %add3A_2826 = arith.addi %broadcast_in_dim3A_9, %select_n3A_2825 : vector<16xi32>
      %add3A_2827 = arith.constant 7 : i32
      %add3A_2828 = vector.broadcast %add3A_2827 : i32 to vector<16xi32>
      %add3A_2829 = arith.addi %add3A_2815, %add3A_2828 : vector<16xi32>
      %gather3A_2830 = tpu.vector_load_idx %arg13[%add3A_2829] : memref<640xf32, #tpu.memory_space<vmem>>[vector<16xi32>], vector<16xf32>,
      %le3A_2831 = arith.cmpf ole, %gather3A_2830, %gather3A_2803 : vector<16xf32>
      %jit3A_2832 = arith.constant 8 : i32
      %jit3A_2833 = arith.constant 0 : i32
      %broadcast_in_dim3A_2834 = vector.broadcast %jit3A_2832 : i32 to vector<16xi32>
      %broadcast_in_dim3A_2835 = vector.broadcast %jit3A_2833 : i32 to vector<16xi32>
      %select_n3A_2836 = arith.select %le3A_2831, %broadcast_in_dim3A_2834, %broadcast_in_dim3A_2835 : vector<16xi1>, vector<16xi32>
      %add3A_2837 = arith.addi %add3A_2815, %select_n3A_2836 : vector<16xi32>
      %add3A_2838 = arith.constant 39 : i32
      %add3A_2839 = vector.broadcast %add3A_2838 : i32 to vector<16xi32>
      %add3A_2840 = arith.addi %add3A_2826, %add3A_2839 : vector<16xi32>
      %gather3A_2841 = tpu.vector_load_idx %arg13[%add3A_2840] : memref<640xf32, #tpu.memory_space<vmem>>[vector<16xi32>], vector<16xf32>,
      %le3A_2842 = arith.cmpf ole, %gather3A_2841, %gather3A_2804 : vector<16xf32>
      %jit3A_2843 = arith.constant 8 : i32
      %jit3A_2844 = arith.constant 0 : i32
      %broadcast_in_dim3A_2845 = vector.broadcast %jit3A_2843 : i32 to vector<16xi32>
      %broadcast_in_dim3A_2846 = vector.broadcast %jit3A_2844 : i32 to vector<16xi32>
      %select_n3A_2847 = arith.select %le3A_2842, %broadcast_in_dim3A_2845, %broadcast_in_dim3A_2846 : vector<16xi1>, vector<16xi32>
      %add3A_2848 = arith.addi %add3A_2826, %select_n3A_2847 : vector<16xi32>
      %add3A_2849 = arith.constant 3 : i32
      %add3A_2850 = vector.broadcast %add3A_2849 : i32 to vector<16xi32>
      %add3A_2851 = arith.addi %add3A_2837, %add3A_2850 : vector<16xi32>
      %gather3A_2852 = tpu.vector_load_idx %arg13[%add3A_2851] : memref<640xf32, #tpu.memory_space<vmem>>[vector<16xi32>], vector<16xf32>,
      %le3A_2853 = arith.cmpf ole, %gather3A_2852, %gather3A_2803 : vector<16xf32>
      %jit3A_2854 = arith.constant 4 : i32
      %jit3A_2855 = arith.constant 0 : i32
      %broadcast_in_dim3A_2856 = vector.broadcast %jit3A_2854 : i32 to vector<16xi32>
      %broadcast_in_dim3A_2857 = vector.broadcast %jit3A_2855 : i32 to vector<16xi32>
      %select_n3A_2858 = arith.select %le3A_2853, %broadcast_in_dim3A_2856, %broadcast_in_dim3A_2857 : vector<16xi1>, vector<16xi32>
      %add3A_2859 = arith.addi %add3A_2837, %select_n3A_2858 : vector<16xi32>
      %add3A_2860 = arith.constant 35 : i32
      %add3A_2861 = vector.broadcast %add3A_2860 : i32 to vector<16xi32>
      %add3A_2862 = arith.addi %add3A_2848, %add3A_2861 : vector<16xi32>
      %gather3A_2863 = tpu.vector_load_idx %arg13[%add3A_2862] : memref<640xf32, #tpu.memory_space<vmem>>[vector<16xi32>], vector<16xf32>,
      %le3A_2864 = arith.cmpf ole, %gather3A_2863, %gather3A_2804 : vector<16xf32>
      %jit3A_2865 = arith.constant 4 : i32
      %jit3A_2866 = arith.constant 0 : i32
      %broadcast_in_dim3A_2867 = vector.broadcast %jit3A_2865 : i32 to vector<16xi32>
      %broadcast_in_dim3A_2868 = vector.broadcast %jit3A_2866 : i32 to vector<16xi32>
      %select_n3A_2869 = arith.select %le3A_2864, %broadcast_in_dim3A_2867, %broadcast_in_dim3A_2868 : vector<16xi1>, vector<16xi32>
      %add3A_2870 = arith.addi %add3A_2848, %select_n3A_2869 : vector<16xi32>
      %add3A_2871 = arith.constant 1 : i32
      %add3A_2872 = vector.broadcast %add3A_2871 : i32 to vector<16xi32>
      %add3A_2873 = arith.addi %add3A_2859, %add3A_2872 : vector<16xi32>
      %gather3A_2874 = tpu.vector_load_idx %arg13[%add3A_2873] : memref<640xf32, #tpu.memory_space<vmem>>[vector<16xi32>], vector<16xf32>,
      %le3A_2875 = arith.cmpf ole, %gather3A_2874, %gather3A_2803 : vector<16xf32>
      %jit3A_2876 = arith.constant 2 : i32
      %jit3A_2877 = arith.constant 0 : i32
      %broadcast_in_dim3A_2878 = vector.broadcast %jit3A_2876 : i32 to vector<16xi32>
      %broadcast_in_dim3A_2879 = vector.broadcast %jit3A_2877 : i32 to vector<16xi32>
      %select_n3A_2880 = arith.select %le3A_2875, %broadcast_in_dim3A_2878, %broadcast_in_dim3A_2879 : vector<16xi1>, vector<16xi32>
      %add3A_2881 = arith.addi %add3A_2859, %select_n3A_2880 : vector<16xi32>
      %add3A_2882 = arith.constant 33 : i32
      %add3A_2883 = vector.broadcast %add3A_2882 : i32 to vector<16xi32>
      %add3A_2884 = arith.addi %add3A_2870, %add3A_2883 : vector<16xi32>
      %gather3A_2885 = tpu.vector_load_idx %arg13[%add3A_2884] : memref<640xf32, #tpu.memory_space<vmem>>[vector<16xi32>], vector<16xf32>,
      %le3A_2886 = arith.cmpf ole, %gather3A_2885, %gather3A_2804 : vector<16xf32>
      %jit3A_2887 = arith.constant 2 : i32
      %jit3A_2888 = arith.constant 0 : i32
      %broadcast_in_dim3A_2889 = vector.broadcast %jit3A_2887 : i32 to vector<16xi32>
      %broadcast_in_dim3A_2890 = vector.broadcast %jit3A_2888 : i32 to vector<16xi32>
      %select_n3A_2891 = arith.select %le3A_2886, %broadcast_in_dim3A_2889, %broadcast_in_dim3A_2890 : vector<16xi1>, vector<16xi32>
      %add3A_2892 = arith.addi %add3A_2870, %select_n3A_2891 : vector<16xi32>
      %add3A_2893 = arith.constant 0 : i32
      %add3A_2894 = vector.broadcast %add3A_2893 : i32 to vector<16xi32>
      %add3A_2895 = arith.addi %add3A_2881, %add3A_2894 : vector<16xi32>
      %gather3A_2896 = tpu.vector_load_idx %arg13[%add3A_2895] : memref<640xf32, #tpu.memory_space<vmem>>[vector<16xi32>], vector<16xf32>,
      %le3A_2897 = arith.cmpf ole, %gather3A_2896, %gather3A_2803 : vector<16xf32>
      %jit3A_2898 = arith.constant 1 : i32
      %jit3A_2899 = arith.constant 0 : i32
      %broadcast_in_dim3A_2900 = vector.broadcast %jit3A_2898 : i32 to vector<16xi32>
      %broadcast_in_dim3A_2901 = vector.broadcast %jit3A_2899 : i32 to vector<16xi32>
      %select_n3A_2902 = arith.select %le3A_2897, %broadcast_in_dim3A_2900, %broadcast_in_dim3A_2901 : vector<16xi1>, vector<16xi32>
      %add3A_2903 = arith.addi %add3A_2881, %select_n3A_2902 : vector<16xi32>
      %add3A_2904 = arith.constant 32 : i32
      %add3A_2905 = vector.broadcast %add3A_2904 : i32 to vector<16xi32>
      %add3A_2906 = arith.addi %add3A_2892, %add3A_2905 : vector<16xi32>
      %gather3A_2907 = tpu.vector_load_idx %arg13[%add3A_2906] : memref<640xf32, #tpu.memory_space<vmem>>[vector<16xi32>], vector<16xf32>,
      %le3A_2908 = arith.cmpf ole, %gather3A_2907, %gather3A_2804 : vector<16xf32>
      %jit3A_2909 = arith.constant 1 : i32
      %jit3A_2910 = arith.constant 0 : i32
      %broadcast_in_dim3A_2911 = vector.broadcast %jit3A_2909 : i32 to vector<16xi32>
      %broadcast_in_dim3A_2912 = vector.broadcast %jit3A_2910 : i32 to vector<16xi32>
      %select_n3A_2913 = arith.select %le3A_2908, %broadcast_in_dim3A_2911, %broadcast_in_dim3A_2912 : vector<16xi1>, vector<16xi32>
      %add3A_2914 = arith.addi %add3A_2892, %select_n3A_2913 : vector<16xi32>
      %mul3A_2915 = arith.constant 3856 : i32
      %mul3A_2916 = vector.broadcast %mul3A_2915 : i32 to vector<16xi32>
      %mul3A_2917 = arith.muli %add3A_2903, %mul3A_2916 : vector<16xi32>
      %shift_right_arithmetic3A_2918 = arith.constant 16 : i32
      %shift_right_arithmetic3A_2919 = vector.broadcast %shift_right_arithmetic3A_2918 : i32 to vector<16xi32>
      %shift_right_arithmetic3A_2920 = arith.shrsi %mul3A_2917, %shift_right_arithmetic3A_2919 : vector<16xi32>
      %sub3A_2921 = arith.subi %add3A_2903, %shift_right_arithmetic3A_2920 : vector<16xi32>
      %mul3A_2922 = arith.constant 3856 : i32
      %mul3A_2923 = vector.broadcast %mul3A_2922 : i32 to vector<16xi32>
      %mul3A_2924 = arith.muli %add3A_2914, %mul3A_2923 : vector<16xi32>
      %shift_right_arithmetic3A_2925 = arith.constant 16 : i32
      %shift_right_arithmetic3A_2926 = vector.broadcast %shift_right_arithmetic3A_2925 : i32 to vector<16xi32>
      %shift_right_arithmetic3A_2927 = arith.shrsi %mul3A_2924, %shift_right_arithmetic3A_2926 : vector<16xi32>
      %sub3A_2928 = arith.subi %add3A_2914, %shift_right_arithmetic3A_2927 : vector<16xi32>
      %shift_left3A = arith.constant 5 : i32
      %shift_left3A_2929 = vector.broadcast %shift_left3A : i32 to vector<16xi32>
      %shift_left3A_2930 = arith.shli %sub3A_2921, %shift_left3A_2929 : vector<16xi32>
      %add3A_2931 = arith.addi %shift_left3A_2930, %sub3A_2928 : vector<16xi32>
      %add3A_2932 = arith.constant 0 : i32
      %add3A_2933 = vector.broadcast %add3A_2932 : i32 to vector<16xi32>
      %add3A_2934 = arith.addi %add3A_2931, %add3A_2933 : vector<16xi32>
      %gather3A_2935 = tpu.vector_load_idx %arg14[%add3A_2934] : memref<10240xf32, #tpu.memory_space<vmem>>[vector<16xi32>], vector<16xf32>,
      %add3A_2936 = arith.addf %add3A_2802, %gather3A_2935 : vector<16xf32>
      %gather3A_2937 = tpu.vector_load_idx %arg10[%get3A_18, %add3A_104] : memref<26x512xf32, #tpu.memory_space<vmem>>[vector<16xi32>, vector<16xi32>], vector<16xf32>,
      %gather3A_2938 = tpu.vector_load_idx %arg10[%get3A_58, %add3A_104] : memref<26x512xf32, #tpu.memory_space<vmem>>[vector<16xi32>, vector<16xi32>], vector<16xf32>,
      %add3A_2939 = arith.constant 79 : i32
      %add3A_2940 = vector.broadcast %add3A_2939 : i32 to vector<16xi32>
      %add3A_2941 = arith.addi %broadcast_in_dim3A_9, %add3A_2940 : vector<16xi32>
      %gather3A_2942 = tpu.vector_load_idx %arg13[%add3A_2941] : memref<640xf32, #tpu.memory_space<vmem>>[vector<16xi32>], vector<16xf32>,
      %le3A_2943 = arith.cmpf ole, %gather3A_2942, %gather3A_2937 : vector<16xf32>
      %jit3A_2944 = arith.constant 17 : i32
      %jit3A_2945 = arith.constant 0 : i32
      %broadcast_in_dim3A_2946 = vector.broadcast %jit3A_2944 : i32 to vector<16xi32>
      %broadcast_in_dim3A_2947 = vector.broadcast %jit3A_2945 : i32 to vector<16xi32>
      %select_n3A_2948 = arith.select %le3A_2943, %broadcast_in_dim3A_2946, %broadcast_in_dim3A_2947 : vector<16xi1>, vector<16xi32>
      %add3A_2949 = arith.addi %broadcast_in_dim3A_9, %select_n3A_2948 : vector<16xi32>
      %add3A_2950 = arith.constant 111 : i32
      %add3A_2951 = vector.broadcast %add3A_2950 : i32 to vector<16xi32>
      %add3A_2952 = arith.addi %broadcast_in_dim3A_9, %add3A_2951 : vector<16xi32>
      %gather3A_2953 = tpu.vector_load_idx %arg13[%add3A_2952] : memref<640xf32, #tpu.memory_space<vmem>>[vector<16xi32>], vector<16xf32>,
      %le3A_2954 = arith.cmpf ole, %gather3A_2953, %gather3A_2938 : vector<16xf32>
      %jit3A_2955 = arith.constant 17 : i32
      %jit3A_2956 = arith.constant 0 : i32
      %broadcast_in_dim3A_2957 = vector.broadcast %jit3A_2955 : i32 to vector<16xi32>
      %broadcast_in_dim3A_2958 = vector.broadcast %jit3A_2956 : i32 to vector<16xi32>
      %select_n3A_2959 = arith.select %le3A_2954, %broadcast_in_dim3A_2957, %broadcast_in_dim3A_2958 : vector<16xi1>, vector<16xi32>
      %add3A_2960 = arith.addi %broadcast_in_dim3A_9, %select_n3A_2959 : vector<16xi32>
      %add3A_2961 = arith.constant 71 : i32
      %add3A_2962 = vector.broadcast %add3A_2961 : i32 to vector<16xi32>
      %add3A_2963 = arith.addi %add3A_2949, %add3A_2962 : vector<16xi32>
      %gather3A_2964 = tpu.vector_load_idx %arg13[%add3A_2963] : memref<640xf32, #tpu.memory_space<vmem>>[vector<16xi32>], vector<16xf32>,
      %le3A_2965 = arith.cmpf ole, %gather3A_2964, %gather3A_2937 : vector<16xf32>
      %jit3A_2966 = arith.constant 8 : i32
      %jit3A_2967 = arith.constant 0 : i32
      %broadcast_in_dim3A_2968 = vector.broadcast %jit3A_2966 : i32 to vector<16xi32>
      %broadcast_in_dim3A_2969 = vector.broadcast %jit3A_2967 : i32 to vector<16xi32>
      %select_n3A_2970 = arith.select %le3A_2965, %broadcast_in_dim3A_2968, %broadcast_in_dim3A_2969 : vector<16xi1>, vector<16xi32>
      %add3A_2971 = arith.addi %add3A_2949, %select_n3A_2970 : vector<16xi32>
      %add3A_2972 = arith.constant 103 : i32
      %add3A_2973 = vector.broadcast %add3A_2972 : i32 to vector<16xi32>
      %add3A_2974 = arith.addi %add3A_2960, %add3A_2973 : vector<16xi32>
      %gather3A_2975 = tpu.vector_load_idx %arg13[%add3A_2974] : memref<640xf32, #tpu.memory_space<vmem>>[vector<16xi32>], vector<16xf32>,
      %le3A_2976 = arith.cmpf ole, %gather3A_2975, %gather3A_2938 : vector<16xf32>
      %jit3A_2977 = arith.constant 8 : i32
      %jit3A_2978 = arith.constant 0 : i32
      %broadcast_in_dim3A_2979 = vector.broadcast %jit3A_2977 : i32 to vector<16xi32>
      %broadcast_in_dim3A_2980 = vector.broadcast %jit3A_2978 : i32 to vector<16xi32>
      %select_n3A_2981 = arith.select %le3A_2976, %broadcast_in_dim3A_2979, %broadcast_in_dim3A_2980 : vector<16xi1>, vector<16xi32>
      %add3A_2982 = arith.addi %add3A_2960, %select_n3A_2981 : vector<16xi32>
      %add3A_2983 = arith.constant 67 : i32
      %add3A_2984 = vector.broadcast %add3A_2983 : i32 to vector<16xi32>
      %add3A_2985 = arith.addi %add3A_2971, %add3A_2984 : vector<16xi32>
      %gather3A_2986 = tpu.vector_load_idx %arg13[%add3A_2985] : memref<640xf32, #tpu.memory_space<vmem>>[vector<16xi32>], vector<16xf32>,
      %le3A_2987 = arith.cmpf ole, %gather3A_2986, %gather3A_2937 : vector<16xf32>
      %jit3A_2988 = arith.constant 4 : i32
      %jit3A_2989 = arith.constant 0 : i32
      %broadcast_in_dim3A_2990 = vector.broadcast %jit3A_2988 : i32 to vector<16xi32>
      %broadcast_in_dim3A_2991 = vector.broadcast %jit3A_2989 : i32 to vector<16xi32>
      %select_n3A_2992 = arith.select %le3A_2987, %broadcast_in_dim3A_2990, %broadcast_in_dim3A_2991 : vector<16xi1>, vector<16xi32>
      %add3A_2993 = arith.addi %add3A_2971, %select_n3A_2992 : vector<16xi32>
      %add3A_2994 = arith.constant 99 : i32
      %add3A_2995 = vector.broadcast %add3A_2994 : i32 to vector<16xi32>
      %add3A_2996 = arith.addi %add3A_2982, %add3A_2995 : vector<16xi32>
      %gather3A_2997 = tpu.vector_load_idx %arg13[%add3A_2996] : memref<640xf32, #tpu.memory_space<vmem>>[vector<16xi32>], vector<16xf32>,
      %le3A_2998 = arith.cmpf ole, %gather3A_2997, %gather3A_2938 : vector<16xf32>
      %jit3A_2999 = arith.constant 4 : i32
      %jit3A_3000 = arith.constant 0 : i32
      %broadcast_in_dim3A_3001 = vector.broadcast %jit3A_2999 : i32 to vector<16xi32>
      %broadcast_in_dim3A_3002 = vector.broadcast %jit3A_3000 : i32 to vector<16xi32>
      %select_n3A_3003 = arith.select %le3A_2998, %broadcast_in_dim3A_3001, %broadcast_in_dim3A_3002 : vector<16xi1>, vector<16xi32>
      %add3A_3004 = arith.addi %add3A_2982, %select_n3A_3003 : vector<16xi32>
      %add3A_3005 = arith.constant 65 : i32
      %add3A_3006 = vector.broadcast %add3A_3005 : i32 to vector<16xi32>
      %add3A_3007 = arith.addi %add3A_2993, %add3A_3006 : vector<16xi32>
      %gather3A_3008 = tpu.vector_load_idx %arg13[%add3A_3007] : memref<640xf32, #tpu.memory_space<vmem>>[vector<16xi32>], vector<16xf32>,
      %le3A_3009 = arith.cmpf ole, %gather3A_3008, %gather3A_2937 : vector<16xf32>
      %jit3A_3010 = arith.constant 2 : i32
      %jit3A_3011 = arith.constant 0 : i32
      %broadcast_in_dim3A_3012 = vector.broadcast %jit3A_3010 : i32 to vector<16xi32>
      %broadcast_in_dim3A_3013 = vector.broadcast %jit3A_3011 : i32 to vector<16xi32>
      %select_n3A_3014 = arith.select %le3A_3009, %broadcast_in_dim3A_3012, %broadcast_in_dim3A_3013 : vector<16xi1>, vector<16xi32>
      %add3A_3015 = arith.addi %add3A_2993, %select_n3A_3014 : vector<16xi32>
      %add3A_3016 = arith.constant 97 : i32
      %add3A_3017 = vector.broadcast %add3A_3016 : i32 to vector<16xi32>
      %add3A_3018 = arith.addi %add3A_3004, %add3A_3017 : vector<16xi32>
      %gather3A_3019 = tpu.vector_load_idx %arg13[%add3A_3018] : memref<640xf32, #tpu.memory_space<vmem>>[vector<16xi32>], vector<16xf32>,
      %le3A_3020 = arith.cmpf ole, %gather3A_3019, %gather3A_2938 : vector<16xf32>
      %jit3A_3021 = arith.constant 2 : i32
      %jit3A_3022 = arith.constant 0 : i32
      %broadcast_in_dim3A_3023 = vector.broadcast %jit3A_3021 : i32 to vector<16xi32>
      %broadcast_in_dim3A_3024 = vector.broadcast %jit3A_3022 : i32 to vector<16xi32>
      %select_n3A_3025 = arith.select %le3A_3020, %broadcast_in_dim3A_3023, %broadcast_in_dim3A_3024 : vector<16xi1>, vector<16xi32>
      %add3A_3026 = arith.addi %add3A_3004, %select_n3A_3025 : vector<16xi32>
      %add3A_3027 = arith.constant 64 : i32
      %add3A_3028 = vector.broadcast %add3A_3027 : i32 to vector<16xi32>
      %add3A_3029 = arith.addi %add3A_3015, %add3A_3028 : vector<16xi32>
      %gather3A_3030 = tpu.vector_load_idx %arg13[%add3A_3029] : memref<640xf32, #tpu.memory_space<vmem>>[vector<16xi32>], vector<16xf32>,
      %le3A_3031 = arith.cmpf ole, %gather3A_3030, %gather3A_2937 : vector<16xf32>
      %jit3A_3032 = arith.constant 1 : i32
      %jit3A_3033 = arith.constant 0 : i32
      %broadcast_in_dim3A_3034 = vector.broadcast %jit3A_3032 : i32 to vector<16xi32>
      %broadcast_in_dim3A_3035 = vector.broadcast %jit3A_3033 : i32 to vector<16xi32>
      %select_n3A_3036 = arith.select %le3A_3031, %broadcast_in_dim3A_3034, %broadcast_in_dim3A_3035 : vector<16xi1>, vector<16xi32>
      %add3A_3037 = arith.addi %add3A_3015, %select_n3A_3036 : vector<16xi32>
      %add3A_3038 = arith.constant 96 : i32
      %add3A_3039 = vector.broadcast %add3A_3038 : i32 to vector<16xi32>
      %add3A_3040 = arith.addi %add3A_3026, %add3A_3039 : vector<16xi32>
      %gather3A_3041 = tpu.vector_load_idx %arg13[%add3A_3040] : memref<640xf32, #tpu.memory_space<vmem>>[vector<16xi32>], vector<16xf32>,
      %le3A_3042 = arith.cmpf ole, %gather3A_3041, %gather3A_2938 : vector<16xf32>
      %jit3A_3043 = arith.constant 1 : i32
      %jit3A_3044 = arith.constant 0 : i32
      %broadcast_in_dim3A_3045 = vector.broadcast %jit3A_3043 : i32 to vector<16xi32>
      %broadcast_in_dim3A_3046 = vector.broadcast %jit3A_3044 : i32 to vector<16xi32>
      %select_n3A_3047 = arith.select %le3A_3042, %broadcast_in_dim3A_3045, %broadcast_in_dim3A_3046 : vector<16xi1>, vector<16xi32>
      %add3A_3048 = arith.addi %add3A_3026, %select_n3A_3047 : vector<16xi32>
      %mul3A_3049 = arith.constant 3856 : i32
      %mul3A_3050 = vector.broadcast %mul3A_3049 : i32 to vector<16xi32>
      %mul3A_3051 = arith.muli %add3A_3037, %mul3A_3050 : vector<16xi32>
      %shift_right_arithmetic3A_3052 = arith.constant 16 : i32
      %shift_right_arithmetic3A_3053 = vector.broadcast %shift_right_arithmetic3A_3052 : i32 to vector<16xi32>
      %shift_right_arithmetic3A_3054 = arith.shrsi %mul3A_3051, %shift_right_arithmetic3A_3053 : vector<16xi32>
      %sub3A_3055 = arith.subi %add3A_3037, %shift_right_arithmetic3A_3054 : vector<16xi32>
      %mul3A_3056 = arith.constant 3856 : i32
      %mul3A_3057 = vector.broadcast %mul3A_3056 : i32 to vector<16xi32>
      %mul3A_3058 = arith.muli %add3A_3048, %mul3A_3057 : vector<16xi32>
      %shift_right_arithmetic3A_3059 = arith.constant 16 : i32
      %shift_right_arithmetic3A_3060 = vector.broadcast %shift_right_arithmetic3A_3059 : i32 to vector<16xi32>
      %shift_right_arithmetic3A_3061 = arith.shrsi %mul3A_3058, %shift_right_arithmetic3A_3060 : vector<16xi32>
      %sub3A_3062 = arith.subi %add3A_3048, %shift_right_arithmetic3A_3061 : vector<16xi32>
      %shift_left3A_3063 = arith.constant 5 : i32
      %shift_left3A_3064 = vector.broadcast %shift_left3A_3063 : i32 to vector<16xi32>
      %shift_left3A_3065 = arith.shli %sub3A_3055, %shift_left3A_3064 : vector<16xi32>
      %add3A_3066 = arith.addi %shift_left3A_3065, %sub3A_3062 : vector<16xi32>
      %add3A_3067 = arith.constant 1024 : i32
      %add3A_3068 = vector.broadcast %add3A_3067 : i32 to vector<16xi32>
      %add3A_3069 = arith.addi %add3A_3066, %add3A_3068 : vector<16xi32>
      %gather3A_3070 = tpu.vector_load_idx %arg14[%add3A_3069] : memref<10240xf32, #tpu.memory_space<vmem>>[vector<16xi32>], vector<16xf32>,
      %add3A_3071 = arith.addf %add3A_2936, %gather3A_3070 : vector<16xf32>
      %gather3A_3072 = tpu.vector_load_idx %arg10[%get3A_22, %add3A_104] : memref<26x512xf32, #tpu.memory_space<vmem>>[vector<16xi32>, vector<16xi32>], vector<16xf32>,
      %gather3A_3073 = tpu.vector_load_idx %arg10[%get3A_62, %add3A_104] : memref<26x512xf32, #tpu.memory_space<vmem>>[vector<16xi32>, vector<16xi32>], vector<16xf32>,
      %add3A_3074 = arith.constant 143 : i32
      %add3A_3075 = vector.broadcast %add3A_3074 : i32 to vector<16xi32>
      %add3A_3076 = arith.addi %broadcast_in_dim3A_9, %add3A_3075 : vector<16xi32>
      %gather3A_3077 = tpu.vector_load_idx %arg13[%add3A_3076] : memref<640xf32, #tpu.memory_space<vmem>>[vector<16xi32>], vector<16xf32>,
      %le3A_3078 = arith.cmpf ole, %gather3A_3077, %gather3A_3072 : vector<16xf32>
      %jit3A_3079 = arith.constant 17 : i32
      %jit3A_3080 = arith.constant 0 : i32
      %broadcast_in_dim3A_3081 = vector.broadcast %jit3A_3079 : i32 to vector<16xi32>
      %broadcast_in_dim3A_3082 = vector.broadcast %jit3A_3080 : i32 to vector<16xi32>
      %select_n3A_3083 = arith.select %le3A_3078, %broadcast_in_dim3A_3081, %broadcast_in_dim3A_3082 : vector<16xi1>, vector<16xi32>
      %add3A_3084 = arith.addi %broadcast_in_dim3A_9, %select_n3A_3083 : vector<16xi32>
      %add3A_3085 = arith.constant 175 : i32
      %add3A_3086 = vector.broadcast %add3A_3085 : i32 to vector<16xi32>
      %add3A_3087 = arith.addi %broadcast_in_dim3A_9, %add3A_3086 : vector<16xi32>
      %gather3A_3088 = tpu.vector_load_idx %arg13[%add3A_3087] : memref<640xf32, #tpu.memory_space<vmem>>[vector<16xi32>], vector<16xf32>,
      %le3A_3089 = arith.cmpf ole, %gather3A_3088, %gather3A_3073 : vector<16xf32>
      %jit3A_3090 = arith.constant 17 : i32
      %jit3A_3091 = arith.constant 0 : i32
      %broadcast_in_dim3A_3092 = vector.broadcast %jit3A_3090 : i32 to vector<16xi32>
      %broadcast_in_dim3A_3093 = vector.broadcast %jit3A_3091 : i32 to vector<16xi32>
      %select_n3A_3094 = arith.select %le3A_3089, %broadcast_in_dim3A_3092, %broadcast_in_dim3A_3093 : vector<16xi1>, vector<16xi32>
      %add3A_3095 = arith.addi %broadcast_in_dim3A_9, %select_n3A_3094 : vector<16xi32>
      %add3A_3096 = arith.constant 135 : i32
      %add3A_3097 = vector.broadcast %add3A_3096 : i32 to vector<16xi32>
      %add3A_3098 = arith.addi %add3A_3084, %add3A_3097 : vector<16xi32>
      %gather3A_3099 = tpu.vector_load_idx %arg13[%add3A_3098] : memref<640xf32, #tpu.memory_space<vmem>>[vector<16xi32>], vector<16xf32>,
      %le3A_3100 = arith.cmpf ole, %gather3A_3099, %gather3A_3072 : vector<16xf32>
      %jit3A_3101 = arith.constant 8 : i32
      %jit3A_3102 = arith.constant 0 : i32
      %broadcast_in_dim3A_3103 = vector.broadcast %jit3A_3101 : i32 to vector<16xi32>
      %broadcast_in_dim3A_3104 = vector.broadcast %jit3A_3102 : i32 to vector<16xi32>
      %select_n3A_3105 = arith.select %le3A_3100, %broadcast_in_dim3A_3103, %broadcast_in_dim3A_3104 : vector<16xi1>, vector<16xi32>
      %add3A_3106 = arith.addi %add3A_3084, %select_n3A_3105 : vector<16xi32>
      %add3A_3107 = arith.constant 167 : i32
      %add3A_3108 = vector.broadcast %add3A_3107 : i32 to vector<16xi32>
      %add3A_3109 = arith.addi %add3A_3095, %add3A_3108 : vector<16xi32>
      %gather3A_3110 = tpu.vector_load_idx %arg13[%add3A_3109] : memref<640xf32, #tpu.memory_space<vmem>>[vector<16xi32>], vector<16xf32>,
      %le3A_3111 = arith.cmpf ole, %gather3A_3110, %gather3A_3073 : vector<16xf32>
      %jit3A_3112 = arith.constant 8 : i32
      %jit3A_3113 = arith.constant 0 : i32
      %broadcast_in_dim3A_3114 = vector.broadcast %jit3A_3112 : i32 to vector<16xi32>
      %broadcast_in_dim3A_3115 = vector.broadcast %jit3A_3113 : i32 to vector<16xi32>
      %select_n3A_3116 = arith.select %le3A_3111, %broadcast_in_dim3A_3114, %broadcast_in_dim3A_3115 : vector<16xi1>, vector<16xi32>
      %add3A_3117 = arith.addi %add3A_3095, %select_n3A_3116 : vector<16xi32>
      %add3A_3118 = arith.constant 131 : i32
      %add3A_3119 = vector.broadcast %add3A_3118 : i32 to vector<16xi32>
      %add3A_3120 = arith.addi %add3A_3106, %add3A_3119 : vector<16xi32>
      %gather3A_3121 = tpu.vector_load_idx %arg13[%add3A_3120] : memref<640xf32, #tpu.memory_space<vmem>>[vector<16xi32>], vector<16xf32>,
      %le3A_3122 = arith.cmpf ole, %gather3A_3121, %gather3A_3072 : vector<16xf32>
      %jit3A_3123 = arith.constant 4 : i32
      %jit3A_3124 = arith.constant 0 : i32
      %broadcast_in_dim3A_3125 = vector.broadcast %jit3A_3123 : i32 to vector<16xi32>
      %broadcast_in_dim3A_3126 = vector.broadcast %jit3A_3124 : i32 to vector<16xi32>
      %select_n3A_3127 = arith.select %le3A_3122, %broadcast_in_dim3A_3125, %broadcast_in_dim3A_3126 : vector<16xi1>, vector<16xi32>
      %add3A_3128 = arith.addi %add3A_3106, %select_n3A_3127 : vector<16xi32>
      %add3A_3129 = arith.constant 163 : i32
      %add3A_3130 = vector.broadcast %add3A_3129 : i32 to vector<16xi32>
      %add3A_3131 = arith.addi %add3A_3117, %add3A_3130 : vector<16xi32>
      %gather3A_3132 = tpu.vector_load_idx %arg13[%add3A_3131] : memref<640xf32, #tpu.memory_space<vmem>>[vector<16xi32>], vector<16xf32>,
      %le3A_3133 = arith.cmpf ole, %gather3A_3132, %gather3A_3073 : vector<16xf32>
      %jit3A_3134 = arith.constant 4 : i32
      %jit3A_3135 = arith.constant 0 : i32
      %broadcast_in_dim3A_3136 = vector.broadcast %jit3A_3134 : i32 to vector<16xi32>
      %broadcast_in_dim3A_3137 = vector.broadcast %jit3A_3135 : i32 to vector<16xi32>
      %select_n3A_3138 = arith.select %le3A_3133, %broadcast_in_dim3A_3136, %broadcast_in_dim3A_3137 : vector<16xi1>, vector<16xi32>
      %add3A_3139 = arith.addi %add3A_3117, %select_n3A_3138 : vector<16xi32>
      %add3A_3140 = arith.constant 129 : i32
      %add3A_3141 = vector.broadcast %add3A_3140 : i32 to vector<16xi32>
      %add3A_3142 = arith.addi %add3A_3128, %add3A_3141 : vector<16xi32>
      %gather3A_3143 = tpu.vector_load_idx %arg13[%add3A_3142] : memref<640xf32, #tpu.memory_space<vmem>>[vector<16xi32>], vector<16xf32>,
      %le3A_3144 = arith.cmpf ole, %gather3A_3143, %gather3A_3072 : vector<16xf32>
      %jit3A_3145 = arith.constant 2 : i32
      %jit3A_3146 = arith.constant 0 : i32
      %broadcast_in_dim3A_3147 = vector.broadcast %jit3A_3145 : i32 to vector<16xi32>
      %broadcast_in_dim3A_3148 = vector.broadcast %jit3A_3146 : i32 to vector<16xi32>
      %select_n3A_3149 = arith.select %le3A_3144, %broadcast_in_dim3A_3147, %broadcast_in_dim3A_3148 : vector<16xi1>, vector<16xi32>
      %add3A_3150 = arith.addi %add3A_3128, %select_n3A_3149 : vector<16xi32>
      %add3A_3151 = arith.constant 161 : i32
      %add3A_3152 = vector.broadcast %add3A_3151 : i32 to vector<16xi32>
      %add3A_3153 = arith.addi %add3A_3139, %add3A_3152 : vector<16xi32>
      %gather3A_3154 = tpu.vector_load_idx %arg13[%add3A_3153] : memref<640xf32, #tpu.memory_space<vmem>>[vector<16xi32>], vector<16xf32>,
      %le3A_3155 = arith.cmpf ole, %gather3A_3154, %gather3A_3073 : vector<16xf32>
      %jit3A_3156 = arith.constant 2 : i32
      %jit3A_3157 = arith.constant 0 : i32
      %broadcast_in_dim3A_3158 = vector.broadcast %jit3A_3156 : i32 to vector<16xi32>
      %broadcast_in_dim3A_3159 = vector.broadcast %jit3A_3157 : i32 to vector<16xi32>
      %select_n3A_3160 = arith.select %le3A_3155, %broadcast_in_dim3A_3158, %broadcast_in_dim3A_3159 : vector<16xi1>, vector<16xi32>
      %add3A_3161 = arith.addi %add3A_3139, %select_n3A_3160 : vector<16xi32>
      %add3A_3162 = arith.constant 128 : i32
      %add3A_3163 = vector.broadcast %add3A_3162 : i32 to vector<16xi32>
      %add3A_3164 = arith.addi %add3A_3150, %add3A_3163 : vector<16xi32>
      %gather3A_3165 = tpu.vector_load_idx %arg13[%add3A_3164] : memref<640xf32, #tpu.memory_space<vmem>>[vector<16xi32>], vector<16xf32>,
      %le3A_3166 = arith.cmpf ole, %gather3A_3165, %gather3A_3072 : vector<16xf32>
      %jit3A_3167 = arith.constant 1 : i32
      %jit3A_3168 = arith.constant 0 : i32
      %broadcast_in_dim3A_3169 = vector.broadcast %jit3A_3167 : i32 to vector<16xi32>
      %broadcast_in_dim3A_3170 = vector.broadcast %jit3A_3168 : i32 to vector<16xi32>
      %select_n3A_3171 = arith.select %le3A_3166, %broadcast_in_dim3A_3169, %broadcast_in_dim3A_3170 : vector<16xi1>, vector<16xi32>
      %add3A_3172 = arith.addi %add3A_3150, %select_n3A_3171 : vector<16xi32>
      %add3A_3173 = arith.constant 160 : i32
      %add3A_3174 = vector.broadcast %add3A_3173 : i32 to vector<16xi32>
      %add3A_3175 = arith.addi %add3A_3161, %add3A_3174 : vector<16xi32>
      %gather3A_3176 = tpu.vector_load_idx %arg13[%add3A_3175] : memref<640xf32, #tpu.memory_space<vmem>>[vector<16xi32>], vector<16xf32>,
      %le3A_3177 = arith.cmpf ole, %gather3A_3176, %gather3A_3073 : vector<16xf32>
      %jit3A_3178 = arith.constant 1 : i32
      %jit3A_3179 = arith.constant 0 : i32
      %broadcast_in_dim3A_3180 = vector.broadcast %jit3A_3178 : i32 to vector<16xi32>
      %broadcast_in_dim3A_3181 = vector.broadcast %jit3A_3179 : i32 to vector<16xi32>
      %select_n3A_3182 = arith.select %le3A_3177, %broadcast_in_dim3A_3180, %broadcast_in_dim3A_3181 : vector<16xi1>, vector<16xi32>
      %add3A_3183 = arith.addi %add3A_3161, %select_n3A_3182 : vector<16xi32>
      %mul3A_3184 = arith.constant 3856 : i32
      %mul3A_3185 = vector.broadcast %mul3A_3184 : i32 to vector<16xi32>
      %mul3A_3186 = arith.muli %add3A_3172, %mul3A_3185 : vector<16xi32>
      %shift_right_arithmetic3A_3187 = arith.constant 16 : i32
      %shift_right_arithmetic3A_3188 = vector.broadcast %shift_right_arithmetic3A_3187 : i32 to vector<16xi32>
      %shift_right_arithmetic3A_3189 = arith.shrsi %mul3A_3186, %shift_right_arithmetic3A_3188 : vector<16xi32>
      %sub3A_3190 = arith.subi %add3A_3172, %shift_right_arithmetic3A_3189 : vector<16xi32>
      %mul3A_3191 = arith.constant 3856 : i32
      %mul3A_3192 = vector.broadcast %mul3A_3191 : i32 to vector<16xi32>
      %mul3A_3193 = arith.muli %add3A_3183, %mul3A_3192 : vector<16xi32>
      %shift_right_arithmetic3A_3194 = arith.constant 16 : i32
      %shift_right_arithmetic3A_3195 = vector.broadcast %shift_right_arithmetic3A_3194 : i32 to vector<16xi32>
      %shift_right_arithmetic3A_3196 = arith.shrsi %mul3A_3193, %shift_right_arithmetic3A_3195 : vector<16xi32>
      %sub3A_3197 = arith.subi %add3A_3183, %shift_right_arithmetic3A_3196 : vector<16xi32>
      %shift_left3A_3198 = arith.constant 5 : i32
      %shift_left3A_3199 = vector.broadcast %shift_left3A_3198 : i32 to vector<16xi32>
      %shift_left3A_3200 = arith.shli %sub3A_3190, %shift_left3A_3199 : vector<16xi32>
      %add3A_3201 = arith.addi %shift_left3A_3200, %sub3A_3197 : vector<16xi32>
      %add3A_3202 = arith.constant 2048 : i32
      %add3A_3203 = vector.broadcast %add3A_3202 : i32 to vector<16xi32>
      %add3A_3204 = arith.addi %add3A_3201, %add3A_3203 : vector<16xi32>
      %gather3A_3205 = tpu.vector_load_idx %arg14[%add3A_3204] : memref<10240xf32, #tpu.memory_space<vmem>>[vector<16xi32>], vector<16xf32>,
      %add3A_3206 = arith.addf %add3A_3071, %gather3A_3205 : vector<16xf32>
      %gather3A_3207 = tpu.vector_load_idx %arg10[%get3A_26, %add3A_104] : memref<26x512xf32, #tpu.memory_space<vmem>>[vector<16xi32>, vector<16xi32>], vector<16xf32>,
      %gather3A_3208 = tpu.vector_load_idx %arg10[%get3A_66, %add3A_104] : memref<26x512xf32, #tpu.memory_space<vmem>>[vector<16xi32>, vector<16xi32>], vector<16xf32>,
      %add3A_3209 = arith.constant 207 : i32
      %add3A_3210 = vector.broadcast %add3A_3209 : i32 to vector<16xi32>
      %add3A_3211 = arith.addi %broadcast_in_dim3A_9, %add3A_3210 : vector<16xi32>
      %gather3A_3212 = tpu.vector_load_idx %arg13[%add3A_3211] : memref<640xf32, #tpu.memory_space<vmem>>[vector<16xi32>], vector<16xf32>,
      %le3A_3213 = arith.cmpf ole, %gather3A_3212, %gather3A_3207 : vector<16xf32>
      %jit3A_3214 = arith.constant 17 : i32
      %jit3A_3215 = arith.constant 0 : i32
      %broadcast_in_dim3A_3216 = vector.broadcast %jit3A_3214 : i32 to vector<16xi32>
      %broadcast_in_dim3A_3217 = vector.broadcast %jit3A_3215 : i32 to vector<16xi32>
      %select_n3A_3218 = arith.select %le3A_3213, %broadcast_in_dim3A_3216, %broadcast_in_dim3A_3217 : vector<16xi1>, vector<16xi32>
      %add3A_3219 = arith.addi %broadcast_in_dim3A_9, %select_n3A_3218 : vector<16xi32>
      %add3A_3220 = arith.constant 239 : i32
      %add3A_3221 = vector.broadcast %add3A_3220 : i32 to vector<16xi32>
      %add3A_3222 = arith.addi %broadcast_in_dim3A_9, %add3A_3221 : vector<16xi32>
      %gather3A_3223 = tpu.vector_load_idx %arg13[%add3A_3222] : memref<640xf32, #tpu.memory_space<vmem>>[vector<16xi32>], vector<16xf32>,
      %le3A_3224 = arith.cmpf ole, %gather3A_3223, %gather3A_3208 : vector<16xf32>
      %jit3A_3225 = arith.constant 17 : i32
      %jit3A_3226 = arith.constant 0 : i32
      %broadcast_in_dim3A_3227 = vector.broadcast %jit3A_3225 : i32 to vector<16xi32>
      %broadcast_in_dim3A_3228 = vector.broadcast %jit3A_3226 : i32 to vector<16xi32>
      %select_n3A_3229 = arith.select %le3A_3224, %broadcast_in_dim3A_3227, %broadcast_in_dim3A_3228 : vector<16xi1>, vector<16xi32>
      %add3A_3230 = arith.addi %broadcast_in_dim3A_9, %select_n3A_3229 : vector<16xi32>
      %add3A_3231 = arith.constant 199 : i32
      %add3A_3232 = vector.broadcast %add3A_3231 : i32 to vector<16xi32>
      %add3A_3233 = arith.addi %add3A_3219, %add3A_3232 : vector<16xi32>
      %gather3A_3234 = tpu.vector_load_idx %arg13[%add3A_3233] : memref<640xf32, #tpu.memory_space<vmem>>[vector<16xi32>], vector<16xf32>,
      %le3A_3235 = arith.cmpf ole, %gather3A_3234, %gather3A_3207 : vector<16xf32>
      %jit3A_3236 = arith.constant 8 : i32
      %jit3A_3237 = arith.constant 0 : i32
      %broadcast_in_dim3A_3238 = vector.broadcast %jit3A_3236 : i32 to vector<16xi32>
      %broadcast_in_dim3A_3239 = vector.broadcast %jit3A_3237 : i32 to vector<16xi32>
      %select_n3A_3240 = arith.select %le3A_3235, %broadcast_in_dim3A_3238, %broadcast_in_dim3A_3239 : vector<16xi1>, vector<16xi32>
      %add3A_3241 = arith.addi %add3A_3219, %select_n3A_3240 : vector<16xi32>
      %add3A_3242 = arith.constant 231 : i32
      %add3A_3243 = vector.broadcast %add3A_3242 : i32 to vector<16xi32>
      %add3A_3244 = arith.addi %add3A_3230, %add3A_3243 : vector<16xi32>
      %gather3A_3245 = tpu.vector_load_idx %arg13[%add3A_3244] : memref<640xf32, #tpu.memory_space<vmem>>[vector<16xi32>], vector<16xf32>,
      %le3A_3246 = arith.cmpf ole, %gather3A_3245, %gather3A_3208 : vector<16xf32>
      %jit3A_3247 = arith.constant 8 : i32
      %jit3A_3248 = arith.constant 0 : i32
      %broadcast_in_dim3A_3249 = vector.broadcast %jit3A_3247 : i32 to vector<16xi32>
      %broadcast_in_dim3A_3250 = vector.broadcast %jit3A_3248 : i32 to vector<16xi32>
      %select_n3A_3251 = arith.select %le3A_3246, %broadcast_in_dim3A_3249, %broadcast_in_dim3A_3250 : vector<16xi1>, vector<16xi32>
      %add3A_3252 = arith.addi %add3A_3230, %select_n3A_3251 : vector<16xi32>
      %add3A_3253 = arith.constant 195 : i32
      %add3A_3254 = vector.broadcast %add3A_3253 : i32 to vector<16xi32>
      %add3A_3255 = arith.addi %add3A_3241, %add3A_3254 : vector<16xi32>
      %gather3A_3256 = tpu.vector_load_idx %arg13[%add3A_3255] : memref<640xf32, #tpu.memory_space<vmem>>[vector<16xi32>], vector<16xf32>,
      %le3A_3257 = arith.cmpf ole, %gather3A_3256, %gather3A_3207 : vector<16xf32>
      %jit3A_3258 = arith.constant 4 : i32
      %jit3A_3259 = arith.constant 0 : i32
      %broadcast_in_dim3A_3260 = vector.broadcast %jit3A_3258 : i32 to vector<16xi32>
      %broadcast_in_dim3A_3261 = vector.broadcast %jit3A_3259 : i32 to vector<16xi32>
      %select_n3A_3262 = arith.select %le3A_3257, %broadcast_in_dim3A_3260, %broadcast_in_dim3A_3261 : vector<16xi1>, vector<16xi32>
      %add3A_3263 = arith.addi %add3A_3241, %select_n3A_3262 : vector<16xi32>
      %add3A_3264 = arith.constant 227 : i32
      %add3A_3265 = vector.broadcast %add3A_3264 : i32 to vector<16xi32>
      %add3A_3266 = arith.addi %add3A_3252, %add3A_3265 : vector<16xi32>
      %gather3A_3267 = tpu.vector_load_idx %arg13[%add3A_3266] : memref<640xf32, #tpu.memory_space<vmem>>[vector<16xi32>], vector<16xf32>,
      %le3A_3268 = arith.cmpf ole, %gather3A_3267, %gather3A_3208 : vector<16xf32>
      %jit3A_3269 = arith.constant 4 : i32
      %jit3A_3270 = arith.constant 0 : i32
      %broadcast_in_dim3A_3271 = vector.broadcast %jit3A_3269 : i32 to vector<16xi32>
      %broadcast_in_dim3A_3272 = vector.broadcast %jit3A_3270 : i32 to vector<16xi32>
      %select_n3A_3273 = arith.select %le3A_3268, %broadcast_in_dim3A_3271, %broadcast_in_dim3A_3272 : vector<16xi1>, vector<16xi32>
      %add3A_3274 = arith.addi %add3A_3252, %select_n3A_3273 : vector<16xi32>
      %add3A_3275 = arith.constant 193 : i32
      %add3A_3276 = vector.broadcast %add3A_3275 : i32 to vector<16xi32>
      %add3A_3277 = arith.addi %add3A_3263, %add3A_3276 : vector<16xi32>
      %gather3A_3278 = tpu.vector_load_idx %arg13[%add3A_3277] : memref<640xf32, #tpu.memory_space<vmem>>[vector<16xi32>], vector<16xf32>,
      %le3A_3279 = arith.cmpf ole, %gather3A_3278, %gather3A_3207 : vector<16xf32>
      %jit3A_3280 = arith.constant 2 : i32
      %jit3A_3281 = arith.constant 0 : i32
      %broadcast_in_dim3A_3282 = vector.broadcast %jit3A_3280 : i32 to vector<16xi32>
      %broadcast_in_dim3A_3283 = vector.broadcast %jit3A_3281 : i32 to vector<16xi32>
      %select_n3A_3284 = arith.select %le3A_3279, %broadcast_in_dim3A_3282, %broadcast_in_dim3A_3283 : vector<16xi1>, vector<16xi32>
      %add3A_3285 = arith.addi %add3A_3263, %select_n3A_3284 : vector<16xi32>
      %add3A_3286 = arith.constant 225 : i32
      %add3A_3287 = vector.broadcast %add3A_3286 : i32 to vector<16xi32>
      %add3A_3288 = arith.addi %add3A_3274, %add3A_3287 : vector<16xi32>
      %gather3A_3289 = tpu.vector_load_idx %arg13[%add3A_3288] : memref<640xf32, #tpu.memory_space<vmem>>[vector<16xi32>], vector<16xf32>,
      %le3A_3290 = arith.cmpf ole, %gather3A_3289, %gather3A_3208 : vector<16xf32>
      %jit3A_3291 = arith.constant 2 : i32
      %jit3A_3292 = arith.constant 0 : i32
      %broadcast_in_dim3A_3293 = vector.broadcast %jit3A_3291 : i32 to vector<16xi32>
      %broadcast_in_dim3A_3294 = vector.broadcast %jit3A_3292 : i32 to vector<16xi32>
      %select_n3A_3295 = arith.select %le3A_3290, %broadcast_in_dim3A_3293, %broadcast_in_dim3A_3294 : vector<16xi1>, vector<16xi32>
      %add3A_3296 = arith.addi %add3A_3274, %select_n3A_3295 : vector<16xi32>
      %add3A_3297 = arith.constant 192 : i32
      %add3A_3298 = vector.broadcast %add3A_3297 : i32 to vector<16xi32>
      %add3A_3299 = arith.addi %add3A_3285, %add3A_3298 : vector<16xi32>
      %gather3A_3300 = tpu.vector_load_idx %arg13[%add3A_3299] : memref<640xf32, #tpu.memory_space<vmem>>[vector<16xi32>], vector<16xf32>,
      %le3A_3301 = arith.cmpf ole, %gather3A_3300, %gather3A_3207 : vector<16xf32>
      %jit3A_3302 = arith.constant 1 : i32
      %jit3A_3303 = arith.constant 0 : i32
      %broadcast_in_dim3A_3304 = vector.broadcast %jit3A_3302 : i32 to vector<16xi32>
      %broadcast_in_dim3A_3305 = vector.broadcast %jit3A_3303 : i32 to vector<16xi32>
      %select_n3A_3306 = arith.select %le3A_3301, %broadcast_in_dim3A_3304, %broadcast_in_dim3A_3305 : vector<16xi1>, vector<16xi32>
      %add3A_3307 = arith.addi %add3A_3285, %select_n3A_3306 : vector<16xi32>
      %add3A_3308 = arith.constant 224 : i32
      %add3A_3309 = vector.broadcast %add3A_3308 : i32 to vector<16xi32>
      %add3A_3310 = arith.addi %add3A_3296, %add3A_3309 : vector<16xi32>
      %gather3A_3311 = tpu.vector_load_idx %arg13[%add3A_3310] : memref<640xf32, #tpu.memory_space<vmem>>[vector<16xi32>], vector<16xf32>,
      %le3A_3312 = arith.cmpf ole, %gather3A_3311, %gather3A_3208 : vector<16xf32>
      %jit3A_3313 = arith.constant 1 : i32
      %jit3A_3314 = arith.constant 0 : i32
      %broadcast_in_dim3A_3315 = vector.broadcast %jit3A_3313 : i32 to vector<16xi32>
      %broadcast_in_dim3A_3316 = vector.broadcast %jit3A_3314 : i32 to vector<16xi32>
      %select_n3A_3317 = arith.select %le3A_3312, %broadcast_in_dim3A_3315, %broadcast_in_dim3A_3316 : vector<16xi1>, vector<16xi32>
      %add3A_3318 = arith.addi %add3A_3296, %select_n3A_3317 : vector<16xi32>
      %mul3A_3319 = arith.constant 3856 : i32
      %mul3A_3320 = vector.broadcast %mul3A_3319 : i32 to vector<16xi32>
      %mul3A_3321 = arith.muli %add3A_3307, %mul3A_3320 : vector<16xi32>
      %shift_right_arithmetic3A_3322 = arith.constant 16 : i32
      %shift_right_arithmetic3A_3323 = vector.broadcast %shift_right_arithmetic3A_3322 : i32 to vector<16xi32>
      %shift_right_arithmetic3A_3324 = arith.shrsi %mul3A_3321, %shift_right_arithmetic3A_3323 : vector<16xi32>
      %sub3A_3325 = arith.subi %add3A_3307, %shift_right_arithmetic3A_3324 : vector<16xi32>
      %mul3A_3326 = arith.constant 3856 : i32
      %mul3A_3327 = vector.broadcast %mul3A_3326 : i32 to vector<16xi32>
      %mul3A_3328 = arith.muli %add3A_3318, %mul3A_3327 : vector<16xi32>
      %shift_right_arithmetic3A_3329 = arith.constant 16 : i32
      %shift_right_arithmetic3A_3330 = vector.broadcast %shift_right_arithmetic3A_3329 : i32 to vector<16xi32>
      %shift_right_arithmetic3A_3331 = arith.shrsi %mul3A_3328, %shift_right_arithmetic3A_3330 : vector<16xi32>
      %sub3A_3332 = arith.subi %add3A_3318, %shift_right_arithmetic3A_3331 : vector<16xi32>
      %shift_left3A_3333 = arith.constant 5 : i32
      %shift_left3A_3334 = vector.broadcast %shift_left3A_3333 : i32 to vector<16xi32>
      %shift_left3A_3335 = arith.shli %sub3A_3325, %shift_left3A_3334 : vector<16xi32>
      %add3A_3336 = arith.addi %shift_left3A_3335, %sub3A_3332 : vector<16xi32>
      %add3A_3337 = arith.constant 3072 : i32
      %add3A_3338 = vector.broadcast %add3A_3337 : i32 to vector<16xi32>
      %add3A_3339 = arith.addi %add3A_3336, %add3A_3338 : vector<16xi32>
      %gather3A_3340 = tpu.vector_load_idx %arg14[%add3A_3339] : memref<10240xf32, #tpu.memory_space<vmem>>[vector<16xi32>], vector<16xf32>,
      %add3A_3341 = arith.addf %add3A_3206, %gather3A_3340 : vector<16xf32>
      %gather3A_3342 = tpu.vector_load_idx %arg10[%get3A_30, %add3A_104] : memref<26x512xf32, #tpu.memory_space<vmem>>[vector<16xi32>, vector<16xi32>], vector<16xf32>,
      %gather3A_3343 = tpu.vector_load_idx %arg10[%get3A_70, %add3A_104] : memref<26x512xf32, #tpu.memory_space<vmem>>[vector<16xi32>, vector<16xi32>], vector<16xf32>,
      %add3A_3344 = arith.constant 271 : i32
      %add3A_3345 = vector.broadcast %add3A_3344 : i32 to vector<16xi32>
      %add3A_3346 = arith.addi %broadcast_in_dim3A_9, %add3A_3345 : vector<16xi32>
      %gather3A_3347 = tpu.vector_load_idx %arg13[%add3A_3346] : memref<640xf32, #tpu.memory_space<vmem>>[vector<16xi32>], vector<16xf32>,
      %le3A_3348 = arith.cmpf ole, %gather3A_3347, %gather3A_3342 : vector<16xf32>
      %jit3A_3349 = arith.constant 17 : i32
      %jit3A_3350 = arith.constant 0 : i32
      %broadcast_in_dim3A_3351 = vector.broadcast %jit3A_3349 : i32 to vector<16xi32>
      %broadcast_in_dim3A_3352 = vector.broadcast %jit3A_3350 : i32 to vector<16xi32>
      %select_n3A_3353 = arith.select %le3A_3348, %broadcast_in_dim3A_3351, %broadcast_in_dim3A_3352 : vector<16xi1>, vector<16xi32>
      %add3A_3354 = arith.addi %broadcast_in_dim3A_9, %select_n3A_3353 : vector<16xi32>
      %add3A_3355 = arith.constant 303 : i32
      %add3A_3356 = vector.broadcast %add3A_3355 : i32 to vector<16xi32>
      %add3A_3357 = arith.addi %broadcast_in_dim3A_9, %add3A_3356 : vector<16xi32>
      %gather3A_3358 = tpu.vector_load_idx %arg13[%add3A_3357] : memref<640xf32, #tpu.memory_space<vmem>>[vector<16xi32>], vector<16xf32>,
      %le3A_3359 = arith.cmpf ole, %gather3A_3358, %gather3A_3343 : vector<16xf32>
      %jit3A_3360 = arith.constant 17 : i32
      %jit3A_3361 = arith.constant 0 : i32
      %broadcast_in_dim3A_3362 = vector.broadcast %jit3A_3360 : i32 to vector<16xi32>
      %broadcast_in_dim3A_3363 = vector.broadcast %jit3A_3361 : i32 to vector<16xi32>
      %select_n3A_3364 = arith.select %le3A_3359, %broadcast_in_dim3A_3362, %broadcast_in_dim3A_3363 : vector<16xi1>, vector<16xi32>
      %add3A_3365 = arith.addi %broadcast_in_dim3A_9, %select_n3A_3364 : vector<16xi32>
      %add3A_3366 = arith.constant 263 : i32
      %add3A_3367 = vector.broadcast %add3A_3366 : i32 to vector<16xi32>
      %add3A_3368 = arith.addi %add3A_3354, %add3A_3367 : vector<16xi32>
      %gather3A_3369 = tpu.vector_load_idx %arg13[%add3A_3368] : memref<640xf32, #tpu.memory_space<vmem>>[vector<16xi32>], vector<16xf32>,
      %le3A_3370 = arith.cmpf ole, %gather3A_3369, %gather3A_3342 : vector<16xf32>
      %jit3A_3371 = arith.constant 8 : i32
      %jit3A_3372 = arith.constant 0 : i32
      %broadcast_in_dim3A_3373 = vector.broadcast %jit3A_3371 : i32 to vector<16xi32>
      %broadcast_in_dim3A_3374 = vector.broadcast %jit3A_3372 : i32 to vector<16xi32>
      %select_n3A_3375 = arith.select %le3A_3370, %broadcast_in_dim3A_3373, %broadcast_in_dim3A_3374 : vector<16xi1>, vector<16xi32>
      %add3A_3376 = arith.addi %add3A_3354, %select_n3A_3375 : vector<16xi32>
      %add3A_3377 = arith.constant 295 : i32
      %add3A_3378 = vector.broadcast %add3A_3377 : i32 to vector<16xi32>
      %add3A_3379 = arith.addi %add3A_3365, %add3A_3378 : vector<16xi32>
      %gather3A_3380 = tpu.vector_load_idx %arg13[%add3A_3379] : memref<640xf32, #tpu.memory_space<vmem>>[vector<16xi32>], vector<16xf32>,
      %le3A_3381 = arith.cmpf ole, %gather3A_3380, %gather3A_3343 : vector<16xf32>
      %jit3A_3382 = arith.constant 8 : i32
      %jit3A_3383 = arith.constant 0 : i32
      %broadcast_in_dim3A_3384 = vector.broadcast %jit3A_3382 : i32 to vector<16xi32>
      %broadcast_in_dim3A_3385 = vector.broadcast %jit3A_3383 : i32 to vector<16xi32>
      %select_n3A_3386 = arith.select %le3A_3381, %broadcast_in_dim3A_3384, %broadcast_in_dim3A_3385 : vector<16xi1>, vector<16xi32>
      %add3A_3387 = arith.addi %add3A_3365, %select_n3A_3386 : vector<16xi32>
      %add3A_3388 = arith.constant 259 : i32
      %add3A_3389 = vector.broadcast %add3A_3388 : i32 to vector<16xi32>
      %add3A_3390 = arith.addi %add3A_3376, %add3A_3389 : vector<16xi32>
      %gather3A_3391 = tpu.vector_load_idx %arg13[%add3A_3390] : memref<640xf32, #tpu.memory_space<vmem>>[vector<16xi32>], vector<16xf32>,
      %le3A_3392 = arith.cmpf ole, %gather3A_3391, %gather3A_3342 : vector<16xf32>
      %jit3A_3393 = arith.constant 4 : i32
      %jit3A_3394 = arith.constant 0 : i32
      %broadcast_in_dim3A_3395 = vector.broadcast %jit3A_3393 : i32 to vector<16xi32>
      %broadcast_in_dim3A_3396 = vector.broadcast %jit3A_3394 : i32 to vector<16xi32>
      %select_n3A_3397 = arith.select %le3A_3392, %broadcast_in_dim3A_3395, %broadcast_in_dim3A_3396 : vector<16xi1>, vector<16xi32>
      %add3A_3398 = arith.addi %add3A_3376, %select_n3A_3397 : vector<16xi32>
      %add3A_3399 = arith.constant 291 : i32
      %add3A_3400 = vector.broadcast %add3A_3399 : i32 to vector<16xi32>
      %add3A_3401 = arith.addi %add3A_3387, %add3A_3400 : vector<16xi32>
      %gather3A_3402 = tpu.vector_load_idx %arg13[%add3A_3401] : memref<640xf32, #tpu.memory_space<vmem>>[vector<16xi32>], vector<16xf32>,
      %le3A_3403 = arith.cmpf ole, %gather3A_3402, %gather3A_3343 : vector<16xf32>
      %jit3A_3404 = arith.constant 4 : i32
      %jit3A_3405 = arith.constant 0 : i32
      %broadcast_in_dim3A_3406 = vector.broadcast %jit3A_3404 : i32 to vector<16xi32>
      %broadcast_in_dim3A_3407 = vector.broadcast %jit3A_3405 : i32 to vector<16xi32>
      %select_n3A_3408 = arith.select %le3A_3403, %broadcast_in_dim3A_3406, %broadcast_in_dim3A_3407 : vector<16xi1>, vector<16xi32>
      %add3A_3409 = arith.addi %add3A_3387, %select_n3A_3408 : vector<16xi32>
      %add3A_3410 = arith.constant 257 : i32
      %add3A_3411 = vector.broadcast %add3A_3410 : i32 to vector<16xi32>
      %add3A_3412 = arith.addi %add3A_3398, %add3A_3411 : vector<16xi32>
      %gather3A_3413 = tpu.vector_load_idx %arg13[%add3A_3412] : memref<640xf32, #tpu.memory_space<vmem>>[vector<16xi32>], vector<16xf32>,
      %le3A_3414 = arith.cmpf ole, %gather3A_3413, %gather3A_3342 : vector<16xf32>
      %jit3A_3415 = arith.constant 2 : i32
      %jit3A_3416 = arith.constant 0 : i32
      %broadcast_in_dim3A_3417 = vector.broadcast %jit3A_3415 : i32 to vector<16xi32>
      %broadcast_in_dim3A_3418 = vector.broadcast %jit3A_3416 : i32 to vector<16xi32>
      %select_n3A_3419 = arith.select %le3A_3414, %broadcast_in_dim3A_3417, %broadcast_in_dim3A_3418 : vector<16xi1>, vector<16xi32>
      %add3A_3420 = arith.addi %add3A_3398, %select_n3A_3419 : vector<16xi32>
      %add3A_3421 = arith.constant 289 : i32
      %add3A_3422 = vector.broadcast %add3A_3421 : i32 to vector<16xi32>
      %add3A_3423 = arith.addi %add3A_3409, %add3A_3422 : vector<16xi32>
      %gather3A_3424 = tpu.vector_load_idx %arg13[%add3A_3423] : memref<640xf32, #tpu.memory_space<vmem>>[vector<16xi32>], vector<16xf32>,
      %le3A_3425 = arith.cmpf ole, %gather3A_3424, %gather3A_3343 : vector<16xf32>
      %jit3A_3426 = arith.constant 2 : i32
      %jit3A_3427 = arith.constant 0 : i32
      %broadcast_in_dim3A_3428 = vector.broadcast %jit3A_3426 : i32 to vector<16xi32>
      %broadcast_in_dim3A_3429 = vector.broadcast %jit3A_3427 : i32 to vector<16xi32>
      %select_n3A_3430 = arith.select %le3A_3425, %broadcast_in_dim3A_3428, %broadcast_in_dim3A_3429 : vector<16xi1>, vector<16xi32>
      %add3A_3431 = arith.addi %add3A_3409, %select_n3A_3430 : vector<16xi32>
      %add3A_3432 = arith.constant 256 : i32
      %add3A_3433 = vector.broadcast %add3A_3432 : i32 to vector<16xi32>
      %add3A_3434 = arith.addi %add3A_3420, %add3A_3433 : vector<16xi32>
      %gather3A_3435 = tpu.vector_load_idx %arg13[%add3A_3434] : memref<640xf32, #tpu.memory_space<vmem>>[vector<16xi32>], vector<16xf32>,
      %le3A_3436 = arith.cmpf ole, %gather3A_3435, %gather3A_3342 : vector<16xf32>
      %jit3A_3437 = arith.constant 1 : i32
      %jit3A_3438 = arith.constant 0 : i32
      %broadcast_in_dim3A_3439 = vector.broadcast %jit3A_3437 : i32 to vector<16xi32>
      %broadcast_in_dim3A_3440 = vector.broadcast %jit3A_3438 : i32 to vector<16xi32>
      %select_n3A_3441 = arith.select %le3A_3436, %broadcast_in_dim3A_3439, %broadcast_in_dim3A_3440 : vector<16xi1>, vector<16xi32>
      %add3A_3442 = arith.addi %add3A_3420, %select_n3A_3441 : vector<16xi32>
      %add3A_3443 = arith.constant 288 : i32
      %add3A_3444 = vector.broadcast %add3A_3443 : i32 to vector<16xi32>
      %add3A_3445 = arith.addi %add3A_3431, %add3A_3444 : vector<16xi32>
      %gather3A_3446 = tpu.vector_load_idx %arg13[%add3A_3445] : memref<640xf32, #tpu.memory_space<vmem>>[vector<16xi32>], vector<16xf32>,
      %le3A_3447 = arith.cmpf ole, %gather3A_3446, %gather3A_3343 : vector<16xf32>
      %jit3A_3448 = arith.constant 1 : i32
      %jit3A_3449 = arith.constant 0 : i32
      %broadcast_in_dim3A_3450 = vector.broadcast %jit3A_3448 : i32 to vector<16xi32>
      %broadcast_in_dim3A_3451 = vector.broadcast %jit3A_3449 : i32 to vector<16xi32>
      %select_n3A_3452 = arith.select %le3A_3447, %broadcast_in_dim3A_3450, %broadcast_in_dim3A_3451 : vector<16xi1>, vector<16xi32>
      %add3A_3453 = arith.addi %add3A_3431, %select_n3A_3452 : vector<16xi32>
      %mul3A_3454 = arith.constant 3856 : i32
      %mul3A_3455 = vector.broadcast %mul3A_3454 : i32 to vector<16xi32>
      %mul3A_3456 = arith.muli %add3A_3442, %mul3A_3455 : vector<16xi32>
      %shift_right_arithmetic3A_3457 = arith.constant 16 : i32
      %shift_right_arithmetic3A_3458 = vector.broadcast %shift_right_arithmetic3A_3457 : i32 to vector<16xi32>
      %shift_right_arithmetic3A_3459 = arith.shrsi %mul3A_3456, %shift_right_arithmetic3A_3458 : vector<16xi32>
      %sub3A_3460 = arith.subi %add3A_3442, %shift_right_arithmetic3A_3459 : vector<16xi32>
      %mul3A_3461 = arith.constant 3856 : i32
      %mul3A_3462 = vector.broadcast %mul3A_3461 : i32 to vector<16xi32>
      %mul3A_3463 = arith.muli %add3A_3453, %mul3A_3462 : vector<16xi32>
      %shift_right_arithmetic3A_3464 = arith.constant 16 : i32
      %shift_right_arithmetic3A_3465 = vector.broadcast %shift_right_arithmetic3A_3464 : i32 to vector<16xi32>
      %shift_right_arithmetic3A_3466 = arith.shrsi %mul3A_3463, %shift_right_arithmetic3A_3465 : vector<16xi32>
      %sub3A_3467 = arith.subi %add3A_3453, %shift_right_arithmetic3A_3466 : vector<16xi32>
      %shift_left3A_3468 = arith.constant 5 : i32
      %shift_left3A_3469 = vector.broadcast %shift_left3A_3468 : i32 to vector<16xi32>
      %shift_left3A_3470 = arith.shli %sub3A_3460, %shift_left3A_3469 : vector<16xi32>
      %add3A_3471 = arith.addi %shift_left3A_3470, %sub3A_3467 : vector<16xi32>
      %add3A_3472 = arith.constant 4096 : i32
      %add3A_3473 = vector.broadcast %add3A_3472 : i32 to vector<16xi32>
      %add3A_3474 = arith.addi %add3A_3471, %add3A_3473 : vector<16xi32>
      %gather3A_3475 = tpu.vector_load_idx %arg14[%add3A_3474] : memref<10240xf32, #tpu.memory_space<vmem>>[vector<16xi32>], vector<16xf32>,
      %add3A_3476 = arith.addf %add3A_3341, %gather3A_3475 : vector<16xf32>
      %gather3A_3477 = tpu.vector_load_idx %arg10[%get3A_34, %add3A_104] : memref<26x512xf32, #tpu.memory_space<vmem>>[vector<16xi32>, vector<16xi32>], vector<16xf32>,
      %gather3A_3478 = tpu.vector_load_idx %arg10[%get3A_74, %add3A_104] : memref<26x512xf32, #tpu.memory_space<vmem>>[vector<16xi32>, vector<16xi32>], vector<16xf32>,
      %add3A_3479 = arith.constant 335 : i32
      %add3A_3480 = vector.broadcast %add3A_3479 : i32 to vector<16xi32>
      %add3A_3481 = arith.addi %broadcast_in_dim3A_9, %add3A_3480 : vector<16xi32>
      %gather3A_3482 = tpu.vector_load_idx %arg13[%add3A_3481] : memref<640xf32, #tpu.memory_space<vmem>>[vector<16xi32>], vector<16xf32>,
      %le3A_3483 = arith.cmpf ole, %gather3A_3482, %gather3A_3477 : vector<16xf32>
      %jit3A_3484 = arith.constant 17 : i32
      %jit3A_3485 = arith.constant 0 : i32
      %broadcast_in_dim3A_3486 = vector.broadcast %jit3A_3484 : i32 to vector<16xi32>
      %broadcast_in_dim3A_3487 = vector.broadcast %jit3A_3485 : i32 to vector<16xi32>
      %select_n3A_3488 = arith.select %le3A_3483, %broadcast_in_dim3A_3486, %broadcast_in_dim3A_3487 : vector<16xi1>, vector<16xi32>
      %add3A_3489 = arith.addi %broadcast_in_dim3A_9, %select_n3A_3488 : vector<16xi32>
      %add3A_3490 = arith.constant 367 : i32
      %add3A_3491 = vector.broadcast %add3A_3490 : i32 to vector<16xi32>
      %add3A_3492 = arith.addi %broadcast_in_dim3A_9, %add3A_3491 : vector<16xi32>
      %gather3A_3493 = tpu.vector_load_idx %arg13[%add3A_3492] : memref<640xf32, #tpu.memory_space<vmem>>[vector<16xi32>], vector<16xf32>,
      %le3A_3494 = arith.cmpf ole, %gather3A_3493, %gather3A_3478 : vector<16xf32>
      %jit3A_3495 = arith.constant 17 : i32
      %jit3A_3496 = arith.constant 0 : i32
      %broadcast_in_dim3A_3497 = vector.broadcast %jit3A_3495 : i32 to vector<16xi32>
      %broadcast_in_dim3A_3498 = vector.broadcast %jit3A_3496 : i32 to vector<16xi32>
      %select_n3A_3499 = arith.select %le3A_3494, %broadcast_in_dim3A_3497, %broadcast_in_dim3A_3498 : vector<16xi1>, vector<16xi32>
      %add3A_3500 = arith.addi %broadcast_in_dim3A_9, %select_n3A_3499 : vector<16xi32>
      %add3A_3501 = arith.constant 327 : i32
      %add3A_3502 = vector.broadcast %add3A_3501 : i32 to vector<16xi32>
      %add3A_3503 = arith.addi %add3A_3489, %add3A_3502 : vector<16xi32>
      %gather3A_3504 = tpu.vector_load_idx %arg13[%add3A_3503] : memref<640xf32, #tpu.memory_space<vmem>>[vector<16xi32>], vector<16xf32>,
      %le3A_3505 = arith.cmpf ole, %gather3A_3504, %gather3A_3477 : vector<16xf32>
      %jit3A_3506 = arith.constant 8 : i32
      %jit3A_3507 = arith.constant 0 : i32
      %broadcast_in_dim3A_3508 = vector.broadcast %jit3A_3506 : i32 to vector<16xi32>
      %broadcast_in_dim3A_3509 = vector.broadcast %jit3A_3507 : i32 to vector<16xi32>
      %select_n3A_3510 = arith.select %le3A_3505, %broadcast_in_dim3A_3508, %broadcast_in_dim3A_3509 : vector<16xi1>, vector<16xi32>
      %add3A_3511 = arith.addi %add3A_3489, %select_n3A_3510 : vector<16xi32>
      %add3A_3512 = arith.constant 359 : i32
      %add3A_3513 = vector.broadcast %add3A_3512 : i32 to vector<16xi32>
      %add3A_3514 = arith.addi %add3A_3500, %add3A_3513 : vector<16xi32>
      %gather3A_3515 = tpu.vector_load_idx %arg13[%add3A_3514] : memref<640xf32, #tpu.memory_space<vmem>>[vector<16xi32>], vector<16xf32>,
      %le3A_3516 = arith.cmpf ole, %gather3A_3515, %gather3A_3478 : vector<16xf32>
      %jit3A_3517 = arith.constant 8 : i32
      %jit3A_3518 = arith.constant 0 : i32
      %broadcast_in_dim3A_3519 = vector.broadcast %jit3A_3517 : i32 to vector<16xi32>
      %broadcast_in_dim3A_3520 = vector.broadcast %jit3A_3518 : i32 to vector<16xi32>
      %select_n3A_3521 = arith.select %le3A_3516, %broadcast_in_dim3A_3519, %broadcast_in_dim3A_3520 : vector<16xi1>, vector<16xi32>
      %add3A_3522 = arith.addi %add3A_3500, %select_n3A_3521 : vector<16xi32>
      %add3A_3523 = arith.constant 323 : i32
      %add3A_3524 = vector.broadcast %add3A_3523 : i32 to vector<16xi32>
      %add3A_3525 = arith.addi %add3A_3511, %add3A_3524 : vector<16xi32>
      %gather3A_3526 = tpu.vector_load_idx %arg13[%add3A_3525] : memref<640xf32, #tpu.memory_space<vmem>>[vector<16xi32>], vector<16xf32>,
      %le3A_3527 = arith.cmpf ole, %gather3A_3526, %gather3A_3477 : vector<16xf32>
      %jit3A_3528 = arith.constant 4 : i32
      %jit3A_3529 = arith.constant 0 : i32
      %broadcast_in_dim3A_3530 = vector.broadcast %jit3A_3528 : i32 to vector<16xi32>
      %broadcast_in_dim3A_3531 = vector.broadcast %jit3A_3529 : i32 to vector<16xi32>
      %select_n3A_3532 = arith.select %le3A_3527, %broadcast_in_dim3A_3530, %broadcast_in_dim3A_3531 : vector<16xi1>, vector<16xi32>
      %add3A_3533 = arith.addi %add3A_3511, %select_n3A_3532 : vector<16xi32>
      %add3A_3534 = arith.constant 355 : i32
      %add3A_3535 = vector.broadcast %add3A_3534 : i32 to vector<16xi32>
      %add3A_3536 = arith.addi %add3A_3522, %add3A_3535 : vector<16xi32>
      %gather3A_3537 = tpu.vector_load_idx %arg13[%add3A_3536] : memref<640xf32, #tpu.memory_space<vmem>>[vector<16xi32>], vector<16xf32>,
      %le3A_3538 = arith.cmpf ole, %gather3A_3537, %gather3A_3478 : vector<16xf32>
      %jit3A_3539 = arith.constant 4 : i32
      %jit3A_3540 = arith.constant 0 : i32
      %broadcast_in_dim3A_3541 = vector.broadcast %jit3A_3539 : i32 to vector<16xi32>
      %broadcast_in_dim3A_3542 = vector.broadcast %jit3A_3540 : i32 to vector<16xi32>
      %select_n3A_3543 = arith.select %le3A_3538, %broadcast_in_dim3A_3541, %broadcast_in_dim3A_3542 : vector<16xi1>, vector<16xi32>
      %add3A_3544 = arith.addi %add3A_3522, %select_n3A_3543 : vector<16xi32>
      %add3A_3545 = arith.constant 321 : i32
      %add3A_3546 = vector.broadcast %add3A_3545 : i32 to vector<16xi32>
      %add3A_3547 = arith.addi %add3A_3533, %add3A_3546 : vector<16xi32>
      %gather3A_3548 = tpu.vector_load_idx %arg13[%add3A_3547] : memref<640xf32, #tpu.memory_space<vmem>>[vector<16xi32>], vector<16xf32>,
      %le3A_3549 = arith.cmpf ole, %gather3A_3548, %gather3A_3477 : vector<16xf32>
      %jit3A_3550 = arith.constant 2 : i32
      %jit3A_3551 = arith.constant 0 : i32
      %broadcast_in_dim3A_3552 = vector.broadcast %jit3A_3550 : i32 to vector<16xi32>
      %broadcast_in_dim3A_3553 = vector.broadcast %jit3A_3551 : i32 to vector<16xi32>
      %select_n3A_3554 = arith.select %le3A_3549, %broadcast_in_dim3A_3552, %broadcast_in_dim3A_3553 : vector<16xi1>, vector<16xi32>
      %add3A_3555 = arith.addi %add3A_3533, %select_n3A_3554 : vector<16xi32>
      %add3A_3556 = arith.constant 353 : i32
      %add3A_3557 = vector.broadcast %add3A_3556 : i32 to vector<16xi32>
      %add3A_3558 = arith.addi %add3A_3544, %add3A_3557 : vector<16xi32>
      %gather3A_3559 = tpu.vector_load_idx %arg13[%add3A_3558] : memref<640xf32, #tpu.memory_space<vmem>>[vector<16xi32>], vector<16xf32>,
      %le3A_3560 = arith.cmpf ole, %gather3A_3559, %gather3A_3478 : vector<16xf32>
      %jit3A_3561 = arith.constant 2 : i32
      %jit3A_3562 = arith.constant 0 : i32
      %broadcast_in_dim3A_3563 = vector.broadcast %jit3A_3561 : i32 to vector<16xi32>
      %broadcast_in_dim3A_3564 = vector.broadcast %jit3A_3562 : i32 to vector<16xi32>
      %select_n3A_3565 = arith.select %le3A_3560, %broadcast_in_dim3A_3563, %broadcast_in_dim3A_3564 : vector<16xi1>, vector<16xi32>
      %add3A_3566 = arith.addi %add3A_3544, %select_n3A_3565 : vector<16xi32>
      %add3A_3567 = arith.constant 320 : i32
      %add3A_3568 = vector.broadcast %add3A_3567 : i32 to vector<16xi32>
      %add3A_3569 = arith.addi %add3A_3555, %add3A_3568 : vector<16xi32>
      %gather3A_3570 = tpu.vector_load_idx %arg13[%add3A_3569] : memref<640xf32, #tpu.memory_space<vmem>>[vector<16xi32>], vector<16xf32>,
      %le3A_3571 = arith.cmpf ole, %gather3A_3570, %gather3A_3477 : vector<16xf32>
      %jit3A_3572 = arith.constant 1 : i32
      %jit3A_3573 = arith.constant 0 : i32
      %broadcast_in_dim3A_3574 = vector.broadcast %jit3A_3572 : i32 to vector<16xi32>
      %broadcast_in_dim3A_3575 = vector.broadcast %jit3A_3573 : i32 to vector<16xi32>
      %select_n3A_3576 = arith.select %le3A_3571, %broadcast_in_dim3A_3574, %broadcast_in_dim3A_3575 : vector<16xi1>, vector<16xi32>
      %add3A_3577 = arith.addi %add3A_3555, %select_n3A_3576 : vector<16xi32>
      %add3A_3578 = arith.constant 352 : i32
      %add3A_3579 = vector.broadcast %add3A_3578 : i32 to vector<16xi32>
      %add3A_3580 = arith.addi %add3A_3566, %add3A_3579 : vector<16xi32>
      %gather3A_3581 = tpu.vector_load_idx %arg13[%add3A_3580] : memref<640xf32, #tpu.memory_space<vmem>>[vector<16xi32>], vector<16xf32>,
      %le3A_3582 = arith.cmpf ole, %gather3A_3581, %gather3A_3478 : vector<16xf32>
      %jit3A_3583 = arith.constant 1 : i32
      %jit3A_3584 = arith.constant 0 : i32
      %broadcast_in_dim3A_3585 = vector.broadcast %jit3A_3583 : i32 to vector<16xi32>
      %broadcast_in_dim3A_3586 = vector.broadcast %jit3A_3584 : i32 to vector<16xi32>
      %select_n3A_3587 = arith.select %le3A_3582, %broadcast_in_dim3A_3585, %broadcast_in_dim3A_3586 : vector<16xi1>, vector<16xi32>
      %add3A_3588 = arith.addi %add3A_3566, %select_n3A_3587 : vector<16xi32>
      %mul3A_3589 = arith.constant 3856 : i32
      %mul3A_3590 = vector.broadcast %mul3A_3589 : i32 to vector<16xi32>
      %mul3A_3591 = arith.muli %add3A_3577, %mul3A_3590 : vector<16xi32>
      %shift_right_arithmetic3A_3592 = arith.constant 16 : i32
      %shift_right_arithmetic3A_3593 = vector.broadcast %shift_right_arithmetic3A_3592 : i32 to vector<16xi32>
      %shift_right_arithmetic3A_3594 = arith.shrsi %mul3A_3591, %shift_right_arithmetic3A_3593 : vector<16xi32>
      %sub3A_3595 = arith.subi %add3A_3577, %shift_right_arithmetic3A_3594 : vector<16xi32>
      %mul3A_3596 = arith.constant 3856 : i32
      %mul3A_3597 = vector.broadcast %mul3A_3596 : i32 to vector<16xi32>
      %mul3A_3598 = arith.muli %add3A_3588, %mul3A_3597 : vector<16xi32>
      %shift_right_arithmetic3A_3599 = arith.constant 16 : i32
      %shift_right_arithmetic3A_3600 = vector.broadcast %shift_right_arithmetic3A_3599 : i32 to vector<16xi32>
      %shift_right_arithmetic3A_3601 = arith.shrsi %mul3A_3598, %shift_right_arithmetic3A_3600 : vector<16xi32>
      %sub3A_3602 = arith.subi %add3A_3588, %shift_right_arithmetic3A_3601 : vector<16xi32>
      %shift_left3A_3603 = arith.constant 5 : i32
      %shift_left3A_3604 = vector.broadcast %shift_left3A_3603 : i32 to vector<16xi32>
      %shift_left3A_3605 = arith.shli %sub3A_3595, %shift_left3A_3604 : vector<16xi32>
      %add3A_3606 = arith.addi %shift_left3A_3605, %sub3A_3602 : vector<16xi32>
      %add3A_3607 = arith.constant 5120 : i32
      %add3A_3608 = vector.broadcast %add3A_3607 : i32 to vector<16xi32>
      %add3A_3609 = arith.addi %add3A_3606, %add3A_3608 : vector<16xi32>
      %gather3A_3610 = tpu.vector_load_idx %arg14[%add3A_3609] : memref<10240xf32, #tpu.memory_space<vmem>>[vector<16xi32>], vector<16xf32>,
      %add3A_3611 = arith.addf %add3A_3476, %gather3A_3610 : vector<16xf32>
      %gather3A_3612 = tpu.vector_load_idx %arg10[%get3A_38, %add3A_104] : memref<26x512xf32, #tpu.memory_space<vmem>>[vector<16xi32>, vector<16xi32>], vector<16xf32>,
      %gather3A_3613 = tpu.vector_load_idx %arg10[%get3A_78, %add3A_104] : memref<26x512xf32, #tpu.memory_space<vmem>>[vector<16xi32>, vector<16xi32>], vector<16xf32>,
      %add3A_3614 = arith.constant 399 : i32
      %add3A_3615 = vector.broadcast %add3A_3614 : i32 to vector<16xi32>
      %add3A_3616 = arith.addi %broadcast_in_dim3A_9, %add3A_3615 : vector<16xi32>
      %gather3A_3617 = tpu.vector_load_idx %arg13[%add3A_3616] : memref<640xf32, #tpu.memory_space<vmem>>[vector<16xi32>], vector<16xf32>,
      %le3A_3618 = arith.cmpf ole, %gather3A_3617, %gather3A_3612 : vector<16xf32>
      %jit3A_3619 = arith.constant 17 : i32
      %jit3A_3620 = arith.constant 0 : i32
      %broadcast_in_dim3A_3621 = vector.broadcast %jit3A_3619 : i32 to vector<16xi32>
      %broadcast_in_dim3A_3622 = vector.broadcast %jit3A_3620 : i32 to vector<16xi32>
      %select_n3A_3623 = arith.select %le3A_3618, %broadcast_in_dim3A_3621, %broadcast_in_dim3A_3622 : vector<16xi1>, vector<16xi32>
      %add3A_3624 = arith.addi %broadcast_in_dim3A_9, %select_n3A_3623 : vector<16xi32>
      %add3A_3625 = arith.constant 431 : i32
      %add3A_3626 = vector.broadcast %add3A_3625 : i32 to vector<16xi32>
      %add3A_3627 = arith.addi %broadcast_in_dim3A_9, %add3A_3626 : vector<16xi32>
      %gather3A_3628 = tpu.vector_load_idx %arg13[%add3A_3627] : memref<640xf32, #tpu.memory_space<vmem>>[vector<16xi32>], vector<16xf32>,
      %le3A_3629 = arith.cmpf ole, %gather3A_3628, %gather3A_3613 : vector<16xf32>
      %jit3A_3630 = arith.constant 17 : i32
      %jit3A_3631 = arith.constant 0 : i32
      %broadcast_in_dim3A_3632 = vector.broadcast %jit3A_3630 : i32 to vector<16xi32>
      %broadcast_in_dim3A_3633 = vector.broadcast %jit3A_3631 : i32 to vector<16xi32>
      %select_n3A_3634 = arith.select %le3A_3629, %broadcast_in_dim3A_3632, %broadcast_in_dim3A_3633 : vector<16xi1>, vector<16xi32>
      %add3A_3635 = arith.addi %broadcast_in_dim3A_9, %select_n3A_3634 : vector<16xi32>
      %add3A_3636 = arith.constant 391 : i32
      %add3A_3637 = vector.broadcast %add3A_3636 : i32 to vector<16xi32>
      %add3A_3638 = arith.addi %add3A_3624, %add3A_3637 : vector<16xi32>
      %gather3A_3639 = tpu.vector_load_idx %arg13[%add3A_3638] : memref<640xf32, #tpu.memory_space<vmem>>[vector<16xi32>], vector<16xf32>,
      %le3A_3640 = arith.cmpf ole, %gather3A_3639, %gather3A_3612 : vector<16xf32>
      %jit3A_3641 = arith.constant 8 : i32
      %jit3A_3642 = arith.constant 0 : i32
      %broadcast_in_dim3A_3643 = vector.broadcast %jit3A_3641 : i32 to vector<16xi32>
      %broadcast_in_dim3A_3644 = vector.broadcast %jit3A_3642 : i32 to vector<16xi32>
      %select_n3A_3645 = arith.select %le3A_3640, %broadcast_in_dim3A_3643, %broadcast_in_dim3A_3644 : vector<16xi1>, vector<16xi32>
      %add3A_3646 = arith.addi %add3A_3624, %select_n3A_3645 : vector<16xi32>
      %add3A_3647 = arith.constant 423 : i32
      %add3A_3648 = vector.broadcast %add3A_3647 : i32 to vector<16xi32>
      %add3A_3649 = arith.addi %add3A_3635, %add3A_3648 : vector<16xi32>
      %gather3A_3650 = tpu.vector_load_idx %arg13[%add3A_3649] : memref<640xf32, #tpu.memory_space<vmem>>[vector<16xi32>], vector<16xf32>,
      %le3A_3651 = arith.cmpf ole, %gather3A_3650, %gather3A_3613 : vector<16xf32>
      %jit3A_3652 = arith.constant 8 : i32
      %jit3A_3653 = arith.constant 0 : i32
      %broadcast_in_dim3A_3654 = vector.broadcast %jit3A_3652 : i32 to vector<16xi32>
      %broadcast_in_dim3A_3655 = vector.broadcast %jit3A_3653 : i32 to vector<16xi32>
      %select_n3A_3656 = arith.select %le3A_3651, %broadcast_in_dim3A_3654, %broadcast_in_dim3A_3655 : vector<16xi1>, vector<16xi32>
      %add3A_3657 = arith.addi %add3A_3635, %select_n3A_3656 : vector<16xi32>
      %add3A_3658 = arith.constant 387 : i32
      %add3A_3659 = vector.broadcast %add3A_3658 : i32 to vector<16xi32>
      %add3A_3660 = arith.addi %add3A_3646, %add3A_3659 : vector<16xi32>
      %gather3A_3661 = tpu.vector_load_idx %arg13[%add3A_3660] : memref<640xf32, #tpu.memory_space<vmem>>[vector<16xi32>], vector<16xf32>,
      %le3A_3662 = arith.cmpf ole, %gather3A_3661, %gather3A_3612 : vector<16xf32>
      %jit3A_3663 = arith.constant 4 : i32
      %jit3A_3664 = arith.constant 0 : i32
      %broadcast_in_dim3A_3665 = vector.broadcast %jit3A_3663 : i32 to vector<16xi32>
      %broadcast_in_dim3A_3666 = vector.broadcast %jit3A_3664 : i32 to vector<16xi32>
      %select_n3A_3667 = arith.select %le3A_3662, %broadcast_in_dim3A_3665, %broadcast_in_dim3A_3666 : vector<16xi1>, vector<16xi32>
      %add3A_3668 = arith.addi %add3A_3646, %select_n3A_3667 : vector<16xi32>
      %add3A_3669 = arith.constant 419 : i32
      %add3A_3670 = vector.broadcast %add3A_3669 : i32 to vector<16xi32>
      %add3A_3671 = arith.addi %add3A_3657, %add3A_3670 : vector<16xi32>
      %gather3A_3672 = tpu.vector_load_idx %arg13[%add3A_3671] : memref<640xf32, #tpu.memory_space<vmem>>[vector<16xi32>], vector<16xf32>,
      %le3A_3673 = arith.cmpf ole, %gather3A_3672, %gather3A_3613 : vector<16xf32>
      %jit3A_3674 = arith.constant 4 : i32
      %jit3A_3675 = arith.constant 0 : i32
      %broadcast_in_dim3A_3676 = vector.broadcast %jit3A_3674 : i32 to vector<16xi32>
      %broadcast_in_dim3A_3677 = vector.broadcast %jit3A_3675 : i32 to vector<16xi32>
      %select_n3A_3678 = arith.select %le3A_3673, %broadcast_in_dim3A_3676, %broadcast_in_dim3A_3677 : vector<16xi1>, vector<16xi32>
      %add3A_3679 = arith.addi %add3A_3657, %select_n3A_3678 : vector<16xi32>
      %add3A_3680 = arith.constant 385 : i32
      %add3A_3681 = vector.broadcast %add3A_3680 : i32 to vector<16xi32>
      %add3A_3682 = arith.addi %add3A_3668, %add3A_3681 : vector<16xi32>
      %gather3A_3683 = tpu.vector_load_idx %arg13[%add3A_3682] : memref<640xf32, #tpu.memory_space<vmem>>[vector<16xi32>], vector<16xf32>,
      %le3A_3684 = arith.cmpf ole, %gather3A_3683, %gather3A_3612 : vector<16xf32>
      %jit3A_3685 = arith.constant 2 : i32
      %jit3A_3686 = arith.constant 0 : i32
      %broadcast_in_dim3A_3687 = vector.broadcast %jit3A_3685 : i32 to vector<16xi32>
      %broadcast_in_dim3A_3688 = vector.broadcast %jit3A_3686 : i32 to vector<16xi32>
      %select_n3A_3689 = arith.select %le3A_3684, %broadcast_in_dim3A_3687, %broadcast_in_dim3A_3688 : vector<16xi1>, vector<16xi32>
      %add3A_3690 = arith.addi %add3A_3668, %select_n3A_3689 : vector<16xi32>
      %add3A_3691 = arith.constant 417 : i32
      %add3A_3692 = vector.broadcast %add3A_3691 : i32 to vector<16xi32>
      %add3A_3693 = arith.addi %add3A_3679, %add3A_3692 : vector<16xi32>
      %gather3A_3694 = tpu.vector_load_idx %arg13[%add3A_3693] : memref<640xf32, #tpu.memory_space<vmem>>[vector<16xi32>], vector<16xf32>,
      %le3A_3695 = arith.cmpf ole, %gather3A_3694, %gather3A_3613 : vector<16xf32>
      %jit3A_3696 = arith.constant 2 : i32
      %jit3A_3697 = arith.constant 0 : i32
      %broadcast_in_dim3A_3698 = vector.broadcast %jit3A_3696 : i32 to vector<16xi32>
      %broadcast_in_dim3A_3699 = vector.broadcast %jit3A_3697 : i32 to vector<16xi32>
      %select_n3A_3700 = arith.select %le3A_3695, %broadcast_in_dim3A_3698, %broadcast_in_dim3A_3699 : vector<16xi1>, vector<16xi32>
      %add3A_3701 = arith.addi %add3A_3679, %select_n3A_3700 : vector<16xi32>
      %add3A_3702 = arith.constant 384 : i32
      %add3A_3703 = vector.broadcast %add3A_3702 : i32 to vector<16xi32>
      %add3A_3704 = arith.addi %add3A_3690, %add3A_3703 : vector<16xi32>
      %gather3A_3705 = tpu.vector_load_idx %arg13[%add3A_3704] : memref<640xf32, #tpu.memory_space<vmem>>[vector<16xi32>], vector<16xf32>,
      %le3A_3706 = arith.cmpf ole, %gather3A_3705, %gather3A_3612 : vector<16xf32>
      %jit3A_3707 = arith.constant 1 : i32
      %jit3A_3708 = arith.constant 0 : i32
      %broadcast_in_dim3A_3709 = vector.broadcast %jit3A_3707 : i32 to vector<16xi32>
      %broadcast_in_dim3A_3710 = vector.broadcast %jit3A_3708 : i32 to vector<16xi32>
      %select_n3A_3711 = arith.select %le3A_3706, %broadcast_in_dim3A_3709, %broadcast_in_dim3A_3710 : vector<16xi1>, vector<16xi32>
      %add3A_3712 = arith.addi %add3A_3690, %select_n3A_3711 : vector<16xi32>
      %add3A_3713 = arith.constant 416 : i32
      %add3A_3714 = vector.broadcast %add3A_3713 : i32 to vector<16xi32>
      %add3A_3715 = arith.addi %add3A_3701, %add3A_3714 : vector<16xi32>
      %gather3A_3716 = tpu.vector_load_idx %arg13[%add3A_3715] : memref<640xf32, #tpu.memory_space<vmem>>[vector<16xi32>], vector<16xf32>,
      %le3A_3717 = arith.cmpf ole, %gather3A_3716, %gather3A_3613 : vector<16xf32>
      %jit3A_3718 = arith.constant 1 : i32
      %jit3A_3719 = arith.constant 0 : i32
      %broadcast_in_dim3A_3720 = vector.broadcast %jit3A_3718 : i32 to vector<16xi32>
      %broadcast_in_dim3A_3721 = vector.broadcast %jit3A_3719 : i32 to vector<16xi32>
      %select_n3A_3722 = arith.select %le3A_3717, %broadcast_in_dim3A_3720, %broadcast_in_dim3A_3721 : vector<16xi1>, vector<16xi32>
      %add3A_3723 = arith.addi %add3A_3701, %select_n3A_3722 : vector<16xi32>
      %mul3A_3724 = arith.constant 3856 : i32
      %mul3A_3725 = vector.broadcast %mul3A_3724 : i32 to vector<16xi32>
      %mul3A_3726 = arith.muli %add3A_3712, %mul3A_3725 : vector<16xi32>
      %shift_right_arithmetic3A_3727 = arith.constant 16 : i32
      %shift_right_arithmetic3A_3728 = vector.broadcast %shift_right_arithmetic3A_3727 : i32 to vector<16xi32>
      %shift_right_arithmetic3A_3729 = arith.shrsi %mul3A_3726, %shift_right_arithmetic3A_3728 : vector<16xi32>
      %sub3A_3730 = arith.subi %add3A_3712, %shift_right_arithmetic3A_3729 : vector<16xi32>
      %mul3A_3731 = arith.constant 3856 : i32
      %mul3A_3732 = vector.broadcast %mul3A_3731 : i32 to vector<16xi32>
      %mul3A_3733 = arith.muli %add3A_3723, %mul3A_3732 : vector<16xi32>
      %shift_right_arithmetic3A_3734 = arith.constant 16 : i32
      %shift_right_arithmetic3A_3735 = vector.broadcast %shift_right_arithmetic3A_3734 : i32 to vector<16xi32>
      %shift_right_arithmetic3A_3736 = arith.shrsi %mul3A_3733, %shift_right_arithmetic3A_3735 : vector<16xi32>
      %sub3A_3737 = arith.subi %add3A_3723, %shift_right_arithmetic3A_3736 : vector<16xi32>
      %shift_left3A_3738 = arith.constant 5 : i32
      %shift_left3A_3739 = vector.broadcast %shift_left3A_3738 : i32 to vector<16xi32>
      %shift_left3A_3740 = arith.shli %sub3A_3730, %shift_left3A_3739 : vector<16xi32>
      %add3A_3741 = arith.addi %shift_left3A_3740, %sub3A_3737 : vector<16xi32>
      %add3A_3742 = arith.constant 6144 : i32
      %add3A_3743 = vector.broadcast %add3A_3742 : i32 to vector<16xi32>
      %add3A_3744 = arith.addi %add3A_3741, %add3A_3743 : vector<16xi32>
      %gather3A_3745 = tpu.vector_load_idx %arg14[%add3A_3744] : memref<10240xf32, #tpu.memory_space<vmem>>[vector<16xi32>], vector<16xf32>,
      %add3A_3746 = arith.addf %add3A_3611, %gather3A_3745 : vector<16xf32>
      %gather3A_3747 = tpu.vector_load_idx %arg10[%get3A_42, %add3A_104] : memref<26x512xf32, #tpu.memory_space<vmem>>[vector<16xi32>, vector<16xi32>], vector<16xf32>,
      %gather3A_3748 = tpu.vector_load_idx %arg10[%get3A_82, %add3A_104] : memref<26x512xf32, #tpu.memory_space<vmem>>[vector<16xi32>, vector<16xi32>], vector<16xf32>,
      %add3A_3749 = arith.constant 463 : i32
      %add3A_3750 = vector.broadcast %add3A_3749 : i32 to vector<16xi32>
      %add3A_3751 = arith.addi %broadcast_in_dim3A_9, %add3A_3750 : vector<16xi32>
      %gather3A_3752 = tpu.vector_load_idx %arg13[%add3A_3751] : memref<640xf32, #tpu.memory_space<vmem>>[vector<16xi32>], vector<16xf32>,
      %le3A_3753 = arith.cmpf ole, %gather3A_3752, %gather3A_3747 : vector<16xf32>
      %jit3A_3754 = arith.constant 17 : i32
      %jit3A_3755 = arith.constant 0 : i32
      %broadcast_in_dim3A_3756 = vector.broadcast %jit3A_3754 : i32 to vector<16xi32>
      %broadcast_in_dim3A_3757 = vector.broadcast %jit3A_3755 : i32 to vector<16xi32>
      %select_n3A_3758 = arith.select %le3A_3753, %broadcast_in_dim3A_3756, %broadcast_in_dim3A_3757 : vector<16xi1>, vector<16xi32>
      %add3A_3759 = arith.addi %broadcast_in_dim3A_9, %select_n3A_3758 : vector<16xi32>
      %add3A_3760 = arith.constant 495 : i32
      %add3A_3761 = vector.broadcast %add3A_3760 : i32 to vector<16xi32>
      %add3A_3762 = arith.addi %broadcast_in_dim3A_9, %add3A_3761 : vector<16xi32>
      %gather3A_3763 = tpu.vector_load_idx %arg13[%add3A_3762] : memref<640xf32, #tpu.memory_space<vmem>>[vector<16xi32>], vector<16xf32>,
      %le3A_3764 = arith.cmpf ole, %gather3A_3763, %gather3A_3748 : vector<16xf32>
      %jit3A_3765 = arith.constant 17 : i32
      %jit3A_3766 = arith.constant 0 : i32
      %broadcast_in_dim3A_3767 = vector.broadcast %jit3A_3765 : i32 to vector<16xi32>
      %broadcast_in_dim3A_3768 = vector.broadcast %jit3A_3766 : i32 to vector<16xi32>
      %select_n3A_3769 = arith.select %le3A_3764, %broadcast_in_dim3A_3767, %broadcast_in_dim3A_3768 : vector<16xi1>, vector<16xi32>
      %add3A_3770 = arith.addi %broadcast_in_dim3A_9, %select_n3A_3769 : vector<16xi32>
      %add3A_3771 = arith.constant 455 : i32
      %add3A_3772 = vector.broadcast %add3A_3771 : i32 to vector<16xi32>
      %add3A_3773 = arith.addi %add3A_3759, %add3A_3772 : vector<16xi32>
      %gather3A_3774 = tpu.vector_load_idx %arg13[%add3A_3773] : memref<640xf32, #tpu.memory_space<vmem>>[vector<16xi32>], vector<16xf32>,
      %le3A_3775 = arith.cmpf ole, %gather3A_3774, %gather3A_3747 : vector<16xf32>
      %jit3A_3776 = arith.constant 8 : i32
      %jit3A_3777 = arith.constant 0 : i32
      %broadcast_in_dim3A_3778 = vector.broadcast %jit3A_3776 : i32 to vector<16xi32>
      %broadcast_in_dim3A_3779 = vector.broadcast %jit3A_3777 : i32 to vector<16xi32>
      %select_n3A_3780 = arith.select %le3A_3775, %broadcast_in_dim3A_3778, %broadcast_in_dim3A_3779 : vector<16xi1>, vector<16xi32>
      %add3A_3781 = arith.addi %add3A_3759, %select_n3A_3780 : vector<16xi32>
      %add3A_3782 = arith.constant 487 : i32
      %add3A_3783 = vector.broadcast %add3A_3782 : i32 to vector<16xi32>
      %add3A_3784 = arith.addi %add3A_3770, %add3A_3783 : vector<16xi32>
      %gather3A_3785 = tpu.vector_load_idx %arg13[%add3A_3784] : memref<640xf32, #tpu.memory_space<vmem>>[vector<16xi32>], vector<16xf32>,
      %le3A_3786 = arith.cmpf ole, %gather3A_3785, %gather3A_3748 : vector<16xf32>
      %jit3A_3787 = arith.constant 8 : i32
      %jit3A_3788 = arith.constant 0 : i32
      %broadcast_in_dim3A_3789 = vector.broadcast %jit3A_3787 : i32 to vector<16xi32>
      %broadcast_in_dim3A_3790 = vector.broadcast %jit3A_3788 : i32 to vector<16xi32>
      %select_n3A_3791 = arith.select %le3A_3786, %broadcast_in_dim3A_3789, %broadcast_in_dim3A_3790 : vector<16xi1>, vector<16xi32>
      %add3A_3792 = arith.addi %add3A_3770, %select_n3A_3791 : vector<16xi32>
      %add3A_3793 = arith.constant 451 : i32
      %add3A_3794 = vector.broadcast %add3A_3793 : i32 to vector<16xi32>
      %add3A_3795 = arith.addi %add3A_3781, %add3A_3794 : vector<16xi32>
      %gather3A_3796 = tpu.vector_load_idx %arg13[%add3A_3795] : memref<640xf32, #tpu.memory_space<vmem>>[vector<16xi32>], vector<16xf32>,
      %le3A_3797 = arith.cmpf ole, %gather3A_3796, %gather3A_3747 : vector<16xf32>
      %jit3A_3798 = arith.constant 4 : i32
      %jit3A_3799 = arith.constant 0 : i32
      %broadcast_in_dim3A_3800 = vector.broadcast %jit3A_3798 : i32 to vector<16xi32>
      %broadcast_in_dim3A_3801 = vector.broadcast %jit3A_3799 : i32 to vector<16xi32>
      %select_n3A_3802 = arith.select %le3A_3797, %broadcast_in_dim3A_3800, %broadcast_in_dim3A_3801 : vector<16xi1>, vector<16xi32>
      %add3A_3803 = arith.addi %add3A_3781, %select_n3A_3802 : vector<16xi32>
      %add3A_3804 = arith.constant 483 : i32
      %add3A_3805 = vector.broadcast %add3A_3804 : i32 to vector<16xi32>
      %add3A_3806 = arith.addi %add3A_3792, %add3A_3805 : vector<16xi32>
      %gather3A_3807 = tpu.vector_load_idx %arg13[%add3A_3806] : memref<640xf32, #tpu.memory_space<vmem>>[vector<16xi32>], vector<16xf32>,
      %le3A_3808 = arith.cmpf ole, %gather3A_3807, %gather3A_3748 : vector<16xf32>
      %jit3A_3809 = arith.constant 4 : i32
      %jit3A_3810 = arith.constant 0 : i32
      %broadcast_in_dim3A_3811 = vector.broadcast %jit3A_3809 : i32 to vector<16xi32>
      %broadcast_in_dim3A_3812 = vector.broadcast %jit3A_3810 : i32 to vector<16xi32>
      %select_n3A_3813 = arith.select %le3A_3808, %broadcast_in_dim3A_3811, %broadcast_in_dim3A_3812 : vector<16xi1>, vector<16xi32>
      %add3A_3814 = arith.addi %add3A_3792, %select_n3A_3813 : vector<16xi32>
      %add3A_3815 = arith.constant 449 : i32
      %add3A_3816 = vector.broadcast %add3A_3815 : i32 to vector<16xi32>
      %add3A_3817 = arith.addi %add3A_3803, %add3A_3816 : vector<16xi32>
      %gather3A_3818 = tpu.vector_load_idx %arg13[%add3A_3817] : memref<640xf32, #tpu.memory_space<vmem>>[vector<16xi32>], vector<16xf32>,
      %le3A_3819 = arith.cmpf ole, %gather3A_3818, %gather3A_3747 : vector<16xf32>
      %jit3A_3820 = arith.constant 2 : i32
      %jit3A_3821 = arith.constant 0 : i32
      %broadcast_in_dim3A_3822 = vector.broadcast %jit3A_3820 : i32 to vector<16xi32>
      %broadcast_in_dim3A_3823 = vector.broadcast %jit3A_3821 : i32 to vector<16xi32>
      %select_n3A_3824 = arith.select %le3A_3819, %broadcast_in_dim3A_3822, %broadcast_in_dim3A_3823 : vector<16xi1>, vector<16xi32>
      %add3A_3825 = arith.addi %add3A_3803, %select_n3A_3824 : vector<16xi32>
      %add3A_3826 = arith.constant 481 : i32
      %add3A_3827 = vector.broadcast %add3A_3826 : i32 to vector<16xi32>
      %add3A_3828 = arith.addi %add3A_3814, %add3A_3827 : vector<16xi32>
      %gather3A_3829 = tpu.vector_load_idx %arg13[%add3A_3828] : memref<640xf32, #tpu.memory_space<vmem>>[vector<16xi32>], vector<16xf32>,
      %le3A_3830 = arith.cmpf ole, %gather3A_3829, %gather3A_3748 : vector<16xf32>
      %jit3A_3831 = arith.constant 2 : i32
      %jit3A_3832 = arith.constant 0 : i32
      %broadcast_in_dim3A_3833 = vector.broadcast %jit3A_3831 : i32 to vector<16xi32>
      %broadcast_in_dim3A_3834 = vector.broadcast %jit3A_3832 : i32 to vector<16xi32>
      %select_n3A_3835 = arith.select %le3A_3830, %broadcast_in_dim3A_3833, %broadcast_in_dim3A_3834 : vector<16xi1>, vector<16xi32>
      %add3A_3836 = arith.addi %add3A_3814, %select_n3A_3835 : vector<16xi32>
      %add3A_3837 = arith.constant 448 : i32
      %add3A_3838 = vector.broadcast %add3A_3837 : i32 to vector<16xi32>
      %add3A_3839 = arith.addi %add3A_3825, %add3A_3838 : vector<16xi32>
      %gather3A_3840 = tpu.vector_load_idx %arg13[%add3A_3839] : memref<640xf32, #tpu.memory_space<vmem>>[vector<16xi32>], vector<16xf32>,
      %le3A_3841 = arith.cmpf ole, %gather3A_3840, %gather3A_3747 : vector<16xf32>
      %jit3A_3842 = arith.constant 1 : i32
      %jit3A_3843 = arith.constant 0 : i32
      %broadcast_in_dim3A_3844 = vector.broadcast %jit3A_3842 : i32 to vector<16xi32>
      %broadcast_in_dim3A_3845 = vector.broadcast %jit3A_3843 : i32 to vector<16xi32>
      %select_n3A_3846 = arith.select %le3A_3841, %broadcast_in_dim3A_3844, %broadcast_in_dim3A_3845 : vector<16xi1>, vector<16xi32>
      %add3A_3847 = arith.addi %add3A_3825, %select_n3A_3846 : vector<16xi32>
      %add3A_3848 = arith.constant 480 : i32
      %add3A_3849 = vector.broadcast %add3A_3848 : i32 to vector<16xi32>
      %add3A_3850 = arith.addi %add3A_3836, %add3A_3849 : vector<16xi32>
      %gather3A_3851 = tpu.vector_load_idx %arg13[%add3A_3850] : memref<640xf32, #tpu.memory_space<vmem>>[vector<16xi32>], vector<16xf32>,
      %le3A_3852 = arith.cmpf ole, %gather3A_3851, %gather3A_3748 : vector<16xf32>
      %jit3A_3853 = arith.constant 1 : i32
      %jit3A_3854 = arith.constant 0 : i32
      %broadcast_in_dim3A_3855 = vector.broadcast %jit3A_3853 : i32 to vector<16xi32>
      %broadcast_in_dim3A_3856 = vector.broadcast %jit3A_3854 : i32 to vector<16xi32>
      %select_n3A_3857 = arith.select %le3A_3852, %broadcast_in_dim3A_3855, %broadcast_in_dim3A_3856 : vector<16xi1>, vector<16xi32>
      %add3A_3858 = arith.addi %add3A_3836, %select_n3A_3857 : vector<16xi32>
      %mul3A_3859 = arith.constant 3856 : i32
      %mul3A_3860 = vector.broadcast %mul3A_3859 : i32 to vector<16xi32>
      %mul3A_3861 = arith.muli %add3A_3847, %mul3A_3860 : vector<16xi32>
      %shift_right_arithmetic3A_3862 = arith.constant 16 : i32
      %shift_right_arithmetic3A_3863 = vector.broadcast %shift_right_arithmetic3A_3862 : i32 to vector<16xi32>
      %shift_right_arithmetic3A_3864 = arith.shrsi %mul3A_3861, %shift_right_arithmetic3A_3863 : vector<16xi32>
      %sub3A_3865 = arith.subi %add3A_3847, %shift_right_arithmetic3A_3864 : vector<16xi32>
      %mul3A_3866 = arith.constant 3856 : i32
      %mul3A_3867 = vector.broadcast %mul3A_3866 : i32 to vector<16xi32>
      %mul3A_3868 = arith.muli %add3A_3858, %mul3A_3867 : vector<16xi32>
      %shift_right_arithmetic3A_3869 = arith.constant 16 : i32
      %shift_right_arithmetic3A_3870 = vector.broadcast %shift_right_arithmetic3A_3869 : i32 to vector<16xi32>
      %shift_right_arithmetic3A_3871 = arith.shrsi %mul3A_3868, %shift_right_arithmetic3A_3870 : vector<16xi32>
      %sub3A_3872 = arith.subi %add3A_3858, %shift_right_arithmetic3A_3871 : vector<16xi32>
      %shift_left3A_3873 = arith.constant 5 : i32
      %shift_left3A_3874 = vector.broadcast %shift_left3A_3873 : i32 to vector<16xi32>
      %shift_left3A_3875 = arith.shli %sub3A_3865, %shift_left3A_3874 : vector<16xi32>
      %add3A_3876 = arith.addi %shift_left3A_3875, %sub3A_3872 : vector<16xi32>
      %add3A_3877 = arith.constant 7168 : i32
      %add3A_3878 = vector.broadcast %add3A_3877 : i32 to vector<16xi32>
      %add3A_3879 = arith.addi %add3A_3876, %add3A_3878 : vector<16xi32>
      %gather3A_3880 = tpu.vector_load_idx %arg14[%add3A_3879] : memref<10240xf32, #tpu.memory_space<vmem>>[vector<16xi32>], vector<16xf32>,
      %add3A_3881 = arith.addf %add3A_3746, %gather3A_3880 : vector<16xf32>
      %gather3A_3882 = tpu.vector_load_idx %arg10[%get3A_46, %add3A_104] : memref<26x512xf32, #tpu.memory_space<vmem>>[vector<16xi32>, vector<16xi32>], vector<16xf32>,
      %gather3A_3883 = tpu.vector_load_idx %arg10[%get3A_86, %add3A_104] : memref<26x512xf32, #tpu.memory_space<vmem>>[vector<16xi32>, vector<16xi32>], vector<16xf32>,
      %add3A_3884 = arith.constant 527 : i32
      %add3A_3885 = vector.broadcast %add3A_3884 : i32 to vector<16xi32>
      %add3A_3886 = arith.addi %broadcast_in_dim3A_9, %add3A_3885 : vector<16xi32>
      %gather3A_3887 = tpu.vector_load_idx %arg13[%add3A_3886] : memref<640xf32, #tpu.memory_space<vmem>>[vector<16xi32>], vector<16xf32>,
      %le3A_3888 = arith.cmpf ole, %gather3A_3887, %gather3A_3882 : vector<16xf32>
      %jit3A_3889 = arith.constant 17 : i32
      %jit3A_3890 = arith.constant 0 : i32
      %broadcast_in_dim3A_3891 = vector.broadcast %jit3A_3889 : i32 to vector<16xi32>
      %broadcast_in_dim3A_3892 = vector.broadcast %jit3A_3890 : i32 to vector<16xi32>
      %select_n3A_3893 = arith.select %le3A_3888, %broadcast_in_dim3A_3891, %broadcast_in_dim3A_3892 : vector<16xi1>, vector<16xi32>
      %add3A_3894 = arith.addi %broadcast_in_dim3A_9, %select_n3A_3893 : vector<16xi32>
      %add3A_3895 = arith.constant 559 : i32
      %add3A_3896 = vector.broadcast %add3A_3895 : i32 to vector<16xi32>
      %add3A_3897 = arith.addi %broadcast_in_dim3A_9, %add3A_3896 : vector<16xi32>
      %gather3A_3898 = tpu.vector_load_idx %arg13[%add3A_3897] : memref<640xf32, #tpu.memory_space<vmem>>[vector<16xi32>], vector<16xf32>,
      %le3A_3899 = arith.cmpf ole, %gather3A_3898, %gather3A_3883 : vector<16xf32>
      %jit3A_3900 = arith.constant 17 : i32
      %jit3A_3901 = arith.constant 0 : i32
      %broadcast_in_dim3A_3902 = vector.broadcast %jit3A_3900 : i32 to vector<16xi32>
      %broadcast_in_dim3A_3903 = vector.broadcast %jit3A_3901 : i32 to vector<16xi32>
      %select_n3A_3904 = arith.select %le3A_3899, %broadcast_in_dim3A_3902, %broadcast_in_dim3A_3903 : vector<16xi1>, vector<16xi32>
      %add3A_3905 = arith.addi %broadcast_in_dim3A_9, %select_n3A_3904 : vector<16xi32>
      %add3A_3906 = arith.constant 519 : i32
      %add3A_3907 = vector.broadcast %add3A_3906 : i32 to vector<16xi32>
      %add3A_3908 = arith.addi %add3A_3894, %add3A_3907 : vector<16xi32>
      %gather3A_3909 = tpu.vector_load_idx %arg13[%add3A_3908] : memref<640xf32, #tpu.memory_space<vmem>>[vector<16xi32>], vector<16xf32>,
      %le3A_3910 = arith.cmpf ole, %gather3A_3909, %gather3A_3882 : vector<16xf32>
      %jit3A_3911 = arith.constant 8 : i32
      %jit3A_3912 = arith.constant 0 : i32
      %broadcast_in_dim3A_3913 = vector.broadcast %jit3A_3911 : i32 to vector<16xi32>
      %broadcast_in_dim3A_3914 = vector.broadcast %jit3A_3912 : i32 to vector<16xi32>
      %select_n3A_3915 = arith.select %le3A_3910, %broadcast_in_dim3A_3913, %broadcast_in_dim3A_3914 : vector<16xi1>, vector<16xi32>
      %add3A_3916 = arith.addi %add3A_3894, %select_n3A_3915 : vector<16xi32>
      %add3A_3917 = arith.constant 551 : i32
      %add3A_3918 = vector.broadcast %add3A_3917 : i32 to vector<16xi32>
      %add3A_3919 = arith.addi %add3A_3905, %add3A_3918 : vector<16xi32>
      %gather3A_3920 = tpu.vector_load_idx %arg13[%add3A_3919] : memref<640xf32, #tpu.memory_space<vmem>>[vector<16xi32>], vector<16xf32>,
      %le3A_3921 = arith.cmpf ole, %gather3A_3920, %gather3A_3883 : vector<16xf32>
      %jit3A_3922 = arith.constant 8 : i32
      %jit3A_3923 = arith.constant 0 : i32
      %broadcast_in_dim3A_3924 = vector.broadcast %jit3A_3922 : i32 to vector<16xi32>
      %broadcast_in_dim3A_3925 = vector.broadcast %jit3A_3923 : i32 to vector<16xi32>
      %select_n3A_3926 = arith.select %le3A_3921, %broadcast_in_dim3A_3924, %broadcast_in_dim3A_3925 : vector<16xi1>, vector<16xi32>
      %add3A_3927 = arith.addi %add3A_3905, %select_n3A_3926 : vector<16xi32>
      %add3A_3928 = arith.constant 515 : i32
      %add3A_3929 = vector.broadcast %add3A_3928 : i32 to vector<16xi32>
      %add3A_3930 = arith.addi %add3A_3916, %add3A_3929 : vector<16xi32>
      %gather3A_3931 = tpu.vector_load_idx %arg13[%add3A_3930] : memref<640xf32, #tpu.memory_space<vmem>>[vector<16xi32>], vector<16xf32>,
      %le3A_3932 = arith.cmpf ole, %gather3A_3931, %gather3A_3882 : vector<16xf32>
      %jit3A_3933 = arith.constant 4 : i32
      %jit3A_3934 = arith.constant 0 : i32
      %broadcast_in_dim3A_3935 = vector.broadcast %jit3A_3933 : i32 to vector<16xi32>
      %broadcast_in_dim3A_3936 = vector.broadcast %jit3A_3934 : i32 to vector<16xi32>
      %select_n3A_3937 = arith.select %le3A_3932, %broadcast_in_dim3A_3935, %broadcast_in_dim3A_3936 : vector<16xi1>, vector<16xi32>
      %add3A_3938 = arith.addi %add3A_3916, %select_n3A_3937 : vector<16xi32>
      %add3A_3939 = arith.constant 547 : i32
      %add3A_3940 = vector.broadcast %add3A_3939 : i32 to vector<16xi32>
      %add3A_3941 = arith.addi %add3A_3927, %add3A_3940 : vector<16xi32>
      %gather3A_3942 = tpu.vector_load_idx %arg13[%add3A_3941] : memref<640xf32, #tpu.memory_space<vmem>>[vector<16xi32>], vector<16xf32>,
      %le3A_3943 = arith.cmpf ole, %gather3A_3942, %gather3A_3883 : vector<16xf32>
      %jit3A_3944 = arith.constant 4 : i32
      %jit3A_3945 = arith.constant 0 : i32
      %broadcast_in_dim3A_3946 = vector.broadcast %jit3A_3944 : i32 to vector<16xi32>
      %broadcast_in_dim3A_3947 = vector.broadcast %jit3A_3945 : i32 to vector<16xi32>
      %select_n3A_3948 = arith.select %le3A_3943, %broadcast_in_dim3A_3946, %broadcast_in_dim3A_3947 : vector<16xi1>, vector<16xi32>
      %add3A_3949 = arith.addi %add3A_3927, %select_n3A_3948 : vector<16xi32>
      %add3A_3950 = arith.constant 513 : i32
      %add3A_3951 = vector.broadcast %add3A_3950 : i32 to vector<16xi32>
      %add3A_3952 = arith.addi %add3A_3938, %add3A_3951 : vector<16xi32>
      %gather3A_3953 = tpu.vector_load_idx %arg13[%add3A_3952] : memref<640xf32, #tpu.memory_space<vmem>>[vector<16xi32>], vector<16xf32>,
      %le3A_3954 = arith.cmpf ole, %gather3A_3953, %gather3A_3882 : vector<16xf32>
      %jit3A_3955 = arith.constant 2 : i32
      %jit3A_3956 = arith.constant 0 : i32
      %broadcast_in_dim3A_3957 = vector.broadcast %jit3A_3955 : i32 to vector<16xi32>
      %broadcast_in_dim3A_3958 = vector.broadcast %jit3A_3956 : i32 to vector<16xi32>
      %select_n3A_3959 = arith.select %le3A_3954, %broadcast_in_dim3A_3957, %broadcast_in_dim3A_3958 : vector<16xi1>, vector<16xi32>
      %add3A_3960 = arith.addi %add3A_3938, %select_n3A_3959 : vector<16xi32>
      %add3A_3961 = arith.constant 545 : i32
      %add3A_3962 = vector.broadcast %add3A_3961 : i32 to vector<16xi32>
      %add3A_3963 = arith.addi %add3A_3949, %add3A_3962 : vector<16xi32>
      %gather3A_3964 = tpu.vector_load_idx %arg13[%add3A_3963] : memref<640xf32, #tpu.memory_space<vmem>>[vector<16xi32>], vector<16xf32>,
      %le3A_3965 = arith.cmpf ole, %gather3A_3964, %gather3A_3883 : vector<16xf32>
      %jit3A_3966 = arith.constant 2 : i32
      %jit3A_3967 = arith.constant 0 : i32
      %broadcast_in_dim3A_3968 = vector.broadcast %jit3A_3966 : i32 to vector<16xi32>
      %broadcast_in_dim3A_3969 = vector.broadcast %jit3A_3967 : i32 to vector<16xi32>
      %select_n3A_3970 = arith.select %le3A_3965, %broadcast_in_dim3A_3968, %broadcast_in_dim3A_3969 : vector<16xi1>, vector<16xi32>
      %add3A_3971 = arith.addi %add3A_3949, %select_n3A_3970 : vector<16xi32>
      %add3A_3972 = arith.constant 512 : i32
      %add3A_3973 = vector.broadcast %add3A_3972 : i32 to vector<16xi32>
      %add3A_3974 = arith.addi %add3A_3960, %add3A_3973 : vector<16xi32>
      %gather3A_3975 = tpu.vector_load_idx %arg13[%add3A_3974] : memref<640xf32, #tpu.memory_space<vmem>>[vector<16xi32>], vector<16xf32>,
      %le3A_3976 = arith.cmpf ole, %gather3A_3975, %gather3A_3882 : vector<16xf32>
      %jit3A_3977 = arith.constant 1 : i32
      %jit3A_3978 = arith.constant 0 : i32
      %broadcast_in_dim3A_3979 = vector.broadcast %jit3A_3977 : i32 to vector<16xi32>
      %broadcast_in_dim3A_3980 = vector.broadcast %jit3A_3978 : i32 to vector<16xi32>
      %select_n3A_3981 = arith.select %le3A_3976, %broadcast_in_dim3A_3979, %broadcast_in_dim3A_3980 : vector<16xi1>, vector<16xi32>
      %add3A_3982 = arith.addi %add3A_3960, %select_n3A_3981 : vector<16xi32>
      %add3A_3983 = arith.constant 544 : i32
      %add3A_3984 = vector.broadcast %add3A_3983 : i32 to vector<16xi32>
      %add3A_3985 = arith.addi %add3A_3971, %add3A_3984 : vector<16xi32>
      %gather3A_3986 = tpu.vector_load_idx %arg13[%add3A_3985] : memref<640xf32, #tpu.memory_space<vmem>>[vector<16xi32>], vector<16xf32>,
      %le3A_3987 = arith.cmpf ole, %gather3A_3986, %gather3A_3883 : vector<16xf32>
      %jit3A_3988 = arith.constant 1 : i32
      %jit3A_3989 = arith.constant 0 : i32
      %broadcast_in_dim3A_3990 = vector.broadcast %jit3A_3988 : i32 to vector<16xi32>
      %broadcast_in_dim3A_3991 = vector.broadcast %jit3A_3989 : i32 to vector<16xi32>
      %select_n3A_3992 = arith.select %le3A_3987, %broadcast_in_dim3A_3990, %broadcast_in_dim3A_3991 : vector<16xi1>, vector<16xi32>
      %add3A_3993 = arith.addi %add3A_3971, %select_n3A_3992 : vector<16xi32>
      %mul3A_3994 = arith.constant 3856 : i32
      %mul3A_3995 = vector.broadcast %mul3A_3994 : i32 to vector<16xi32>
      %mul3A_3996 = arith.muli %add3A_3982, %mul3A_3995 : vector<16xi32>
      %shift_right_arithmetic3A_3997 = arith.constant 16 : i32
      %shift_right_arithmetic3A_3998 = vector.broadcast %shift_right_arithmetic3A_3997 : i32 to vector<16xi32>
      %shift_right_arithmetic3A_3999 = arith.shrsi %mul3A_3996, %shift_right_arithmetic3A_3998 : vector<16xi32>
      %sub3A_4000 = arith.subi %add3A_3982, %shift_right_arithmetic3A_3999 : vector<16xi32>
      %mul3A_4001 = arith.constant 3856 : i32
      %mul3A_4002 = vector.broadcast %mul3A_4001 : i32 to vector<16xi32>
      %mul3A_4003 = arith.muli %add3A_3993, %mul3A_4002 : vector<16xi32>
      %shift_right_arithmetic3A_4004 = arith.constant 16 : i32
      %shift_right_arithmetic3A_4005 = vector.broadcast %shift_right_arithmetic3A_4004 : i32 to vector<16xi32>
      %shift_right_arithmetic3A_4006 = arith.shrsi %mul3A_4003, %shift_right_arithmetic3A_4005 : vector<16xi32>
      %sub3A_4007 = arith.subi %add3A_3993, %shift_right_arithmetic3A_4006 : vector<16xi32>
      %shift_left3A_4008 = arith.constant 5 : i32
      %shift_left3A_4009 = vector.broadcast %shift_left3A_4008 : i32 to vector<16xi32>
      %shift_left3A_4010 = arith.shli %sub3A_4000, %shift_left3A_4009 : vector<16xi32>
      %add3A_4011 = arith.addi %shift_left3A_4010, %sub3A_4007 : vector<16xi32>
      %add3A_4012 = arith.constant 8192 : i32
      %add3A_4013 = vector.broadcast %add3A_4012 : i32 to vector<16xi32>
      %add3A_4014 = arith.addi %add3A_4011, %add3A_4013 : vector<16xi32>
      %gather3A_4015 = tpu.vector_load_idx %arg14[%add3A_4014] : memref<10240xf32, #tpu.memory_space<vmem>>[vector<16xi32>], vector<16xf32>,
      %add3A_4016 = arith.addf %add3A_3881, %gather3A_4015 : vector<16xf32>
      %gather3A_4017 = tpu.vector_load_idx %arg10[%get3A_50, %add3A_104] : memref<26x512xf32, #tpu.memory_space<vmem>>[vector<16xi32>, vector<16xi32>], vector<16xf32>,
      %gather3A_4018 = tpu.vector_load_idx %arg10[%get3A_90, %add3A_104] : memref<26x512xf32, #tpu.memory_space<vmem>>[vector<16xi32>, vector<16xi32>], vector<16xf32>,
      %add3A_4019 = arith.constant 591 : i32
      %add3A_4020 = vector.broadcast %add3A_4019 : i32 to vector<16xi32>
      %add3A_4021 = arith.addi %broadcast_in_dim3A_9, %add3A_4020 : vector<16xi32>
      %gather3A_4022 = tpu.vector_load_idx %arg13[%add3A_4021] : memref<640xf32, #tpu.memory_space<vmem>>[vector<16xi32>], vector<16xf32>,
      %le3A_4023 = arith.cmpf ole, %gather3A_4022, %gather3A_4017 : vector<16xf32>
      %jit3A_4024 = arith.constant 17 : i32
      %jit3A_4025 = arith.constant 0 : i32
      %broadcast_in_dim3A_4026 = vector.broadcast %jit3A_4024 : i32 to vector<16xi32>
      %broadcast_in_dim3A_4027 = vector.broadcast %jit3A_4025 : i32 to vector<16xi32>
      %select_n3A_4028 = arith.select %le3A_4023, %broadcast_in_dim3A_4026, %broadcast_in_dim3A_4027 : vector<16xi1>, vector<16xi32>
      %add3A_4029 = arith.addi %broadcast_in_dim3A_9, %select_n3A_4028 : vector<16xi32>
      %add3A_4030 = arith.constant 623 : i32
      %add3A_4031 = vector.broadcast %add3A_4030 : i32 to vector<16xi32>
      %add3A_4032 = arith.addi %broadcast_in_dim3A_9, %add3A_4031 : vector<16xi32>
      %gather3A_4033 = tpu.vector_load_idx %arg13[%add3A_4032] : memref<640xf32, #tpu.memory_space<vmem>>[vector<16xi32>], vector<16xf32>,
      %le3A_4034 = arith.cmpf ole, %gather3A_4033, %gather3A_4018 : vector<16xf32>
      %jit3A_4035 = arith.constant 17 : i32
      %jit3A_4036 = arith.constant 0 : i32
      %broadcast_in_dim3A_4037 = vector.broadcast %jit3A_4035 : i32 to vector<16xi32>
      %broadcast_in_dim3A_4038 = vector.broadcast %jit3A_4036 : i32 to vector<16xi32>
      %select_n3A_4039 = arith.select %le3A_4034, %broadcast_in_dim3A_4037, %broadcast_in_dim3A_4038 : vector<16xi1>, vector<16xi32>
      %add3A_4040 = arith.addi %broadcast_in_dim3A_9, %select_n3A_4039 : vector<16xi32>
      %add3A_4041 = arith.constant 583 : i32
      %add3A_4042 = vector.broadcast %add3A_4041 : i32 to vector<16xi32>
      %add3A_4043 = arith.addi %add3A_4029, %add3A_4042 : vector<16xi32>
      %gather3A_4044 = tpu.vector_load_idx %arg13[%add3A_4043] : memref<640xf32, #tpu.memory_space<vmem>>[vector<16xi32>], vector<16xf32>,
      %le3A_4045 = arith.cmpf ole, %gather3A_4044, %gather3A_4017 : vector<16xf32>
      %jit3A_4046 = arith.constant 8 : i32
      %jit3A_4047 = arith.constant 0 : i32
      %broadcast_in_dim3A_4048 = vector.broadcast %jit3A_4046 : i32 to vector<16xi32>
      %broadcast_in_dim3A_4049 = vector.broadcast %jit3A_4047 : i32 to vector<16xi32>
      %select_n3A_4050 = arith.select %le3A_4045, %broadcast_in_dim3A_4048, %broadcast_in_dim3A_4049 : vector<16xi1>, vector<16xi32>
      %add3A_4051 = arith.addi %add3A_4029, %select_n3A_4050 : vector<16xi32>
      %add3A_4052 = arith.constant 615 : i32
      %add3A_4053 = vector.broadcast %add3A_4052 : i32 to vector<16xi32>
      %add3A_4054 = arith.addi %add3A_4040, %add3A_4053 : vector<16xi32>
      %gather3A_4055 = tpu.vector_load_idx %arg13[%add3A_4054] : memref<640xf32, #tpu.memory_space<vmem>>[vector<16xi32>], vector<16xf32>,
      %le3A_4056 = arith.cmpf ole, %gather3A_4055, %gather3A_4018 : vector<16xf32>
      %jit3A_4057 = arith.constant 8 : i32
      %jit3A_4058 = arith.constant 0 : i32
      %broadcast_in_dim3A_4059 = vector.broadcast %jit3A_4057 : i32 to vector<16xi32>
      %broadcast_in_dim3A_4060 = vector.broadcast %jit3A_4058 : i32 to vector<16xi32>
      %select_n3A_4061 = arith.select %le3A_4056, %broadcast_in_dim3A_4059, %broadcast_in_dim3A_4060 : vector<16xi1>, vector<16xi32>
      %add3A_4062 = arith.addi %add3A_4040, %select_n3A_4061 : vector<16xi32>
      %add3A_4063 = arith.constant 579 : i32
      %add3A_4064 = vector.broadcast %add3A_4063 : i32 to vector<16xi32>
      %add3A_4065 = arith.addi %add3A_4051, %add3A_4064 : vector<16xi32>
      %gather3A_4066 = tpu.vector_load_idx %arg13[%add3A_4065] : memref<640xf32, #tpu.memory_space<vmem>>[vector<16xi32>], vector<16xf32>,
      %le3A_4067 = arith.cmpf ole, %gather3A_4066, %gather3A_4017 : vector<16xf32>
      %jit3A_4068 = arith.constant 4 : i32
      %jit3A_4069 = arith.constant 0 : i32
      %broadcast_in_dim3A_4070 = vector.broadcast %jit3A_4068 : i32 to vector<16xi32>
      %broadcast_in_dim3A_4071 = vector.broadcast %jit3A_4069 : i32 to vector<16xi32>
      %select_n3A_4072 = arith.select %le3A_4067, %broadcast_in_dim3A_4070, %broadcast_in_dim3A_4071 : vector<16xi1>, vector<16xi32>
      %add3A_4073 = arith.addi %add3A_4051, %select_n3A_4072 : vector<16xi32>
      %add3A_4074 = arith.constant 611 : i32
      %add3A_4075 = vector.broadcast %add3A_4074 : i32 to vector<16xi32>
      %add3A_4076 = arith.addi %add3A_4062, %add3A_4075 : vector<16xi32>
      %gather3A_4077 = tpu.vector_load_idx %arg13[%add3A_4076] : memref<640xf32, #tpu.memory_space<vmem>>[vector<16xi32>], vector<16xf32>,
      %le3A_4078 = arith.cmpf ole, %gather3A_4077, %gather3A_4018 : vector<16xf32>
      %jit3A_4079 = arith.constant 4 : i32
      %jit3A_4080 = arith.constant 0 : i32
      %broadcast_in_dim3A_4081 = vector.broadcast %jit3A_4079 : i32 to vector<16xi32>
      %broadcast_in_dim3A_4082 = vector.broadcast %jit3A_4080 : i32 to vector<16xi32>
      %select_n3A_4083 = arith.select %le3A_4078, %broadcast_in_dim3A_4081, %broadcast_in_dim3A_4082 : vector<16xi1>, vector<16xi32>
      %add3A_4084 = arith.addi %add3A_4062, %select_n3A_4083 : vector<16xi32>
      %add3A_4085 = arith.constant 577 : i32
      %add3A_4086 = vector.broadcast %add3A_4085 : i32 to vector<16xi32>
      %add3A_4087 = arith.addi %add3A_4073, %add3A_4086 : vector<16xi32>
      %gather3A_4088 = tpu.vector_load_idx %arg13[%add3A_4087] : memref<640xf32, #tpu.memory_space<vmem>>[vector<16xi32>], vector<16xf32>,
      %le3A_4089 = arith.cmpf ole, %gather3A_4088, %gather3A_4017 : vector<16xf32>
      %jit3A_4090 = arith.constant 2 : i32
      %jit3A_4091 = arith.constant 0 : i32
      %broadcast_in_dim3A_4092 = vector.broadcast %jit3A_4090 : i32 to vector<16xi32>
      %broadcast_in_dim3A_4093 = vector.broadcast %jit3A_4091 : i32 to vector<16xi32>
      %select_n3A_4094 = arith.select %le3A_4089, %broadcast_in_dim3A_4092, %broadcast_in_dim3A_4093 : vector<16xi1>, vector<16xi32>
      %add3A_4095 = arith.addi %add3A_4073, %select_n3A_4094 : vector<16xi32>
      %add3A_4096 = arith.constant 609 : i32
      %add3A_4097 = vector.broadcast %add3A_4096 : i32 to vector<16xi32>
      %add3A_4098 = arith.addi %add3A_4084, %add3A_4097 : vector<16xi32>
      %gather3A_4099 = tpu.vector_load_idx %arg13[%add3A_4098] : memref<640xf32, #tpu.memory_space<vmem>>[vector<16xi32>], vector<16xf32>,
      %le3A_4100 = arith.cmpf ole, %gather3A_4099, %gather3A_4018 : vector<16xf32>
      %jit3A_4101 = arith.constant 2 : i32
      %jit3A_4102 = arith.constant 0 : i32
      %broadcast_in_dim3A_4103 = vector.broadcast %jit3A_4101 : i32 to vector<16xi32>
      %broadcast_in_dim3A_4104 = vector.broadcast %jit3A_4102 : i32 to vector<16xi32>
      %select_n3A_4105 = arith.select %le3A_4100, %broadcast_in_dim3A_4103, %broadcast_in_dim3A_4104 : vector<16xi1>, vector<16xi32>
      %add3A_4106 = arith.addi %add3A_4084, %select_n3A_4105 : vector<16xi32>
      %add3A_4107 = arith.constant 576 : i32
      %add3A_4108 = vector.broadcast %add3A_4107 : i32 to vector<16xi32>
      %add3A_4109 = arith.addi %add3A_4095, %add3A_4108 : vector<16xi32>
      %gather3A_4110 = tpu.vector_load_idx %arg13[%add3A_4109] : memref<640xf32, #tpu.memory_space<vmem>>[vector<16xi32>], vector<16xf32>,
      %le3A_4111 = arith.cmpf ole, %gather3A_4110, %gather3A_4017 : vector<16xf32>
      %jit3A_4112 = arith.constant 1 : i32
      %jit3A_4113 = arith.constant 0 : i32
      %broadcast_in_dim3A_4114 = vector.broadcast %jit3A_4112 : i32 to vector<16xi32>
      %broadcast_in_dim3A_4115 = vector.broadcast %jit3A_4113 : i32 to vector<16xi32>
      %select_n3A_4116 = arith.select %le3A_4111, %broadcast_in_dim3A_4114, %broadcast_in_dim3A_4115 : vector<16xi1>, vector<16xi32>
      %add3A_4117 = arith.addi %add3A_4095, %select_n3A_4116 : vector<16xi32>
      %add3A_4118 = arith.constant 608 : i32
      %add3A_4119 = vector.broadcast %add3A_4118 : i32 to vector<16xi32>
      %add3A_4120 = arith.addi %add3A_4106, %add3A_4119 : vector<16xi32>
      %gather3A_4121 = tpu.vector_load_idx %arg13[%add3A_4120] : memref<640xf32, #tpu.memory_space<vmem>>[vector<16xi32>], vector<16xf32>,
      %le3A_4122 = arith.cmpf ole, %gather3A_4121, %gather3A_4018 : vector<16xf32>
      %jit3A_4123 = arith.constant 1 : i32
      %jit3A_4124 = arith.constant 0 : i32
      %broadcast_in_dim3A_4125 = vector.broadcast %jit3A_4123 : i32 to vector<16xi32>
      %broadcast_in_dim3A_4126 = vector.broadcast %jit3A_4124 : i32 to vector<16xi32>
      %select_n3A_4127 = arith.select %le3A_4122, %broadcast_in_dim3A_4125, %broadcast_in_dim3A_4126 : vector<16xi1>, vector<16xi32>
      %add3A_4128 = arith.addi %add3A_4106, %select_n3A_4127 : vector<16xi32>
      %mul3A_4129 = arith.constant 3856 : i32
      %mul3A_4130 = vector.broadcast %mul3A_4129 : i32 to vector<16xi32>
      %mul3A_4131 = arith.muli %add3A_4117, %mul3A_4130 : vector<16xi32>
      %shift_right_arithmetic3A_4132 = arith.constant 16 : i32
      %shift_right_arithmetic3A_4133 = vector.broadcast %shift_right_arithmetic3A_4132 : i32 to vector<16xi32>
      %shift_right_arithmetic3A_4134 = arith.shrsi %mul3A_4131, %shift_right_arithmetic3A_4133 : vector<16xi32>
      %sub3A_4135 = arith.subi %add3A_4117, %shift_right_arithmetic3A_4134 : vector<16xi32>
      %mul3A_4136 = arith.constant 3856 : i32
      %mul3A_4137 = vector.broadcast %mul3A_4136 : i32 to vector<16xi32>
      %mul3A_4138 = arith.muli %add3A_4128, %mul3A_4137 : vector<16xi32>
      %shift_right_arithmetic3A_4139 = arith.constant 16 : i32
      %shift_right_arithmetic3A_4140 = vector.broadcast %shift_right_arithmetic3A_4139 : i32 to vector<16xi32>
      %shift_right_arithmetic3A_4141 = arith.shrsi %mul3A_4138, %shift_right_arithmetic3A_4140 : vector<16xi32>
      %sub3A_4142 = arith.subi %add3A_4128, %shift_right_arithmetic3A_4141 : vector<16xi32>
      %shift_left3A_4143 = arith.constant 5 : i32
      %shift_left3A_4144 = vector.broadcast %shift_left3A_4143 : i32 to vector<16xi32>
      %shift_left3A_4145 = arith.shli %sub3A_4135, %shift_left3A_4144 : vector<16xi32>
      %add3A_4146 = arith.addi %shift_left3A_4145, %sub3A_4142 : vector<16xi32>
      %add3A_4147 = arith.constant 9216 : i32
      %add3A_4148 = vector.broadcast %add3A_4147 : i32 to vector<16xi32>
      %add3A_4149 = arith.addi %add3A_4146, %add3A_4148 : vector<16xi32>
      %gather3A_4150 = tpu.vector_load_idx %arg14[%add3A_4149] : memref<10240xf32, #tpu.memory_space<vmem>>[vector<16xi32>], vector<16xf32>,
      %add3A_4151 = arith.addf %add3A_4016, %gather3A_4150 : vector<16xf32>
      %swap3A = arith.index_cast %mul3A_102 : i32 to index
      %swap3A_4152 = tpu.vector_load %arg17[%swap3A] {strides = array<i32>} : memref<512xf32, #tpu.memory_space<vmem>>, vector<16xf32>,
      tpu.vector_store %arg17[%swap3A], %add3A_4151 {strides = array<i32>} : memref<512xf32, #tpu.memory_space<vmem>>, vector<16xf32>,
    }
    %scan3A_95 = arith.constant 32 : i32
    "tpu.region"() ({
      %run_scoped3A = tpu.sem_alloc : memref<!tpu.dma_semaphore, #tpu.memory_space<semaphore_mem>>
      %dma_start3A_96 = tpu.memref_slice %arg9[%mul3A_2] : memref<16384xf32, #tpu.memory_space<hbm>> -> memref<512xf32, #tpu.memory_space<hbm>>
      %dma_start3A_97 = tpu.memref_slice %arg9[%mul3A_2] : memref<16384xf32, #tpu.memory_space<hbm>> -> memref<512xf32, #tpu.memory_space<hbm>>
      tpu.enqueue_dma source(%arg17 : memref<512xf32, #tpu.memory_space<vmem>>) target(%dma_start3A_97 : memref<512xf32, #tpu.memory_space<hbm>>) target_semaphore(%run_scoped3A : memref<!tpu.dma_semaphore, #tpu.memory_space<semaphore_mem>>)
      %dma_wait3A_98 = tpu.memref_slice %arg9[%mul3A_2] : memref<16384xf32, #tpu.memory_space<hbm>> -> memref<512xf32, #tpu.memory_space<hbm>>
      %dma_wait3A_99 = tpu.memref_slice %arg9[%mul3A_2] : memref<16384xf32, #tpu.memory_space<hbm>> -> memref<512xf32, #tpu.memory_space<hbm>>
      tpu.wait_dma2 semaphore(%run_scoped3A : memref<!tpu.dma_semaphore, #tpu.memory_space<semaphore_mem>>) src(%arg17 : memref<512xf32, #tpu.memory_space<vmem>>) dst(%dma_wait3A_99 : memref<512xf32, #tpu.memory_space<hbm>>)
      tpu.yield
    }) : () -> ()
    return
  }
}

</mosaic_0001>

<sc_bundles>
// kernel: kernel.3.cloned.1.call-start
scs
__scs_entry_jumppad:
0x0: {  	(pc) =	sbr.rel $0x88, $3  }
0x1: {  	(tag) =	ssettag $0x0;
	lr =	simm.s32 $0x1  }
0x2: {  	[smem:$0x3F9A] =	sst lr;
	_ =	strace $0xD0000000  }
0x3: {  	_ = 	snop  }
0x4: {  	_ = 	snop  }
0x5: {  	_ = 	snop  }
0x6: {  	_ = 	snop  }
0x7: {  	_ = 	snop  }
__scs_overlays_trampoline_lowered:
0x8: {  	[smem:$0x3FA9] =	sst s0  }
0x9: {  	[smem:$0x3FAA] =	sst s1  }
0xa: {  	[smem:$0x3FAB] =	sst s2  }
0xb: {  	[smem:$0x3FAC] =	sst s3  }
0xc: {  	[smem:$0x3FAD] =	sst s4  }
0xd: {  	[smem:$0x3FAE] =	sst s5  }
0xe: {  	[smem:$0x3FAF] =	sst s6  }
0xf: {  	[smem:$0x3FB0] =	sst s7  }
0x10: {  	[smem:$0x3FB1] =	sst s8  }
0x11: {  	[smem:$0x3FB2] =	sst s9;
	s0 =	simm.s32 @!p0 $0x0  }
0x12: {  	s1 =	sld [smem:$0x3F98];
	s0 =	simm.s32 @p0 $0x1  }
0x13: {  	[smem:$0x3FB3] =	sst s0;
	s0 =	simm.s32 @!p1 $0x0  }
0x14: {  	s2 =	sld [smem:$0x3F97];
	s0 =	simm.s32 @p1 $0x1  }
0x15: {  	[smem:$0x3FB4] =	sst s0;
	s0 =	simm.s32 @!p2 $0x0  }
0x16: {  	s3 =	sld [smem:$0x3FDB];
	s0 =	simm.s32 @p2 $0x1  }
0x17: {  	s4 =	simm.s32 $0x1BF5;
	[smem:$0x3FB6] =	sst s0  }
0x18: {  	s0 =	sld [smem:$0x3F99];
	_ =	swait.ge [sflag:s4], $0x0  }
0x19: {  	s7 =	sld [smem:$0x3F9A]  }
0x1a: {  	s8 =	sadd.s32 $0xFFFFE003, lr  }
0x1b: {  	s9 =	sadd.s32 $0xFFFFFEF7, lr;
	s5 =	simm.s32 $0xFFFFFFFF;
	p2 =	slt.u32 s8, $0xFFFFF086  }
0x1c: {  	p1 =	slt.u32 s9, $0xF7A;
	s5 =	simm.s32 @!p2 $0x0  }
0x1d: {  	s5 =	simm.s32 @p1 $0x1;
	p0 =	seq.s32 s7, s2  }
0x1e: {  	s7 =	smul.u32 @!p0 $0xF7A, s2;
	p2 =	seq.s32 @!p0 s5, $0x0  }
0x1f: {  	s9 =	smul.u32 $0xF7A, s1;
	s8 =	simm.s32 @!p0 $0x1BF5;
	p2 =	por !p2, p0  }
0x20: {  	[sflag:s8] =	ssyncset.s32 @!p0 $0xFFFFF086;
	s6 =	sadd.s32 @!p0 s3, s7;
	s7 =	simm.s32 @!p0 $0x108  }
0x21: {  	s3 =	sadd.s32 s3, s9;
	s6 =	sadd.s32 @!p0 $0x88, s6;
	s7 =	simm.s32 @p2 $0x1082  }
0x22: {  	[simem:s7], [sflag:s8] =	dma.local @!p0 [hbm:s6], $0xF7A  }
0x23: {  	s9 =	sor.u32 $0xD0000000, s2;
	s6 =	simm.s32 $0x108;
	_ =	swait.ge @!p0 [sflag:s8], $0x0  }
0x24: {  	s3 =	sadd.s32 $0x88, s3;
	s6 =	simm.s32 @!p1 $0x1082;
	[sflag:s4] =	ssyncset.s32 $0xFFFFF086  }
0x25: {  	[simem:s6], [sflag:s4] =	dma.local [hbm:s3], $0xF7A  }
0x26: {  	[smem:$0x3F9A] =	sst s1;
	(tag) =	ssettag s2;
	_ =	strace s9  }
0x27: {  	s1 =	sld [smem:$0x3FAA]  }
0x28: {  	s2 =	sld [smem:$0x3FAB]  }
0x29: {  	s4 =	sld [smem:$0x3FAD]  }
0x2a: {  	p0 =	seq.s32 s5, $0x0;
	s5 =	sld [smem:$0x3FAE]  }
0x2b: {  	s6 =	sld [smem:$0x3FAF]  }
0x2c: {  	s7 =	sld [smem:$0x3FB0]  }
0x2d: {  	s3 =	simm.s32 $0x108;
	s8 =	sld [smem:$0x3FB1]  }
0x2e: {  	s3 =	simm.s32 @!p0 $0x1082;
	s9 =	sld [smem:$0x3FB2]  }
0x2f: {  	lr =	sadd.s32 s0, s3;
	s0 =	sld [smem:$0x3FA9]  }
0x30: {  	s3 =	sld [smem:$0x3FAC]  }
0x31: {  	[smem:$0x3FB5] =	sst s10  }
0x32: {  	s10 =	sld [smem:$0x3FB3];
	_ =	sdelay $0x3  }
0x33: {  	p0 =	seq.s32 s10, $0x1;
	s10 =	sld [smem:$0x3FB5];
	_ =	sdelay $0x3  }
0x34: {  	[smem:$0x3FB5] =	sst s10  }
0x35: {  	s10 =	sld [smem:$0x3FB4];
	_ =	sdelay $0x3  }
0x36: {  	p1 =	seq.s32 s10, $0x1;
	s10 =	sld [smem:$0x3FB5];
	_ =	sdelay $0x3  }
0x37: {  	[smem:$0x3FB5] =	sst s10  }
0x38: {  	s10 =	sld [smem:$0x3FB6]  }
0x39: {  	_ = 	snop;
	(pc) =	sbr.ind lr, $3  }
0x3a: {  	_ = 	snop  }
0x3b: {  	_ = 	snop  }
0x3c: {  	p2 =	seq.s32 s10, $0x1;
	s10 =	sld [smem:$0x3FB5]  }
0x3d: {  	_ =	shalt  }
0x3e: {  	_ =	shalt  }
0x3f: {  	_ =	shalt  }
0x40: {  	_ =	shalt  }
0x41: {  	_ =	shalt  }
0x42: {  	_ =	shalt  }
0x43: {  	_ =	shalt  }
0x44: {  	_ =	shalt  }
0x45: {  	_ =	shalt  }
0x46: {  	_ =	shalt  }
0x47: {  	_ =	shalt  }
0x48: {  	_ =	shalt  }
0x49: {  	_ =	shalt  }
0x4a: {  	_ =	shalt  }
0x4b: {  	_ =	shalt  }
0x4c: {  	_ =	shalt  }
0x4d: {  	_ =	shalt  }
0x4e: {  	_ =	shalt  }
0x4f: {  	_ =	shalt  }
0x50: {  	_ =	shalt  }
0x51: {  	_ =	shalt  }
0x52: {  	_ =	shalt  }
0x53: {  	_ =	shalt  }
0x54: {  	_ =	shalt  }
0x55: {  	_ =	shalt  }
0x56: {  	_ =	shalt  }
0x57: {  	_ =	shalt  }
0x58: {  	_ =	shalt  }
0x59: {  	_ =	shalt  }
0x5a: {  	_ =	shalt  }
0x5b: {  	_ =	shalt  }
0x5c: {  	_ =	shalt  }
0x5d: {  	_ =	shalt  }
0x5e: {  	_ =	shalt  }
0x5f: {  	_ =	shalt  }
0x60: {  	_ =	shalt  }
0x61: {  	_ =	shalt  }
0x62: {  	_ =	shalt  }
0x63: {  	_ =	shalt  }
0x64: {  	_ =	shalt  }
0x65: {  	_ =	shalt  }
0x66: {  	_ =	shalt  }
0x67: {  	_ =	shalt  }
0x68: {  	_ =	shalt  }
0x69: {  	_ =	shalt  }
0x6a: {  	_ =	shalt  }
0x6b: {  	_ =	shalt  }
0x6c: {  	_ =	shalt  }
0x6d: {  	_ =	shalt  }
0x6e: {  	_ =	shalt  }
0x6f: {  	_ =	shalt  }
0x70: {  	_ =	shalt  }
0x71: {  	_ =	shalt  }
0x72: {  	_ =	shalt  }
0x73: {  	_ =	shalt  }
0x74: {  	_ =	shalt  }
0x75: {  	_ =	shalt  }
0x76: {  	_ =	shalt  }
0x77: {  	_ =	shalt  }
0x78: {  	_ =	shalt  }
0x79: {  	_ =	shalt  }
0x7a: {  	_ =	shalt  }
0x7b: {  	_ =	shalt  }
0x7c: {  	_ =	shalt  }
0x7d: {  	_ =	shalt  }
0x7e: {  	_ =	shalt  }
0x7f: {  	_ =	shalt  }
0x80: {  	_ =	shalt  }
0x81: {  	_ =	shalt  }
0x82: {  	_ =	shalt  }
0x83: {  	_ =	shalt  }
0x84: {  	_ =	shalt  }
0x85: {  	_ =	shalt  }
0x86: {  	_ =	shalt  }
0x87: {  	_ =	shalt  }
.Lfunc_end0:
.L_simem_size_0:
called_computation_lowered:
.L_overlay_start_0:
0x88: {  	s2 =	sld [smem:$0x3FD9]  }
0x89: {  	s3 =	sld [smem:$0x3FFE];
	_ =	sdelay $0x1  }
0x8a: {  	s1 =	srdreg.scid  }
0x8b: {  	s0 =	sand.u32 $0x1, s1  }
0x8c: {  	s17 =	sshll.u32 s0, $0xA;
	s2 =	sadd.s32 s3, s2  }
0x8d: {  	s2 =	sadd.s32 s2, s17  }
0x8e: {  	[smem:$0x3FC1] =	sst s2  }
0x8f: {  	_ = 	snop  }
0x90: {  	s2 =	sld [smem:$0x3FC9]  }
0x91: {  	s18 =	sld [smem:$0x3FD0];
	(tm) =	ssettm $0x1  }
0x92: {  	s4 =	sld [smem:$0x3FFB];
	_ =	sdelay $0x3  }
0x93: {  	_ =	strace s4  }
0x94: {  	s4 =	sld [smem:$0x3FFC];
	_ =	sdelay $0x3  }
0x95: {  	_ =	strace s4  }
0x96: {  	s4 =	sld [smem:$0x3FFD];
	_ =	sdelay $0x3  }
0x97: {  	_ =	strace s4  }
0x98: {  	_ =	strace $0x8FFFFFFF  }
0x99: {  	s19 =	sld [smem:$0x3FDB];
	_ =	sdelay $0x1  }
0x9a: {  	s5 =	simm.s32 $_scs_section_size  }
0x9b: {  	s6 =	simm.s32 $_size__tile_overlayer_lowered;
	s7 =	simm.s32 $_tile_overlayer_lowered  }
0x9c: {  	s22 =	simm.s32 $0x1BFF;
	s21 =	sshll.u32 s7, $0x1;
	s4 =	sadd.s32 s5, s19  }
0x9d: {  	s8 =	simm.s32 $0x0;
	s20 =	sshll.u32 s6, $0x1;
	s6 =	sadd.s32 s21, s4  }
0x9e: {  	[timem:s8], [sflag:s22] =	dma.local [hbm:s6], s20  }
0x9f: {  	_ =	swait.ge [sflag:s22], s20  }
0xa0: {  	s5 =	ssub.s32 $0x0, s20;
	[sflag:s22] =	ssyncset.done $0x0  }
0xa1: {  	[sflag:s22] =	ssyncadd.s32 s5;
	_ =	sdelay $0x1  }
0xa2: {  	s23 =	simm.s32 $0x1B8B  }
0xa3: {  	_ =	swait.ge [sflag:s23], $0x1  }
0xa4: {  	[sflag:s23] =	ssyncset.done $0x0  }
0xa5: {  	s25 =	simm.s32 $0x1B8E;
	s24 =	sld [smem:$0x3FFE];
	[sflag:s23] =	ssyncadd.s32 $0xFFFFFFFF  }
0xa6: {  	s26 =	simm.s32 $execute0_lowered;
	[smem:$0x3FD2] =	sst s25  }
0xa7: {  	s6 =	sshll.u32 s26, $0x1;
	_ =	strace $0x80000046;
	[dreg:$0x1] =	wrdreg $0xFFFFFFFF  }
0xa8: {  	s28 =	simm.s32 $_size_execute0_lowered;
	s4 =	sadd.s32 s4, s6;
	[dreg:$0x0] =	wrdreg $0x0  }
0xa9: {  	s6 =	sshll.u32 s28, $0x1;
	[dreg:$0x2] =	wrdreg s4  }
0xaa: {  	[dreg:$0x3] =	wrdreg s6  }
0xab: {  	[dreg:$0x4] =	wrdreg $0xC0  }
0xac: {  	_ =	task [dreg:s8], $0x5FFFF  }
0xad: {  	[dreg:$0x1] =	wrdreg $0xFFFFFFFF  }
0xae: {  	[dreg:$0x0] =	wrdreg $0x60  }
0xaf: {  	[dreg:$0x2] =	wrdreg s2  }
0xb0: {  	[dreg:$0x3] =	wrdreg s24  }
0xb1: {  	[dreg:$0x4] =	wrdreg s18  }
0xb2: {  	[dreg:$0x5] =	wrdreg $0x9  }
0xb3: {  	_ =	task.clear_ibuf [dreg:s8], $0x6FFFF;
	_ =	strace $0x90000046  }
0xb4: {  	s29 =	simm.s32 $0x9;
	_ =	strace $0x80000048  }
0xb5: {  	_ =	swait.ge [sflag:s29], $0x1  }
0xb6: {  	[sflag:s29] =	ssyncadd.s32 $0xFFFFFFFF  }
0xb7: {  	_ =	strace $0x90000048  }
0xb8: {  	_ =	sfence  }
0xb9: {  	s30 =	sld [smem:$0x0];
	_ =	sdelay $0x2  }
0xba: {  	s31 =	sshll.u32 s1, $0xD;
	s1 =	sshrl.u32 s1, $0x2  }
0xbb: {  	s3 =	sand.u32 $0x4000, s31;
	s1 =	sadd.s32 s1, s30  }
0xbc: {  	s0 =	sor.u32 s3, s0;
	s1 =	sshll.u32 s1, $0x11  }
0xbd: {  	s0 =	sor.u32 s1, s0  }
0xbe: {  	s0 =	sadd.s32 $0x8F2B, s0  }
0xbf: {  	[sflag:s0] =	ssyncadd.remote.s32 $0x1  }
0xc0: {  	_ =	sfence.sel $0xFFFF  }
0xc1: {  	[dreg:$0x0] =	wrdreg $0xFFFFFFFF;
	(pc) =	sbr.abs _section_cstart, $3  }
0xc2: {  	[dreg:$0x1] =	wrdreg $0xFFFFFFFF  }
0xc3: {  	_ =	task.clear_ibuf [dreg:s8], $0x2FFFF;
	_ =	strace $0x9FFFFFFF  }
0xc4: {  	(tm) =	ssettm $0x7FFFFFFF  }
0xc5: {  	_ =	shalt  }
tec
execute0_lowered:
.L_overlay_start_1:
0x0: {  	(tag) =	ssettag $0x1  }
0x1: {  	s9 =	rddreg [dreg:$0x0]  }
0x2: {  	s8 =	rddreg [dreg:$0x1]  }
0x3: {  	s10 =	rddreg [dreg:$0x2]  }
0x4: {  	s0 =	rddreg [dreg:$0x3];
	s1 =	simm.s32 $0x0  }
0x5: {  	s7 =	srdreg.scid;
	s5 =	stileid.u32;
	s15 =	simm.s32 $0x5C00  }
0x6: {  	s16 =	simm.s32 $0x7600;
	s17 =	simm.s32 $0x7880;
	s18 =	simm.s32 $0xA080  }
0x7: {  	s19 =	simm.s32 $0xAC80;
	s20 =	simm.s32 $0x1;
	s21 =	simm.s32 $0xAD00  }
0x8: {  	v37 =	vlaneseq.u32;
	v11 =	vimm.s32 $0x86;
	s22 =	simm.s32 $0x2;
	s23 =	simm.s32 $0x0;
	[smem:$0x7FF] =	sst s1  }
0x9: {  	v2 =	vimm.s32 $0x0;
	v41 =	vimm.s32 $0xF;
	v12 =	vimm.s32 $0x196;
	s2 =	sadd.s32 $0xA00, s8;
	s3 =	sadd.s32 $0x1000, s8;
	s4 =	sadd.s32 $0xE00, s8  }
0xa: {  	v14 =	vimm.s32 $0x2A6;
	v43 =	vimm.s32 $0x22F;
	v16 =	vimm.s32 $0x3B6;
	s6 =	sadd.s32 $0x400, s8;
	s7 =	sand.u32 $0x1, s7;
	s12 =	sshll.u32 s5, $0xA  }
0xb: {  	v24 =	vimm.s32 $0x6E6;
	v27 =	vimm.s32 $0x7F6;
	v29 =	vimm.s32 $0x906;
	_ =	strace $0x80000047;
	s11 =	ssub.s32 $0x2, s7;
	s13 =	sshll.u32 s7, $0x9  }
0xc: {  	v33 =	vimm.s32 $0xA16;
	v34 =	vimm.s32 $0xB26;
	v35 =	vimm.s32 $0xC36;
	s7 =	sadd.s32 $0x1400, s8;
	s14 =	sshrl.u32 s11, $0x1;
	s12 =	sor.u32 s13, s12  }
0xd: {  	v36 =	vimm.s32 $0xD46;
	v38 =	vimm.s32 $0xE56;
	v39 =	vimm.s32 $0xF66;
	s8 =	sadd.s32 $0x1600, s8;
	s11 =	ssub.s32 s11, s14;
	s13 =	sshrl.u32 s12, $0x3  }
0xe: {  	v40 =	vimm.s32 $0x1076;
	v42 =	vimm.s32 $0x1186;
	v44 =	vimm.s32 $0x1296;
	s9 =	sadd.s32 s9, s12;
	s12 =	simm.s32 $0x1000;
	s14 =	simm.s32 $0x4000  }
0xf: {  	v45 =	vimm.s32 $0x13A6;
	v46 =	vimm.s32 $0x14B6;
	v47 =	vimm.s32 $0x26F;
	s10 =	sadd.s32 s10, s13;
	s11 =	smax.u32 s11, $0x1;
	s13 =	simm.s32 $0x20000  }
.LBB2_1:
0x10: {  	[tilespmem:s1], [sflag:$0x1] =	stream.strided.gather [hbm4b:s9+s12], $0x4000, s13, s12, $0x38;
	[tilespmem:$0xAF00] =	vst v63  }
0x11: {  	_ = 	snop  }
0x12: {  	[tilespmem:s14], [sflag:$0x1] =	stream.linear.gather [hbm4b:s2+s1], $0x1C00, $0x38;
	[tilespmem:$0xAF00] =	vst v63  }
0x13: {  	_ = 	snop  }
0x14: {  	[tilespmem:s15], [sflag:$0x1] =	stream.linear.gather [hbm4b:s3+s1], $0x1A00, $0x38;
	[tilespmem:$0xAF00] =	vst v63  }
0x15: {  	_ = 	snop  }
0x16: {  	[tilespmem:s16], [sflag:$0x1] =	stream.linear.gather [hbm4b:s4+s1], $0x280, $0x38;
	[tilespmem:$0xAF00] =	vst v63  }
0x17: {  	_ = 	snop  }
0x18: {  	[tilespmem:s17], [sflag:$0x1] =	stream.linear.gather [hbm4b:s6+s1], $0x2800, $0x38;
	[tilespmem:$0xAF00] =	vst v63  }
0x19: {  	_ = 	snop  }
0x1a: {  	[tilespmem:s18], [sflag:$0x1] =	stream.linear.gather [hbm4b:s7+s1], $0xA00, $0x38;
	[tilespmem:$0xAF00] =	vst v63  }
0x1b: {  	_ = 	snop  }
0x1c: {  	[tilespmem:s19], [sflag:$0x1] =	stream.linear.gather [hbm4b:s8+s1], $0x80, $0x38;
	[tilespmem:$0xAF00] =	vst v63  }
0x1d: {  	_ =	swait.ge [sflag:s20], $0x4000  }
0x1e: {  	[sflag:s20] =	ssyncset.done $0x0  }
0x1f: {  	[sflag:s20] =	ssyncadd.s32 $0xFFFFC000  }
0x20: {  	_ =	swait.ge [sflag:s20], $0x1C00  }
0x21: {  	[sflag:s20] =	ssyncset.done $0x0  }
0x22: {  	[sflag:s20] =	ssyncadd.s32 $0xFFFFE400  }
0x23: {  	_ =	swait.ge [sflag:s20], $0x1A00  }
0x24: {  	[sflag:s20] =	ssyncset.done $0x0  }
0x25: {  	[sflag:s20] =	ssyncadd.s32 $0xFFFFE600  }
0x26: {  	_ =	swait.ge [sflag:s20], $0x280  }
0x27: {  	[sflag:s20] =	ssyncset.done $0x0  }
0x28: {  	[sflag:s20] =	ssyncadd.s32 $0xFFFFFD80  }
0x29: {  	_ =	swait.ge [sflag:s20], $0x2800  }
0x2a: {  	[sflag:s20] =	ssyncset.done $0x0  }
0x2b: {  	[sflag:s20] =	ssyncadd.s32 $0xFFFFD800  }
0x2c: {  	_ =	swait.ge [sflag:s20], $0xA00  }
0x2d: {  	[sflag:s20] =	ssyncset.done $0x0  }
0x2e: {  	[sflag:s20] =	ssyncadd.s32 $0xFFFFF600  }
0x2f: {  	_ =	swait.ge [sflag:s20], $0x80  }
0x30: {  	[sflag:s20] =	ssyncset.done $0x0  }
0x31: {  	[sflag:s20] =	ssyncadd.s32 $0xFFFFFF80  }
0x32: {  	v0 =	vld [tilespmem:$0xA080]  }
0x33: {  	v1 =	vld [tilespmem:$0xA100]  }
0x34: {  	v6 =	vld [tilespmem:$0xA280];
	_ =	sdelay $0x2  }
0x35: {  	v3 =	vld [tilespmem:$0xA180]  }
0x36: {  	v4 =	vld [tilespmem:$0xA200];
	v5 =	vshll.u32 v0, $0x9;
	v0 =	vshll.u32 v0, $0x7  }
0x37: {  	v8 =	vld [tilespmem:$0xA380];
	v7 =	vshll.u32 v1, $0x9;
	v1 =	vshll.u32 v1, $0x7;
	v9 =	vshll.u32 v6, $0x9  }
0x38: {  	v6 =	vshll.u32 v6, $0x7;
	v5 =	vand.u32 $0xFFFFF000, v5;
	v0 =	vand.u32 $0x380, v0  }
0x39: {  	v7 =	vand.u32 $0xFFFFF000, v7;
	v1 =	vand.u32 $0x380, v1;
	v9 =	vand.u32 $0xFFFFF000, v9  }
0x3a: {  	v10 =	vld [tilespmem:$0xA480];
	v6 =	vand.u32 $0x380, v6;
	v48 =	vor.u32 v5, v0;
	v49 =	vor.u32 v7, v1  }
0x3b: {  	v0 =	vld [tilespmem:$0xA300];
	v1 =	vshll.u32 v3, $0x9;
	v3 =	vshll.u32 v3, $0x7;
	v5 =	vshll.u32 v4, $0x9  }
0x3c: {  	v7 =	vld [tilespmem:$0xA400];
	v4 =	vshll.u32 v4, $0x7;
	v52 =	vor.u32 v9, v6;
	v6 =	vshll.u32 v8, $0x7  }
0x3d: {  	v1 =	vand.u32 $0xFFFFF000, v1;
	v5 =	vand.u32 $0xFFFFF000, v5;
	v4 =	vand.u32 $0x380, v4  }
0x3e: {  	v3 =	vand.u32 $0x380, v3;
	v51 =	vor.u32 v5, v4;
	v4 =	vshll.u32 v8, $0x9  }
0x3f: {  	v6 =	vand.u32 $0x380, v6;
	v50 =	vor.u32 v1, v3;
	v1 =	vld [tilespmem:$0xA500];
	v4 =	vand.u32 $0xFFFFF000, v4  }
0x40: {  	v5 =	vld [tilespmem:$0xA580];
	v54 =	vor.u32 v4, v6;
	v4 =	vshll.u32 v10, $0x7  }
0x41: {  	v3 =	vshll.u32 v0, $0x9;
	v0 =	vshll.u32 v0, $0x7;
	v8 =	vshll.u32 v7, $0x9  }
0x42: {  	v7 =	vshll.u32 v7, $0x7;
	v4 =	vand.u32 $0x380, v4;
	v3 =	vand.u32 $0xFFFFF000, v3  }
0x43: {  	v9 =	vld [tilespmem:$0xA680];
	v0 =	vand.u32 $0x380, v0;
	v8 =	vand.u32 $0xFFFFF000, v8;
	v7 =	vand.u32 $0x380, v7  }
0x44: {  	v53 =	vor.u32 v3, v0;
	v55 =	vor.u32 v8, v7;
	v3 =	vshll.u32 v10, $0x9  }
0x45: {  	v0 =	vld [tilespmem:$0xA600];
	v6 =	vshll.u32 v1, $0x9;
	v1 =	vshll.u32 v1, $0x7;
	v8 =	vshll.u32 v5, $0x9  }
0x46: {  	v7 =	vld [tilespmem:$0xA700];
	v5 =	vshll.u32 v5, $0x7;
	v3 =	vand.u32 $0xFFFFF000, v3;
	v6 =	vand.u32 $0xFFFFF000, v6  }
0x47: {  	v10 =	vld [tilespmem:$0xA780];
	v1 =	vand.u32 $0x380, v1;
	v8 =	vand.u32 $0xFFFFF000, v8;
	v56 =	vor.u32 v3, v4  }
0x48: {  	v57 =	vor.u32 v6, v1;
	v4 =	vshll.u32 v9, $0x9;
	v6 =	vshll.u32 v9, $0x7  }
0x49: {  	v5 =	vand.u32 $0x380, v5;
	v1 =	vld [tilespmem:$0xA800];
	v4 =	vand.u32 $0xFFFFF000, v4;
	v6 =	vand.u32 $0x380, v6  }
0x4a: {  	v58 =	vor.u32 v8, v5;
	v5 =	vld [tilespmem:$0xA880];
	v60 =	vor.u32 v4, v6;
	v3 =	vshll.u32 v0, $0x9  }
0x4b: {  	v0 =	vshll.u32 v0, $0x7;
	v8 =	vshll.u32 v7, $0x9;
	v7 =	vshll.u32 v7, $0x7  }
0x4c: {  	v4 =	vshll.u32 v10, $0x7;
	v3 =	vand.u32 $0xFFFFF000, v3;
	v0 =	vand.u32 $0x380, v0  }
0x4d: {  	v9 =	vld [tilespmem:$0xA980];
	v8 =	vand.u32 $0xFFFFF000, v8;
	v7 =	vand.u32 $0x380, v7;
	v4 =	vand.u32 $0x380, v4  }
0x4e: {  	v59 =	vor.u32 v3, v0;
	v61 =	vor.u32 v8, v7;
	v0 =	vshll.u32 v10, $0x9  }
0x4f: {  	v3 =	vld [tilespmem:$0xA900];
	v6 =	vshll.u32 v1, $0x9;
	v1 =	vshll.u32 v1, $0x7;
	v8 =	vshll.u32 v5, $0x9  }
0x50: {  	v7 =	vld [tilespmem:$0xAA00];
	v5 =	vshll.u32 v5, $0x7;
	v0 =	vand.u32 $0xFFFFF000, v0;
	v6 =	vand.u32 $0xFFFFF000, v6  }
0x51: {  	v1 =	vand.u32 $0x380, v1;
	v8 =	vand.u32 $0xFFFFF000, v8;
	v5 =	vand.u32 $0x380, v5  }
0x52: {  	v62 =	vor.u32 v0, v4;
	v63 =	vor.u32 v6, v1;
	v4 =	vshll.u32 v9, $0x9  }
0x53: {  	v0 =	vor.u32 v8, v5;
	v5 =	vshll.u32 v9, $0x7;
	v4 =	vand.u32 $0xFFFFF000, v4  }
0x54: {  	v5 =	vand.u32 $0x380, v5;
	v1 =	vshll.u32 v3, $0x9;
	v3 =	vshll.u32 v3, $0x7  }
0x55: {  	v6 =	vshll.u32 v7, $0x9;
	v7 =	vshll.u32 v7, $0x7;
	v1 =	vand.u32 $0xFFFFF000, v1  }
0x56: {  	v3 =	vand.u32 $0x380, v3;
	v6 =	vand.u32 $0xFFFFF000, v6;
	v7 =	vand.u32 $0x380, v7  }
0x57: {  	s24 =	simm.s32 $0xAD00;
	s25 =	simm.s32 $0x0;
	s26 =	simm.s32 $0x0;
	v1 =	vor.u32 v1, v3;
	v3 =	vor.u32 v4, v5;
	v4 =	vld [tilespmem:$0xAC80];
	v5 =	vor.u32 v6, v7  }
.LBB2_2:
0x58: {  	_ =	sdelay $0x2  }
0x59: {  	s28 =	sand.u32 $0x70, s26;
	s29 =	sand.u32 $0xC00, s25  }
0x5a: {  	v6 =	vld.idx.msk [tilespmem:v11+s14+$0x0], $0xffff;
	s28 =	sor.u32 s28, s29  }
0x5b: {  	v13 =	vld [tilespmem:s28+$0x0];
	_ =	sdelay $0x4  }
0x5c: {  	vm0 =	vle.f32 v6, v13  }
0x5d: {  	v6 =	vsel vm0, $0x88, v2  }
0x5e: {  	v7 =	vor.u32 $0x42, v6;
	_ =	sdelay $0x4  }
0x5f: {  	v7 =	vld.idx.msk [tilespmem:v7+s14+$0x0], $0xffff;
	_ =	sdelay $0x4  }
0x60: {  	vm12 =	vle.f32 v7, v13  }
0x61: {  	v10 =	vld [tilespmem:s28+$0x80];
	v7 =	vsel vm12, $0x44, v2  }
0x62: {  	v6 =	vor.u32 v6, v7;
	v7 =	vld.idx.msk [tilespmem:v12+s14+$0x0], $0xffff  }
0x63: {  	v8 =	vor.u32 $0x20, v6;
	_ =	sdelay $0x3  }
0x64: {  	vm13 =	vle.f32 v7, v10  }
0x65: {  	v7 =	vld.idx.msk [tilespmem:v8+s14+$0x0], $0xffff;
	v9 =	vsel vm13, $0x88, v2  }
0x66: {  	v11 =	vor.u32 $0x152, v9  }
0x67: {  	v12 =	vld.idx.msk [tilespmem:v14+s14+$0x0], $0xffff  }
0x68: {  	v8 =	vld [tilespmem:s28+$0x100];
	_ =	sdelay $0x1  }
0x69: {  	vm14 =	vle.f32 v7, v13  }
0x6a: {  	v7 =	vsel vm14, $0x22, v2;
	v11 =	vld.idx.msk [tilespmem:v11+s14+$0x0], $0xffff  }
0x6b: {  	v6 =	vor.u32 v7, v6  }
0x6c: {  	vm15 =	vle.f32 v12, v8;
	v7 =	vadd.s32 $0xF, v6  }
0x6d: {  	v12 =	vsel vm15, $0x88, v2  }
0x6e: {  	v14 =	vor.u32 $0x262, v12  }
0x6f: {  	vm4 =	vle.f32 v11, v10  }
0x70: {  	v11 =	vsel vm4, $0x44, v2  }
0x71: {  	v7 =	vld.idx.msk [tilespmem:v7+s14+$0x0], $0xffff;
	v9 =	vor.u32 v9, v11  }
0x72: {  	v11 =	vor.u32 $0x130, v9  }
0x73: {  	v14 =	vld.idx.msk [tilespmem:v14+s14+$0x0], $0xffff;
	_ =	sdelay $0x2  }
0x74: {  	vm5 =	vle.f32 v7, v13  }
0x75: {  	v7 =	vsel vm5, $0x11, v2;
	v11 =	vld.idx.msk [tilespmem:v11+s14+$0x0], $0xffff  }
0x76: {  	v19 =	vimm.s32 $0x4C6;
	vm6 =	vle.f32 v14, v8;
	v6 =	vor.u32 v7, v6  }
0x77: {  	v14 =	vld [tilespmem:s28+$0x180];
	v7 =	vsel vm6, $0x44, v2;
	v15 =	vadd.s32 $0x7, v6  }
0x78: {  	v7 =	vor.u32 v12, v7;
	v12 =	vld.idx.msk [tilespmem:v16+s14+$0x0], $0xffff  }
0x79: {  	v16 =	vadd.s32 $0x240, v7  }
0x7a: {  	vm7 =	vle.f32 v11, v10  }
0x7b: {  	v19 =	vld.idx.msk [tilespmem:v19+s14+$0x0], $0xffff;
	v11 =	vsel vm7, $0x22, v2  }
0x7c: {  	v15 =	vld.idx.msk [tilespmem:v15+s14+$0x0], $0xffff;
	v9 =	vor.u32 v11, v9  }
0x7d: {  	vm8 =	vle.f32 v12, v14;
	v11 =	vld [tilespmem:s28+$0x200];
	v12 =	vadd.s32 $0x11F, v9  }
0x7e: {  	v16 =	vld.idx.msk [tilespmem:v16+s14+$0x0], $0xffff;
	v17 =	vsel vm8, $0x88, v2  }
0x7f: {  	v18 =	vor.u32 $0x372, v17;
	_ =	sdelay $0x1  }
0x80: {  	vm9 =	vle.f32 v15, v13  }
0x81: {  	v12 =	vld.idx.msk [tilespmem:v12+s14+$0x0], $0xffff;
	v15 =	vsel vm9, $0x8, v2  }
0x82: {  	vm1 =	vle.f32 v19, v11;
	vm10 =	vle.f32 v16, v8;
	v6 =	vadd.s32 v15, v6  }
0x83: {  	v19 =	vsel vm1, $0x88, v2;
	v18 =	vld.idx.msk [tilespmem:v18+s14+$0x0], $0xffff;
	v16 =	vsel vm10, $0x22, v2;
	v15 =	vadd.s32 $0x3, v6  }
0x84: {  	v7 =	vor.u32 v16, v7;
	v16 =	vadd.s32 $0x482, v19  }
0x85: {  	v22 =	vimm.s32 $0x5D6  }
0x86: {  	vm11 =	vle.f32 v12, v10;
	v12 =	vadd.s32 $0x22F, v7;
	_ =	sdelay $0x1  }
0x87: {  	v20 =	vsel vm11, $0x11, v2;
	vm12 =	vle.f32 v18, v14;
	v15 =	vld.idx.msk [tilespmem:v15+s14+$0x0], $0xffff  }
0x88: {  	v18 =	vor.u32 v20, v9;
	v9 =	vsel vm12, $0x44, v2;
	v16 =	vld.idx.msk [tilespmem:v16+s14+$0x0], $0xffff  }
0x89: {  	v22 =	vld.idx.msk [tilespmem:v22+s14+$0x0], $0xffff;
	v20 =	vadd.s32 $0x117, v18;
	v17 =	vor.u32 v17, v9  }
0x8a: {  	v9 =	vadd.s32 $0x350, v17;
	v21 =	vld.idx.msk [tilespmem:v12+s14+$0x0], $0xffff  }
0x8b: {  	v12 =	vld [tilespmem:s28+$0x280];
	_ =	sdelay $0x1  }
0x8c: {  	vm13 =	vle.f32 v15, v13;
	vm14 =	vle.f32 v16, v11  }
0x8d: {  	v15 =	vld.idx.msk [tilespmem:v20+s14+$0x0], $0xffff;
	v32 =	vsel vm13, $0x4, v2;
	v16 =	vsel vm14, $0x44, v2  }
0x8e: {  	v23 =	vld.idx.msk [tilespmem:v9+s14+$0x0], $0xffff;
	v6 =	vadd.s32 v32, v6;
	v16 =	vor.u32 v19, v16;
	vm15 =	vle.f32 v21, v8  }
0x8f: {  	v9 =	vld [tilespmem:s28+$0x300];
	v20 =	vadd.s32 $0x1, v6;
	vm4 =	vle.f32 v22, v12;
	v21 =	vsel vm15, $0x11, v2  }
0x90: {  	v19 =	vld.idx.msk [tilespmem:v24+s14+$0x0], $0xffff;
	v22 =	vsel vm4, $0x88, v2;
	v7 =	vor.u32 v21, v7;
	v21 =	vadd.s32 $0x460, v16  }
0x91: {  	v32 =	vadd.s32 $0x592, v22  }
0x92: {  	vm5 =	vle.f32 v15, v10;
	v15 =	vadd.s32 $0x227, v7  }
0x93: {  	v24 =	vsel vm5, $0x8, v2;
	vm6 =	vle.f32 v23, v14  }
0x94: {  	v18 =	vadd.s32 v24, v18;
	v24 =	vsel vm6, $0x22, v2;
	v20 =	vld.idx.msk [tilespmem:v20+s14+$0x0], $0xffff  }
0x95: {  	vm7 =	vle.f32 v19, v9;
	v25 =	vadd.s32 $0x113, v18;
	v17 =	vor.u32 v24, v17;
	v21 =	vld.idx.msk [tilespmem:v21+s14+$0x0], $0xffff  }
0x96: {  	v24 =	vsel vm7, $0x88, v2;
	v19 =	vadd.s32 $0x33F, v17;
	v23 =	vld.idx.msk [tilespmem:v32+s14+$0x0], $0xffff  }
0x97: {  	v26 =	vadd.s32 $0x6A2, v24;
	v15 =	vld.idx.msk [tilespmem:v15+s14+$0x0], $0xffff;
	_ =	sdelay $0x2  }
0x98: {  	vm8 =	vle.f32 v20, v13;
	v25 =	vld.idx.msk [tilespmem:v25+s14+$0x0], $0xffff  }
0x99: {  	v20 =	vsel vm8, $0x2, v2;
	v19 =	vld.idx.msk [tilespmem:v19+s14+$0x0], $0xffff;
	vm9 =	vle.f32 v21, v11  }
0x9a: {  	v21 =	vld.idx.msk [tilespmem:v26+s14+$0x0], $0xffff;
	vm11 =	vle.f32 v23, v12;
	vm10 =	vle.f32 v15, v8;
	v15 =	vsel vm9, $0x22, v2  }
0x9b: {  	v20 =	vadd.s32 v20, v6;
	v26 =	vsel vm10, $0x8, v2;
	v15 =	vor.u32 v15, v16  }
0x9c: {  	v6 =	vld [tilespmem:s28+$0x1000];
	v16 =	vadd.s32 v26, v7;
	v32 =	vadd.s32 $0x44F, v15;
	v26 =	vsel vm11, $0x44, v2  }
0x9d: {  	v7 =	vld [tilespmem:s28+$0x380];
	vm12 =	vle.f32 v25, v10;
	v25 =	vadd.s32 $0x223, v16;
	v22 =	vor.u32 v22, v26  }
0x9e: {  	v26 =	vld.idx.msk [tilespmem:v27+s14+$0x0], $0xffff;
	v27 =	vsel vm12, $0x4, v2;
	v28 =	vadd.s32 $0x570, v22  }
0x9f: {  	vm13 =	vle.f32 v19, v14;
	vm14 =	vle.f32 v21, v9;
	v19 =	vld.idx.msk [tilespmem:v29+s14+$0x0], $0xffff;
	v18 =	vadd.s32 v27, v18  }
0xa0: {  	v27 =	vsel vm13, $0x11, v2;
	v29 =	vsel vm14, $0x44, v2;
	v21 =	vadd.s32 $0x111, v18  }
0xa1: {  	v17 =	vor.u32 v27, v17;
	v27 =	vor.u32 v24, v29;
	v24 =	vadd.s32 $0x680, v24;
	v23 =	vld.idx.msk [tilespmem:v32+s14+$0x0], $0xffff  }
0xa2: {  	v29 =	vadd.s32 $0x337, v17;
	v24 =	vand.u32 $0x780, v24;
	v30 =	vand.u32 $0x4C, v27;
	v25 =	vld.idx.msk [tilespmem:v25+s14+$0x0], $0xffff  }
0xa3: {  	v24 =	vor.u32 v24, v30;
	vm15 =	vle.f32 v26, v7;
	v28 =	vld.idx.msk [tilespmem:v28+s14+$0x0], $0xffff  }
0xa4: {  	v26 =	vsel vm15, $0x88, v2;
	vm4 =	vle.f32 v19, v6  }
0xa5: {  	v19 =	vld.idx.msk [tilespmem:v20+s14+$0x0], $0xffff;
	v30 =	vadd.s32 $0x7B2, v26;
	v31 =	vsel vm4, $0x88, v2  }
0xa6: {  	v21 =	vld.idx.msk [tilespmem:v21+s14+$0x0], $0xffff;
	vm5 =	vle.f32 v23, v11;
	v23 =	vadd.s32 $0x8C2, v31  }
0xa7: {  	vm6 =	vle.f32 v25, v8;
	v25 =	vld.idx.msk [tilespmem:v29+s14+$0x0], $0xffff;
	v29 =	vsel vm5, $0x11, v2  }
0xa8: {  	v24 =	vld.idx.msk [tilespmem:v24+s14+$0x0], $0xffff;
	v32 =	vsel vm6, $0x4, v2;
	v15 =	vor.u32 v29, v15;
	vm7 =	vle.f32 v28, v12  }
0xa9: {  	v16 =	vadd.s32 v32, v16;
	v28 =	vadd.s32 $0x447, v15;
	v29 =	vsel vm7, $0x22, v2  }
0xaa: {  	vm8 =	vle.f32 v19, v13;
	v13 =	vadd.s32 $0x221, v16;
	v19 =	vor.u32 v29, v22;
	v22 =	vld.idx.msk [tilespmem:v30+s14+$0x0], $0xffff  }
0xab: {  	v29 =	vsel vm8, $0x1, v2;
	vm9 =	vle.f32 v21, v10;
	v21 =	vadd.s32 $0x55F, v19;
	v23 =	vld.idx.msk [tilespmem:v23+s14+$0x0], $0xffff  }
0xac: {  	v20 =	vadd.s32 v29, v20;
	v29 =	vsel vm9, $0x2, v2;
	vm10 =	vle.f32 v25, v14  }
0xad: {  	v18 =	vadd.s32 v29, v18;
	vm11 =	vle.f32 v24, v9;
	v25 =	vsel vm10, $0x8, v2  }
0xae: {  	v24 =	vadd.s32 $0x110, v18;
	v17 =	vadd.s32 v25, v17;
	v25 =	vld.idx.msk [tilespmem:v28+s14+$0x0], $0xffff;
	v28 =	vsel vm11, $0x22, v2  }
0xaf: {  	v29 =	vld.idx.msk [tilespmem:v13+s14+$0x0], $0xffff;
	v30 =	vadd.s32 $0x333, v17;
	v27 =	vor.u32 v28, v27;
	vm12 =	vle.f32 v22, v7  }
0xb0: {  	v21 =	vld.idx.msk [tilespmem:v21+s14+$0x0], $0xffff;
	v22 =	vadd.s32 $0x66F, v27;
	v13 =	vsel vm12, $0x44, v2;
	vm13 =	vle.f32 v23, v6  }
0xb1: {  	v23 =	vmul.u32 $0xF10, v20;
	v26 =	vor.u32 v26, v13;
	v28 =	vsel vm13, $0x44, v2;
	v13 =	vld [tilespmem:s28+$0x1080]  }
0xb2: {  	v32 =	vadd.s32 $0x790, v26;
	v28 =	vor.u32 v31, v28;
	v31 =	vld.idx.msk [tilespmem:v33+s14+$0x0], $0xffff  }
0xb3: {  	v23 =	vshrl.u32 v23, $0x10;
	v24 =	vld.idx.msk [tilespmem:v24+s14+$0x0], $0xffff;
	vm14 =	vle.f32 v25, v11;
	v25 =	vadd.s32 $0x8A0, v28  }
0xb4: {  	v20 =	vsub.s32 v20, v23;
	vm15 =	vle.f32 v29, v8;
	v23 =	vld.idx.msk [tilespmem:v30+s14+$0x0], $0xffff;
	v29 =	vsel vm14, $0x8, v2  }
0xb5: {  	v30 =	vsel vm15, $0x2, v2;
	v15 =	vadd.s32 v29, v15;
	vm4 =	vle.f32 v21, v12;
	v21 =	vld.idx.msk [tilespmem:v22+s14+$0x0], $0xffff  }
0xb6: {  	v16 =	vadd.s32 v30, v16;
	v33 =	vadd.s32 $0x443, v15;
	v29 =	vsel vm4, $0x11, v2  }
0xb7: {  	v30 =	vadd.s32 $0x220, v16;
	v19 =	vor.u32 v29, v19;
	v29 =	vld.idx.msk [tilespmem:v32+s14+$0x0], $0xffff;
	vm5 =	vle.f32 v31, v13  }
0xb8: {  	vm6 =	vle.f32 v24, v10;
	v10 =	vadd.s32 $0x557, v19;
	v24 =	vld.idx.msk [tilespmem:v25+s14+$0x0], $0xffff;
	v25 =	vsel vm5, $0x88, v2  }
0xb9: {  	v31 =	vsel vm6, $0x1, v2;
	vm7 =	vle.f32 v23, v14;
	v23 =	vadd.s32 $0x9D2, v25  }
0xba: {  	v18 =	vadd.s32 v31, v18;
	v31 =	vsel vm7, $0x4, v2;
	vm8 =	vle.f32 v21, v9  }
0xbb: {  	v21 =	vmul.u32 $0xF10, v18;
	v17 =	vadd.s32 v31, v17;
	v22 =	vld.idx.msk [tilespmem:v33+s14+$0x0], $0xffff;
	v31 =	vsel vm8, $0x11, v2  }
0xbc: {  	v30 =	vld.idx.msk [tilespmem:v30+s14+$0x0], $0xffff;
	v32 =	vadd.s32 $0x331, v17;
	v27 =	vor.u32 v31, v27;
	vm9 =	vle.f32 v29, v7  }
0xbd: {  	v29 =	vld.idx.msk [tilespmem:v10+s14+$0x0], $0xffff;
	v31 =	vadd.s32 $0x667, v27;
	v10 =	vsel vm9, $0x22, v2;
	vm10 =	vle.f32 v24, v6  }
0xbe: {  	v21 =	vshrl.u32 v21, $0x10;
	v24 =	vor.u32 v10, v26;
	v10 =	vsel vm10, $0x22, v2;
	v23 =	vld.idx.msk [tilespmem:v23+s14+$0x0], $0xffff  }
0xbf: {  	v18 =	vsub.s32 v18, v21;
	v26 =	vadd.s32 $0x77F, v24;
	v28 =	vor.u32 v10, v28;
	v10 =	vld [tilespmem:s28+$0x1100]  }
0xc0: {  	v18 =	vadd.s32 $0x100, v18;
	vm11 =	vle.f32 v22, v11;
	v22 =	vld.idx.msk [tilespmem:v34+s14+$0x0], $0xffff  }
0xc1: {  	v21 =	vadd.s32 $0x88F, v28;
	vm12 =	vle.f32 v30, v8;
	v8 =	vld.idx.msk [tilespmem:v32+s14+$0x0], $0xffff;
	v30 =	vsel vm11, $0x4, v2  }
0xc2: {  	v32 =	vsel vm12, $0x1, v2;
	v15 =	vadd.s32 v30, v15;
	vm13 =	vle.f32 v29, v12;
	v29 =	vld.idx.msk [tilespmem:v31+s14+$0x0], $0xffff  }
0xc3: {  	v30 =	vadd.s32 $0x441, v15;
	v31 =	vsel vm13, $0x8, v2;
	vm14 =	vle.f32 v23, v13  }
0xc4: {  	v16 =	vadd.s32 v32, v16;
	v19 =	vadd.s32 v31, v19;
	v23 =	vld.idx.msk [tilespmem:v26+s14+$0x0], $0xffff;
	v26 =	vsel vm14, $0x44, v2  }
0xc5: {  	v20 =	vld.idx.msk [tilespmem:v20+s15+$0x0], $0xffff;
	v34 =	vmul.u32 $0xF10, v16;
	v31 =	vadd.s32 $0x553, v19;
	v25 =	vor.u32 v25, v26  }
0xc6: {  	v21 =	vld.idx.msk [tilespmem:v21+s14+$0x0], $0xffff;
	vm15 =	vle.f32 v22, v10;
	vm4 =	vle.f32 v8, v14;
	v22 =	vadd.s32 $0x9B0, v25  }
0xc7: {  	v33 =	vld.idx.msk [tilespmem:v35+s14+$0x0], $0xffff;
	v26 =	vsel vm15, $0x88, v2;
	v32 =	vsel vm4, $0x2, v2;
	vm5 =	vle.f32 v29, v9  }
0xc8: {  	v8 =	vld [tilespmem:s28+$0x1180];
	v29 =	vadd.s32 $0xAE2, v26;
	v17 =	vadd.s32 v32, v17;
	v32 =	vsel vm5, $0x8, v2  }
0xc9: {  	v30 =	vld.idx.msk [tilespmem:v30+s14+$0x0], $0xffff;
	v35 =	vadd.s32 $0x330, v17;
	v27 =	vadd.s32 v32, v27;
	vm6 =	vle.f32 v23, v7  }
0xca: {  	v20 =	vadd.f32 v20, v4;
	v23 =	vld.idx.msk [tilespmem:v31+s14+$0x0], $0xffff;
	v31 =	vadd.s32 $0x663, v27;
	v32 =	vsel vm6, $0x11, v2  }
0xcb: {  	v18 =	vld.idx.msk [tilespmem:v18+s15+$0x0], $0xffff;
	vm7 =	vle.f32 v21, v6;
	v21 =	vshrl.u32 v34, $0x10;
	v24 =	vor.u32 v32, v24  }
0xcc: {  	v32 =	vsel vm7, $0x11, v2;
	v22 =	vld.idx.msk [tilespmem:v22+s14+$0x0], $0xffff;
	v16 =	vsub.s32 v16, v21;
	v34 =	vadd.s32 $0x777, v24  }
0xcd: {  	vm8 =	vle.f32 v33, v8;
	v28 =	vor.u32 v32, v28;
	v29 =	vld.idx.msk [tilespmem:v29+s14+$0x0], $0xffff;
	v16 =	vadd.s32 $0x200, v16  }
0xce: {  	v32 =	vsel vm8, $0x88, v2;
	vm9 =	vle.f32 v30, v11;
	v30 =	vadd.s32 $0x887, v28;
	v21 =	vld.idx.msk [tilespmem:v35+s14+$0x0], $0xffff  }
0xcf: {  	v33 =	vsel vm9, $0x2, v2;
	v35 =	vadd.s32 $0xBF2, v32;
	vm10 =	vle.f32 v23, v12  }
0xd0: {  	v18 =	vadd.f32 v18, v20;
	v33 =	vadd.s32 v33, v15;
	v15 =	vld.idx.msk [tilespmem:v31+s14+$0x0], $0xffff;
	v31 =	vsel vm10, $0x4, v2  }
0xd1: {  	v23 =	vadd.s32 $0x440, v33;
	vm11 =	vle.f32 v22, v13;
	v19 =	vadd.s32 v31, v19;
	v22 =	vld.idx.msk [tilespmem:v34+s14+$0x0], $0xffff  }
0xd2: {  	v31 =	vsel vm11, $0x22, v2;
	vm12 =	vle.f32 v29, v10;
	v16 =	vld.idx.msk [tilespmem:v16+s15+$0x0], $0xffff;
	v29 =	vadd.s32 $0x551, v19  }
0xd3: {  	v30 =	vld.idx.msk [tilespmem:v30+s14+$0x0], $0xffff;
	v25 =	vor.u32 v31, v25;
	v31 =	vsel vm12, $0x44, v2;
	vm13 =	vle.f32 v21, v14  }
0xd4: {  	v14 =	vadd.s32 $0x99F, v25;
	v21 =	vor.u32 v26, v31;
	v26 =	vld.idx.msk [tilespmem:v35+s14+$0x0], $0xffff;
	v31 =	vsel vm13, $0x1, v2  }
0xd5: {  	vm14 =	vle.f32 v15, v9;
	v15 =	vadd.s32 $0xAC0, v21;
	v17 =	vadd.s32 v31, v17  }
0xd6: {  	v34 =	vld.idx.msk [tilespmem:v23+s14+$0x0], $0xffff;
	v35 =	vsel vm14, $0x4, v2;
	v31 =	vmul.u32 $0xF10, v17;
	vm15 =	vle.f32 v22, v7  }
0xd7: {  	v23 =	vadd.s32 v35, v27;
	v16 =	vadd.f32 v16, v18;
	v22 =	vld.idx.msk [tilespmem:v29+s14+$0x0], $0xffff;
	v29 =	vsel vm15, $0x8, v2  }
0xd8: {  	v27 =	vadd.s32 $0x661, v23;
	vm4 =	vle.f32 v30, v6;
	v24 =	vadd.s32 v29, v24  }
0xd9: {  	v29 =	vsel vm4, $0x8, v2;
	v14 =	vld.idx.msk [tilespmem:v14+s14+$0x0], $0xffff;
	vm5 =	vle.f32 v26, v8;
	v31 =	vshrl.u32 v31, $0x10  }
0xda: {  	v26 =	vadd.s32 $0x773, v24;
	v28 =	vadd.s32 v29, v28;
	v29 =	vld.idx.msk [tilespmem:v15+s14+$0x0], $0xffff;
	v15 =	vsel vm5, $0x44, v2  }
0xdb: {  	v17 =	vsub.s32 v17, v31;
	vm6 =	vle.f32 v34, v11;
	v11 =	vadd.s32 $0x883, v28  }
0xdc: {  	v20 =	vor.u32 v32, v15;
	v15 =	vld [tilespmem:s28+$0x1200];
	v17 =	vadd.s32 $0x300, v17;
	v18 =	vsel vm6, $0x1, v2  }
0xdd: {  	v32 =	vld.idx.msk [tilespmem:v36+s14+$0x0], $0xffff;
	v30 =	vadd.s32 $0xBD0, v20;
	v18 =	vadd.s32 v18, v33;
	vm7 =	vle.f32 v22, v12  }
0xde: {  	v27 =	vld.idx.msk [tilespmem:v27+s14+$0x0], $0xffff;
	v22 =	vmul.u32 $0xF10, v18;
	v36 =	vsel vm7, $0x2, v2;
	vm8 =	vle.f32 v14, v13  }
0xdf: {  	v14 =	vadd.s32 v36, v19;
	v19 =	vld.idx.msk [tilespmem:v26+s14+$0x0], $0xffff;
	v26 =	vsel vm8, $0x11, v2;
	vm9 =	vle.f32 v29, v10  }
0xe0: {  	v29 =	vadd.s32 $0x550, v14;
	v33 =	vld.idx.msk [tilespmem:v11+s14+$0x0], $0xffff;
	v25 =	vor.u32 v26, v25;
	v11 =	vsel vm9, $0x22, v2  }
0xe1: {  	v38 =	vld.idx.msk [tilespmem:v38+s14+$0x0], $0xffff;
	v22 =	vshrl.u32 v22, $0x10;
	v26 =	vadd.s32 $0x997, v25;
	v21 =	vor.u32 v11, v21  }
0xe2: {  	vm10 =	vle.f32 v32, v15;
	v17 =	vld.idx.msk [tilespmem:v17+s15+$0x0], $0xffff;
	v18 =	vsub.s32 v18, v22;
	v31 =	vadd.s32 $0xAAF, v21  }
0xe3: {  	v32 =	vsel vm10, $0x88, v2;
	v11 =	vld [tilespmem:s28+$0x1280];
	vm11 =	vle.f32 v27, v9;
	v18 =	vadd.s32 $0x400, v18  }
0xe4: {  	v30 =	vld.idx.msk [tilespmem:v30+s14+$0x0], $0xffff;
	v34 =	vor.u32 $0xD02, v32;
	v36 =	vsel vm11, $0x2, v2;
	vm12 =	vle.f32 v19, v7  }
0xe5: {  	v22 =	vadd.s32 v36, v23;
	v19 =	vld.idx.msk [tilespmem:v29+s14+$0x0], $0xffff;
	v27 =	vsel vm12, $0x4, v2  }
0xe6: {  	vm13 =	vle.f32 v33, v6;
	v23 =	vadd.s32 v27, v24;
	v24 =	vld.idx.msk [tilespmem:v26+s14+$0x0], $0xffff;
	v26 =	vadd.s32 $0x660, v22  }
0xe7: {  	v29 =	vsel vm13, $0x4, v2;
	v27 =	vadd.s32 $0x771, v23;
	v31 =	vld.idx.msk [tilespmem:v31+s14+$0x0], $0xffff  }
0xe8: {  	vm15 =	vle.f32 v38, v11;
	v28 =	vadd.s32 v29, v28;
	v18 =	vld.idx.msk [tilespmem:v18+s15+$0x0], $0xffff  }
0xe9: {  	vm14 =	vle.f32 v30, v8;
	v29 =	vld.idx.msk [tilespmem:v34+s14+$0x0], $0xffff;
	v34 =	vsel vm15, $0x88, v2;
	v30 =	vadd.s32 $0x881, v28  }
0xea: {  	v38 =	vsel vm14, $0x22, v2;
	vm4 =	vle.f32 v19, v12;
	v12 =	vor.u32 $0xE12, v34  }
0xeb: {  	v16 =	vadd.f32 v17, v16;
	v19 =	vor.u32 v38, v20;
	v20 =	vld.idx.msk [tilespmem:v26+s14+$0x0], $0xffff  }
0xec: {  	v35 =	vsel vm4, $0x1, v2;
	vm5 =	vle.f32 v24, v13;
	v24 =	vadd.s32 $0xBBF, v19;
	v27 =	vld.idx.msk [tilespmem:v27+s14+$0x0], $0xffff  }
0xed: {  	v26 =	vsel vm5, $0x8, v2;
	vm6 =	vle.f32 v31, v10;
	v16 =	vadd.f32 v18, v16;
	v18 =	vld.idx.msk [tilespmem:v39+s14+$0x0], $0xffff  }
0xee: {  	vm7 =	vle.f32 v29, v15;
	v25 =	vadd.s32 v26, v25;
	v26 =	vsel vm6, $0x11, v2;
	v29 =	vld.idx.msk [tilespmem:v30+s14+$0x0], $0xffff  }
0xef: {  	v30 =	vadd.s32 $0x993, v25;
	v21 =	vor.u32 v26, v21;
	v26 =	vsel vm7, $0x44, v2;
	v38 =	vld.idx.msk [tilespmem:v12+s14+$0x0], $0xffff  }
0xf0: {  	v14 =	vadd.s32 v35, v14;
	v36 =	vadd.s32 $0xAA7, v21;
	v26 =	vor.u32 v32, v26;
	v12 =	vld [tilespmem:s28+$0x1300]  }
0xf1: {  	v31 =	vmul.u32 $0xF10, v14;
	v17 =	vld.idx.msk [tilespmem:v24+s14+$0x0], $0xffff;
	v24 =	vadd.s32 $0xCE0, v26;
	_ =	sdelay $0x1  }
0xf2: {  	v31 =	vshrl.u32 v31, $0x10;
	vm9 =	vle.f32 v27, v7  }
0xf3: {  	v14 =	vsub.s32 v14, v31;
	vm8 =	vle.f32 v20, v9;
	v9 =	vsel vm9, $0x2, v2;
	v39 =	vld.idx.msk [tilespmem:v30+s14+$0x0], $0xffff  }
0xf4: {  	v14 =	vadd.s32 $0x500, v14;
	v27 =	vsel vm8, $0x1, v2;
	v23 =	vadd.s32 v9, v23;
	v30 =	vld.idx.msk [tilespmem:v36+s14+$0x0], $0xffff  }
0xf5: {  	vm10 =	vle.f32 v38, v11;
	vm12 =	vle.f32 v18, v12;
	vm11 =	vle.f32 v17, v8;
	v17 =	vld.idx.msk [tilespmem:v24+s14+$0x0], $0xffff  }
0xf6: {  	v18 =	vld.idx.msk [tilespmem:v40+s14+$0x0], $0xffff;
	v9 =	vsel vm10, $0x44, v2;
	v24 =	vadd.s32 $0x770, v23;
	v33 =	vsel vm12, $0x88, v2  }
0xf7: {  	v31 =	vsel vm11, $0x11, v2;
	v32 =	vor.u32 v34, v9;
	v9 =	vld [tilespmem:s28+$0x1380];
	v36 =	vor.u32 $0xF22, v33  }
0xf8: {  	v22 =	vadd.s32 v27, v22;
	v19 =	vor.u32 v31, v19;
	v31 =	vadd.s32 $0xDF0, v32  }
0xf9: {  	vm15 =	vle.f32 v29, v6;
	vm13 =	vle.f32 v39, v13;
	v40 =	vadd.s32 $0xBB7, v19  }
0xfa: {  	v38 =	vmul.u32 $0xF10, v22;
	v14 =	vld.idx.msk [tilespmem:v14+s15+$0x0], $0xffff;
	v27 =	vsel vm13, $0x4, v2;
	vm14 =	vle.f32 v17, v15  }
0xfb: {  	vm4 =	vle.f32 v30, v10;
	v25 =	vadd.s32 v27, v25;
	v17 =	vld.idx.msk [tilespmem:v24+s14+$0x0], $0xffff;
	v27 =	vsel vm14, $0x22, v2  }
0xfc: {  	v24 =	vadd.s32 $0x991, v25;
	vm2 =	vle.f32 v18, v9;
	v39 =	vld.idx.msk [tilespmem:v36+s14+$0x0], $0xffff;
	v26 =	vor.u32 v27, v26  }
0xfd: {  	v18 =	vsel vm4, $0x8, v2;
	v27 =	vld.idx.msk [tilespmem:v31+s14+$0x0], $0xffff;
	v30 =	vsel vm2, $0x88, v2;
	v29 =	vadd.s32 $0xCCF, v26  }
0xfe: {  	v31 =	vsel vm15, $0x2, v2;
	v18 =	vadd.s32 v18, v21;
	v20 =	vld.idx.msk [tilespmem:v40+s14+$0x0], $0xffff;
	v40 =	vor.u32 $0x1032, v30  }
0xff: {  	v28 =	vadd.s32 v31, v28;
	v31 =	vadd.s32 $0xAA3, v18  }
0x100: {  	v35 =	vshrl.u32 v38, $0x10  }
0x101: {  	v14 =	vadd.f32 v14, v16;
	v16 =	vsub.s32 v22, v35;
	v35 =	vadd.s32 $0x880, v28;
	v24 =	vld.idx.msk [tilespmem:v24+s14+$0x0], $0xffff  }
0x102: {  	vm5 =	vle.f32 v17, v7;
	v17 =	vld.idx.msk [tilespmem:v29+s14+$0x0], $0xffff  }
0x103: {  	v7 =	vsel vm5, $0x1, v2;
	vm8 =	vle.f32 v39, v12;
	vm6 =	vle.f32 v27, v11;
	v38 =	vld.idx.msk [tilespmem:v40+s14+$0x0], $0xffff  }
0x104: {  	v23 =	vadd.s32 v7, v23;
	vm7 =	vle.f32 v20, v8;
	v36 =	vsel vm6, $0x22, v2;
	v29 =	vld.idx.msk [tilespmem:v31+s14+$0x0], $0xffff  }
0x105: {  	v31 =	vsel vm8, $0x44, v2;
	v27 =	vsel vm7, $0x8, v2;
	v20 =	vor.u32 v36, v32  }
0x106: {  	v22 =	vld.idx.msk [tilespmem:v35+s14+$0x0], $0xffff;
	v19 =	vadd.s32 v27, v19;
	v27 =	vadd.s32 $0xDDF, v20;
	vm9 =	vle.f32 v24, v13  }
0x107: {  	v31 =	vor.u32 v33, v31;
	v24 =	vadd.s32 $0xBB3, v19;
	v39 =	vsel vm9, $0x2, v2  }
0x108: {  	v40 =	vmul.u32 $0xF10, v23;
	v33 =	vor.u32 $0xF00, v31;
	v25 =	vadd.s32 v39, v25  }
0x109: {  	v7 =	vld [tilespmem:s28+$0x2000];
	vm10 =	vle.f32 v17, v15;
	vm11 =	vle.f32 v38, v9;
	vm12 =	vle.f32 v29, v10  }
0x10a: {  	v17 =	vld.idx.msk [tilespmem:v42+s14+$0x0], $0xffff;
	v32 =	vadd.s32 $0x990, v25;
	v42 =	vsel vm10, $0x11, v2;
	v29 =	vsel vm12, $0x4, v2  }
0x10b: {  	vm13 =	vle.f32 v22, v6;
	v21 =	vor.u32 v42, v26;
	v26 =	vld.idx.msk [tilespmem:v27+s14+$0x0], $0xffff;
	v27 =	vsel vm11, $0x44, v2  }
0x10c: {  	v18 =	vadd.s32 v29, v18;
	v22 =	vsel vm13, $0x1, v2;
	v24 =	vld.idx.msk [tilespmem:v24+s14+$0x0], $0xffff;
	v35 =	vadd.s32 $0xCC7, v21  }
0x10d: {  	v29 =	vld.idx.msk [tilespmem:v33+s14+$0x0], $0xffff;
	v27 =	vor.u32 v30, v27;
	v6 =	vadd.s32 $0xAA1, v18;
	v22 =	vadd.s32 v22, v28  }
0x10e: {  	v30 =	vshrl.u32 v40, $0x10;
	v36 =	vor.u32 $0x1010, v27;
	v28 =	vmul.u32 $0xF10, v22  }
0x10f: {  	v16 =	vadd.s32 $0x600, v16;
	vm14 =	vle.f32 v17, v7;
	v17 =	vsub.s32 v23, v30  }
0x110: {  	v38 =	vld.idx.msk [tilespmem:v32+s14+$0x0], $0xffff;
	v30 =	vsel vm14, $0x88, v2;
	v17 =	vadd.s32 $0x700, v17;
	v28 =	vshrl.u32 v28, $0x10  }
0x111: {  	vm15 =	vle.f32 v26, v11;
	v26 =	vor.u32 $0x1142, v30;
	vm4 =	vle.f32 v24, v8;
	v24 =	vld.idx.msk [tilespmem:v35+s14+$0x0], $0xffff  }
0x112: {  	vm5 =	vle.f32 v29, v12;
	v22 =	vsub.s32 v22, v28;
	v39 =	vsel vm15, $0x11, v2;
	v6 =	vld.idx.msk [tilespmem:v6+s14+$0x0], $0xffff  }
0x113: {  	v22 =	vadd.s32 $0x800, v22;
	v40 =	vsel vm4, $0x4, v2;
	v20 =	vor.u32 v39, v20;
	v29 =	vld.idx.msk [tilespmem:v36+s14+$0x0], $0xffff  }
0x114: {  	v42 =	vsel vm5, $0x22, v2;
	v19 =	vadd.s32 v40, v19;
	v32 =	vadd.s32 $0xDD7, v20  }
0x115: {  	v16 =	vld.idx.msk [tilespmem:v16+s15+$0x0], $0xffff;
	v23 =	vor.u32 v42, v31;
	vm6 =	vle.f32 v38, v13;
	v13 =	vadd.s32 $0xBB1, v19  }
0x116: {  	v33 =	vadd.s32 $0xEEF, v23;
	v31 =	vsel vm6, $0x1, v2;
	v26 =	vld.idx.msk [tilespmem:v26+s14+$0x0], $0xffff  }
0x117: {  	v17 =	vld.idx.msk [tilespmem:v17+s15+$0x0], $0xffff;
	v25 =	vadd.s32 v31, v25;
	vm7 =	vle.f32 v24, v15  }
0x118: {  	vm9 =	vle.f32 v6, v10;
	v22 =	vld.idx.msk [tilespmem:v22+s15+$0x0], $0xffff;
	v31 =	vsel vm7, $0x8, v2;
	vm8 =	vle.f32 v29, v9  }
0x119: {  	v24 =	vmul.u32 $0xF10, v25;
	v21 =	vadd.s32 v31, v21;
	v29 =	vld.idx.msk [tilespmem:v32+s14+$0x0], $0xffff;
	v6 =	vsel vm8, $0x22, v2  }
0x11a: {  	v31 =	vsel vm9, $0x2, v2;
	v13 =	vld.idx.msk [tilespmem:v13+s14+$0x0], $0xffff;
	v36 =	vadd.s32 $0xCC3, v21;
	v27 =	vor.u32 v6, v27  }
0x11b: {  	v18 =	vadd.s32 v31, v18;
	v31 =	vld.idx.msk [tilespmem:v33+s14+$0x0], $0xffff;
	v38 =	vadd.s32 $0xFFF, v27;
	vm10 =	vle.f32 v26, v7  }
0x11c: {  	v6 =	vld [tilespmem:s28+$0x2080];
	v26 =	vadd.s32 $0xAA0, v18;
	v28 =	vsel vm10, $0x44, v2  }
0x11d: {  	v14 =	vadd.f32 v16, v14;
	v24 =	vshrl.u32 v24, $0x10;
	v28 =	vor.u32 v30, v28;
	v30 =	vld.idx.msk [tilespmem:v44+s14+$0x0], $0xffff  }
0x11e: {  	v24 =	vsub.s32 v25, v24;
	vm11 =	vle.f32 v29, v11;
	v25 =	vor.u32 $0x1120, v28  }
0x11f: {  	v14 =	vadd.f32 v17, v14;
	vm12 =	vle.f32 v13, v8;
	v13 =	vld.idx.msk [tilespmem:v36+s14+$0x0], $0xffff;
	v29 =	vsel vm11, $0x8, v2  }
0x120: {  	v24 =	vadd.s32 $0x900, v24;
	vm13 =	vle.f32 v31, v12;
	v20 =	vadd.s32 v29, v20;
	v29 =	vld.idx.msk [tilespmem:v38+s14+$0x0], $0xffff  }
0x121: {  	v26 =	vld.idx.msk [tilespmem:v26+s14+$0x0], $0xffff;
	v40 =	vsel vm13, $0x11, v2;
	v31 =	vadd.s32 $0xDD3, v20  }
0x122: {  	v22 =	vadd.f32 v22, v14;
	v23 =	vor.u32 v40, v23;
	vm14 =	vle.f32 v30, v6  }
0x123: {  	v39 =	vsel vm12, $0x2, v2;
	v16 =	vadd.s32 $0xEE7, v23;
	v25 =	vld.idx.msk [tilespmem:v25+s14+$0x0], $0xffff;
	v30 =	vsel vm14, $0x88, v2  }
0x124: {  	v19 =	vadd.s32 v39, v19;
	vm15 =	vle.f32 v13, v15;
	v13 =	vor.u32 $0x1252, v30  }
0x125: {  	v17 =	vld.idx.msk [tilespmem:v24+s15+$0x0], $0xffff;
	v42 =	vadd.s32 $0xBB0, v19;
	v24 =	vsel vm15, $0x4, v2;
	vm4 =	vle.f32 v29, v9  }
0x126: {  	vm5 =	vle.f32 v26, v10;
	v21 =	vadd.s32 v24, v21;
	v10 =	vld.idx.msk [tilespmem:v31+s14+$0x0], $0xffff;
	v24 =	vsel vm4, $0x11, v2  }
0x127: {  	v14 =	vld [tilespmem:s28+$0x2100];
	v26 =	vsel vm5, $0x1, v2;
	v31 =	vadd.s32 $0xCC1, v21;
	v24 =	vor.u32 v24, v27  }
0x128: {  	v18 =	vadd.s32 v26, v18;
	v16 =	vld.idx.msk [tilespmem:v16+s14+$0x0], $0xffff;
	v26 =	vadd.s32 $0xFF7, v24;
	vm6 =	vle.f32 v25, v7  }
0x129: {  	v25 =	vmul.u32 $0xF10, v18;
	v27 =	vsel vm6, $0x22, v2;
	v13 =	vld.idx.msk [tilespmem:v13+s14+$0x0], $0xffff  }
0x12a: {  	v36 =	vimm.s32 $0x15C6;
	v29 =	vld.idx.msk [tilespmem:v42+s14+$0x0], $0xffff;
	v27 =	vor.u32 v27, v28  }
0x12b: {  	v44 =	vld.idx.msk [tilespmem:v45+s14+$0x0], $0xffff;
	v25 =	vshrl.u32 v25, $0x10;
	vm7 =	vle.f32 v10, v11;
	v28 =	vadd.s32 $0x110F, v27  }
0x12c: {  	v17 =	vadd.f32 v17, v22;
	v10 =	vsub.s32 v18, v25;
	v18 =	vld.idx.msk [tilespmem:v31+s14+$0x0], $0xffff;
	v45 =	vsel vm7, $0x4, v2  }
0x12d: {  	v25 =	vadd.s32 $0xA00, v10;
	vm8 =	vle.f32 v16, v12;
	v20 =	vadd.s32 v45, v20;
	v16 =	vld.idx.msk [tilespmem:v26+s14+$0x0], $0xffff  }
0x12e: {  	v46 =	vld.idx.msk [tilespmem:v46+s14+$0x0], $0xffff;
	v26 =	vsel vm8, $0x8, v2;
	v22 =	vadd.s32 $0xDD1, v20;
	vm9 =	vle.f32 v13, v6  }
0x12f: {  	v10 =	vld [tilespmem:s28+$0x2180];
	vm10 =	vle.f32 v29, v8;
	v8 =	vadd.s32 v26, v23;
	v13 =	vsel vm9, $0x44, v2  }
0x130: {  	vm11 =	vle.f32 v44, v14;
	v26 =	vadd.s32 $0xEE3, v8;
	v28 =	vld.idx.msk [tilespmem:v28+s14+$0x0], $0xffff;
	v29 =	vor.u32 v30, v13  }
0x131: {  	v32 =	vld.idx.msk [tilespmem:v36+s14+$0x0], $0xffff;
	v30 =	vsel vm11, $0x88, v2;
	vm12 =	vle.f32 v18, v15;
	v18 =	vor.u32 $0x1230, v29  }
0x132: {  	v13 =	vld [tilespmem:s28+$0x2200];
	v31 =	vsel vm12, $0x2, v2;
	vm13 =	vle.f32 v16, v9;
	v16 =	vor.u32 $0x1362, v30  }
0x133: {  	v38 =	vsel vm10, $0x1, v2;
	v21 =	vadd.s32 v31, v21;
	v22 =	vld.idx.msk [tilespmem:v22+s14+$0x0], $0xffff;
	v31 =	vsel vm13, $0x8, v2  }
0x134: {  	vm14 =	vle.f32 v46, v10;
	v39 =	vadd.s32 $0xCC0, v21;
	v24 =	vadd.s32 v31, v24  }
0x135: {  	v40 =	vld.idx.msk [tilespmem:v26+s14+$0x0], $0xffff;
	v26 =	vadd.s32 $0xFF3, v24;
	vm15 =	vle.f32 v28, v7;
	v28 =	vsel vm14, $0x88, v2  }
0x136: {  	v19 =	vadd.s32 v38, v19;
	v31 =	vsel vm15, $0x11, v2;
	v18 =	vld.idx.msk [tilespmem:v18+s14+$0x0], $0xffff;
	v33 =	vor.u32 $0x1472, v28  }
0x137: {  	v42 =	vmul.u32 $0xF10, v19;
	vm4 =	vle.f32 v32, v13;
	v27 =	vor.u32 v31, v27;
	v16 =	vld.idx.msk [tilespmem:v16+s14+$0x0], $0xffff  }
0x138: {  	v31 =	vsel vm4, $0x88, v2;
	vm5 =	vle.f32 v22, v11;
	v22 =	vadd.s32 $0x1107, v27  }
0x139: {  	v44 =	vshrl.u32 v42, $0x10;
	v46 =	vadd.s32 $0x1582, v31;
	v34 =	vld.idx.msk [tilespmem:v39+s14+$0x0], $0xffff;
	v45 =	vsel vm5, $0x2, v2  }
0x13a: {  	v19 =	vsub.s32 v19, v44;
	vm6 =	vle.f32 v40, v12;
	v20 =	vadd.s32 v45, v20;
	v39 =	vld.idx.msk [tilespmem:v26+s14+$0x0], $0xffff  }
0x13b: {  	v40 =	vsel vm6, $0x4, v2;
	v26 =	vadd.s32 $0xDD0, v20;
	vm7 =	vle.f32 v18, v6;
	v18 =	vld.idx.msk [tilespmem:v33+s14+$0x0], $0xffff  }
0x13c: {  	v8 =	vadd.s32 v40, v8;
	v42 =	vsel vm7, $0x22, v2;
	vm8 =	vle.f32 v16, v14  }
0x13d: {  	v16 =	vadd.s32 $0xEE1, v8;
	v22 =	vld.idx.msk [tilespmem:v22+s14+$0x0], $0xffff;
	v29 =	vor.u32 v42, v29;
	v44 =	vsel vm8, $0x44, v2  }
0x13e: {  	v45 =	vld.idx.msk [tilespmem:v46+s14+$0x0], $0xffff;
	vm9 =	vle.f32 v34, v15;
	v15 =	vadd.s32 $0x121F, v29;
	v30 =	vor.u32 v30, v44  }
0x13f: {  	v25 =	vld.idx.msk [tilespmem:v25+s15+$0x0], $0xffff;
	v19 =	vadd.s32 $0xB00, v19;
	v46 =	vsel vm9, $0x1, v2;
	v36 =	vadd.s32 $0x1340, v30  }
0x140: {  	vm10 =	vle.f32 v39, v9;
	v21 =	vadd.s32 v46, v21;
	vm11 =	vle.f32 v18, v10  }
0x141: {  	v38 =	vld.idx.msk [tilespmem:v26+s14+$0x0], $0xffff;
	v26 =	vsel vm10, $0x4, v2;
	v18 =	vmul.u32 $0xF10, v21;
	v39 =	vsel vm11, $0x44, v2  }
0x142: {  	v16 =	vld.idx.msk [tilespmem:v16+s14+$0x0], $0xffff;
	v24 =	vadd.s32 v26, v24;
	vm12 =	vle.f32 v22, v7;
	v22 =	vor.u32 v28, v39  }
0x143: {  	vm13 =	vle.f32 v45, v13;
	v26 =	vsel vm12, $0x8, v2;
	v15 =	vld.idx.msk [tilespmem:v15+s14+$0x0], $0xffff;
	v28 =	vadd.s32 $0x1450, v22  }
0x144: {  	v17 =	vadd.f32 v25, v17;
	v42 =	vsel vm13, $0x44, v2;
	v26 =	vadd.s32 v26, v27;
	v27 =	vld.idx.msk [tilespmem:v36+s14+$0x0], $0xffff  }
0x145: {  	v40 =	vadd.s32 $0xFF1, v24;
	v18 =	vshrl.u32 v18, $0x10;
	v31 =	vor.u32 v31, v42  }
0x146: {  	v18 =	vsub.s32 v21, v18;
	v44 =	vadd.s32 $0x1103, v26;
	v45 =	vadd.s32 $0x1560, v31  }
0x147: {  	v18 =	vadd.s32 $0xC00, v18;
	vm14 =	vle.f32 v38, v11;
	vm15 =	vle.f32 v16, v12  }
0x148: {  	v11 =	vsel vm14, $0x1, v2;
	v16 =	vsel vm15, $0x2, v2;
	vm4 =	vle.f32 v15, v6;
	v15 =	vld.idx.msk [tilespmem:v28+s14+$0x0], $0xffff  }
0x149: {  	v19 =	vld.idx.msk [tilespmem:v19+s15+$0x0], $0xffff;
	v8 =	vadd.s32 v16, v8;
	v16 =	vsel vm4, $0x11, v2;
	vm5 =	vle.f32 v27, v14  }
0x14a: {  	v46 =	vld.idx.msk [tilespmem:v40+s14+$0x0], $0xffff;
	v25 =	vadd.s32 $0xEE0, v8;
	v28 =	vor.u32 v16, v29;
	v16 =	vsel vm5, $0x22, v2  }
0x14b: {  	v11 =	vadd.s32 v11, v20;
	v27 =	vld.idx.msk [tilespmem:v44+s14+$0x0], $0xffff;
	v36 =	vadd.s32 $0x1217, v28;
	v29 =	vor.u32 v16, v30  }
0x14c: {  	v21 =	vld.idx.msk [tilespmem:v45+s14+$0x0], $0xffff;
	v30 =	vmul.u32 $0xF10, v11;
	v38 =	vadd.s32 $0x132F, v29  }
0x14d: {  	v18 =	vld.idx.msk [tilespmem:v18+s15+$0x0], $0xffff;
	vm6 =	vle.f32 v15, v10;
	v15 =	vimm.s32 $0x16D6  }
0x14e: {  	v17 =	vadd.f32 v19, v17;
	v16 =	vld [tilespmem:s28+$0x2280];
	v19 =	vshrl.u32 v30, $0x10  }
0x14f: {  	v42 =	vimm.s32 $0x17E6;
	vm7 =	vle.f32 v46, v9;
	v11 =	vsub.s32 v11, v19;
	v19 =	vld.idx.msk [tilespmem:v25+s14+$0x0], $0xffff  }
0x150: {  	v39 =	vsel vm6, $0x22, v2;
	v25 =	vsel vm7, $0x2, v2;
	v11 =	vadd.s32 $0xD00, v11;
	v20 =	vld.idx.msk [tilespmem:v36+s14+$0x0], $0xffff  }
0x151: {  	v22 =	vor.u32 v39, v22;
	v23 =	vadd.s32 v25, v24;
	vm8 =	vle.f32 v21, v13;
	v25 =	vld.idx.msk [tilespmem:v38+s14+$0x0], $0xffff  }
0x152: {  	vm9 =	vle.f32 v27, v7;
	v24 =	vadd.s32 $0x143F, v22;
	v30 =	vsel vm8, $0x22, v2;
	v15 =	vld.idx.msk [tilespmem:v15+s14+$0x0], $0xffff  }
0x153: {  	v34 =	vadd.f32 v18, v17;
	v40 =	vadd.s32 $0xFF0, v23;
	v27 =	vor.u32 v30, v31  }
0x154: {  	v30 =	vsel vm9, $0x4, v2;
	v31 =	vadd.s32 $0x154F, v27;
	vm12 =	vle.f32 v19, v12  }
0x155: {  	v26 =	vadd.s32 v30, v26;
	v44 =	vld.idx.msk [tilespmem:v11+s15+$0x0], $0xffff;
	v12 =	vsel vm12, $0x1, v2;
	vm11 =	vle.f32 v20, v6  }
0x156: {  	v33 =	vld.idx.msk [tilespmem:v42+s14+$0x0], $0xffff;
	v17 =	vadd.s32 $0x1101, v26;
	v8 =	vadd.s32 v12, v8;
	v11 =	vsel vm11, $0x8, v2  }
0x157: {  	v18 =	vld.idx.msk [tilespmem:v24+s14+$0x0], $0xffff;
	vm13 =	vle.f32 v25, v14;
	vm10 =	vle.f32 v15, v16;
	v21 =	vadd.s32 v11, v28  }
0x158: {  	v45 =	vmul.u32 $0xF10, v8;
	v15 =	vld [tilespmem:s28+$0x2300];
	v32 =	vsel vm10, $0x88, v2;
	v24 =	vadd.s32 $0x1213, v21  }
0x159: {  	v19 =	vld.idx.msk [tilespmem:v40+s14+$0x0], $0xffff;
	v11 =	vsel vm13, $0x11, v2;
	v30 =	vadd.s32 $0x1692, v32  }
0x15a: {  	v28 =	vld.idx.msk [tilespmem:v31+s14+$0x0], $0xffff;
	v12 =	vadd.f32 v44, v34;
	v44 =	vshrl.u32 v45, $0x10;
	v45 =	vimm.s32 $0x18F6  }
0x15b: {  	v25 =	vor.u32 v11, v29;
	v46 =	vld.idx.msk [tilespmem:v17+s14+$0x0], $0xffff  }
0x15c: {  	v11 =	vld [tilespmem:s28+$0x2380];
	v29 =	vadd.s32 $0x1327, v25  }
0x15d: {  	vm15 =	vle.f32 v18, v10;
	v20 =	vsub.s32 v8, v44;
	vm14 =	vle.f32 v33, v15;
	v8 =	vld.idx.msk [tilespmem:v24+s14+$0x0], $0xffff  }
0x15e: {  	v42 =	vsel vm15, $0x11, v2;
	v31 =	vsel vm14, $0x88, v2;
	v30 =	vld.idx.msk [tilespmem:v30+s14+$0x0], $0xffff  }
0x15f: {  	v22 =	vor.u32 v42, v22;
	v40 =	vadd.s32 $0x17A2, v31;
	v33 =	vld.idx.msk [tilespmem:v45+s14+$0x0], $0xffff  }
0x160: {  	v24 =	vadd.s32 $0x1437, v22;
	vm7 =	vle.f32 v46, v7  }
0x161: {  	vm5 =	vle.f32 v19, v9;
	vm4 =	vle.f32 v28, v13;
	v9 =	vld.idx.msk [tilespmem:v29+s14+$0x0], $0xffff;
	v29 =	vsel vm7, $0x2, v2  }
0x162: {  	v19 =	vsel vm4, $0x11, v2;
	v26 =	vadd.s32 v29, v26  }
0x163: {  	v19 =	vor.u32 v19, v27;
	v46 =	vadd.s32 $0x1100, v26  }
0x164: {  	vm9 =	vle.f32 v8, v6;
	vm6 =	vle.f32 v30, v16;
	v28 =	vld.idx.msk [tilespmem:v40+s14+$0x0], $0xffff;
	vm8 =	vle.f32 v33, v11  }
0x165: {  	v8 =	vld.idx.msk [tilespmem:v24+s14+$0x0], $0xffff;
	v30 =	vadd.s32 $0x1547, v19;
	v27 =	vsel vm6, $0x44, v2;
	v24 =	vsel vm8, $0x88, v2  }
0x166: {  	vm10 =	vle.f32 v9, v14;
	v27 =	vor.u32 v32, v27;
	v34 =	vadd.s32 $0x18B2, v24  }
0x167: {  	v40 =	vsel vm10, $0x8, v2;
	v29 =	vadd.s32 $0x1670, v27  }
0x168: {  	v9 =	vld [tilespmem:s28+$0x3000];
	v25 =	vadd.s32 v40, v25;
	v40 =	vimm.s32 $0x1B16  }
0x169: {  	v39 =	vsel vm9, $0x4, v2;
	v32 =	vld.idx.msk [tilespmem:v46+s14+$0x0], $0xffff;
	vm11 =	vle.f32 v28, v15;
	v28 =	vimm.s32 $0x1A06  }
0x16a: {  	v21 =	vadd.s32 v39, v21;
	v30 =	vld.idx.msk [tilespmem:v30+s14+$0x0], $0xffff  }
0x16b: {  	v42 =	vadd.s32 $0x1211, v21;
	v34 =	vld.idx.msk [tilespmem:v34+s14+$0x0], $0xffff  }
0x16c: {  	v17 =	vor.u32 s26, v37;
	v45 =	vsel vm5, $0x1, v2;
	v44 =	vsel vm11, $0x44, v2;
	v29 =	vld.idx.msk [tilespmem:v29+s14+$0x0], $0xffff  }
0x16d: {  	v36 =	vadd.s32 $0x1323, v25;
	v33 =	vor.u32 v31, v44;
	v31 =	vadd.s32 $0x1780, v31;
	v37 =	vld.idx.msk [tilespmem:v40+s14+$0x0], $0xffff  }
0x16e: {  	vm12 =	vle.f32 v8, v10;
	v8 =	vand.u32 $0x1F80, v31;
	v31 =	vand.u32 $0x4C, v33;
	v28 =	vld.idx.msk [tilespmem:v28+s14+$0x0], $0xffff  }
0x16f: {  	v46 =	vsel vm12, $0x8, v2;
	v31 =	vor.u32 v8, v31;
	v8 =	vld [tilespmem:s28+$0x3080];
	vm14 =	vle.f32 v30, v13  }
0x170: {  	v23 =	vadd.s32 v45, v23;
	v22 =	vadd.s32 v46, v22;
	v35 =	vld.idx.msk [tilespmem:v42+s14+$0x0], $0xffff;
	v42 =	vsel vm14, $0x8, v2  }
0x171: {  	v38 =	vadd.s32 v42, v19;
	vm4 =	vle.f32 v34, v11;
	vm15 =	vle.f32 v29, v16  }
0x172: {  	v45 =	vadd.s32 $0x1543, v38;
	v34 =	vsel vm4, $0x44, v2;
	v19 =	vsel vm15, $0x22, v2  }
0x173: {  	v36 =	vld.idx.msk [tilespmem:v36+s14+$0x0], $0xffff;
	v24 =	vor.u32 v24, v34;
	vm13 =	vle.f32 v28, v9;
	v28 =	vadd.s32 $0x1433, v22  }
0x174: {  	vm5 =	vle.f32 v37, v8;
	v27 =	vor.u32 v19, v27;
	v34 =	vadd.s32 $0x1890, v24  }
0x175: {  	v44 =	vmul.u32 $0xF10, v23;
	v37 =	vsel vm5, $0x88, v2;
	v46 =	vadd.s32 $0x165F, v27  }
0x176: {  	vm6 =	vle.f32 v32, v7;
	v31 =	vld.idx.msk [tilespmem:v31+s14+$0x0], $0xffff;
	v30 =	vsel vm13, $0x88, v2;
	v7 =	vadd.s32 $0x1AD2, v37  }
0x177: {  	v29 =	vadd.s32 $0x19C2, v30;
	v40 =	vld.idx.msk [tilespmem:v45+s14+$0x0], $0xffff  }
0x178: {  	v39 =	vshrl.u32 v44, $0x10;
	vm7 =	vle.f32 v36, v14;
	v28 =	vld.idx.msk [tilespmem:v28+s14+$0x0], $0xffff  }
0x179: {  	v23 =	vsub.s32 v23, v39;
	v39 =	vsel vm7, $0x4, v2;
	v34 =	vld.idx.msk [tilespmem:v34+s14+$0x0], $0xffff  }
0x17a: {  	vm8 =	vle.f32 v35, v6;
	v19 =	vadd.s32 $0xE00, v20;
	v25 =	vadd.s32 v39, v25;
	v20 =	vld.idx.msk [tilespmem:v46+s14+$0x0], $0xffff  }
0x17b: {  	v44 =	vadd.s32 $0x1321, v25;
	vm9 =	vle.f32 v31, v15;
	v31 =	vsel vm8, $0x2, v2;
	v7 =	vld.idx.msk [tilespmem:v7+s14+$0x0], $0xffff  }
0x17c: {  	v21 =	vadd.s32 v31, v21;
	v29 =	vld.idx.msk [tilespmem:v29+s14+$0x0], $0xffff  }
0x17d: {  	v42 =	vsel vm9, $0x22, v2;
	v32 =	vadd.s32 $0x1210, v21;
	vm12 =	vle.f32 v40, v13  }
0x17e: {  	vm10 =	vle.f32 v28, v10;
	v28 =	vor.u32 v42, v33;
	vm14 =	vle.f32 v34, v11  }
0x17f: {  	v45 =	vsel vm10, $0x4, v2;
	v33 =	vadd.s32 $0x176F, v28;
	vm13 =	vle.f32 v20, v16  }
0x180: {  	v40 =	vld.idx.msk [tilespmem:v44+s14+$0x0], $0xffff;
	v44 =	vsel vm14, $0x22, v2;
	vm15 =	vle.f32 v7, v8;
	v7 =	vsel vm6, $0x1, v2  }
0x181: {  	vm11 =	vle.f32 v29, v9;
	v22 =	vadd.s32 v45, v22;
	v42 =	vsel vm13, $0x11, v2  }
0x182: {  	v24 =	vor.u32 v44, v24;
	v29 =	vsel vm11, $0x44, v2;
	v31 =	vadd.s32 $0x1431, v22  }
0x183: {  	v7 =	vadd.s32 v7, v26;
	v26 =	vadd.s32 $0x187F, v24;
	v29 =	vor.u32 v30, v29  }
0x184: {  	v27 =	vor.u32 v42, v27;
	v46 =	vadd.s32 $0x19A0, v29  }
0x185: {  	v32 =	vld.idx.msk [tilespmem:v32+s14+$0x0], $0xffff;
	v30 =	vsel vm12, $0x4, v2;
	v34 =	vadd.s32 $0x1657, v27  }
0x186: {  	v30 =	vadd.s32 v30, v38;
	v33 =	vld.idx.msk [tilespmem:v33+s14+$0x0], $0xffff  }
0x187: {  	v38 =	vadd.s32 $0x1541, v30;
	v31 =	vld.idx.msk [tilespmem:v31+s14+$0x0], $0xffff  }
0x188: {  	vm4 =	vle.f32 v40, v14;
	v26 =	vld.idx.msk [tilespmem:v26+s14+$0x0], $0xffff  }
0x189: {  	v18 =	vmov s26;
	v45 =	vsel vm15, $0x44, v2;
	v44 =	vsel vm4, $0x2, v2;
	v20 =	vld.idx.msk [tilespmem:v46+s14+$0x0], $0xffff  }
0x18a: {  	v36 =	vor.u32 v37, v45;
	v25 =	vadd.s32 v44, v25;
	v34 =	vld.idx.msk [tilespmem:v34+s14+$0x0], $0xffff;
	v46 =	vmul.u32 $0xF10, v7  }
0x18b: {  	v42 =	vadd.s32 $0x1AB0, v36;
	v39 =	vadd.s32 $0x1320, v25;
	vm5 =	vle.f32 v33, v15  }
0x18c: {  	vm8 =	vle.f32 v32, v6;
	v38 =	vld.idx.msk [tilespmem:v38+s14+$0x0], $0xffff;
	v45 =	vshrl.u32 v46, $0x10;
	v46 =	vsel vm5, $0x11, v2  }
0x18d: {  	v7 =	vsub.s32 v7, v45;
	v28 =	vor.u32 v46, v28;
	vm6 =	vle.f32 v31, v10  }
0x18e: {  	vm11 =	vle.f32 v26, v11;
	v31 =	vadd.s32 $0x1767, v28;
	vm7 =	vle.f32 v20, v9  }
0x18f: {  	v6 =	vsel vm6, $0x2, v2;
	vm10 =	vle.f32 v34, v16;
	v20 =	vsel vm7, $0x22, v2  }
0x190: {  	v40 =	vld.idx.msk [tilespmem:v42+s14+$0x0], $0xffff;
	v45 =	vsel vm11, $0x11, v2;
	v6 =	vadd.s32 v6, v22;
	v20 =	vor.u32 v20, v29  }
0x191: {  	v44 =	vsel vm10, $0x8, v2;
	vm9 =	vle.f32 v38, v13;
	v22 =	vadd.s32 $0x198F, v20  }
0x192: {  	v24 =	vor.u32 v45, v24;
	v33 =	vadd.s32 $0x1430, v6;
	v29 =	vld.idx.msk [tilespmem:v39+s14+$0x0], $0xffff;
	v42 =	vsel vm9, $0x2, v2  }
0x193: {  	v27 =	vadd.s32 v44, v27;
	v30 =	vadd.s32 v42, v30;
	v42 =	vadd.s32 $0x1877, v24;
	v31 =	vld.idx.msk [tilespmem:v31+s14+$0x0], $0xffff  }
0x194: {  	v18 =	vshll.u32 v18, $0x3;
	v26 =	vadd.s32 $0x1653, v27  }
0x195: {  	v35 =	vsel vm8, $0x1, v2;
	vm12 =	vle.f32 v40, v8;
	v46 =	vadd.s32 $0x1540, v30  }
0x196: {  	v21 =	vadd.s32 v35, v21;
	v40 =	vsel vm12, $0x22, v2;
	v45 =	vadd.s32 $0x1000, v7;
	v22 =	vld.idx.msk [tilespmem:v22+s14+$0x0], $0xffff  }
0x197: {  	v34 =	vor.u32 v40, v36;
	v44 =	vmul.u32 $0xF10, v21;
	vm13 =	vle.f32 v29, v14;
	v14 =	vld.idx.msk [tilespmem:v33+s14+$0x0], $0xffff  }
0x198: {  	v29 =	vadd.s32 $0x1A9F, v34;
	v7 =	vsel vm13, $0x1, v2;
	v35 =	vld.idx.msk [tilespmem:v42+s14+$0x0], $0xffff;
	vm14 =	vle.f32 v31, v15  }
0x199: {  	v31 =	vshrl.u32 v44, $0x10;
	v7 =	vadd.s32 v7, v25;
	v25 =	vld.idx.msk [tilespmem:v26+s14+$0x0], $0xffff;
	v26 =	vsel vm14, $0x8, v2  }
0x19a: {  	v32 =	vld.idx.msk [tilespmem:v46+s14+$0x0], $0xffff;
	v21 =	vsub.s32 v21, v31;
	v31 =	vmul.u32 $0xF10, v7;
	v26 =	vadd.s32 v26, v28  }
0x19b: {  	v23 =	vadd.s32 $0xF00, v23;
	v28 =	vadd.s32 $0x1763, v26;
	vm15 =	vle.f32 v22, v9  }
0x19c: {  	v46 =	vshrl.u32 v31, $0x10;
	vm4 =	vle.f32 v14, v10;
	v10 =	vsel vm15, $0x11, v2  }
0x19d: {  	v14 =	vld.idx.msk [tilespmem:v29+s14+$0x0], $0xffff;
	v22 =	vsub.s32 v7, v46;
	v7 =	vsel vm4, $0x1, v2;
	v10 =	vor.u32 v10, v20  }
0x19e: {  	v21 =	vadd.s32 $0x1100, v21;
	v36 =	vadd.s32 v7, v6;
	v6 =	vadd.s32 $0x1987, v10  }
0x19f: {  	vm7 =	vle.f32 v35, v11;
	vm5 =	vle.f32 v25, v16;
	vm6 =	vle.f32 v32, v13  }
0x1a0: {  	v22 =	vadd.s32 $0x1200, v22;
	v25 =	vmul.u32 $0xF10, v36;
	v7 =	vsel vm5, $0x4, v2  }
0x1a1: {  	v13 =	vsel vm6, $0x1, v2;
	v27 =	vadd.s32 v7, v27;
	v7 =	vsel vm7, $0x8, v2;
	v28 =	vld.idx.msk [tilespmem:v28+s14+$0x0], $0xffff  }
0x1a2: {  	v13 =	vadd.s32 v13, v30;
	v29 =	vadd.s32 $0x1651, v27;
	vm8 =	vle.f32 v14, v8;
	v14 =	vld.idx.msk [tilespmem:v19+s15+$0x0], $0xffff  }
0x1a3: {  	v19 =	vadd.s32 v7, v24;
	v25 =	vshrl.u32 v25, $0x10;
	v7 =	vsel vm8, $0x11, v2;
	v31 =	vld.idx.msk [tilespmem:v6+s14+$0x0], $0xffff  }
0x1a4: {  	v24 =	vadd.s32 $0x1873, v19;
	v37 =	vor.u32 v7, v34;
	v7 =	vand.u32 $0xC00, v18  }
0x1a5: {  	v33 =	vld.idx.msk [tilespmem:v45+s15+$0x0], $0xffff;
	v20 =	vsub.s32 v36, v25;
	v6 =	vand.u32 $0x7F, v17;
	v17 =	vor.u32 v48, v7  }
0x1a6: {  	v21 =	vld.idx.msk [tilespmem:v21+s15+$0x0], $0xffff;
	vm9 =	vle.f32 v28, v15;
	v17 =	vor.u32 v6, v17;
	v28 =	vmul.u32 $0xF10, v13  }
0x1a7: {  	v18 =	vld.idx.msk [tilespmem:v23+s15+$0x0], $0xffff;
	v20 =	vadd.s32 $0x1300, v20;
	v38 =	vadd.s32 $0x1A97, v37;
	v30 =	vsel vm9, $0x4, v2  }
0x1a8: {  	v22 =	vld.idx.msk [tilespmem:v22+s15+$0x0], $0xffff;
	v25 =	vadd.s32 v30, v26;
	v26 =	vshrl.u32 v28, $0x10;
	vm10 =	vle.f32 v31, v9  }
0x1a9: {  	v29 =	vld.idx.msk [tilespmem:v29+s14+$0x0], $0xffff;
	v28 =	vadd.s32 $0x1761, v25;
	v13 =	vsub.s32 v13, v26;
	v26 =	vsel vm10, $0x8, v2  }
0x1aa: {  	v14 =	vadd.f32 v14, v12;
	v24 =	vld.idx.msk [tilespmem:v24+s14+$0x0], $0xffff;
	v10 =	vadd.s32 v26, v10  }
0x1ab: {  	v12 =	vld.idx.msk [tilespmem:v17+s1+$0x0], $0xffff;
	v17 =	vadd.s32 $0x1983, v10  }
0x1ac: {  	v14 =	vadd.f32 v18, v14;
	v20 =	vld.idx.msk [tilespmem:v20+s15+$0x0], $0xffff  }
0x1ad: {  	v23 =	vld.idx.msk [tilespmem:v38+s14+$0x0], $0xffff;
	v13 =	vadd.s32 $0x1400, v13  }
0x1ae: {  	v14 =	vadd.f32 v33, v14;
	v31 =	vor.u32 v50, v7;
	vm11 =	vle.f32 v29, v16;
	v28 =	vld.idx.msk [tilespmem:v28+s14+$0x0], $0xffff  }
0x1af: {  	v29 =	vld.idx.msk [tilespmem:v41+s16+$0x0], $0xffff;
	v26 =	vor.u32 v49, v7;
	v30 =	vsel vm11, $0x2, v2;
	vm12 =	vle.f32 v24, v11  }
0x1b0: {  	v14 =	vadd.f32 v21, v14;
	v26 =	vor.u32 v6, v26;
	v27 =	vadd.s32 v30, v27;
	v17 =	vld.idx.msk [tilespmem:v17+s14+$0x0], $0xffff  }
0x1b1: {  	v31 =	vor.u32 v6, v31;
	v18 =	vsel vm12, $0x4, v2;
	v24 =	vadd.s32 $0x1650, v27  }
0x1b2: {  	vm13 =	vle.f32 v23, v8;
	v19 =	vadd.s32 v18, v19;
	v14 =	vadd.f32 v22, v14;
	v13 =	vld.idx.msk [tilespmem:v13+s15+$0x0], $0xffff  }
0x1b3: {  	v18 =	vsel vm13, $0x8, v2;
	vm15 =	vle.f32 v28, v15;
	v28 =	vimm.s32 $0x2F  }
0x1b4: {  	v39 =	vadd.s32 $0x1871, v19;
	v30 =	vadd.s32 v18, v37  }
0x1b5: {  	vm14 =	vle.f32 v29, v12;
	v14 =	vadd.f32 v20, v14;
	v18 =	vld.idx.msk [tilespmem:v26+s1+$0x0], $0xffff;
	vm4 =	vle.f32 v17, v9  }
0x1b6: {  	v40 =	vadd.s32 $0x1A93, v30;
	v26 =	vsel vm14, $0x11, v2;
	v41 =	vld.idx.msk [tilespmem:v24+s14+$0x0], $0xffff;
	v17 =	vsel vm4, $0x4, v2  }
0x1b7: {  	v14 =	vadd.f32 v13, v14;
	v13 =	vadd.s32 v17, v10;
	v10 =	vld.idx.msk [tilespmem:v31+s1+$0x0], $0xffff;
	v31 =	vimm.s32 $0x4F  }
0x1b8: {  	v29 =	vadd.s32 $0x7, v26;
	v28 =	vld.idx.msk [tilespmem:v28+s16+$0x0], $0xffff  }
0x1b9: {  	v24 =	vsel vm15, $0x2, v2  }
0x1ba: {  	v23 =	vld.idx.msk [tilespmem:v39+s14+$0x0], $0xffff;
	v24 =	vadd.s32 v24, v25  }
0x1bb: {  	v42 =	vadd.s32 $0x1760, v24;
	v21 =	vld.idx.msk [tilespmem:v40+s14+$0x0], $0xffff  }
0x1bc: {  	v31 =	vld.idx.msk [tilespmem:v31+s16+$0x0], $0xffff  }
0x1bd: {  	vm6 =	vle.f32 v41, v16;
	v17 =	vld.idx.msk [tilespmem:v29+s16+$0x0], $0xffff;
	vm5 =	vle.f32 v28, v18  }
0x1be: {  	v25 =	vsel vm6, $0x1, v2;
	v16 =	vadd.s32 $0x1981, v13;
	v44 =	vsel vm5, $0x11, v2  }
0x1bf: {  	v29 =	vor.u32 v51, v7;
	vm7 =	vle.f32 v23, v11;
	v28 =	vadd.s32 $0x27, v44  }
0x1c0: {  	v25 =	vadd.s32 v25, v27;
	v45 =	vor.u32 v6, v29;
	v29 =	vsel vm7, $0x2, v2;
	v20 =	vld.idx.msk [tilespmem:v42+s14+$0x0], $0xffff  }
0x1c1: {  	vm8 =	vle.f32 v21, v8;
	vm10 =	vle.f32 v31, v10;
	v31 =	vimm.s32 $0x6F  }
0x1c2: {  	v19 =	vadd.s32 v29, v19;
	v21 =	vsel vm8, $0x4, v2;
	vm9 =	vle.f32 v17, v12  }
0x1c3: {  	v29 =	vadd.s32 $0x1870, v19;
	v21 =	vadd.s32 v21, v30;
	v16 =	vld.idx.msk [tilespmem:v16+s14+$0x0], $0xffff;
	v17 =	vsel vm9, $0x8, v2  }
0x1c4: {  	v27 =	vmul.u32 $0xF10, v25;
	v30 =	vadd.s32 $0x1A91, v21;
	v26 =	vor.u32 v26, v17;
	v28 =	vld.idx.msk [tilespmem:v28+s16+$0x0], $0xffff  }
0x1c5: {  	vm11 =	vle.f32 v20, v15;
	v17 =	vld.idx.msk [tilespmem:v45+s1+$0x0], $0xffff;
	v15 =	vadd.s32 $0x3, v26;
	v46 =	vsel vm10, $0x11, v2  }
0x1c6: {  	v27 =	vshrl.u32 v27, $0x10;
	v36 =	vsel vm11, $0x1, v2;
	v37 =	vadd.s32 $0x47, v46;
	v31 =	vld.idx.msk [tilespmem:v31+s16+$0x0], $0xffff  }
0x1c7: {  	v38 =	vor.u32 v52, v7;
	v25 =	vsub.s32 v25, v27;
	v23 =	vadd.s32 v36, v24  }
0x1c8: {  	v29 =	vld.idx.msk [tilespmem:v29+s14+$0x0], $0xffff;
	v24 =	vor.u32 v6, v38;
	v27 =	vmul.u32 $0xF10, v23;
	vm12 =	vle.f32 v16, v9  }
0x1c9: {  	v30 =	vld.idx.msk [tilespmem:v30+s14+$0x0], $0xffff;
	v16 =	vadd.s32 $0x1500, v25;
	v25 =	vsel vm12, $0x2, v2;
	vm13 =	vle.f32 v28, v18  }
0x1ca: {  	v40 =	vimm.s32 $0x8F;
	v25 =	vadd.s32 v25, v13;
	v15 =	vld.idx.msk [tilespmem:v15+s16+$0x0], $0xffff;
	v13 =	vsel vm13, $0x8, v2  }
0x1cb: {  	v27 =	vshrl.u32 v27, $0x10;
	v22 =	vor.u32 v44, v13;
	vm14 =	vle.f32 v31, v17;
	v31 =	vld.idx.msk [tilespmem:v37+s16+$0x0], $0xffff  }
0x1cc: {  	v23 =	vsub.s32 v23, v27;
	v27 =	vadd.s32 $0x23, v22  }
0x1cd: {  	v39 =	vor.u32 v53, v7;
	v28 =	vadd.s32 $0x1980, v25;
	v32 =	vsel vm14, $0x11, v2  }
0x1ce: {  	v42 =	vimm.s32 $0xAF;
	vm4 =	vle.f32 v30, v8;
	v13 =	vld.idx.msk [tilespmem:v24+s1+$0x0], $0xffff;
	v24 =	vadd.s32 $0x67, v32  }
0x1cf: {  	v34 =	vld.idx.msk [tilespmem:v40+s16+$0x0], $0xffff;
	vm15 =	vle.f32 v29, v11;
	v30 =	vsel vm4, $0x2, v2;
	vm5 =	vle.f32 v15, v12  }
0x1d0: {  	v16 =	vld.idx.msk [tilespmem:v16+s15+$0x0], $0xffff;
	v21 =	vadd.s32 v30, v21;
	v15 =	vsel vm5, $0x4, v2;
	vm6 =	vle.f32 v31, v10  }
0x1d1: {  	v30 =	vadd.s32 $0x1A90, v21;
	v26 =	vor.u32 v26, v15;
	v27 =	vld.idx.msk [tilespmem:v27+s16+$0x0], $0xffff;
	v15 =	vsel vm6, $0x8, v2  }
0x1d2: {  	v11 =	vor.u32 v6, v39;
	v29 =	vsel vm15, $0x1, v2;
	v28 =	vld.idx.msk [tilespmem:v28+s14+$0x0], $0xffff;
	v20 =	vor.u32 v46, v15  }
0x1d3: {  	v19 =	vadd.s32 v29, v19;
	v24 =	vld.idx.msk [tilespmem:v24+s16+$0x0], $0xffff;
	v29 =	vadd.s32 $0x43, v20  }
0x1d4: {  	v45 =	vor.u32 v54, v7;
	vm7 =	vle.f32 v34, v13;
	v31 =	vadd.s32 $0x1, v26  }
0x1d5: {  	v34 =	vld.idx.msk [tilespmem:v42+s16+$0x0], $0xffff;
	v46 =	vadd.f32 v16, v14;
	v14 =	vor.u32 v6, v45;
	v16 =	vor.u32 v55, v7  }
0x1d6: {  	v30 =	vld.idx.msk [tilespmem:v30+s14+$0x0], $0xffff;
	vm8 =	vle.f32 v27, v18;
	v27 =	vor.u32 v6, v16  }
0x1d7: {  	v23 =	vadd.s32 $0x1600, v23;
	vm9 =	vle.f32 v28, v9;
	v15 =	vld.idx.msk [tilespmem:v11+s1+$0x0], $0xffff;
	v11 =	vsel vm7, $0x11, v2  }
0x1d8: {  	v44 =	vadd.s32 $0x87, v11;
	v9 =	vsel vm8, $0x4, v2;
	vm10 =	vle.f32 v24, v17;
	v24 =	vld.idx.msk [tilespmem:v29+s16+$0x0], $0xffff  }
0x1d9: {  	v41 =	vmul.u32 $0xF10, v19;
	v16 =	vsel vm9, $0x1, v2;
	v28 =	vld.idx.msk [tilespmem:v31+s16+$0x0], $0xffff;
	v9 =	vor.u32 v22, v9  }
0x1da: {  	v25 =	vadd.s32 v16, v25;
	v16 =	vld.idx.msk [tilespmem:v14+s1+$0x0], $0xffff;
	v36 =	vsel vm10, $0x8, v2;
	v29 =	vadd.s32 $0x21, v9  }
0x1db: {  	v22 =	vor.u32 v32, v36;
	v14 =	vld.idx.msk [tilespmem:v27+s1+$0x0], $0xffff;
	v27 =	vimm.s32 $0xCF  }
0x1dc: {  	v33 =	vshrl.u32 v41, $0x10;
	v23 =	vld.idx.msk [tilespmem:v23+s15+$0x0], $0xffff;
	v32 =	vadd.s32 $0x63, v22  }
0x1dd: {  	v19 =	vsub.s32 v19, v33;
	v31 =	vld.idx.msk [tilespmem:v44+s16+$0x0], $0xffff;
	vm13 =	vle.f32 v24, v10;
	v24 =	vimm.s32 $0xEF  }
0x1de: {  	v19 =	vadd.s32 $0x1700, v19;
	v38 =	vmul.u32 $0xF10, v25;
	vm11 =	vle.f32 v34, v15  }
0x1df: {  	vm14 =	vle.f32 v30, v8;
	v34 =	vsel vm11, $0x11, v2;
	vm12 =	vle.f32 v28, v12;
	v28 =	vld.idx.msk [tilespmem:v29+s16+$0x0], $0xffff  }
0x1e0: {  	v33 =	vshrl.u32 v38, $0x10;
	v39 =	vadd.s32 $0xA7, v34;
	v8 =	vsel vm12, $0x2, v2;
	v27 =	vld.idx.msk [tilespmem:v27+s16+$0x0], $0xffff  }
0x1e1: {  	v23 =	vadd.f32 v23, v46;
	v25 =	vsub.s32 v25, v33;
	v8 =	vor.u32 v26, v8;
	v26 =	vld.idx.msk [tilespmem:v32+s16+$0x0], $0xffff  }
0x1e2: {  	v38 =	vadd.s32 $0x1800, v25;
	vm15 =	vle.f32 v31, v13;
	v29 =	vsel vm13, $0x4, v2;
	v24 =	vld.idx.msk [tilespmem:v24+s16+$0x0], $0xffff  }
0x1e3: {  	v31 =	vsel vm15, $0x8, v2;
	v20 =	vor.u32 v20, v29;
	v29 =	vsel vm14, $0x1, v2  }
0x1e4: {  	v19 =	vld.idx.msk [tilespmem:v19+s15+$0x0], $0xffff;
	v11 =	vor.u32 v11, v31;
	v30 =	vadd.s32 $0x41, v20;
	v21 =	vadd.s32 v29, v21  }
0x1e5: {  	v40 =	vld.idx.msk [tilespmem:v39+s16+$0x0], $0xffff;
	vm6 =	vle.f32 v28, v18;
	vm4 =	vle.f32 v27, v16;
	v27 =	vadd.s32 $0x83, v11  }
0x1e6: {  	v31 =	vsel vm6, $0x2, v2;
	v29 =	vsel vm4, $0x11, v2;
	vm7 =	vle.f32 v26, v17  }
0x1e7: {  	v9 =	vor.u32 v9, v31;
	v28 =	vadd.s32 $0xC7, v29;
	vm5 =	vle.f32 v24, v14  }
0x1e8: {  	v41 =	vld.idx.msk [tilespmem:v8+s16+$0x0], $0xffff;
	v31 =	vsel vm7, $0x4, v2;
	v42 =	vor.u32 $0x20, v9;
	v24 =	vsel vm5, $0x11, v2  }
0x1e9: {  	v19 =	vadd.f32 v19, v23;
	v30 =	vld.idx.msk [tilespmem:v30+s16+$0x0], $0xffff;
	v22 =	vor.u32 v22, v31;
	v26 =	vadd.s32 $0xE7, v24  }
0x1ea: {  	v23 =	vld.idx.msk [tilespmem:v38+s15+$0x0], $0xffff;
	v44 =	vmul.u32 $0xF10, v21;
	vm8 =	vle.f32 v40, v15;
	v45 =	vadd.s32 $0x61, v22  }
0x1eb: {  	v31 =	vsel vm8, $0x8, v2;
	v27 =	vld.idx.msk [tilespmem:v27+s16+$0x0], $0xffff  }
0x1ec: {  	v25 =	vshrl.u32 v44, $0x10;
	v31 =	vor.u32 v34, v31;
	v28 =	vld.idx.msk [tilespmem:v28+s16+$0x0], $0xffff  }
0x1ed: {  	v21 =	vsub.s32 v21, v25;
	vm9 =	vle.f32 v41, v12;
	v46 =	vadd.s32 $0xA3, v31;
	v25 =	vld.idx.msk [tilespmem:v42+s16+$0x0], $0xffff  }
0x1ee: {  	v12 =	vadd.s32 $0x1900, v21;
	v39 =	vsel vm9, $0x1, v2;
	vm10 =	vle.f32 v30, v10;
	v26 =	vld.idx.msk [tilespmem:v26+s16+$0x0], $0xffff  }
0x1ef: {  	v21 =	vadd.s32 v39, v8;
	v30 =	vsel vm10, $0x2, v2;
	v8 =	vld.idx.msk [tilespmem:v45+s16+$0x0], $0xffff  }
0x1f0: {  	v19 =	vadd.f32 v23, v19;
	v20 =	vor.u32 v20, v30;
	vm11 =	vle.f32 v27, v13  }
0x1f1: {  	v27 =	vor.u32 $0x40, v20;
	v30 =	vsel vm11, $0x4, v2;
	vm12 =	vle.f32 v28, v16  }
0x1f2: {  	v40 =	vld.idx.msk [tilespmem:v46+s16+$0x0], $0xffff;
	v11 =	vor.u32 v11, v30;
	vm14 =	vle.f32 v25, v18;
	v28 =	vsel vm12, $0x8, v2  }
0x1f3: {  	v12 =	vld.idx.msk [tilespmem:v12+s15+$0x0], $0xffff;
	v30 =	vsel vm14, $0x1, v2;
	v28 =	vor.u32 v29, v28;
	vm13 =	vle.f32 v26, v14  }
0x1f4: {  	vm15 =	vle.f32 v8, v17;
	v26 =	vadd.s32 $0x81, v11;
	v29 =	vsel vm13, $0x8, v2  }
0x1f5: {  	v30 =	vadd.s32 v30, v9;
	v18 =	vor.u32 v24, v29;
	v24 =	vadd.s32 $0xC3, v28  }
0x1f6: {  	v9 =	vmul.u32 $0xF10, v21;
	v44 =	vmul.u32 $0xF10, v30;
	v8 =	vadd.s32 $0xE3, v18  }
0x1f7: {  	v35 =	vimm.s32 $0x10F;
	v25 =	vor.u32 v56, v7;
	vm4 =	vle.f32 v40, v15  }
0x1f8: {  	v27 =	vld.idx.msk [tilespmem:v27+s16+$0x0], $0xffff;
	v46 =	vshrl.u32 v9, $0x10;
	v9 =	vadd.f32 v12, v19;
	v19 =	vshrl.u32 v44, $0x10  }
0x1f9: {  	v29 =	vsel vm15, $0x2, v2;
	v19 =	vsub.s32 v30, v19;
	v30 =	vimm.s32 $0x12F;
	v26 =	vld.idx.msk [tilespmem:v26+s16+$0x0], $0xffff  }
0x1fa: {  	v25 =	vor.u32 v6, v25;
	v22 =	vor.u32 v22, v29;
	v29 =	vsel vm4, $0x4, v2;
	v24 =	vld.idx.msk [tilespmem:v24+s16+$0x0], $0xffff  }
0x1fb: {  	v41 =	vor.u32 $0x60, v22;
	v29 =	vor.u32 v31, v29;
	v45 =	vld.idx.msk [tilespmem:v8+s16+$0x0], $0xffff  }
0x1fc: {  	v42 =	vor.u32 v57, v7;
	v31 =	vadd.s32 $0xA1, v29  }
0x1fd: {  	v33 =	vor.u32 v6, v42;
	v12 =	vsub.s32 v21, v46;
	v21 =	vld.idx.msk [tilespmem:v35+s16+$0x0], $0xffff  }
0x1fe: {  	v30 =	vld.idx.msk [tilespmem:v30+s16+$0x0], $0xffff;
	vm6 =	vle.f32 v26, v13  }
0x1ff: {  	vm5 =	vle.f32 v27, v10;
	v8 =	vld.idx.msk [tilespmem:v25+s1+$0x0], $0xffff;
	v10 =	vsel vm6, $0x2, v2;
	vm7 =	vle.f32 v24, v16  }
0x200: {  	v36 =	vld.idx.msk [tilespmem:v41+s16+$0x0], $0xffff;
	v24 =	vor.u32 v11, v10;
	v11 =	vsel vm7, $0x4, v2;
	vm8 =	vle.f32 v45, v14  }
0x201: {  	v37 =	vor.u32 v58, v7;
	v26 =	vld.idx.msk [tilespmem:v31+s16+$0x0], $0xffff;
	v28 =	vor.u32 v28, v11;
	v11 =	vsel vm8, $0x4, v2  }
0x202: {  	v25 =	vsel vm5, $0x1, v2;
	v10 =	vld.idx.msk [tilespmem:v33+s1+$0x0], $0xffff;
	v18 =	vor.u32 v18, v11;
	v11 =	vadd.s32 $0xC1, v28  }
0x203: {  	v38 =	vor.u32 v6, v37;
	v12 =	vshll.u32 v12, $0x5;
	v20 =	vadd.s32 v25, v20  }
0x204: {  	v25 =	vmul.u32 $0xF10, v20;
	v27 =	vor.u32 $0x80, v24;
	vm9 =	vle.f32 v21, v8  }
0x205: {  	vm10 =	vle.f32 v36, v17;
	v21 =	vsel vm9, $0x11, v2;
	v17 =	vadd.s32 $0xE1, v18  }
0x206: {  	v23 =	vsel vm10, $0x1, v2;
	v31 =	vadd.s32 $0x107, v21;
	vm11 =	vle.f32 v26, v15  }
0x207: {  	v22 =	vadd.s32 v23, v22;
	vm12 =	vle.f32 v30, v10;
	v39 =	vld.idx.msk [tilespmem:v11+s16+$0x0], $0xffff;
	v11 =	vshrl.u32 v25, $0x10  }
0x208: {  	v11 =	vsub.s32 v20, v11;
	v20 =	vadd.s32 v12, v19;
	v12 =	vimm.s32 $0x14F  }
0x209: {  	v30 =	vsel vm11, $0x2, v2;
	v26 =	vld.idx.msk [tilespmem:v27+s16+$0x0], $0xffff;
	v27 =	vmul.u32 $0xF10, v22;
	v40 =	vsel vm12, $0x11, v2  }
0x20a: {  	v25 =	vor.u32 v29, v30;
	v29 =	vadd.s32 $0x127, v40;
	v17 =	vld.idx.msk [tilespmem:v17+s16+$0x0], $0xffff  }
0x20b: {  	v41 =	vshrl.u32 v27, $0x10;
	v30 =	vld.idx.msk [tilespmem:v31+s16+$0x0], $0xffff;
	v27 =	vor.u32 $0xA0, v25  }
0x20c: {  	v31 =	vshll.u32 v11, $0x5;
	v11 =	vld.idx.msk [tilespmem:v38+s1+$0x0], $0xffff  }
0x20d: {  	v12 =	vld.idx.msk [tilespmem:v12+s16+$0x0], $0xffff  }
0x20e: {  	v42 =	vor.u32 v59, v7  }
0x20f: {  	v22 =	vsub.s32 v22, v41;
	vm13 =	vle.f32 v26, v13;
	vm15 =	vle.f32 v17, v14;
	v17 =	vld.idx.msk [tilespmem:v29+s16+$0x0], $0xffff  }
0x210: {  	v19 =	vadd.s32 v22, v31;
	v22 =	vor.u32 v6, v42;
	v13 =	vsel vm13, $0x1, v2;
	v26 =	vld.idx.msk [tilespmem:v27+s16+$0x0], $0xffff  }
0x211: {  	vm14 =	vle.f32 v39, v16;
	vm4 =	vle.f32 v30, v8;
	v13 =	vadd.s32 v13, v24  }
0x212: {  	v39 =	vimm.s32 $0x18F;
	v44 =	vsel vm14, $0x2, v2;
	vm5 =	vle.f32 v12, v11  }
0x213: {  	v23 =	vor.u32 v28, v44;
	v27 =	vsel vm15, $0x2, v2;
	v24 =	vsel vm5, $0x11, v2  }
0x214: {  	v28 =	vsel vm4, $0x8, v2;
	vm6 =	vle.f32 v17, v10;
	v17 =	vadd.s32 $0x147, v24  }
0x215: {  	v18 =	vor.u32 v18, v27;
	vm7 =	vle.f32 v26, v15;
	v26 =	vimm.s32 $0x16F  }
0x216: {  	v28 =	vor.u32 v21, v28;
	v29 =	vor.u32 $0xE0, v18  }
0x217: {  	v45 =	vor.u32 v60, v7;
	v21 =	vadd.s32 $0x103, v28;
	v12 =	vld.idx.msk [tilespmem:v22+s1+$0x0], $0xffff;
	v15 =	vsel vm6, $0x8, v2  }
0x218: {  	v31 =	vmul.u32 $0xF10, v13;
	v22 =	vor.u32 v6, v45;
	v46 =	vor.u32 v40, v15;
	v40 =	vld.idx.msk [tilespmem:v39+s16+$0x0], $0xffff  }
0x219: {  	v27 =	vor.u32 $0xC0, v23;
	v30 =	vsel vm7, $0x1, v2;
	v17 =	vld.idx.msk [tilespmem:v17+s16+$0x0], $0xffff  }
0x21a: {  	v31 =	vshrl.u32 v31, $0x10;
	v15 =	vadd.s32 v30, v25;
	v26 =	vld.idx.msk [tilespmem:v26+s16+$0x0], $0xffff  }
0x21b: {  	v30 =	vor.u32 v61, v7;
	v25 =	vld.idx.msk [tilespmem:v29+s16+$0x0], $0xffff;
	v29 =	vadd.s32 $0x123, v46;
	v37 =	vmul.u32 $0xF10, v15  }
0x21c: {  	v38 =	vld.idx.msk [tilespmem:v21+s16+$0x0], $0xffff;
	v30 =	vor.u32 v6, v30;
	v21 =	vadd.s32 $0x400, v19;
	v19 =	vsub.s32 v13, v31  }
0x21d: {  	v31 =	vor.u32 v62, v7;
	v19 =	vshll.u32 v19, $0x5;
	v33 =	vshrl.u32 v37, $0x10;
	v13 =	vld.idx.msk [tilespmem:v22+s1+$0x0], $0xffff  }
0x21e: {  	v27 =	vld.idx.msk [tilespmem:v27+s16+$0x0], $0xffff;
	v15 =	vsub.s32 v15, v33;
	vm11 =	vle.f32 v17, v11;
	v17 =	vimm.s32 $0x1AF  }
0x21f: {  	vm8 =	vle.f32 v26, v12;
	v26 =	vor.u32 v6, v31;
	v42 =	vsel vm11, $0x8, v2  }
0x220: {  	v31 =	vsel vm8, $0x11, v2;
	v34 =	vor.u32 v24, v42;
	v24 =	vimm.s32 $0x1CF  }
0x221: {  	v15 =	vadd.s32 v15, v19;
	v19 =	vld.idx.msk [tilespmem:v29+s16+$0x0], $0xffff;
	v29 =	vadd.s32 $0x167, v31  }
0x222: {  	v22 =	vadd.s32 $0x800, v15;
	vm9 =	vle.f32 v38, v8;
	v15 =	vld.idx.msk [tilespmem:v30+s1+$0x0], $0xffff;
	vm12 =	vle.f32 v40, v13  }
0x223: {  	vm10 =	vle.f32 v27, v16;
	v16 =	vsel vm9, $0x4, v2;
	v33 =	vsel vm12, $0x11, v2;
	v17 =	vld.idx.msk [tilespmem:v17+s16+$0x0], $0xffff  }
0x224: {  	vm13 =	vle.f32 v25, v14;
	v28 =	vor.u32 v28, v16;
	v25 =	vadd.s32 $0x187, v33;
	v16 =	vld.idx.msk [tilespmem:v26+s1+$0x0], $0xffff  }
0x225: {  	v27 =	vsel vm10, $0x1, v2;
	v26 =	vadd.s32 $0x101, v28;
	v24 =	vld.idx.msk [tilespmem:v24+s16+$0x0], $0xffff  }
0x226: {  	v41 =	vor.u32 v63, v7;
	v23 =	vadd.s32 v27, v23;
	v27 =	vld.idx.msk [tilespmem:v29+s16+$0x0], $0xffff;
	v29 =	vadd.s32 $0x143, v34  }
0x227: {  	v30 =	vor.u32 v6, v41  }
0x228: {  	v44 =	vsel vm13, $0x1, v2;
	vm14 =	vle.f32 v17, v15;
	v17 =	vimm.s32 $0x1EF  }
0x229: {  	v18 =	vadd.s32 v44, v18;
	v37 =	vld.idx.msk [tilespmem:v25+s16+$0x0], $0xffff  }
0x22a: {  	vm15 =	vle.f32 v19, v10;
	v25 =	vimm.s32 $0x20F;
	v19 =	vld.idx.msk [tilespmem:v26+s16+$0x0], $0xffff;
	vm4 =	vle.f32 v24, v16  }
0x22b: {  	v45 =	vmul.u32 $0xF10, v23;
	vm5 =	vle.f32 v27, v12;
	v27 =	vld.idx.msk [tilespmem:v29+s16+$0x0], $0xffff;
	v29 =	vsel vm4, $0x11, v2  }
0x22c: {  	v14 =	vld.idx.msk [tilespmem:v30+s1+$0x0], $0xffff;
	v30 =	vor.u32 v0, v7;
	v24 =	vsel vm15, $0x4, v2;
	v38 =	vadd.s32 $0x1C7, v29  }
0x22d: {  	v30 =	vor.u32 v6, v30;
	v32 =	vor.u32 v46, v24;
	v24 =	vsel vm5, $0x8, v2;
	v17 =	vld.idx.msk [tilespmem:v17+s16+$0x0], $0xffff  }
0x22e: {  	v36 =	vsel vm14, $0x11, v2;
	v31 =	vor.u32 v31, v24;
	v24 =	vmul.u32 $0xF10, v18  }
0x22f: {  	v41 =	vld.idx.msk [tilespmem:v25+s16+$0x0], $0xffff;
	v25 =	vshrl.u32 v45, $0x10;
	v26 =	vadd.s32 $0x1A7, v36;
	v46 =	vor.u32 v1, v7  }
0x230: {  	vm7 =	vle.f32 v19, v8;
	v39 =	vadd.s32 $0x121, v32;
	v45 =	vshrl.u32 v24, $0x10  }
0x231: {  	v42 =	vor.u32 v6, v46;
	v24 =	vsub.s32 v18, v45;
	v18 =	vor.u32 v3, v7;
	v19 =	vld.idx.msk [tilespmem:v38+s16+$0x0], $0xffff  }
0x232: {  	vm8 =	vle.f32 v27, v11;
	v27 =	vor.u32 v6, v18;
	vm6 =	vle.f32 v17, v14  }
0x233: {  	vm9 =	vle.f32 v37, v13;
	v17 =	vld.idx.msk [tilespmem:v30+s1+$0x0], $0xffff;
	v30 =	vadd.s32 $0x163, v31;
	v40 =	vsel vm6, $0x11, v2  }
0x234: {  	v25 =	vsub.s32 v23, v25;
	v23 =	vsel vm7, $0x2, v2;
	v26 =	vld.idx.msk [tilespmem:v26+s16+$0x0], $0xffff;
	v35 =	vadd.s32 $0x1E7, v40  }
0x235: {  	v46 =	vsel vm8, $0x4, v2;
	v7 =	vor.u32 v5, v7;
	v18 =	vsel vm9, $0x8, v2;
	v38 =	vld.idx.msk [tilespmem:v39+s16+$0x0], $0xffff  }
0x236: {  	v6 =	vor.u32 v6, v7;
	v33 =	vor.u32 v33, v18;
	v18 =	vld.idx.msk [tilespmem:v42+s1+$0x0], $0xffff;
	vm12 =	vle.f32 v19, v16  }
0x237: {  	v23 =	vor.u32 v28, v23;
	v34 =	vor.u32 v34, v46;
	v19 =	vld.idx.msk [tilespmem:v27+s1+$0x0], $0xffff;
	v45 =	vsel vm12, $0x8, v2  }
0x238: {  	v30 =	vld.idx.msk [tilespmem:v30+s16+$0x0], $0xffff;
	vm10 =	vle.f32 v41, v17;
	v28 =	vor.u32 v29, v45;
	v29 =	vimm.s32 $0x24F  }
0x239: {  	vm11 =	vle.f32 v26, v15;
	v27 =	vadd.s32 $0x141, v34;
	v26 =	vld.idx.msk [tilespmem:v35+s16+$0x0], $0xffff;
	v35 =	vsel vm10, $0x11, v2  }
0x23a: {  	v42 =	vld.idx.msk [tilespmem:v43+s16+$0x0], $0xffff;
	v44 =	vsel vm11, $0x8, v2;
	v41 =	vadd.s32 $0x207, v35  }
0x23b: {  	v37 =	vadd.s32 $0x183, v33;
	v6 =	vld.idx.msk [tilespmem:v6+s1+$0x0], $0xffff;
	v36 =	vor.u32 v36, v44  }
0x23c: {  	v44 =	vld.idx.msk [tilespmem:v47+s16+$0x0], $0xffff;
	v39 =	vadd.s32 $0x1A3, v36  }
0x23d: {  	v29 =	vld.idx.msk [tilespmem:v29+s16+$0x0], $0xffff  }
0x23e: {  	v25 =	vshll.u32 v25, $0x5;
	v27 =	vld.idx.msk [tilespmem:v27+s16+$0x0], $0xffff;
	vm13 =	vle.f32 v30, v12;
	v30 =	vadd.s32 $0x1C3, v28  }
0x23f: {  	v24 =	vadd.s32 v24, v25;
	v46 =	vsel vm13, $0x4, v2;
	vm14 =	vle.f32 v26, v14;
	v26 =	vld.idx.msk [tilespmem:v41+s16+$0x0], $0xffff  }
0x240: {  	vm15 =	vle.f32 v38, v10;
	v7 =	vor.u32 v31, v46;
	v31 =	vld.idx.msk [tilespmem:v37+s16+$0x0], $0xffff;
	v45 =	vsel vm14, $0x8, v2  }
0x241: {  	vm4 =	vle.f32 v42, v18;
	v39 =	vld.idx.msk [tilespmem:v39+s16+$0x0], $0xffff;
	v38 =	vadd.s32 $0x161, v7;
	v37 =	vor.u32 v40, v45  }
0x242: {  	v41 =	vsel vm4, $0x11, v2;
	v40 =	vadd.s32 $0x1E3, v37;
	vm5 =	vle.f32 v29, v19  }
0x243: {  	v24 =	vadd.s32 $0xC00, v24;
	v42 =	vadd.s32 $0x227, v41;
	v30 =	vld.idx.msk [tilespmem:v30+s16+$0x0], $0xffff;
	v43 =	vsel vm5, $0x11, v2  }
0x244: {  	vm11 =	vle.f32 v44, v6;
	vm6 =	vle.f32 v26, v17;
	v26 =	vadd.s32 $0x247, v43  }
0x245: {  	vm10 =	vle.f32 v27, v11;
	vm7 =	vle.f32 v31, v13;
	v31 =	vsel vm6, $0x8, v2  }
0x246: {  	vm8 =	vle.f32 v39, v15;
	v38 =	vld.idx.msk [tilespmem:v38+s16+$0x0], $0xffff;
	v45 =	vsel vm7, $0x4, v2;
	v31 =	vor.u32 v35, v31  }
0x247: {  	v46 =	vsel vm8, $0x4, v2;
	v33 =	vor.u32 v33, v45;
	v39 =	vld.idx.msk [tilespmem:v40+s16+$0x0], $0xffff;
	v40 =	vadd.s32 $0x203, v31  }
0x248: {  	v35 =	vor.u32 v36, v46;
	v36 =	vadd.s32 $0x181, v33;
	vm9 =	vle.f32 v30, v16;
	v30 =	vld.idx.msk [tilespmem:v42+s16+$0x0], $0xffff  }
0x249: {  	v29 =	vsel vm15, $0x2, v2;
	v45 =	vadd.s32 $0x1A1, v35;
	v46 =	vsel vm9, $0x4, v2;
	v26 =	vld.idx.msk [tilespmem:v26+s16+$0x0], $0xffff  }
0x24a: {  	v29 =	vor.u32 v32, v29;
	v32 =	vor.u32 $0x100, v23;
	v27 =	vor.u32 v28, v46  }
0x24b: {  	v20 =	vld.idx.msk [tilespmem:v20+s17+$0x0], $0xffff;
	v28 =	vsel vm10, $0x2, v2;
	v46 =	vsel vm11, $0x11, v2;
	v44 =	vadd.s32 $0x1C1, v27  }
0x24c: {  	v28 =	vor.u32 v34, v28;
	vm12 =	vle.f32 v39, v14;
	v39 =	vadd.s32 $0x267, v46;
	v34 =	vld.idx.msk [tilespmem:v40+s16+$0x0], $0xffff  }
0x24d: {  	vm13 =	vle.f32 v38, v12;
	v36 =	vld.idx.msk [tilespmem:v36+s16+$0x0], $0xffff;
	vm14 =	vle.f32 v30, v18;
	v40 =	vsel vm12, $0x4, v2  }
0x24e: {  	v30 =	vld.idx.msk [tilespmem:v45+s16+$0x0], $0xffff;
	v37 =	vor.u32 v37, v40;
	v40 =	vsel vm14, $0x8, v2;
	vm15 =	vle.f32 v26, v19  }
0x24f: {  	v21 =	vld.idx.msk [tilespmem:v21+s17+$0x0], $0xffff;
	v26 =	vadd.s32 $0x1E1, v37;
	v38 =	vor.u32 v41, v40;
	v40 =	vsel vm15, $0x8, v2  }
0x250: {  	v42 =	vor.u32 $0x120, v29;
	v44 =	vld.idx.msk [tilespmem:v44+s16+$0x0], $0xffff;
	v45 =	vadd.s32 $0x223, v38;
	v40 =	vor.u32 v43, v40  }
0x251: {  	v41 =	vsel vm13, $0x2, v2;
	vm4 =	vle.f32 v34, v17;
	v34 =	vld.idx.msk [tilespmem:v39+s16+$0x0], $0xffff;
	v39 =	vadd.s32 $0x243, v40  }
0x252: {  	v22 =	vld.idx.msk [tilespmem:v22+s17+$0x0], $0xffff;
	v7 =	vor.u32 v7, v41;
	vm5 =	vle.f32 v36, v13;
	v36 =	vsel vm4, $0x4, v2  }
0x253: {  	v32 =	vld.idx.msk [tilespmem:v32+s16+$0x0], $0xffff;
	v43 =	vsel vm5, $0x2, v2;
	vm6 =	vle.f32 v30, v15;
	v30 =	vor.u32 v31, v36  }
0x254: {  	v31 =	vor.u32 v33, v43;
	v33 =	vsel vm6, $0x2, v2;
	v26 =	vld.idx.msk [tilespmem:v26+s16+$0x0], $0xffff;
	v36 =	vadd.s32 $0x201, v30  }
0x255: {  	v43 =	vor.u32 $0x160, v7;
	vm7 =	vle.f32 v44, v16;
	v33 =	vor.u32 v35, v33;
	v35 =	vld.idx.msk [tilespmem:v45+s16+$0x0], $0xffff  }
0x256: {  	v41 =	vor.u32 $0x140, v28;
	v45 =	vsel vm7, $0x2, v2;
	vm8 =	vle.f32 v34, v6;
	v34 =	vld.idx.msk [tilespmem:v39+s16+$0x0], $0xffff  }
0x257: {  	v27 =	vor.u32 v27, v45;
	v39 =	vld.idx.msk [tilespmem:v42+s16+$0x0], $0xffff;
	v42 =	vor.u32 $0x1A0, v33;
	v45 =	vsel vm8, $0x8, v2  }
0x258: {  	vm3 =	vle.f32 v32, v8;
	v8 =	vld.idx.msk [tilespmem:v24+s17+$0x0], $0xffff;
	v44 =	vor.u32 $0x180, v31;
	v45 =	vor.u32 v46, v45  }
0x259: {  	v9 =	vadd.f32 v20, v9;
	vm9 =	vle.f32 v26, v14;
	v25 =	vld.idx.msk [tilespmem:v36+s16+$0x0], $0xffff;
	v26 =	vadd.s32 $0x263, v45  }
0x25a: {  	v46 =	vor.u32 $0x1C0, v27;
	v36 =	vld.idx.msk [tilespmem:v43+s16+$0x0], $0xffff;
	vm10 =	vle.f32 v35, v18;
	v43 =	vsel vm9, $0x2, v2  }
0x25b: {  	v41 =	vld.idx.msk [tilespmem:v41+s16+$0x0], $0xffff;
	v35 =	vor.u32 v37, v43;
	v43 =	vsel vm10, $0x4, v2;
	vm11 =	vle.f32 v34, v19  }
0x25c: {  	v34 =	vld.idx.msk [tilespmem:v42+s16+$0x0], $0xffff;
	v38 =	vor.u32 v38, v43;
	v42 =	vor.u32 $0x1E0, v35;
	v43 =	vsel vm11, $0x4, v2  }
0x25d: {  	v37 =	vld.idx.msk [tilespmem:v44+s16+$0x0], $0xffff;
	v40 =	vor.u32 v40, v43;
	v43 =	vadd.s32 $0x221, v38  }
0x25e: {  	v9 =	vadd.f32 v21, v9;
	vm12 =	vle.f32 v25, v17;
	v20 =	vld.idx.msk [tilespmem:v26+s16+$0x0], $0xffff  }
0x25f: {  	v44 =	vld.idx.msk [tilespmem:v46+s16+$0x0], $0xffff;
	v25 =	vadd.s32 $0x241, v40;
	v24 =	vsel vm12, $0x2, v2  }
0x260: {  	v9 =	vadd.f32 v22, v9;
	vm4 =	vle.f32 v39, v10;
	v10 =	vor.u32 v30, v24  }
0x261: {  	vm5 =	vle.f32 v41, v11;
	vm6 =	vle.f32 v36, v12;
	v11 =	vld.idx.msk [tilespmem:v42+s16+$0x0], $0xffff;
	v12 =	vor.u32 $0x200, v10  }
0x262: {  	v8 =	vadd.f32 v8, v9;
	v32 =	vsel vm4, $0x1, v2;
	vm13 =	vle.f32 v37, v13;
	v13 =	vld.idx.msk [tilespmem:v43+s16+$0x0], $0xffff  }
0x263: {  	vm14 =	vle.f32 v34, v15;
	v15 =	vsel vm3, $0x1, v2;
	vm7 =	vle.f32 v20, v6  }
0x264: {  	v15 =	vadd.s32 v15, v23;
	vm15 =	vle.f32 v44, v16;
	v16 =	vld.idx.msk [tilespmem:v25+s16+$0x0], $0xffff;
	v9 =	vsel vm7, $0x4, v2  }
0x265: {  	v20 =	vadd.s32 v32, v29;
	v32 =	vsel vm5, $0x1, v2;
	v9 =	vor.u32 v45, v9  }
0x266: {  	v21 =	vadd.s32 v32, v28;
	vm8 =	vle.f32 v11, v14;
	v11 =	vld.idx.msk [tilespmem:v12+s16+$0x0], $0xffff;
	v12 =	vadd.s32 $0x261, v9  }
0x267: {  	v14 =	vsel vm6, $0x1, v2;
	v24 =	vmul.u32 $0xF10, v21;
	vm9 =	vle.f32 v13, v18  }
0x268: {  	v7 =	vadd.s32 v14, v7;
	v13 =	vmul.u32 $0xF10, v15;
	v32 =	vsel vm9, $0x2, v2  }
0x269: {  	vm10 =	vle.f32 v16, v19;
	v16 =	vmul.u32 $0xF10, v20;
	v22 =	vor.u32 v38, v32  }
0x26a: {  	v32 =	vsel vm10, $0x2, v2;
	v13 =	vshrl.u32 v13, $0x10;
	v14 =	vor.u32 $0x220, v22  }
0x26b: {  	v23 =	vor.u32 v40, v32;
	v16 =	vshrl.u32 v16, $0x10;
	vm11 =	vle.f32 v11, v17;
	v11 =	vld.idx.msk [tilespmem:v12+s16+$0x0], $0xffff  }
0x26c: {  	v13 =	vsub.s32 v15, v13;
	v12 =	vor.u32 $0x240, v23;
	v17 =	vmul.u32 $0xF10, v7  }
0x26d: {  	v15 =	vsub.s32 v20, v16;
	v16 =	vshrl.u32 v24, $0x10;
	v13 =	vshll.u32 v13, $0x5  }
0x26e: {  	v16 =	vsub.s32 v21, v16;
	v13 =	vadd.s32 v15, v13  }
0x26f: {  	v17 =	vshrl.u32 v17, $0x10;
	v15 =	vshll.u32 v16, $0x5;
	v13 =	vadd.s32 $0x1000, v13;
	v14 =	vld.idx.msk [tilespmem:v14+s16+$0x0], $0xffff  }
0x270: {  	v7 =	vsub.s32 v7, v17;
	v17 =	vsel vm15, $0x1, v2;
	vm12 =	vle.f32 v11, v6  }
0x271: {  	v7 =	vadd.s32 v7, v15;
	v15 =	vsel vm13, $0x1, v2;
	v11 =	vld.idx.msk [tilespmem:v12+s16+$0x0], $0xffff;
	v16 =	vsel vm12, $0x2, v2  }
0x272: {  	v17 =	vadd.s32 v17, v27;
	v15 =	vadd.s32 v15, v31;
	v9 =	vor.u32 v9, v16  }
0x273: {  	v12 =	vsel vm14, $0x1, v2;
	v16 =	vmul.u32 $0xF10, v15;
	v20 =	vor.u32 $0x260, v9  }
0x274: {  	v7 =	vadd.s32 $0x1400, v7;
	v12 =	vadd.s32 v12, v33;
	vm13 =	vle.f32 v14, v18  }
0x275: {  	v14 =	vmul.u32 $0xF10, v12;
	v18 =	vsel vm8, $0x1, v2;
	v16 =	vshrl.u32 v16, $0x10  }
0x276: {  	v18 =	vadd.s32 v18, v35;
	vm14 =	vle.f32 v11, v19;
	v11 =	vmul.u32 $0xF10, v17  }
0x277: {  	v15 =	vsub.s32 v15, v16;
	v14 =	vshrl.u32 v14, $0x10;
	v19 =	vmul.u32 $0xF10, v18  }
0x278: {  	v12 =	vsub.s32 v12, v14;
	v11 =	vshrl.u32 v11, $0x10;
	v14 =	vshll.u32 v15, $0x5;
	v16 =	vld.idx.msk [tilespmem:v20+s16+$0x0], $0xffff  }
0x279: {  	v11 =	vsub.s32 v17, v11;
	v15 =	vshrl.u32 v19, $0x10;
	v12 =	vadd.s32 v12, v14  }
0x27a: {  	v14 =	vsub.s32 v18, v15;
	v11 =	vshll.u32 v11, $0x5;
	v15 =	vsel vm11, $0x1, v2  }
0x27b: {  	v11 =	vadd.s32 v14, v11;
	v14 =	vsel vm13, $0x1, v2;
	v10 =	vadd.s32 v15, v10  }
0x27c: {  	v12 =	vadd.s32 $0x1800, v12;
	v14 =	vadd.s32 v14, v22;
	v17 =	vmul.u32 $0xF10, v10  }
0x27d: {  	v15 =	vsel vm14, $0x1, v2;
	vm15 =	vle.f32 v16, v6;
	v6 =	vmul.u32 $0xF10, v14  }
0x27e: {  	v15 =	vadd.s32 v15, v23;
	v16 =	vshrl.u32 v17, $0x10;
	v17 =	vsel vm15, $0x1, v2  }
0x27f: {  	v6 =	vshrl.u32 v6, $0x10;
	v9 =	vadd.s32 v17, v9;
	v17 =	vmul.u32 $0xF10, v15  }
0x280: {  	v13 =	vld.idx.msk [tilespmem:v13+s17+$0x0], $0xffff;
	v10 =	vsub.s32 v10, v16;
	v6 =	vsub.s32 v14, v6;
	v14 =	vmul.u32 $0xF10, v9  }
0x281: {  	v11 =	vadd.s32 $0x1C00, v11;
	v10 =	vshll.u32 v10, $0x5;
	v16 =	vshrl.u32 v17, $0x10  }
0x282: {  	v7 =	vld.idx.msk [tilespmem:v7+s17+$0x0], $0xffff;
	v6 =	vadd.s32 v6, v10;
	v10 =	vsub.s32 v15, v16;
	v14 =	vshrl.u32 v14, $0x10  }
0x283: {  	v6 =	vadd.s32 $0x2000, v6;
	v9 =	vsub.s32 v9, v14;
	v10 =	vshll.u32 v10, $0x5  }
0x284: {  	v9 =	vadd.s32 v9, v10;
	v10 =	vld.idx.msk [tilespmem:v12+s17+$0x0], $0xffff  }
0x285: {  	v8 =	vadd.f32 v13, v8;
	v9 =	vadd.s32 $0x2400, v9  }
0x286: {  	v11 =	vld.idx.msk [tilespmem:v11+s17+$0x0], $0xffff  }
0x287: {  	v7 =	vadd.f32 v7, v8  }
0x288: {  	v6 =	vld.idx.msk [tilespmem:v6+s17+$0x0], $0xffff  }
0x289: {  	v7 =	vadd.f32 v10, v7  }
0x28a: {  	v41 =	vimm.s32 $0xF;
	v39 =	vimm.s32 $0xF66;
	v46 =	vimm.s32 $0x14B6;
	v8 =	vld.idx.msk [tilespmem:v9+s17+$0x0], $0xffff  }
0x28b: {  	v36 =	vimm.s32 $0xD46;
	v37 =	vlaneseq.u32;
	v7 =	vadd.f32 v11, v7  }
0x28c: {  	p0 =	sne.s32 s26, $0x1F0;
	v42 =	vimm.s32 $0x1186;
	v34 =	vimm.s32 $0xB26;
	v43 =	vimm.s32 $0x22F  }
.Ltmp0:
0x28d: {  	v44 =	vimm.s32 $0x1296;
	v29 =	vimm.s32 $0x906;
	v6 =	vadd.f32 v6, v7;
	(pc) =	sbr.rel @p0 .LBB2_2-.Ltmp0, $4  }
0x28e: {  	v45 =	vimm.s32 $0x13A6;
	v38 =	vimm.s32 $0xE56;
	v40 =	vimm.s32 $0x1076  }
0x28f: {  	v24 =	vimm.s32 $0x6E6;
	v27 =	vimm.s32 $0x7F6;
	v6 =	vadd.f32 v8, v6  }
0x290: {  	v33 =	vimm.s32 $0xA16;
	v35 =	vimm.s32 $0xC36;
	v16 =	vimm.s32 $0x3B6  }
0x291: {  	s25 =	sadd.s32 $0x80, s25;
	s26 =	sadd.s32 $0x10, s26;
	v14 =	vimm.s32 $0x2A6;
	v12 =	vimm.s32 $0x196;
	v11 =	vimm.s32 $0x86;
	[tilespmem:s24+$0x0] =	vst v6;
	s24 =	sadd.s32 $0x10, s24  }
0x292: {  	s23 =	sadd.s32 $0x1, s23  }
0x293: {  	p0 =	sne.s32 s23, s11  }
.Ltmp1:
0x294: {  	_ = 	snop;
	(pc) =	sbr.rel @p0 .LBB2_1-.Ltmp1, $4  }
0x295: {  	[hbm4b:s10+s1] =	stream.linear.scatter [tilespmem:s21], [sflag:$0x2], $0x200, $0x38;
	[tilespmem:$0xAF00] =	vst v63  }
0x296: {  	_ =	swait.ge [sflag:s22], $0x200  }
0x297: {  	[sflag:s22] =	ssyncset.done $0x0  }
0x298: {  	[sflag:s22] =	ssyncadd.s32 $0xFFFFFE00  }
0x299: {  	_ =	sfence.sel $0x180000  }
0x29a: {  	[bflag:$0x0] =	sbarrier.arrive $0xFFFF  }
0x29b: {  	p0 =	sne.s32 s5, $0x0;
	_ =	strace $0x90000047  }
0x29c: {  	s0 =	sadd.s32 @!p0 $0x100000, s0;
	[bflag:$0x2] =	sbarrier.arrive $0xFFFF  }
0x29d: {  	[sflag:s0] =	ssyncadd.tile.s32 @!p0 $0x1;
	_ =	shalt  }
.Lfunc_end2:
_tile_overlayer_lowered:
.L_overlay_start_2:
0x29e: {  	(tag) =	ssettag $0x2  }
0x29f: {  	s0 =	rddreg [dreg:$0x0];
	s2 =	stileid.u32  }
0x2a0: {  	s1 =	rddreg [dreg:$0x1];
	p0 =	sne.s32 s2, $0x0  }
0x2a1: {  	s3 =	rddreg [dreg:$0x2];
	[bflag:$0x3] =	sbarrier.arrive $0xFFFF;
	s2 =	simm.s32 @!p0 $0x1C02  }
0x2a2: {  	[timem:s3], [sflag:s2] =	dma.local @!p0 [hbm:s0], s1  }
0x2a3: {  	s0 =	simm.s32 @!p0 $0x2  }
0x2a4: {  	_ =	swait.ge @!p0 [sflag:s0], s1  }
0x2a5: {  	s1 =	ssub.s32 @!p0 $0x0, s1;
	[sflag:s0] =	ssyncset.done @!p0 $0x0  }
0x2a6: {  	[sflag:s0] =	ssyncadd.s32 @!p0 s1  }
0x2a7: {  	[bflag:$0x3] =	sbarrier.arrive $0xFFFF  }
0x2a8: {  	_ =	shalt  }

</sc_bundles>
